<compile_context>
chip_gen: v7x
topology: tpu7x:2x2x1
jax: 0.10.2.dev20260603
libtpu: 0.0.44.dev20260713+nightly
codegen_flags: <defaults>
</compile_context>

<pallas_src>
import functools

import jax
import jax.numpy as jnp
from jax import lax
from jax.experimental import pallas as pl
from jax.experimental.pallas import tpu as pltpu
from jax.experimental.pallas import tpu_sc as plsc

B = 128
N = 32768
TOPK_K = 5
NC, NS, L = 2, 16, 16
NW = NC * NS
ROWS_PER_W = B // NW
UNROLL = 8
BLK = L * UNROLL

SA = 1024
SB = 8192
SC_ = N - SA - SB

_mesh = plsc.VectorSubcoreMesh(core_axis_name="c", subcore_axis_name="s")


@functools.partial(
    pl.kernel,
    out_type=jax.ShapeDtypeStruct((NW, 128), jnp.float32),
    mesh=_mesh,
    scratch_types=[
        pltpu.VMEM((N + BLK,), jnp.float32),
        pltpu.VMEM((N + BLK,), jnp.float32),
        pltpu.VMEM((B + L,), jnp.int32),
        pltpu.VMEM((8 * L,), jnp.float32),
        pltpu.VMEM((128,), jnp.float32),
        pltpu.SemaphoreType.DMA,
        pltpu.SemaphoreType.DMA,
        pltpu.SemaphoreType.DMA,
        pltpu.SemaphoreType.DMA,
    ],
)
def _count_kernel(pred_hbm, lab_hbm, out_hbm, row_a, row_b, lab_v, v_v,
                  cnt_v, sem_a, sem_b, sem_va, sem_vb):
    wid = lax.axis_index("s") * NC + lax.axis_index("c")
    bufs = [row_a, row_b]
    sems = [sem_a, sem_b]
    vsems = [sem_va, sem_vb]
    cps = [None, None]
    vcps = [None, None, None, None]
    row0 = wid * ROWS_PER_W
    cps[0] = pltpu.async_copy(
        pred_hbm.at[row0, pl.ds(0, SA)], row_a.at[pl.ds(0, SA)], sem_a)
    pltpu.sync_copy(lab_hbm, lab_v.at[pl.ds(0, B)])
    labs = [lab_v[pl.ds(row0 + r, L)][0] for r in range(ROWS_PER_W)]
    vbase = [(labs[r] // L) * L for r in range(ROWS_PER_W)]
    voff = [labs[r] - vbase[r] for r in range(ROWS_PER_W)]
    vcps[0] = pltpu.async_copy(
        pred_hbm.at[row0, pl.ds(vbase[0], L)], v_v.at[pl.ds(0, L)], sem_va)
    vcps[1] = pltpu.async_copy(
        pred_hbm.at[row0 + 1, pl.ds(vbase[1], L)],
        v_v.at[pl.ds(2 * L, L)], sem_vb)
    iota = lax.iota(jnp.int32, L)
    zero = jnp.zeros((L,), jnp.int32)
    one = jnp.ones((L,), jnp.int32)

    def lane_sum(vec):
        s = vec[0]
        for q in range(1, L):
            s = s + vec[q]
        return s

    correct = jnp.int32(0)
    for r in range(ROWS_PER_W):
        row = row0 + r
        if r + 1 < ROWS_PER_W:
            nxt = (r + 1) % 2
            cps[nxt] = pltpu.async_copy(
                pred_hbm.at[row + 1, pl.ds(0, SA)],
                bufs[nxt].at[pl.ds(0, SA)], sems[nxt])
        cps[r % 2].wait()
        vcps[r].wait()
        if r + 2 < ROWS_PER_W:
            vcps[r + 2] = pltpu.async_copy(
                pred_hbm.at[row + 2, pl.ds(vbase[r + 2], L)],
                v_v.at[pl.ds((r + 2) * 2 * L, L)], vsems[r % 2])
        row_v = bufs[r % 2]
        lab_scalar = labs[r]
        lab_splat = zero + lab_scalar
        v_splat = (jnp.zeros((L,), jnp.float32)
                   + v_v[pl.ds(r * 2 * L + voff[r], L)][0])

        def count_blocks(base_col, c, acc):
            for j in range(UNROLL):
                base = base_col + c * BLK + j * L
                x = row_v[pl.ds(base, L)]
                acc = acc + jnp.where(x > v_splat, one, zero)
            return acc

        gt = lane_sum(lax.fori_loop(
            0, SA // BLK, functools.partial(count_blocks, 0), zero))

        @pl.when(gt < TOPK_K)
        def _():
            pltpu.sync_copy(pred_hbm.at[row, pl.ds(SA, SB)],
                            row_v.at[pl.ds(SA, SB)])

        nb = jnp.where(gt < TOPK_K, SB // BLK, 0)
        gt = gt + lane_sum(lax.fori_loop(
            0, nb, functools.partial(count_blocks, SA), zero))

        @pl.when(gt < TOPK_K)
        def _():
            pltpu.sync_copy(pred_hbm.at[row, pl.ds(SA + SB, SC_)],
                            row_v.at[pl.ds(SA + SB, SC_)])

        ncb = jnp.where(gt < TOPK_K, SC_ // BLK, 0)
        gt = gt + lane_sum(lax.fori_loop(
            0, ncb, functools.partial(count_blocks, SA + SB), zero))

        n2 = jnp.where(gt < TOPK_K, (lab_scalar + BLK - 1) // BLK, 0)

        def body2(c, acc):
            for j in range(UNROLL):
                base = c * BLK + j * L
                x = row_v[pl.ds(base, L)]
                idx = iota + base
                m = (x == v_splat) & (idx < lab_splat)
                acc = acc + jnp.where(m, one, zero)
            return acc

        eq = lane_sum(lax.fori_loop(0, n2, body2, zero))
        rank = gt + eq
        correct = correct + jnp.where(rank < TOPK_K, 1, 0)
    cnt_splat = jnp.zeros((L,), jnp.float32) + correct.astype(jnp.float32)
    for q in range(128 // L):
        cnt_v[pl.ds(q * L, L)] = cnt_splat
    pltpu.sync_copy(cnt_v, out_hbm.at[wid])


def _tc_reduce_body(counts_ref, out_ref):
    out_ref[0, 0] = jnp.sum(counts_ref[...]) * (100.0 / (B * 128.0))


_tc_reduce = pl.pallas_call(
    _tc_reduce_body,
    out_shape=jax.ShapeDtypeStruct((1, 1), jnp.float32),
    out_specs=pl.BlockSpec(memory_space=pltpu.SMEM),
)


@jax.jit
def kernel(pred, lab):
    counts = _count_kernel(pred, lab.astype(jnp.int32))
    res = _tc_reduce(counts)
    return res.reshape(1)

# --- scband reference (transcript-rebuilt; emitter-appended) ---
"""Pipeline reference for scband-top-kaccuracy-36309653521066 (READ-ONLY COPY).

The authoritative reference and input builder live on the scoring server;
editing this copy changes nothing except your own understanding.
"""

import jax, jax.numpy as jnp
import numpy as np

TOPK = 5

def setup_inputs(seed: int = 0) -> dict:
    key = jax.random.key(seed)
    k1, k2 = jax.random.split(key)
    pred = jax.random.normal(k1, (128, 32768), dtype=jnp.float32)
    lab = jax.random.randint(k2, (128,), 0, 32768, dtype=jnp.int64 if jax.config.jax_enable_x64 else jnp.int32).astype(jnp.int32)
    return {"pred": pred, "lab": lab}

def reference(pred, lab):
    batch_size = lab.shape[0]
    # pred.topk(topk, dim=1, largest=True, sorted=True) -> indices
    _, idx = jax.lax.top_k(pred, TOPK)  # [B, k]
    idx = idx.T  # [k, B], like pred.t()
    # correct = pred.eq(lab.view(1, -1).expand_as(pred))
    correct = (idx == lab[None, :].astype(idx.dtype))  # [k, B]
    correct_k = correct[:TOPK].reshape(-1).astype(jnp.float32).sum(keepdims=True)  # [1]
    correct_k = correct_k * (100.0 / batch_size)
    return correct_k

if __name__ == "__main__":
    import jax
    _d = setup_inputs()
    print(jax.jit(kernel)(*tuple(_d.values())))

</pallas_src>

<mosaic_0001>
#map = affine_map<(d0, d1) -> (0, 0)>
#map1 = affine_map<(d0, d1) -> (0)>
module attributes {stable_mosaic.version = 14 : i64} {
  func.func @_count_kernel(%arg0: i32, %arg1: i32, %arg2: memref<128x32768xf32, #tpu.memory_space<hbm>>, %arg3: memref<128xi32, #tpu.memory_space<hbm>>, %arg4: memref<32x128xf32, #tpu.memory_space<hbm>>, %arg5: memref<32896xf32, #tpu.memory_space<vmem>>, %arg6: memref<32896xf32, #tpu.memory_space<vmem>>, %arg7: memref<144xi32, #tpu.memory_space<vmem>>, %arg8: memref<128xf32, #tpu.memory_space<vmem>>, %arg9: memref<128xf32, #tpu.memory_space<vmem>>, %arg10: memref<!tpu.dma_semaphore, #tpu.memory_space<semaphore_mem>>, %arg11: memref<!tpu.dma_semaphore, #tpu.memory_space<semaphore_mem>>, %arg12: memref<!tpu.dma_semaphore, #tpu.memory_space<semaphore_mem>>, %arg13: memref<!tpu.dma_semaphore, #tpu.memory_space<semaphore_mem>>) attributes {dimension_semantics = [#tpu.dimension_semantics<core_parallel>, #tpu.dimension_semantics<subcore_parallel>], iteration_bounds = array<i64: 2, 16>, scalar_prefetch = 0 : i64, scratch_operands = 9 : i64, tpu.core_type = #tpu.core_type<sc_vector_subcore>, window_params = [{transform_indices = #map}, {transform_indices = #map1}, {transform_indices = #map}]} {
    %mul3A = arith.constant 2 : i32
    %mul3A_0 = arith.muli %arg1, %mul3A : i32
    %add3A = arith.addi %mul3A_0, %arg0 : i32
    %mul3A_1 = arith.constant 4 : i32
    %mul3A_2 = arith.muli %add3A, %mul3A_1 : i32
    %dma_start3A = arith.constant 0 : i32
    %dma_start3A_3 = tpu.memref_slice %arg5[%dma_start3A] : memref<32896xf32, #tpu.memory_space<vmem>> -> memref<1024xf32, #tpu.memory_space<vmem>>
    %dma_start3A_4 = arith.constant 0 : i32
    %dma_start3A_5 = tpu.memref_slice %arg2[%mul3A_2, %dma_start3A_4] : memref<128x32768xf32, #tpu.memory_space<hbm>> -> memref<1x1024xf32, #tpu.memory_space<hbm>>
    %dma_start3A_6 = tpu.memref_squeeze %dma_start3A_5 : memref<1x1024xf32, #tpu.memory_space<hbm>> -> memref<1024xf32, #tpu.memory_space<hbm>>
    %dma_start3A_7 = arith.constant 0 : i32
    %dma_start3A_8 = tpu.memref_slice %arg5[%dma_start3A_7] : memref<32896xf32, #tpu.memory_space<vmem>> -> memref<1024xf32, #tpu.memory_space<vmem>>
    %dma_start3A_9 = arith.constant 0 : i32
    %dma_start3A_10 = tpu.memref_slice %arg2[%mul3A_2, %dma_start3A_9] : memref<128x32768xf32, #tpu.memory_space<hbm>> -> memref<1x1024xf32, #tpu.memory_space<hbm>>
    %dma_start3A_11 = tpu.memref_squeeze %dma_start3A_10 : memref<1x1024xf32, #tpu.memory_space<hbm>> -> memref<1024xf32, #tpu.memory_space<hbm>>
    tpu.enqueue_dma source(%dma_start3A_11 : memref<1024xf32, #tpu.memory_space<hbm>>) target(%dma_start3A_8 : memref<1024xf32, #tpu.memory_space<vmem>>) target_semaphore(%arg10 : memref<!tpu.dma_semaphore, #tpu.memory_space<semaphore_mem>>)
    "tpu.region"() ({
      %run_scoped3A = tpu.sem_alloc : memref<!tpu.dma_semaphore, #tpu.memory_space<semaphore_mem>>
      %dma_start3A_1529 = arith.constant 0 : i32
      %dma_start3A_1530 = tpu.memref_slice %arg7[%dma_start3A_1529] : memref<144xi32, #tpu.memory_space<vmem>> -> memref<128xi32, #tpu.memory_space<vmem>>
      %dma_start3A_1531 = arith.constant 0 : i32
      %dma_start3A_1532 = tpu.memref_slice %arg7[%dma_start3A_1531] : memref<144xi32, #tpu.memory_space<vmem>> -> memref<128xi32, #tpu.memory_space<vmem>>
      tpu.enqueue_dma source(%arg3 : memref<128xi32, #tpu.memory_space<hbm>>) target(%dma_start3A_1532 : memref<128xi32, #tpu.memory_space<vmem>>) target_semaphore(%run_scoped3A : memref<!tpu.dma_semaphore, #tpu.memory_space<semaphore_mem>>)
      %dma_wait3A_1533 = arith.constant 0 : i32
      %dma_wait3A_1534 = tpu.memref_slice %arg7[%dma_wait3A_1533] : memref<144xi32, #tpu.memory_space<vmem>> -> memref<128xi32, #tpu.memory_space<vmem>>
      %dma_wait3A_1535 = arith.constant 0 : i32
      %dma_wait3A_1536 = tpu.memref_slice %arg7[%dma_wait3A_1535] : memref<144xi32, #tpu.memory_space<vmem>> -> memref<128xi32, #tpu.memory_space<vmem>>
      tpu.wait_dma2 semaphore(%run_scoped3A : memref<!tpu.dma_semaphore, #tpu.memory_space<semaphore_mem>>) src(%arg3 : memref<128xi32, #tpu.memory_space<hbm>>) dst(%dma_wait3A_1536 : memref<128xi32, #tpu.memory_space<vmem>>)
      tpu.yield
    }) : () -> ()
    %add3A_12 = arith.constant 0 : i32
    %add3A_13 = arith.addi %mul3A_2, %add3A_12 : i32
    %get3A = arith.index_cast %add3A_13 : i32 to index
    %get3A_14 = tpu.vector_load %arg7[%get3A] {strides = array<i32>} : memref<144xi32, #tpu.memory_space<vmem>>, vector<16xi32>,
    %get3A_15 = vector.shape_cast %get3A_14 : vector<16xi32> to vector<16xi32>
    %slice3A = vector.extract_strided_slice %get3A_15 {offsets = [0], sizes = [1], strides = [1]} : vector<16xi32> to vector<1xi32>
    %squeeze3A = vector.extract %slice3A[0] : i32 from vector<1xi32>
    %add3A_16 = arith.constant 1 : i32
    %add3A_17 = arith.addi %mul3A_2, %add3A_16 : i32
    %get3A_18 = arith.index_cast %add3A_17 : i32 to index
    %get3A_19 = tpu.vector_load %arg7[%get3A_18] {strides = array<i32>} : memref<144xi32, #tpu.memory_space<vmem>>, vector<16xi32>,
    %get3A_20 = vector.shape_cast %get3A_19 : vector<16xi32> to vector<16xi32>
    %slice3A_21 = vector.extract_strided_slice %get3A_20 {offsets = [0], sizes = [1], strides = [1]} : vector<16xi32> to vector<1xi32>
    %squeeze3A_22 = vector.extract %slice3A_21[0] : i32 from vector<1xi32>
    %add3A_23 = arith.constant 2 : i32
    %add3A_24 = arith.addi %mul3A_2, %add3A_23 : i32
    %get3A_25 = arith.index_cast %add3A_24 : i32 to index
    %get3A_26 = tpu.vector_load %arg7[%get3A_25] {strides = array<i32>} : memref<144xi32, #tpu.memory_space<vmem>>, vector<16xi32>,
    %get3A_27 = vector.shape_cast %get3A_26 : vector<16xi32> to vector<16xi32>
    %slice3A_28 = vector.extract_strided_slice %get3A_27 {offsets = [0], sizes = [1], strides = [1]} : vector<16xi32> to vector<1xi32>
    %squeeze3A_29 = vector.extract %slice3A_28[0] : i32 from vector<1xi32>
    %add3A_30 = arith.constant 3 : i32
    %add3A_31 = arith.addi %mul3A_2, %add3A_30 : i32
    %get3A_32 = arith.index_cast %add3A_31 : i32 to index
    %get3A_33 = tpu.vector_load %arg7[%get3A_32] {strides = array<i32>} : memref<144xi32, #tpu.memory_space<vmem>>, vector<16xi32>,
    %get3A_34 = vector.shape_cast %get3A_33 : vector<16xi32> to vector<16xi32>
    %slice3A_35 = vector.extract_strided_slice %get3A_34 {offsets = [0], sizes = [1], strides = [1]} : vector<16xi32> to vector<1xi32>
    %squeeze3A_36 = vector.extract %slice3A_35[0] : i32 from vector<1xi32>
    %jit3A = arith.constant 16 : i32
    %div3A = arith.divsi %squeeze3A, %jit3A : i32
    %sign3A = arith.constant 0 : i32
    %sign3A_37 = arith.cmpi sgt, %squeeze3A, %sign3A : i32
    %sign3A_38 = arith.extui %sign3A_37 : i1 to i32
    %sign3A_39 = arith.constant 0 : i32
    %sign3A_40 = arith.cmpi slt, %squeeze3A, %sign3A_39 : i32
    %sign3A_41 = arith.extui %sign3A_40 : i1 to i32
    %sign3A_42 = arith.subi %sign3A_38, %sign3A_41 : i32
    %sign3A_43 = arith.constant 0 : i32
    %sign3A_44 = arith.cmpi sgt, %jit3A, %sign3A_43 : i32
    %sign3A_45 = arith.extui %sign3A_44 : i1 to i32
    %sign3A_46 = arith.constant 0 : i32
    %sign3A_47 = arith.cmpi slt, %jit3A, %sign3A_46 : i32
    %sign3A_48 = arith.extui %sign3A_47 : i1 to i32
    %sign3A_49 = arith.subi %sign3A_45, %sign3A_48 : i32
    %ne3A = arith.cmpi ne, %sign3A_42, %sign3A_49 : i32
    %rem3A = arith.remsi %squeeze3A, %jit3A : i32
    %ne3A_50 = arith.constant 0 : i32
    %ne3A_51 = arith.cmpi ne, %rem3A, %ne3A_50 : i32
    %and3A = arith.andi %ne3A, %ne3A_51 : i1
    %sub3A = arith.constant 1 : i32
    %sub3A_52 = arith.subi %div3A, %sub3A : i32
    %select_n3A = arith.select %and3A, %sub3A_52, %div3A : i32
    %mul3A_53 = arith.constant 16 : i32
    %mul3A_54 = arith.muli %select_n3A, %mul3A_53 : i32
    %jit3A_55 = arith.constant 16 : i32
    %div3A_56 = arith.divsi %squeeze3A_22, %jit3A_55 : i32
    %sign3A_57 = arith.constant 0 : i32
    %sign3A_58 = arith.cmpi sgt, %squeeze3A_22, %sign3A_57 : i32
    %sign3A_59 = arith.extui %sign3A_58 : i1 to i32
    %sign3A_60 = arith.constant 0 : i32
    %sign3A_61 = arith.cmpi slt, %squeeze3A_22, %sign3A_60 : i32
    %sign3A_62 = arith.extui %sign3A_61 : i1 to i32
    %sign3A_63 = arith.subi %sign3A_59, %sign3A_62 : i32
    %sign3A_64 = arith.constant 0 : i32
    %sign3A_65 = arith.cmpi sgt, %jit3A_55, %sign3A_64 : i32
    %sign3A_66 = arith.extui %sign3A_65 : i1 to i32
    %sign3A_67 = arith.constant 0 : i32
    %sign3A_68 = arith.cmpi slt, %jit3A_55, %sign3A_67 : i32
    %sign3A_69 = arith.extui %sign3A_68 : i1 to i32
    %sign3A_70 = arith.subi %sign3A_66, %sign3A_69 : i32
    %ne3A_71 = arith.cmpi ne, %sign3A_63, %sign3A_70 : i32
    %rem3A_72 = arith.remsi %squeeze3A_22, %jit3A_55 : i32
    %ne3A_73 = arith.constant 0 : i32
    %ne3A_74 = arith.cmpi ne, %rem3A_72, %ne3A_73 : i32
    %and3A_75 = arith.andi %ne3A_71, %ne3A_74 : i1
    %sub3A_76 = arith.constant 1 : i32
    %sub3A_77 = arith.subi %div3A_56, %sub3A_76 : i32
    %select_n3A_78 = arith.select %and3A_75, %sub3A_77, %div3A_56 : i32
    %mul3A_79 = arith.constant 16 : i32
    %mul3A_80 = arith.muli %select_n3A_78, %mul3A_79 : i32
    %jit3A_81 = arith.constant 16 : i32
    %div3A_82 = arith.divsi %squeeze3A_29, %jit3A_81 : i32
    %sign3A_83 = arith.constant 0 : i32
    %sign3A_84 = arith.cmpi sgt, %squeeze3A_29, %sign3A_83 : i32
    %sign3A_85 = arith.extui %sign3A_84 : i1 to i32
    %sign3A_86 = arith.constant 0 : i32
    %sign3A_87 = arith.cmpi slt, %squeeze3A_29, %sign3A_86 : i32
    %sign3A_88 = arith.extui %sign3A_87 : i1 to i32
    %sign3A_89 = arith.subi %sign3A_85, %sign3A_88 : i32
    %sign3A_90 = arith.constant 0 : i32
    %sign3A_91 = arith.cmpi sgt, %jit3A_81, %sign3A_90 : i32
    %sign3A_92 = arith.extui %sign3A_91 : i1 to i32
    %sign3A_93 = arith.constant 0 : i32
    %sign3A_94 = arith.cmpi slt, %jit3A_81, %sign3A_93 : i32
    %sign3A_95 = arith.extui %sign3A_94 : i1 to i32
    %sign3A_96 = arith.subi %sign3A_92, %sign3A_95 : i32
    %ne3A_97 = arith.cmpi ne, %sign3A_89, %sign3A_96 : i32
    %rem3A_98 = arith.remsi %squeeze3A_29, %jit3A_81 : i32
    %ne3A_99 = arith.constant 0 : i32
    %ne3A_100 = arith.cmpi ne, %rem3A_98, %ne3A_99 : i32
    %and3A_101 = arith.andi %ne3A_97, %ne3A_100 : i1
    %sub3A_102 = arith.constant 1 : i32
    %sub3A_103 = arith.subi %div3A_82, %sub3A_102 : i32
    %select_n3A_104 = arith.select %and3A_101, %sub3A_103, %div3A_82 : i32
    %mul3A_105 = arith.constant 16 : i32
    %mul3A_106 = arith.muli %select_n3A_104, %mul3A_105 : i32
    %jit3A_107 = arith.constant 16 : i32
    %div3A_108 = arith.divsi %squeeze3A_36, %jit3A_107 : i32
    %sign3A_109 = arith.constant 0 : i32
    %sign3A_110 = arith.cmpi sgt, %squeeze3A_36, %sign3A_109 : i32
    %sign3A_111 = arith.extui %sign3A_110 : i1 to i32
    %sign3A_112 = arith.constant 0 : i32
    %sign3A_113 = arith.cmpi slt, %squeeze3A_36, %sign3A_112 : i32
    %sign3A_114 = arith.extui %sign3A_113 : i1 to i32
    %sign3A_115 = arith.subi %sign3A_111, %sign3A_114 : i32
    %sign3A_116 = arith.constant 0 : i32
    %sign3A_117 = arith.cmpi sgt, %jit3A_107, %sign3A_116 : i32
    %sign3A_118 = arith.extui %sign3A_117 : i1 to i32
    %sign3A_119 = arith.constant 0 : i32
    %sign3A_120 = arith.cmpi slt, %jit3A_107, %sign3A_119 : i32
    %sign3A_121 = arith.extui %sign3A_120 : i1 to i32
    %sign3A_122 = arith.subi %sign3A_118, %sign3A_121 : i32
    %ne3A_123 = arith.cmpi ne, %sign3A_115, %sign3A_122 : i32
    %rem3A_124 = arith.remsi %squeeze3A_36, %jit3A_107 : i32
    %ne3A_125 = arith.constant 0 : i32
    %ne3A_126 = arith.cmpi ne, %rem3A_124, %ne3A_125 : i32
    %and3A_127 = arith.andi %ne3A_123, %ne3A_126 : i1
    %sub3A_128 = arith.constant 1 : i32
    %sub3A_129 = arith.subi %div3A_108, %sub3A_128 : i32
    %select_n3A_130 = arith.select %and3A_127, %sub3A_129, %div3A_108 : i32
    %mul3A_131 = arith.constant 16 : i32
    %mul3A_132 = arith.muli %select_n3A_130, %mul3A_131 : i32
    %sub3A_133 = arith.subi %squeeze3A, %mul3A_54 : i32
    %sub3A_134 = arith.subi %squeeze3A_22, %mul3A_80 : i32
    %sub3A_135 = arith.subi %squeeze3A_29, %mul3A_106 : i32
    %sub3A_136 = arith.subi %squeeze3A_36, %mul3A_132 : i32
    %dma_start3A_137 = arith.constant 0 : i32
    %dma_start3A_138 = tpu.memref_slice %arg8[%dma_start3A_137] : memref<128xf32, #tpu.memory_space<vmem>> -> memref<16xf32, #tpu.memory_space<vmem>>
    %dma_start3A_139 = tpu.memref_slice %arg2[%mul3A_2, %mul3A_54] : memref<128x32768xf32, #tpu.memory_space<hbm>> -> memref<1x16xf32, #tpu.memory_space<hbm>>
    %dma_start3A_140 = tpu.memref_squeeze %dma_start3A_139 : memref<1x16xf32, #tpu.memory_space<hbm>> -> memref<16xf32, #tpu.memory_space<hbm>>
    %dma_start3A_141 = arith.constant 0 : i32
    %dma_start3A_142 = tpu.memref_slice %arg8[%dma_start3A_141] : memref<128xf32, #tpu.memory_space<vmem>> -> memref<16xf32, #tpu.memory_space<vmem>>
    %dma_start3A_143 = tpu.memref_slice %arg2[%mul3A_2, %mul3A_54] : memref<128x32768xf32, #tpu.memory_space<hbm>> -> memref<1x16xf32, #tpu.memory_space<hbm>>
    %dma_start3A_144 = tpu.memref_squeeze %dma_start3A_143 : memref<1x16xf32, #tpu.memory_space<hbm>> -> memref<16xf32, #tpu.memory_space<hbm>>
    tpu.enqueue_dma source(%dma_start3A_144 : memref<16xf32, #tpu.memory_space<hbm>>) target(%dma_start3A_142 : memref<16xf32, #tpu.memory_space<vmem>>) target_semaphore(%arg12 : memref<!tpu.dma_semaphore, #tpu.memory_space<semaphore_mem>>)
    %add3A_145 = arith.constant 1 : i32
    %add3A_146 = arith.addi %mul3A_2, %add3A_145 : i32
    %dma_start3A_147 = arith.constant 32 : i32
    %dma_start3A_148 = tpu.memref_slice %arg8[%dma_start3A_147] : memref<128xf32, #tpu.memory_space<vmem>> -> memref<16xf32, #tpu.memory_space<vmem>>
    %dma_start3A_149 = tpu.memref_slice %arg2[%add3A_146, %mul3A_80] : memref<128x32768xf32, #tpu.memory_space<hbm>> -> memref<1x16xf32, #tpu.memory_space<hbm>>
    %dma_start3A_150 = tpu.memref_squeeze %dma_start3A_149 : memref<1x16xf32, #tpu.memory_space<hbm>> -> memref<16xf32, #tpu.memory_space<hbm>>
    %dma_start3A_151 = arith.constant 32 : i32
    %dma_start3A_152 = tpu.memref_slice %arg8[%dma_start3A_151] : memref<128xf32, #tpu.memory_space<vmem>> -> memref<16xf32, #tpu.memory_space<vmem>>
    %dma_start3A_153 = tpu.memref_slice %arg2[%add3A_146, %mul3A_80] : memref<128x32768xf32, #tpu.memory_space<hbm>> -> memref<1x16xf32, #tpu.memory_space<hbm>>
    %dma_start3A_154 = tpu.memref_squeeze %dma_start3A_153 : memref<1x16xf32, #tpu.memory_space<hbm>> -> memref<16xf32, #tpu.memory_space<hbm>>
    tpu.enqueue_dma source(%dma_start3A_154 : memref<16xf32, #tpu.memory_space<hbm>>) target(%dma_start3A_152 : memref<16xf32, #tpu.memory_space<vmem>>) target_semaphore(%arg13 : memref<!tpu.dma_semaphore, #tpu.memory_space<semaphore_mem>>)
    %iota3A = tpu.iota {dimensions = array<i32: 0>} : vector<16xi32>
    %broadcast_in_dim3A = arith.constant 0 : i32
    %broadcast_in_dim3A_155 = vector.broadcast %broadcast_in_dim3A : i32 to vector<16xi32>
    %broadcast_in_dim3A_156 = arith.constant 1 : i32
    %broadcast_in_dim3A_157 = vector.broadcast %broadcast_in_dim3A_156 : i32 to vector<16xi32>
    %add3A_158 = arith.constant 0 : i32
    %add3A_159 = arith.addi %mul3A_2, %add3A_158 : i32
    %add3A_160 = arith.constant 1 : i32
    %add3A_161 = arith.addi %add3A_159, %add3A_160 : i32
    %dma_start3A_162 = arith.constant 0 : i32
    %dma_start3A_163 = tpu.memref_slice %arg6[%dma_start3A_162] : memref<32896xf32, #tpu.memory_space<vmem>> -> memref<1024xf32, #tpu.memory_space<vmem>>
    %dma_start3A_164 = arith.constant 0 : i32
    %dma_start3A_165 = tpu.memref_slice %arg2[%add3A_161, %dma_start3A_164] : memref<128x32768xf32, #tpu.memory_space<hbm>> -> memref<1x1024xf32, #tpu.memory_space<hbm>>
    %dma_start3A_166 = tpu.memref_squeeze %dma_start3A_165 : memref<1x1024xf32, #tpu.memory_space<hbm>> -> memref<1024xf32, #tpu.memory_space<hbm>>
    %dma_start3A_167 = arith.constant 0 : i32
    %dma_start3A_168 = tpu.memref_slice %arg6[%dma_start3A_167] : memref<32896xf32, #tpu.memory_space<vmem>> -> memref<1024xf32, #tpu.memory_space<vmem>>
    %dma_start3A_169 = arith.constant 0 : i32
    %dma_start3A_170 = tpu.memref_slice %arg2[%add3A_161, %dma_start3A_169] : memref<128x32768xf32, #tpu.memory_space<hbm>> -> memref<1x1024xf32, #tpu.memory_space<hbm>>
    %dma_start3A_171 = tpu.memref_squeeze %dma_start3A_170 : memref<1x1024xf32, #tpu.memory_space<hbm>> -> memref<1024xf32, #tpu.memory_space<hbm>>
    tpu.enqueue_dma source(%dma_start3A_171 : memref<1024xf32, #tpu.memory_space<hbm>>) target(%dma_start3A_168 : memref<1024xf32, #tpu.memory_space<vmem>>) target_semaphore(%arg11 : memref<!tpu.dma_semaphore, #tpu.memory_space<semaphore_mem>>)
    %dma_wait3A = arith.constant 0 : i32
    %dma_wait3A_172 = tpu.memref_slice %arg5[%dma_wait3A] : memref<32896xf32, #tpu.memory_space<vmem>> -> memref<1024xf32, #tpu.memory_space<vmem>>
    %dma_wait3A_173 = arith.constant 0 : i32
    %dma_wait3A_174 = tpu.memref_slice %arg2[%mul3A_2, %dma_wait3A_173] : memref<128x32768xf32, #tpu.memory_space<hbm>> -> memref<1x1024xf32, #tpu.memory_space<hbm>>
    %dma_wait3A_175 = tpu.memref_squeeze %dma_wait3A_174 : memref<1x1024xf32, #tpu.memory_space<hbm>> -> memref<1024xf32, #tpu.memory_space<hbm>>
    %dma_wait3A_176 = arith.constant 0 : i32
    %dma_wait3A_177 = tpu.memref_slice %arg5[%dma_wait3A_176] : memref<32896xf32, #tpu.memory_space<vmem>> -> memref<1024xf32, #tpu.memory_space<vmem>>
    %dma_wait3A_178 = arith.constant 0 : i32
    %dma_wait3A_179 = tpu.memref_slice %arg2[%mul3A_2, %dma_wait3A_178] : memref<128x32768xf32, #tpu.memory_space<hbm>> -> memref<1x1024xf32, #tpu.memory_space<hbm>>
    %dma_wait3A_180 = tpu.memref_squeeze %dma_wait3A_179 : memref<1x1024xf32, #tpu.memory_space<hbm>> -> memref<1024xf32, #tpu.memory_space<hbm>>
    tpu.wait_dma2 semaphore(%arg10 : memref<!tpu.dma_semaphore, #tpu.memory_space<semaphore_mem>>) src(%dma_wait3A_180 : memref<1024xf32, #tpu.memory_space<hbm>>) dst(%dma_wait3A_177 : memref<1024xf32, #tpu.memory_space<vmem>>)
    %dma_wait3A_181 = arith.constant 0 : i32
    %dma_wait3A_182 = tpu.memref_slice %arg8[%dma_wait3A_181] : memref<128xf32, #tpu.memory_space<vmem>> -> memref<16xf32, #tpu.memory_space<vmem>>
    %dma_wait3A_183 = tpu.memref_slice %arg2[%mul3A_2, %mul3A_54] : memref<128x32768xf32, #tpu.memory_space<hbm>> -> memref<1x16xf32, #tpu.memory_space<hbm>>
    %dma_wait3A_184 = tpu.memref_squeeze %dma_wait3A_183 : memref<1x16xf32, #tpu.memory_space<hbm>> -> memref<16xf32, #tpu.memory_space<hbm>>
    %dma_wait3A_185 = arith.constant 0 : i32
    %dma_wait3A_186 = tpu.memref_slice %arg8[%dma_wait3A_185] : memref<128xf32, #tpu.memory_space<vmem>> -> memref<16xf32, #tpu.memory_space<vmem>>
    %dma_wait3A_187 = tpu.memref_slice %arg2[%mul3A_2, %mul3A_54] : memref<128x32768xf32, #tpu.memory_space<hbm>> -> memref<1x16xf32, #tpu.memory_space<hbm>>
    %dma_wait3A_188 = tpu.memref_squeeze %dma_wait3A_187 : memref<1x16xf32, #tpu.memory_space<hbm>> -> memref<16xf32, #tpu.memory_space<hbm>>
    tpu.wait_dma2 semaphore(%arg12 : memref<!tpu.dma_semaphore, #tpu.memory_space<semaphore_mem>>) src(%dma_wait3A_188 : memref<16xf32, #tpu.memory_space<hbm>>) dst(%dma_wait3A_186 : memref<16xf32, #tpu.memory_space<vmem>>)
    %add3A_189 = arith.constant 2 : i32
    %add3A_190 = arith.addi %add3A_159, %add3A_189 : i32
    %dma_start3A_191 = arith.constant 64 : i32
    %dma_start3A_192 = tpu.memref_slice %arg8[%dma_start3A_191] : memref<128xf32, #tpu.memory_space<vmem>> -> memref<16xf32, #tpu.memory_space<vmem>>
    %dma_start3A_193 = tpu.memref_slice %arg2[%add3A_190, %mul3A_106] : memref<128x32768xf32, #tpu.memory_space<hbm>> -> memref<1x16xf32, #tpu.memory_space<hbm>>
    %dma_start3A_194 = tpu.memref_squeeze %dma_start3A_193 : memref<1x16xf32, #tpu.memory_space<hbm>> -> memref<16xf32, #tpu.memory_space<hbm>>
    %dma_start3A_195 = arith.constant 64 : i32
    %dma_start3A_196 = tpu.memref_slice %arg8[%dma_start3A_195] : memref<128xf32, #tpu.memory_space<vmem>> -> memref<16xf32, #tpu.memory_space<vmem>>
    %dma_start3A_197 = tpu.memref_slice %arg2[%add3A_190, %mul3A_106] : memref<128x32768xf32, #tpu.memory_space<hbm>> -> memref<1x16xf32, #tpu.memory_space<hbm>>
    %dma_start3A_198 = tpu.memref_squeeze %dma_start3A_197 : memref<1x16xf32, #tpu.memory_space<hbm>> -> memref<16xf32, #tpu.memory_space<hbm>>
    tpu.enqueue_dma source(%dma_start3A_198 : memref<16xf32, #tpu.memory_space<hbm>>) target(%dma_start3A_196 : memref<16xf32, #tpu.memory_space<vmem>>) target_semaphore(%arg12 : memref<!tpu.dma_semaphore, #tpu.memory_space<semaphore_mem>>)
    %add3A_199 = vector.broadcast %squeeze3A : i32 to vector<16xi32>
    %add3A_200 = arith.addi %broadcast_in_dim3A_155, %add3A_199 : vector<16xi32>
    %broadcast_in_dim3A_201 = arith.constant 0.000000e+00 : f32
    %broadcast_in_dim3A_202 = vector.broadcast %broadcast_in_dim3A_201 : f32 to vector<16xf32>
    %add3A_203 = arith.constant 0 : i32
    %add3A_204 = arith.addi %add3A_203, %sub3A_133 : i32
    %get3A_205 = arith.index_cast %add3A_204 : i32 to index
    %get3A_206 = tpu.vector_load %arg8[%get3A_205] {strides = array<i32>} : memref<128xf32, #tpu.memory_space<vmem>>, vector<16xf32>,
    %get3A_207 = vector.shape_cast %get3A_206 : vector<16xf32> to vector<16xf32>
    %slice3A_208 = vector.extract_strided_slice %get3A_207 {offsets = [0], sizes = [1], strides = [1]} : vector<16xf32> to vector<1xf32>
    %squeeze3A_209 = vector.extract %slice3A_208[0] : f32 from vector<1xf32>
    %add3A_210 = vector.broadcast %squeeze3A_209 : f32 to vector<16xf32>
    %add3A_211 = arith.addf %broadcast_in_dim3A_202, %add3A_210 : vector<16xf32>
    %scan3A = arith.constant 0 : i32
    %scan3A_212 = arith.constant 8 : i32
    %scan3A_213 = arith.addi %scan3A, %scan3A_212 : i32
    %scan3A_214 = arith.constant 1 : i32
    %scan3A_215 = scf.for %scan3A_1529 = %scan3A to %scan3A_213 step %scan3A_214 iter_args(%scan3A_1530 = %broadcast_in_dim3A_155) -> (vector<16xi32>)  : i32 {
      %mul3A_1531 = arith.constant 128 : i32
      %mul3A_1532 = arith.muli %scan3A_1529, %mul3A_1531 : i32
      %add3A_1533 = arith.constant 0 : i32
      %add3A_1534 = arith.addi %add3A_1533, %mul3A_1532 : i32
      %add3A_1535 = arith.constant 0 : i32
      %add3A_1536 = arith.addi %add3A_1534, %add3A_1535 : i32
      %get3A_1537 = arith.index_cast %add3A_1536 : i32 to index
      %get3A_1538 = tpu.vector_load %arg5[%get3A_1537] {strides = array<i32>} : memref<32896xf32, #tpu.memory_space<vmem>>, vector<16xf32>,
      %get3A_1539 = vector.shape_cast %get3A_1538 : vector<16xf32> to vector<16xf32>
      %gt3A = arith.cmpf ogt, %get3A_1539, %add3A_211 : vector<16xf32>
      %select_n3A_1540 = arith.select %gt3A, %broadcast_in_dim3A_157, %broadcast_in_dim3A_155 : vector<16xi1>, vector<16xi32>
      %add3A_1541 = arith.addi %scan3A_1530, %select_n3A_1540 : vector<16xi32>
      %mul3A_1542 = arith.constant 128 : i32
      %mul3A_1543 = arith.muli %scan3A_1529, %mul3A_1542 : i32
      %add3A_1544 = arith.constant 0 : i32
      %add3A_1545 = arith.addi %add3A_1544, %mul3A_1543 : i32
      %add3A_1546 = arith.constant 16 : i32
      %add3A_1547 = arith.addi %add3A_1545, %add3A_1546 : i32
      %get3A_1548 = arith.index_cast %add3A_1547 : i32 to index
      %get3A_1549 = tpu.vector_load %arg5[%get3A_1548] {strides = array<i32>} : memref<32896xf32, #tpu.memory_space<vmem>>, vector<16xf32>,
      %get3A_1550 = vector.shape_cast %get3A_1549 : vector<16xf32> to vector<16xf32>
      %gt3A_1551 = arith.cmpf ogt, %get3A_1550, %add3A_211 : vector<16xf32>
      %select_n3A_1552 = arith.select %gt3A_1551, %broadcast_in_dim3A_157, %broadcast_in_dim3A_155 : vector<16xi1>, vector<16xi32>
      %add3A_1553 = arith.addi %add3A_1541, %select_n3A_1552 : vector<16xi32>
      %mul3A_1554 = arith.constant 128 : i32
      %mul3A_1555 = arith.muli %scan3A_1529, %mul3A_1554 : i32
      %add3A_1556 = arith.constant 0 : i32
      %add3A_1557 = arith.addi %add3A_1556, %mul3A_1555 : i32
      %add3A_1558 = arith.constant 32 : i32
      %add3A_1559 = arith.addi %add3A_1557, %add3A_1558 : i32
      %get3A_1560 = arith.index_cast %add3A_1559 : i32 to index
      %get3A_1561 = tpu.vector_load %arg5[%get3A_1560] {strides = array<i32>} : memref<32896xf32, #tpu.memory_space<vmem>>, vector<16xf32>,
      %get3A_1562 = vector.shape_cast %get3A_1561 : vector<16xf32> to vector<16xf32>
      %gt3A_1563 = arith.cmpf ogt, %get3A_1562, %add3A_211 : vector<16xf32>
      %select_n3A_1564 = arith.select %gt3A_1563, %broadcast_in_dim3A_157, %broadcast_in_dim3A_155 : vector<16xi1>, vector<16xi32>
      %add3A_1565 = arith.addi %add3A_1553, %select_n3A_1564 : vector<16xi32>
      %mul3A_1566 = arith.constant 128 : i32
      %mul3A_1567 = arith.muli %scan3A_1529, %mul3A_1566 : i32
      %add3A_1568 = arith.constant 0 : i32
      %add3A_1569 = arith.addi %add3A_1568, %mul3A_1567 : i32
      %add3A_1570 = arith.constant 48 : i32
      %add3A_1571 = arith.addi %add3A_1569, %add3A_1570 : i32
      %get3A_1572 = arith.index_cast %add3A_1571 : i32 to index
      %get3A_1573 = tpu.vector_load %arg5[%get3A_1572] {strides = array<i32>} : memref<32896xf32, #tpu.memory_space<vmem>>, vector<16xf32>,
      %get3A_1574 = vector.shape_cast %get3A_1573 : vector<16xf32> to vector<16xf32>
      %gt3A_1575 = arith.cmpf ogt, %get3A_1574, %add3A_211 : vector<16xf32>
      %select_n3A_1576 = arith.select %gt3A_1575, %broadcast_in_dim3A_157, %broadcast_in_dim3A_155 : vector<16xi1>, vector<16xi32>
      %add3A_1577 = arith.addi %add3A_1565, %select_n3A_1576 : vector<16xi32>
      %mul3A_1578 = arith.constant 128 : i32
      %mul3A_1579 = arith.muli %scan3A_1529, %mul3A_1578 : i32
      %add3A_1580 = arith.constant 0 : i32
      %add3A_1581 = arith.addi %add3A_1580, %mul3A_1579 : i32
      %add3A_1582 = arith.constant 64 : i32
      %add3A_1583 = arith.addi %add3A_1581, %add3A_1582 : i32
      %get3A_1584 = arith.index_cast %add3A_1583 : i32 to index
      %get3A_1585 = tpu.vector_load %arg5[%get3A_1584] {strides = array<i32>} : memref<32896xf32, #tpu.memory_space<vmem>>, vector<16xf32>,
      %get3A_1586 = vector.shape_cast %get3A_1585 : vector<16xf32> to vector<16xf32>
      %gt3A_1587 = arith.cmpf ogt, %get3A_1586, %add3A_211 : vector<16xf32>
      %select_n3A_1588 = arith.select %gt3A_1587, %broadcast_in_dim3A_157, %broadcast_in_dim3A_155 : vector<16xi1>, vector<16xi32>
      %add3A_1589 = arith.addi %add3A_1577, %select_n3A_1588 : vector<16xi32>
      %mul3A_1590 = arith.constant 128 : i32
      %mul3A_1591 = arith.muli %scan3A_1529, %mul3A_1590 : i32
      %add3A_1592 = arith.constant 0 : i32
      %add3A_1593 = arith.addi %add3A_1592, %mul3A_1591 : i32
      %add3A_1594 = arith.constant 80 : i32
      %add3A_1595 = arith.addi %add3A_1593, %add3A_1594 : i32
      %get3A_1596 = arith.index_cast %add3A_1595 : i32 to index
      %get3A_1597 = tpu.vector_load %arg5[%get3A_1596] {strides = array<i32>} : memref<32896xf32, #tpu.memory_space<vmem>>, vector<16xf32>,
      %get3A_1598 = vector.shape_cast %get3A_1597 : vector<16xf32> to vector<16xf32>
      %gt3A_1599 = arith.cmpf ogt, %get3A_1598, %add3A_211 : vector<16xf32>
      %select_n3A_1600 = arith.select %gt3A_1599, %broadcast_in_dim3A_157, %broadcast_in_dim3A_155 : vector<16xi1>, vector<16xi32>
      %add3A_1601 = arith.addi %add3A_1589, %select_n3A_1600 : vector<16xi32>
      %mul3A_1602 = arith.constant 128 : i32
      %mul3A_1603 = arith.muli %scan3A_1529, %mul3A_1602 : i32
      %add3A_1604 = arith.constant 0 : i32
      %add3A_1605 = arith.addi %add3A_1604, %mul3A_1603 : i32
      %add3A_1606 = arith.constant 96 : i32
      %add3A_1607 = arith.addi %add3A_1605, %add3A_1606 : i32
      %get3A_1608 = arith.index_cast %add3A_1607 : i32 to index
      %get3A_1609 = tpu.vector_load %arg5[%get3A_1608] {strides = array<i32>} : memref<32896xf32, #tpu.memory_space<vmem>>, vector<16xf32>,
      %get3A_1610 = vector.shape_cast %get3A_1609 : vector<16xf32> to vector<16xf32>
      %gt3A_1611 = arith.cmpf ogt, %get3A_1610, %add3A_211 : vector<16xf32>
      %select_n3A_1612 = arith.select %gt3A_1611, %broadcast_in_dim3A_157, %broadcast_in_dim3A_155 : vector<16xi1>, vector<16xi32>
      %add3A_1613 = arith.addi %add3A_1601, %select_n3A_1612 : vector<16xi32>
      %mul3A_1614 = arith.constant 128 : i32
      %mul3A_1615 = arith.muli %scan3A_1529, %mul3A_1614 : i32
      %add3A_1616 = arith.constant 0 : i32
      %add3A_1617 = arith.addi %add3A_1616, %mul3A_1615 : i32
      %add3A_1618 = arith.constant 112 : i32
      %add3A_1619 = arith.addi %add3A_1617, %add3A_1618 : i32
      %get3A_1620 = arith.index_cast %add3A_1619 : i32 to index
      %get3A_1621 = tpu.vector_load %arg5[%get3A_1620] {strides = array<i32>} : memref<32896xf32, #tpu.memory_space<vmem>>, vector<16xf32>,
      %get3A_1622 = vector.shape_cast %get3A_1621 : vector<16xf32> to vector<16xf32>
      %gt3A_1623 = arith.cmpf ogt, %get3A_1622, %add3A_211 : vector<16xf32>
      %select_n3A_1624 = arith.select %gt3A_1623, %broadcast_in_dim3A_157, %broadcast_in_dim3A_155 : vector<16xi1>, vector<16xi32>
      %add3A_1625 = arith.addi %add3A_1613, %select_n3A_1624 : vector<16xi32>
      scf.yield %add3A_1625 : vector<16xi32>
    }
    %scan3A_216 = arith.constant 8 : i32
    %slice3A_217 = vector.extract_strided_slice %scan3A_215 {offsets = [0], sizes = [1], strides = [1]} : vector<16xi32> to vector<1xi32>
    %squeeze3A_218 = vector.extract %slice3A_217[0] : i32 from vector<1xi32>
    %slice3A_219 = vector.extract_strided_slice %scan3A_215 {offsets = [1], sizes = [1], strides = [1]} : vector<16xi32> to vector<1xi32>
    %squeeze3A_220 = vector.extract %slice3A_219[0] : i32 from vector<1xi32>
    %add3A_221 = arith.addi %squeeze3A_218, %squeeze3A_220 : i32
    %slice3A_222 = vector.extract_strided_slice %scan3A_215 {offsets = [2], sizes = [1], strides = [1]} : vector<16xi32> to vector<1xi32>
    %squeeze3A_223 = vector.extract %slice3A_222[0] : i32 from vector<1xi32>
    %add3A_224 = arith.addi %add3A_221, %squeeze3A_223 : i32
    %slice3A_225 = vector.extract_strided_slice %scan3A_215 {offsets = [3], sizes = [1], strides = [1]} : vector<16xi32> to vector<1xi32>
    %squeeze3A_226 = vector.extract %slice3A_225[0] : i32 from vector<1xi32>
    %add3A_227 = arith.addi %add3A_224, %squeeze3A_226 : i32
    %slice3A_228 = vector.extract_strided_slice %scan3A_215 {offsets = [4], sizes = [1], strides = [1]} : vector<16xi32> to vector<1xi32>
    %squeeze3A_229 = vector.extract %slice3A_228[0] : i32 from vector<1xi32>
    %add3A_230 = arith.addi %add3A_227, %squeeze3A_229 : i32
    %slice3A_231 = vector.extract_strided_slice %scan3A_215 {offsets = [5], sizes = [1], strides = [1]} : vector<16xi32> to vector<1xi32>
    %squeeze3A_232 = vector.extract %slice3A_231[0] : i32 from vector<1xi32>
    %add3A_233 = arith.addi %add3A_230, %squeeze3A_232 : i32
    %slice3A_234 = vector.extract_strided_slice %scan3A_215 {offsets = [6], sizes = [1], strides = [1]} : vector<16xi32> to vector<1xi32>
    %squeeze3A_235 = vector.extract %slice3A_234[0] : i32 from vector<1xi32>
    %add3A_236 = arith.addi %add3A_233, %squeeze3A_235 : i32
    %slice3A_237 = vector.extract_strided_slice %scan3A_215 {offsets = [7], sizes = [1], strides = [1]} : vector<16xi32> to vector<1xi32>
    %squeeze3A_238 = vector.extract %slice3A_237[0] : i32 from vector<1xi32>
    %add3A_239 = arith.addi %add3A_236, %squeeze3A_238 : i32
    %slice3A_240 = vector.extract_strided_slice %scan3A_215 {offsets = [8], sizes = [1], strides = [1]} : vector<16xi32> to vector<1xi32>
    %squeeze3A_241 = vector.extract %slice3A_240[0] : i32 from vector<1xi32>
    %add3A_242 = arith.addi %add3A_239, %squeeze3A_241 : i32
    %slice3A_243 = vector.extract_strided_slice %scan3A_215 {offsets = [9], sizes = [1], strides = [1]} : vector<16xi32> to vector<1xi32>
    %squeeze3A_244 = vector.extract %slice3A_243[0] : i32 from vector<1xi32>
    %add3A_245 = arith.addi %add3A_242, %squeeze3A_244 : i32
    %slice3A_246 = vector.extract_strided_slice %scan3A_215 {offsets = [10], sizes = [1], strides = [1]} : vector<16xi32> to vector<1xi32>
    %squeeze3A_247 = vector.extract %slice3A_246[0] : i32 from vector<1xi32>
    %add3A_248 = arith.addi %add3A_245, %squeeze3A_247 : i32
    %slice3A_249 = vector.extract_strided_slice %scan3A_215 {offsets = [11], sizes = [1], strides = [1]} : vector<16xi32> to vector<1xi32>
    %squeeze3A_250 = vector.extract %slice3A_249[0] : i32 from vector<1xi32>
    %add3A_251 = arith.addi %add3A_248, %squeeze3A_250 : i32
    %slice3A_252 = vector.extract_strided_slice %scan3A_215 {offsets = [12], sizes = [1], strides = [1]} : vector<16xi32> to vector<1xi32>
    %squeeze3A_253 = vector.extract %slice3A_252[0] : i32 from vector<1xi32>
    %add3A_254 = arith.addi %add3A_251, %squeeze3A_253 : i32
    %slice3A_255 = vector.extract_strided_slice %scan3A_215 {offsets = [13], sizes = [1], strides = [1]} : vector<16xi32> to vector<1xi32>
    %squeeze3A_256 = vector.extract %slice3A_255[0] : i32 from vector<1xi32>
    %add3A_257 = arith.addi %add3A_254, %squeeze3A_256 : i32
    %slice3A_258 = vector.extract_strided_slice %scan3A_215 {offsets = [14], sizes = [1], strides = [1]} : vector<16xi32> to vector<1xi32>
    %squeeze3A_259 = vector.extract %slice3A_258[0] : i32 from vector<1xi32>
    %add3A_260 = arith.addi %add3A_257, %squeeze3A_259 : i32
    %slice3A_261 = vector.extract_strided_slice %scan3A_215 {offsets = [15], sizes = [1], strides = [1]} : vector<16xi32> to vector<1xi32>
    %squeeze3A_262 = vector.extract %slice3A_261[0] : i32 from vector<1xi32>
    %add3A_263 = arith.addi %add3A_260, %squeeze3A_262 : i32
    %lt3A = arith.constant 5 : i32
    %lt3A_264 = arith.cmpi slt, %add3A_263, %lt3A : i32
    %convert_element_type3A = arith.extui %lt3A_264 : i1 to i32
    %cond3A = arith.constant 0 : i32
    %cond3A_265 = arith.cmpi ne, %convert_element_type3A, %cond3A : i32
    scf.if %cond3A_265 {
      "tpu.region"() ({
        %run_scoped3A = tpu.sem_alloc : memref<!tpu.dma_semaphore, #tpu.memory_space<semaphore_mem>>
        %dma_start3A_1529 = arith.constant 1024 : i32
        %dma_start3A_1530 = tpu.memref_slice %arg5[%dma_start3A_1529] : memref<32896xf32, #tpu.memory_space<vmem>> -> memref<8192xf32, #tpu.memory_space<vmem>>
        %dma_start3A_1531 = arith.constant 1024 : i32
        %dma_start3A_1532 = tpu.memref_slice %arg2[%add3A_159, %dma_start3A_1531] : memref<128x32768xf32, #tpu.memory_space<hbm>> -> memref<1x8192xf32, #tpu.memory_space<hbm>>
        %dma_start3A_1533 = tpu.memref_squeeze %dma_start3A_1532 : memref<1x8192xf32, #tpu.memory_space<hbm>> -> memref<8192xf32, #tpu.memory_space<hbm>>
        %dma_start3A_1534 = arith.constant 1024 : i32
        %dma_start3A_1535 = tpu.memref_slice %arg5[%dma_start3A_1534] : memref<32896xf32, #tpu.memory_space<vmem>> -> memref<8192xf32, #tpu.memory_space<vmem>>
        %dma_start3A_1536 = arith.constant 1024 : i32
        %dma_start3A_1537 = tpu.memref_slice %arg2[%add3A_159, %dma_start3A_1536] : memref<128x32768xf32, #tpu.memory_space<hbm>> -> memref<1x8192xf32, #tpu.memory_space<hbm>>
        %dma_start3A_1538 = tpu.memref_squeeze %dma_start3A_1537 : memref<1x8192xf32, #tpu.memory_space<hbm>> -> memref<8192xf32, #tpu.memory_space<hbm>>
        tpu.enqueue_dma source(%dma_start3A_1538 : memref<8192xf32, #tpu.memory_space<hbm>>) target(%dma_start3A_1535 : memref<8192xf32, #tpu.memory_space<vmem>>) target_semaphore(%run_scoped3A : memref<!tpu.dma_semaphore, #tpu.memory_space<semaphore_mem>>)
        %dma_wait3A_1539 = arith.constant 1024 : i32
        %dma_wait3A_1540 = tpu.memref_slice %arg5[%dma_wait3A_1539] : memref<32896xf32, #tpu.memory_space<vmem>> -> memref<8192xf32, #tpu.memory_space<vmem>>
        %dma_wait3A_1541 = arith.constant 1024 : i32
        %dma_wait3A_1542 = tpu.memref_slice %arg2[%add3A_159, %dma_wait3A_1541] : memref<128x32768xf32, #tpu.memory_space<hbm>> -> memref<1x8192xf32, #tpu.memory_space<hbm>>
        %dma_wait3A_1543 = tpu.memref_squeeze %dma_wait3A_1542 : memref<1x8192xf32, #tpu.memory_space<hbm>> -> memref<8192xf32, #tpu.memory_space<hbm>>
        %dma_wait3A_1544 = arith.constant 1024 : i32
        %dma_wait3A_1545 = tpu.memref_slice %arg5[%dma_wait3A_1544] : memref<32896xf32, #tpu.memory_space<vmem>> -> memref<8192xf32, #tpu.memory_space<vmem>>
        %dma_wait3A_1546 = arith.constant 1024 : i32
        %dma_wait3A_1547 = tpu.memref_slice %arg2[%add3A_159, %dma_wait3A_1546] : memref<128x32768xf32, #tpu.memory_space<hbm>> -> memref<1x8192xf32, #tpu.memory_space<hbm>>
        %dma_wait3A_1548 = tpu.memref_squeeze %dma_wait3A_1547 : memref<1x8192xf32, #tpu.memory_space<hbm>> -> memref<8192xf32, #tpu.memory_space<hbm>>
        tpu.wait_dma2 semaphore(%run_scoped3A : memref<!tpu.dma_semaphore, #tpu.memory_space<semaphore_mem>>) src(%dma_wait3A_1548 : memref<8192xf32, #tpu.memory_space<hbm>>) dst(%dma_wait3A_1545 : memref<8192xf32, #tpu.memory_space<vmem>>)
        tpu.yield
      }) : () -> ()
    } else {
    }
    %lt3A_266 = arith.constant 5 : i32
    %lt3A_267 = arith.cmpi slt, %add3A_263, %lt3A_266 : i32
    %jit3A_268 = arith.constant 64 : i32
    %jit3A_269 = arith.constant 0 : i32
    %select_n3A_270 = arith.select %lt3A_267, %jit3A_268, %jit3A_269 : i32
    %while3A = arith.constant 0 : i32
    %while3A_271 = arith.subi %select_n3A_270, %while3A : i32
    %while3A_272 = arith.addi %while3A, %while3A_271 : i32
    %while3A_273 = arith.constant 1 : i32
    %while3A_274 = arith.divsi %while3A_271, %while3A_273 : i32
    %while3A_275 = arith.muli %while3A_274, %while3A_273 : i32
    %while3A_276 = arith.addi %while3A, %while3A_275 : i32
    %while3A_277 = arith.constant 1 : i32
    %while3A_278 = scf.for %while3A_1529 = %while3A to %while3A_276 step %while3A_277 iter_args(%while3A_1530 = %broadcast_in_dim3A_155) -> (vector<16xi32>)  : i32 {
      %mul3A_1531 = arith.constant 128 : i32
      %mul3A_1532 = arith.muli %while3A_1529, %mul3A_1531 : i32
      %add3A_1533 = arith.constant 1024 : i32
      %add3A_1534 = arith.addi %add3A_1533, %mul3A_1532 : i32
      %add3A_1535 = arith.constant 0 : i32
      %add3A_1536 = arith.addi %add3A_1534, %add3A_1535 : i32
      %get3A_1537 = arith.index_cast %add3A_1536 : i32 to index
      %get3A_1538 = tpu.vector_load %arg5[%get3A_1537] {strides = array<i32>} : memref<32896xf32, #tpu.memory_space<vmem>>, vector<16xf32>,
      %get3A_1539 = vector.shape_cast %get3A_1538 : vector<16xf32> to vector<16xf32>
      %gt3A = arith.cmpf ogt, %get3A_1539, %add3A_211 : vector<16xf32>
      %select_n3A_1540 = arith.select %gt3A, %broadcast_in_dim3A_157, %broadcast_in_dim3A_155 : vector<16xi1>, vector<16xi32>
      %add3A_1541 = arith.addi %while3A_1530, %select_n3A_1540 : vector<16xi32>
      %mul3A_1542 = arith.constant 128 : i32
      %mul3A_1543 = arith.muli %while3A_1529, %mul3A_1542 : i32
      %add3A_1544 = arith.constant 1024 : i32
      %add3A_1545 = arith.addi %add3A_1544, %mul3A_1543 : i32
      %add3A_1546 = arith.constant 16 : i32
      %add3A_1547 = arith.addi %add3A_1545, %add3A_1546 : i32
      %get3A_1548 = arith.index_cast %add3A_1547 : i32 to index
      %get3A_1549 = tpu.vector_load %arg5[%get3A_1548] {strides = array<i32>} : memref<32896xf32, #tpu.memory_space<vmem>>, vector<16xf32>,
      %get3A_1550 = vector.shape_cast %get3A_1549 : vector<16xf32> to vector<16xf32>
      %gt3A_1551 = arith.cmpf ogt, %get3A_1550, %add3A_211 : vector<16xf32>
      %select_n3A_1552 = arith.select %gt3A_1551, %broadcast_in_dim3A_157, %broadcast_in_dim3A_155 : vector<16xi1>, vector<16xi32>
      %add3A_1553 = arith.addi %add3A_1541, %select_n3A_1552 : vector<16xi32>
      %mul3A_1554 = arith.constant 128 : i32
      %mul3A_1555 = arith.muli %while3A_1529, %mul3A_1554 : i32
      %add3A_1556 = arith.constant 1024 : i32
      %add3A_1557 = arith.addi %add3A_1556, %mul3A_1555 : i32
      %add3A_1558 = arith.constant 32 : i32
      %add3A_1559 = arith.addi %add3A_1557, %add3A_1558 : i32
      %get3A_1560 = arith.index_cast %add3A_1559 : i32 to index
      %get3A_1561 = tpu.vector_load %arg5[%get3A_1560] {strides = array<i32>} : memref<32896xf32, #tpu.memory_space<vmem>>, vector<16xf32>,
      %get3A_1562 = vector.shape_cast %get3A_1561 : vector<16xf32> to vector<16xf32>
      %gt3A_1563 = arith.cmpf ogt, %get3A_1562, %add3A_211 : vector<16xf32>
      %select_n3A_1564 = arith.select %gt3A_1563, %broadcast_in_dim3A_157, %broadcast_in_dim3A_155 : vector<16xi1>, vector<16xi32>
      %add3A_1565 = arith.addi %add3A_1553, %select_n3A_1564 : vector<16xi32>
      %mul3A_1566 = arith.constant 128 : i32
      %mul3A_1567 = arith.muli %while3A_1529, %mul3A_1566 : i32
      %add3A_1568 = arith.constant 1024 : i32
      %add3A_1569 = arith.addi %add3A_1568, %mul3A_1567 : i32
      %add3A_1570 = arith.constant 48 : i32
      %add3A_1571 = arith.addi %add3A_1569, %add3A_1570 : i32
      %get3A_1572 = arith.index_cast %add3A_1571 : i32 to index
      %get3A_1573 = tpu.vector_load %arg5[%get3A_1572] {strides = array<i32>} : memref<32896xf32, #tpu.memory_space<vmem>>, vector<16xf32>,
      %get3A_1574 = vector.shape_cast %get3A_1573 : vector<16xf32> to vector<16xf32>
      %gt3A_1575 = arith.cmpf ogt, %get3A_1574, %add3A_211 : vector<16xf32>
      %select_n3A_1576 = arith.select %gt3A_1575, %broadcast_in_dim3A_157, %broadcast_in_dim3A_155 : vector<16xi1>, vector<16xi32>
      %add3A_1577 = arith.addi %add3A_1565, %select_n3A_1576 : vector<16xi32>
      %mul3A_1578 = arith.constant 128 : i32
      %mul3A_1579 = arith.muli %while3A_1529, %mul3A_1578 : i32
      %add3A_1580 = arith.constant 1024 : i32
      %add3A_1581 = arith.addi %add3A_1580, %mul3A_1579 : i32
      %add3A_1582 = arith.constant 64 : i32
      %add3A_1583 = arith.addi %add3A_1581, %add3A_1582 : i32
      %get3A_1584 = arith.index_cast %add3A_1583 : i32 to index
      %get3A_1585 = tpu.vector_load %arg5[%get3A_1584] {strides = array<i32>} : memref<32896xf32, #tpu.memory_space<vmem>>, vector<16xf32>,
      %get3A_1586 = vector.shape_cast %get3A_1585 : vector<16xf32> to vector<16xf32>
      %gt3A_1587 = arith.cmpf ogt, %get3A_1586, %add3A_211 : vector<16xf32>
      %select_n3A_1588 = arith.select %gt3A_1587, %broadcast_in_dim3A_157, %broadcast_in_dim3A_155 : vector<16xi1>, vector<16xi32>
      %add3A_1589 = arith.addi %add3A_1577, %select_n3A_1588 : vector<16xi32>
      %mul3A_1590 = arith.constant 128 : i32
      %mul3A_1591 = arith.muli %while3A_1529, %mul3A_1590 : i32
      %add3A_1592 = arith.constant 1024 : i32
      %add3A_1593 = arith.addi %add3A_1592, %mul3A_1591 : i32
      %add3A_1594 = arith.constant 80 : i32
      %add3A_1595 = arith.addi %add3A_1593, %add3A_1594 : i32
      %get3A_1596 = arith.index_cast %add3A_1595 : i32 to index
      %get3A_1597 = tpu.vector_load %arg5[%get3A_1596] {strides = array<i32>} : memref<32896xf32, #tpu.memory_space<vmem>>, vector<16xf32>,
      %get3A_1598 = vector.shape_cast %get3A_1597 : vector<16xf32> to vector<16xf32>
      %gt3A_1599 = arith.cmpf ogt, %get3A_1598, %add3A_211 : vector<16xf32>
      %select_n3A_1600 = arith.select %gt3A_1599, %broadcast_in_dim3A_157, %broadcast_in_dim3A_155 : vector<16xi1>, vector<16xi32>
      %add3A_1601 = arith.addi %add3A_1589, %select_n3A_1600 : vector<16xi32>
      %mul3A_1602 = arith.constant 128 : i32
      %mul3A_1603 = arith.muli %while3A_1529, %mul3A_1602 : i32
      %add3A_1604 = arith.constant 1024 : i32
      %add3A_1605 = arith.addi %add3A_1604, %mul3A_1603 : i32
      %add3A_1606 = arith.constant 96 : i32
      %add3A_1607 = arith.addi %add3A_1605, %add3A_1606 : i32
      %get3A_1608 = arith.index_cast %add3A_1607 : i32 to index
      %get3A_1609 = tpu.vector_load %arg5[%get3A_1608] {strides = array<i32>} : memref<32896xf32, #tpu.memory_space<vmem>>, vector<16xf32>,
      %get3A_1610 = vector.shape_cast %get3A_1609 : vector<16xf32> to vector<16xf32>
      %gt3A_1611 = arith.cmpf ogt, %get3A_1610, %add3A_211 : vector<16xf32>
      %select_n3A_1612 = arith.select %gt3A_1611, %broadcast_in_dim3A_157, %broadcast_in_dim3A_155 : vector<16xi1>, vector<16xi32>
      %add3A_1613 = arith.addi %add3A_1601, %select_n3A_1612 : vector<16xi32>
      %mul3A_1614 = arith.constant 128 : i32
      %mul3A_1615 = arith.muli %while3A_1529, %mul3A_1614 : i32
      %add3A_1616 = arith.constant 1024 : i32
      %add3A_1617 = arith.addi %add3A_1616, %mul3A_1615 : i32
      %add3A_1618 = arith.constant 112 : i32
      %add3A_1619 = arith.addi %add3A_1617, %add3A_1618 : i32
      %get3A_1620 = arith.index_cast %add3A_1619 : i32 to index
      %get3A_1621 = tpu.vector_load %arg5[%get3A_1620] {strides = array<i32>} : memref<32896xf32, #tpu.memory_space<vmem>>, vector<16xf32>,
      %get3A_1622 = vector.shape_cast %get3A_1621 : vector<16xf32> to vector<16xf32>
      %gt3A_1623 = arith.cmpf ogt, %get3A_1622, %add3A_211 : vector<16xf32>
      %select_n3A_1624 = arith.select %gt3A_1623, %broadcast_in_dim3A_157, %broadcast_in_dim3A_155 : vector<16xi1>, vector<16xi32>
      %add3A_1625 = arith.addi %add3A_1613, %select_n3A_1624 : vector<16xi32>
      scf.yield %add3A_1625 : vector<16xi32>
    }
    %while3A_279 = arith.constant 1 : i32
    %while3A_280 = scf.for %while3A_1529 = %while3A_276 to %while3A_272 step %while3A_279 iter_args(%while3A_1530 = %while3A_278) -> (vector<16xi32>)  : i32 {
      %mul3A_1531 = arith.constant 128 : i32
      %mul3A_1532 = arith.muli %while3A_1529, %mul3A_1531 : i32
      %add3A_1533 = arith.constant 1024 : i32
      %add3A_1534 = arith.addi %add3A_1533, %mul3A_1532 : i32
      %add3A_1535 = arith.constant 0 : i32
      %add3A_1536 = arith.addi %add3A_1534, %add3A_1535 : i32
      %get3A_1537 = arith.index_cast %add3A_1536 : i32 to index
      %get3A_1538 = tpu.vector_load %arg5[%get3A_1537] {strides = array<i32>} : memref<32896xf32, #tpu.memory_space<vmem>>, vector<16xf32>,
      %get3A_1539 = vector.shape_cast %get3A_1538 : vector<16xf32> to vector<16xf32>
      %gt3A = arith.cmpf ogt, %get3A_1539, %add3A_211 : vector<16xf32>
      %select_n3A_1540 = arith.select %gt3A, %broadcast_in_dim3A_157, %broadcast_in_dim3A_155 : vector<16xi1>, vector<16xi32>
      %add3A_1541 = arith.addi %while3A_1530, %select_n3A_1540 : vector<16xi32>
      %mul3A_1542 = arith.constant 128 : i32
      %mul3A_1543 = arith.muli %while3A_1529, %mul3A_1542 : i32
      %add3A_1544 = arith.constant 1024 : i32
      %add3A_1545 = arith.addi %add3A_1544, %mul3A_1543 : i32
      %add3A_1546 = arith.constant 16 : i32
      %add3A_1547 = arith.addi %add3A_1545, %add3A_1546 : i32
      %get3A_1548 = arith.index_cast %add3A_1547 : i32 to index
      %get3A_1549 = tpu.vector_load %arg5[%get3A_1548] {strides = array<i32>} : memref<32896xf32, #tpu.memory_space<vmem>>, vector<16xf32>,
      %get3A_1550 = vector.shape_cast %get3A_1549 : vector<16xf32> to vector<16xf32>
      %gt3A_1551 = arith.cmpf ogt, %get3A_1550, %add3A_211 : vector<16xf32>
      %select_n3A_1552 = arith.select %gt3A_1551, %broadcast_in_dim3A_157, %broadcast_in_dim3A_155 : vector<16xi1>, vector<16xi32>
      %add3A_1553 = arith.addi %add3A_1541, %select_n3A_1552 : vector<16xi32>
      %mul3A_1554 = arith.constant 128 : i32
      %mul3A_1555 = arith.muli %while3A_1529, %mul3A_1554 : i32
      %add3A_1556 = arith.constant 1024 : i32
      %add3A_1557 = arith.addi %add3A_1556, %mul3A_1555 : i32
      %add3A_1558 = arith.constant 32 : i32
      %add3A_1559 = arith.addi %add3A_1557, %add3A_1558 : i32
      %get3A_1560 = arith.index_cast %add3A_1559 : i32 to index
      %get3A_1561 = tpu.vector_load %arg5[%get3A_1560] {strides = array<i32>} : memref<32896xf32, #tpu.memory_space<vmem>>, vector<16xf32>,
      %get3A_1562 = vector.shape_cast %get3A_1561 : vector<16xf32> to vector<16xf32>
      %gt3A_1563 = arith.cmpf ogt, %get3A_1562, %add3A_211 : vector<16xf32>
      %select_n3A_1564 = arith.select %gt3A_1563, %broadcast_in_dim3A_157, %broadcast_in_dim3A_155 : vector<16xi1>, vector<16xi32>
      %add3A_1565 = arith.addi %add3A_1553, %select_n3A_1564 : vector<16xi32>
      %mul3A_1566 = arith.constant 128 : i32
      %mul3A_1567 = arith.muli %while3A_1529, %mul3A_1566 : i32
      %add3A_1568 = arith.constant 1024 : i32
      %add3A_1569 = arith.addi %add3A_1568, %mul3A_1567 : i32
      %add3A_1570 = arith.constant 48 : i32
      %add3A_1571 = arith.addi %add3A_1569, %add3A_1570 : i32
      %get3A_1572 = arith.index_cast %add3A_1571 : i32 to index
      %get3A_1573 = tpu.vector_load %arg5[%get3A_1572] {strides = array<i32>} : memref<32896xf32, #tpu.memory_space<vmem>>, vector<16xf32>,
      %get3A_1574 = vector.shape_cast %get3A_1573 : vector<16xf32> to vector<16xf32>
      %gt3A_1575 = arith.cmpf ogt, %get3A_1574, %add3A_211 : vector<16xf32>
      %select_n3A_1576 = arith.select %gt3A_1575, %broadcast_in_dim3A_157, %broadcast_in_dim3A_155 : vector<16xi1>, vector<16xi32>
      %add3A_1577 = arith.addi %add3A_1565, %select_n3A_1576 : vector<16xi32>
      %mul3A_1578 = arith.constant 128 : i32
      %mul3A_1579 = arith.muli %while3A_1529, %mul3A_1578 : i32
      %add3A_1580 = arith.constant 1024 : i32
      %add3A_1581 = arith.addi %add3A_1580, %mul3A_1579 : i32
      %add3A_1582 = arith.constant 64 : i32
      %add3A_1583 = arith.addi %add3A_1581, %add3A_1582 : i32
      %get3A_1584 = arith.index_cast %add3A_1583 : i32 to index
      %get3A_1585 = tpu.vector_load %arg5[%get3A_1584] {strides = array<i32>} : memref<32896xf32, #tpu.memory_space<vmem>>, vector<16xf32>,
      %get3A_1586 = vector.shape_cast %get3A_1585 : vector<16xf32> to vector<16xf32>
      %gt3A_1587 = arith.cmpf ogt, %get3A_1586, %add3A_211 : vector<16xf32>
      %select_n3A_1588 = arith.select %gt3A_1587, %broadcast_in_dim3A_157, %broadcast_in_dim3A_155 : vector<16xi1>, vector<16xi32>
      %add3A_1589 = arith.addi %add3A_1577, %select_n3A_1588 : vector<16xi32>
      %mul3A_1590 = arith.constant 128 : i32
      %mul3A_1591 = arith.muli %while3A_1529, %mul3A_1590 : i32
      %add3A_1592 = arith.constant 1024 : i32
      %add3A_1593 = arith.addi %add3A_1592, %mul3A_1591 : i32
      %add3A_1594 = arith.constant 80 : i32
      %add3A_1595 = arith.addi %add3A_1593, %add3A_1594 : i32
      %get3A_1596 = arith.index_cast %add3A_1595 : i32 to index
      %get3A_1597 = tpu.vector_load %arg5[%get3A_1596] {strides = array<i32>} : memref<32896xf32, #tpu.memory_space<vmem>>, vector<16xf32>,
      %get3A_1598 = vector.shape_cast %get3A_1597 : vector<16xf32> to vector<16xf32>
      %gt3A_1599 = arith.cmpf ogt, %get3A_1598, %add3A_211 : vector<16xf32>
      %select_n3A_1600 = arith.select %gt3A_1599, %broadcast_in_dim3A_157, %broadcast_in_dim3A_155 : vector<16xi1>, vector<16xi32>
      %add3A_1601 = arith.addi %add3A_1589, %select_n3A_1600 : vector<16xi32>
      %mul3A_1602 = arith.constant 128 : i32
      %mul3A_1603 = arith.muli %while3A_1529, %mul3A_1602 : i32
      %add3A_1604 = arith.constant 1024 : i32
      %add3A_1605 = arith.addi %add3A_1604, %mul3A_1603 : i32
      %add3A_1606 = arith.constant 96 : i32
      %add3A_1607 = arith.addi %add3A_1605, %add3A_1606 : i32
      %get3A_1608 = arith.index_cast %add3A_1607 : i32 to index
      %get3A_1609 = tpu.vector_load %arg5[%get3A_1608] {strides = array<i32>} : memref<32896xf32, #tpu.memory_space<vmem>>, vector<16xf32>,
      %get3A_1610 = vector.shape_cast %get3A_1609 : vector<16xf32> to vector<16xf32>
      %gt3A_1611 = arith.cmpf ogt, %get3A_1610, %add3A_211 : vector<16xf32>
      %select_n3A_1612 = arith.select %gt3A_1611, %broadcast_in_dim3A_157, %broadcast_in_dim3A_155 : vector<16xi1>, vector<16xi32>
      %add3A_1613 = arith.addi %add3A_1601, %select_n3A_1612 : vector<16xi32>
      %mul3A_1614 = arith.constant 128 : i32
      %mul3A_1615 = arith.muli %while3A_1529, %mul3A_1614 : i32
      %add3A_1616 = arith.constant 1024 : i32
      %add3A_1617 = arith.addi %add3A_1616, %mul3A_1615 : i32
      %add3A_1618 = arith.constant 112 : i32
      %add3A_1619 = arith.addi %add3A_1617, %add3A_1618 : i32
      %get3A_1620 = arith.index_cast %add3A_1619 : i32 to index
      %get3A_1621 = tpu.vector_load %arg5[%get3A_1620] {strides = array<i32>} : memref<32896xf32, #tpu.memory_space<vmem>>, vector<16xf32>,
      %get3A_1622 = vector.shape_cast %get3A_1621 : vector<16xf32> to vector<16xf32>
      %gt3A_1623 = arith.cmpf ogt, %get3A_1622, %add3A_211 : vector<16xf32>
      %select_n3A_1624 = arith.select %gt3A_1623, %broadcast_in_dim3A_157, %broadcast_in_dim3A_155 : vector<16xi1>, vector<16xi32>
      %add3A_1625 = arith.addi %add3A_1613, %select_n3A_1624 : vector<16xi32>
      scf.yield %add3A_1625 : vector<16xi32>
    }
    %slice3A_281 = vector.extract_strided_slice %while3A_280 {offsets = [0], sizes = [1], strides = [1]} : vector<16xi32> to vector<1xi32>
    %squeeze3A_282 = vector.extract %slice3A_281[0] : i32 from vector<1xi32>
    %slice3A_283 = vector.extract_strided_slice %while3A_280 {offsets = [1], sizes = [1], strides = [1]} : vector<16xi32> to vector<1xi32>
    %squeeze3A_284 = vector.extract %slice3A_283[0] : i32 from vector<1xi32>
    %add3A_285 = arith.addi %squeeze3A_282, %squeeze3A_284 : i32
    %slice3A_286 = vector.extract_strided_slice %while3A_280 {offsets = [2], sizes = [1], strides = [1]} : vector<16xi32> to vector<1xi32>
    %squeeze3A_287 = vector.extract %slice3A_286[0] : i32 from vector<1xi32>
    %add3A_288 = arith.addi %add3A_285, %squeeze3A_287 : i32
    %slice3A_289 = vector.extract_strided_slice %while3A_280 {offsets = [3], sizes = [1], strides = [1]} : vector<16xi32> to vector<1xi32>
    %squeeze3A_290 = vector.extract %slice3A_289[0] : i32 from vector<1xi32>
    %add3A_291 = arith.addi %add3A_288, %squeeze3A_290 : i32
    %slice3A_292 = vector.extract_strided_slice %while3A_280 {offsets = [4], sizes = [1], strides = [1]} : vector<16xi32> to vector<1xi32>
    %squeeze3A_293 = vector.extract %slice3A_292[0] : i32 from vector<1xi32>
    %add3A_294 = arith.addi %add3A_291, %squeeze3A_293 : i32
    %slice3A_295 = vector.extract_strided_slice %while3A_280 {offsets = [5], sizes = [1], strides = [1]} : vector<16xi32> to vector<1xi32>
    %squeeze3A_296 = vector.extract %slice3A_295[0] : i32 from vector<1xi32>
    %add3A_297 = arith.addi %add3A_294, %squeeze3A_296 : i32
    %slice3A_298 = vector.extract_strided_slice %while3A_280 {offsets = [6], sizes = [1], strides = [1]} : vector<16xi32> to vector<1xi32>
    %squeeze3A_299 = vector.extract %slice3A_298[0] : i32 from vector<1xi32>
    %add3A_300 = arith.addi %add3A_297, %squeeze3A_299 : i32
    %slice3A_301 = vector.extract_strided_slice %while3A_280 {offsets = [7], sizes = [1], strides = [1]} : vector<16xi32> to vector<1xi32>
    %squeeze3A_302 = vector.extract %slice3A_301[0] : i32 from vector<1xi32>
    %add3A_303 = arith.addi %add3A_300, %squeeze3A_302 : i32
    %slice3A_304 = vector.extract_strided_slice %while3A_280 {offsets = [8], sizes = [1], strides = [1]} : vector<16xi32> to vector<1xi32>
    %squeeze3A_305 = vector.extract %slice3A_304[0] : i32 from vector<1xi32>
    %add3A_306 = arith.addi %add3A_303, %squeeze3A_305 : i32
    %slice3A_307 = vector.extract_strided_slice %while3A_280 {offsets = [9], sizes = [1], strides = [1]} : vector<16xi32> to vector<1xi32>
    %squeeze3A_308 = vector.extract %slice3A_307[0] : i32 from vector<1xi32>
    %add3A_309 = arith.addi %add3A_306, %squeeze3A_308 : i32
    %slice3A_310 = vector.extract_strided_slice %while3A_280 {offsets = [10], sizes = [1], strides = [1]} : vector<16xi32> to vector<1xi32>
    %squeeze3A_311 = vector.extract %slice3A_310[0] : i32 from vector<1xi32>
    %add3A_312 = arith.addi %add3A_309, %squeeze3A_311 : i32
    %slice3A_313 = vector.extract_strided_slice %while3A_280 {offsets = [11], sizes = [1], strides = [1]} : vector<16xi32> to vector<1xi32>
    %squeeze3A_314 = vector.extract %slice3A_313[0] : i32 from vector<1xi32>
    %add3A_315 = arith.addi %add3A_312, %squeeze3A_314 : i32
    %slice3A_316 = vector.extract_strided_slice %while3A_280 {offsets = [12], sizes = [1], strides = [1]} : vector<16xi32> to vector<1xi32>
    %squeeze3A_317 = vector.extract %slice3A_316[0] : i32 from vector<1xi32>
    %add3A_318 = arith.addi %add3A_315, %squeeze3A_317 : i32
    %slice3A_319 = vector.extract_strided_slice %while3A_280 {offsets = [13], sizes = [1], strides = [1]} : vector<16xi32> to vector<1xi32>
    %squeeze3A_320 = vector.extract %slice3A_319[0] : i32 from vector<1xi32>
    %add3A_321 = arith.addi %add3A_318, %squeeze3A_320 : i32
    %slice3A_322 = vector.extract_strided_slice %while3A_280 {offsets = [14], sizes = [1], strides = [1]} : vector<16xi32> to vector<1xi32>
    %squeeze3A_323 = vector.extract %slice3A_322[0] : i32 from vector<1xi32>
    %add3A_324 = arith.addi %add3A_321, %squeeze3A_323 : i32
    %slice3A_325 = vector.extract_strided_slice %while3A_280 {offsets = [15], sizes = [1], strides = [1]} : vector<16xi32> to vector<1xi32>
    %squeeze3A_326 = vector.extract %slice3A_325[0] : i32 from vector<1xi32>
    %add3A_327 = arith.addi %add3A_324, %squeeze3A_326 : i32
    %add3A_328 = arith.addi %add3A_263, %add3A_327 : i32
    %lt3A_329 = arith.constant 5 : i32
    %lt3A_330 = arith.cmpi slt, %add3A_328, %lt3A_329 : i32
    %convert_element_type3A_331 = arith.extui %lt3A_330 : i1 to i32
    %cond3A_332 = arith.constant 0 : i32
    %cond3A_333 = arith.cmpi ne, %convert_element_type3A_331, %cond3A_332 : i32
    scf.if %cond3A_333 {
      "tpu.region"() ({
        %run_scoped3A = tpu.sem_alloc : memref<!tpu.dma_semaphore, #tpu.memory_space<semaphore_mem>>
        %dma_start3A_1529 = arith.constant 9216 : i32
        %dma_start3A_1530 = tpu.memref_slice %arg5[%dma_start3A_1529] : memref<32896xf32, #tpu.memory_space<vmem>> -> memref<23552xf32, #tpu.memory_space<vmem>>
        %dma_start3A_1531 = arith.constant 9216 : i32
        %dma_start3A_1532 = tpu.memref_slice %arg2[%add3A_159, %dma_start3A_1531] : memref<128x32768xf32, #tpu.memory_space<hbm>> -> memref<1x23552xf32, #tpu.memory_space<hbm>>
        %dma_start3A_1533 = tpu.memref_squeeze %dma_start3A_1532 : memref<1x23552xf32, #tpu.memory_space<hbm>> -> memref<23552xf32, #tpu.memory_space<hbm>>
        %dma_start3A_1534 = arith.constant 9216 : i32
        %dma_start3A_1535 = tpu.memref_slice %arg5[%dma_start3A_1534] : memref<32896xf32, #tpu.memory_space<vmem>> -> memref<23552xf32, #tpu.memory_space<vmem>>
        %dma_start3A_1536 = arith.constant 9216 : i32
        %dma_start3A_1537 = tpu.memref_slice %arg2[%add3A_159, %dma_start3A_1536] : memref<128x32768xf32, #tpu.memory_space<hbm>> -> memref<1x23552xf32, #tpu.memory_space<hbm>>
        %dma_start3A_1538 = tpu.memref_squeeze %dma_start3A_1537 : memref<1x23552xf32, #tpu.memory_space<hbm>> -> memref<23552xf32, #tpu.memory_space<hbm>>
        tpu.enqueue_dma source(%dma_start3A_1538 : memref<23552xf32, #tpu.memory_space<hbm>>) target(%dma_start3A_1535 : memref<23552xf32, #tpu.memory_space<vmem>>) target_semaphore(%run_scoped3A : memref<!tpu.dma_semaphore, #tpu.memory_space<semaphore_mem>>)
        %dma_wait3A_1539 = arith.constant 9216 : i32
        %dma_wait3A_1540 = tpu.memref_slice %arg5[%dma_wait3A_1539] : memref<32896xf32, #tpu.memory_space<vmem>> -> memref<23552xf32, #tpu.memory_space<vmem>>
        %dma_wait3A_1541 = arith.constant 9216 : i32
        %dma_wait3A_1542 = tpu.memref_slice %arg2[%add3A_159, %dma_wait3A_1541] : memref<128x32768xf32, #tpu.memory_space<hbm>> -> memref<1x23552xf32, #tpu.memory_space<hbm>>
        %dma_wait3A_1543 = tpu.memref_squeeze %dma_wait3A_1542 : memref<1x23552xf32, #tpu.memory_space<hbm>> -> memref<23552xf32, #tpu.memory_space<hbm>>
        %dma_wait3A_1544 = arith.constant 9216 : i32
        %dma_wait3A_1545 = tpu.memref_slice %arg5[%dma_wait3A_1544] : memref<32896xf32, #tpu.memory_space<vmem>> -> memref<23552xf32, #tpu.memory_space<vmem>>
        %dma_wait3A_1546 = arith.constant 9216 : i32
        %dma_wait3A_1547 = tpu.memref_slice %arg2[%add3A_159, %dma_wait3A_1546] : memref<128x32768xf32, #tpu.memory_space<hbm>> -> memref<1x23552xf32, #tpu.memory_space<hbm>>
        %dma_wait3A_1548 = tpu.memref_squeeze %dma_wait3A_1547 : memref<1x23552xf32, #tpu.memory_space<hbm>> -> memref<23552xf32, #tpu.memory_space<hbm>>
        tpu.wait_dma2 semaphore(%run_scoped3A : memref<!tpu.dma_semaphore, #tpu.memory_space<semaphore_mem>>) src(%dma_wait3A_1548 : memref<23552xf32, #tpu.memory_space<hbm>>) dst(%dma_wait3A_1545 : memref<23552xf32, #tpu.memory_space<vmem>>)
        tpu.yield
      }) : () -> ()
    } else {
    }
    %lt3A_334 = arith.constant 5 : i32
    %lt3A_335 = arith.cmpi slt, %add3A_328, %lt3A_334 : i32
    %jit3A_336 = arith.constant 184 : i32
    %jit3A_337 = arith.constant 0 : i32
    %select_n3A_338 = arith.select %lt3A_335, %jit3A_336, %jit3A_337 : i32
    %while3A_339 = arith.constant 0 : i32
    %while3A_340 = arith.subi %select_n3A_338, %while3A_339 : i32
    %while3A_341 = arith.addi %while3A_339, %while3A_340 : i32
    %while3A_342 = arith.constant 1 : i32
    %while3A_343 = arith.divsi %while3A_340, %while3A_342 : i32
    %while3A_344 = arith.muli %while3A_343, %while3A_342 : i32
    %while3A_345 = arith.addi %while3A_339, %while3A_344 : i32
    %while3A_346 = arith.constant 1 : i32
    %while3A_347 = scf.for %while3A_1529 = %while3A_339 to %while3A_345 step %while3A_346 iter_args(%while3A_1530 = %broadcast_in_dim3A_155) -> (vector<16xi32>)  : i32 {
      %mul3A_1531 = arith.constant 128 : i32
      %mul3A_1532 = arith.muli %while3A_1529, %mul3A_1531 : i32
      %add3A_1533 = arith.constant 9216 : i32
      %add3A_1534 = arith.addi %add3A_1533, %mul3A_1532 : i32
      %add3A_1535 = arith.constant 0 : i32
      %add3A_1536 = arith.addi %add3A_1534, %add3A_1535 : i32
      %get3A_1537 = arith.index_cast %add3A_1536 : i32 to index
      %get3A_1538 = tpu.vector_load %arg5[%get3A_1537] {strides = array<i32>} : memref<32896xf32, #tpu.memory_space<vmem>>, vector<16xf32>,
      %get3A_1539 = vector.shape_cast %get3A_1538 : vector<16xf32> to vector<16xf32>
      %gt3A = arith.cmpf ogt, %get3A_1539, %add3A_211 : vector<16xf32>
      %select_n3A_1540 = arith.select %gt3A, %broadcast_in_dim3A_157, %broadcast_in_dim3A_155 : vector<16xi1>, vector<16xi32>
      %add3A_1541 = arith.addi %while3A_1530, %select_n3A_1540 : vector<16xi32>
      %mul3A_1542 = arith.constant 128 : i32
      %mul3A_1543 = arith.muli %while3A_1529, %mul3A_1542 : i32
      %add3A_1544 = arith.constant 9216 : i32
      %add3A_1545 = arith.addi %add3A_1544, %mul3A_1543 : i32
      %add3A_1546 = arith.constant 16 : i32
      %add3A_1547 = arith.addi %add3A_1545, %add3A_1546 : i32
      %get3A_1548 = arith.index_cast %add3A_1547 : i32 to index
      %get3A_1549 = tpu.vector_load %arg5[%get3A_1548] {strides = array<i32>} : memref<32896xf32, #tpu.memory_space<vmem>>, vector<16xf32>,
      %get3A_1550 = vector.shape_cast %get3A_1549 : vector<16xf32> to vector<16xf32>
      %gt3A_1551 = arith.cmpf ogt, %get3A_1550, %add3A_211 : vector<16xf32>
      %select_n3A_1552 = arith.select %gt3A_1551, %broadcast_in_dim3A_157, %broadcast_in_dim3A_155 : vector<16xi1>, vector<16xi32>
      %add3A_1553 = arith.addi %add3A_1541, %select_n3A_1552 : vector<16xi32>
      %mul3A_1554 = arith.constant 128 : i32
      %mul3A_1555 = arith.muli %while3A_1529, %mul3A_1554 : i32
      %add3A_1556 = arith.constant 9216 : i32
      %add3A_1557 = arith.addi %add3A_1556, %mul3A_1555 : i32
      %add3A_1558 = arith.constant 32 : i32
      %add3A_1559 = arith.addi %add3A_1557, %add3A_1558 : i32
      %get3A_1560 = arith.index_cast %add3A_1559 : i32 to index
      %get3A_1561 = tpu.vector_load %arg5[%get3A_1560] {strides = array<i32>} : memref<32896xf32, #tpu.memory_space<vmem>>, vector<16xf32>,
      %get3A_1562 = vector.shape_cast %get3A_1561 : vector<16xf32> to vector<16xf32>
      %gt3A_1563 = arith.cmpf ogt, %get3A_1562, %add3A_211 : vector<16xf32>
      %select_n3A_1564 = arith.select %gt3A_1563, %broadcast_in_dim3A_157, %broadcast_in_dim3A_155 : vector<16xi1>, vector<16xi32>
      %add3A_1565 = arith.addi %add3A_1553, %select_n3A_1564 : vector<16xi32>
      %mul3A_1566 = arith.constant 128 : i32
      %mul3A_1567 = arith.muli %while3A_1529, %mul3A_1566 : i32
      %add3A_1568 = arith.constant 9216 : i32
      %add3A_1569 = arith.addi %add3A_1568, %mul3A_1567 : i32
      %add3A_1570 = arith.constant 48 : i32
      %add3A_1571 = arith.addi %add3A_1569, %add3A_1570 : i32
      %get3A_1572 = arith.index_cast %add3A_1571 : i32 to index
      %get3A_1573 = tpu.vector_load %arg5[%get3A_1572] {strides = array<i32>} : memref<32896xf32, #tpu.memory_space<vmem>>, vector<16xf32>,
      %get3A_1574 = vector.shape_cast %get3A_1573 : vector<16xf32> to vector<16xf32>
      %gt3A_1575 = arith.cmpf ogt, %get3A_1574, %add3A_211 : vector<16xf32>
      %select_n3A_1576 = arith.select %gt3A_1575, %broadcast_in_dim3A_157, %broadcast_in_dim3A_155 : vector<16xi1>, vector<16xi32>
      %add3A_1577 = arith.addi %add3A_1565, %select_n3A_1576 : vector<16xi32>
      %mul3A_1578 = arith.constant 128 : i32
      %mul3A_1579 = arith.muli %while3A_1529, %mul3A_1578 : i32
      %add3A_1580 = arith.constant 9216 : i32
      %add3A_1581 = arith.addi %add3A_1580, %mul3A_1579 : i32
      %add3A_1582 = arith.constant 64 : i32
      %add3A_1583 = arith.addi %add3A_1581, %add3A_1582 : i32
      %get3A_1584 = arith.index_cast %add3A_1583 : i32 to index
      %get3A_1585 = tpu.vector_load %arg5[%get3A_1584] {strides = array<i32>} : memref<32896xf32, #tpu.memory_space<vmem>>, vector<16xf32>,
      %get3A_1586 = vector.shape_cast %get3A_1585 : vector<16xf32> to vector<16xf32>
      %gt3A_1587 = arith.cmpf ogt, %get3A_1586, %add3A_211 : vector<16xf32>
      %select_n3A_1588 = arith.select %gt3A_1587, %broadcast_in_dim3A_157, %broadcast_in_dim3A_155 : vector<16xi1>, vector<16xi32>
      %add3A_1589 = arith.addi %add3A_1577, %select_n3A_1588 : vector<16xi32>
      %mul3A_1590 = arith.constant 128 : i32
      %mul3A_1591 = arith.muli %while3A_1529, %mul3A_1590 : i32
      %add3A_1592 = arith.constant 9216 : i32
      %add3A_1593 = arith.addi %add3A_1592, %mul3A_1591 : i32
      %add3A_1594 = arith.constant 80 : i32
      %add3A_1595 = arith.addi %add3A_1593, %add3A_1594 : i32
      %get3A_1596 = arith.index_cast %add3A_1595 : i32 to index
      %get3A_1597 = tpu.vector_load %arg5[%get3A_1596] {strides = array<i32>} : memref<32896xf32, #tpu.memory_space<vmem>>, vector<16xf32>,
      %get3A_1598 = vector.shape_cast %get3A_1597 : vector<16xf32> to vector<16xf32>
      %gt3A_1599 = arith.cmpf ogt, %get3A_1598, %add3A_211 : vector<16xf32>
      %select_n3A_1600 = arith.select %gt3A_1599, %broadcast_in_dim3A_157, %broadcast_in_dim3A_155 : vector<16xi1>, vector<16xi32>
      %add3A_1601 = arith.addi %add3A_1589, %select_n3A_1600 : vector<16xi32>
      %mul3A_1602 = arith.constant 128 : i32
      %mul3A_1603 = arith.muli %while3A_1529, %mul3A_1602 : i32
      %add3A_1604 = arith.constant 9216 : i32
      %add3A_1605 = arith.addi %add3A_1604, %mul3A_1603 : i32
      %add3A_1606 = arith.constant 96 : i32
      %add3A_1607 = arith.addi %add3A_1605, %add3A_1606 : i32
      %get3A_1608 = arith.index_cast %add3A_1607 : i32 to index
      %get3A_1609 = tpu.vector_load %arg5[%get3A_1608] {strides = array<i32>} : memref<32896xf32, #tpu.memory_space<vmem>>, vector<16xf32>,
      %get3A_1610 = vector.shape_cast %get3A_1609 : vector<16xf32> to vector<16xf32>
      %gt3A_1611 = arith.cmpf ogt, %get3A_1610, %add3A_211 : vector<16xf32>
      %select_n3A_1612 = arith.select %gt3A_1611, %broadcast_in_dim3A_157, %broadcast_in_dim3A_155 : vector<16xi1>, vector<16xi32>
      %add3A_1613 = arith.addi %add3A_1601, %select_n3A_1612 : vector<16xi32>
      %mul3A_1614 = arith.constant 128 : i32
      %mul3A_1615 = arith.muli %while3A_1529, %mul3A_1614 : i32
      %add3A_1616 = arith.constant 9216 : i32
      %add3A_1617 = arith.addi %add3A_1616, %mul3A_1615 : i32
      %add3A_1618 = arith.constant 112 : i32
      %add3A_1619 = arith.addi %add3A_1617, %add3A_1618 : i32
      %get3A_1620 = arith.index_cast %add3A_1619 : i32 to index
      %get3A_1621 = tpu.vector_load %arg5[%get3A_1620] {strides = array<i32>} : memref<32896xf32, #tpu.memory_space<vmem>>, vector<16xf32>,
      %get3A_1622 = vector.shape_cast %get3A_1621 : vector<16xf32> to vector<16xf32>
      %gt3A_1623 = arith.cmpf ogt, %get3A_1622, %add3A_211 : vector<16xf32>
      %select_n3A_1624 = arith.select %gt3A_1623, %broadcast_in_dim3A_157, %broadcast_in_dim3A_155 : vector<16xi1>, vector<16xi32>
      %add3A_1625 = arith.addi %add3A_1613, %select_n3A_1624 : vector<16xi32>
      scf.yield %add3A_1625 : vector<16xi32>
    }
    %while3A_348 = arith.constant 1 : i32
    %while3A_349 = scf.for %while3A_1529 = %while3A_345 to %while3A_341 step %while3A_348 iter_args(%while3A_1530 = %while3A_347) -> (vector<16xi32>)  : i32 {
      %mul3A_1531 = arith.constant 128 : i32
      %mul3A_1532 = arith.muli %while3A_1529, %mul3A_1531 : i32
      %add3A_1533 = arith.constant 9216 : i32
      %add3A_1534 = arith.addi %add3A_1533, %mul3A_1532 : i32
      %add3A_1535 = arith.constant 0 : i32
      %add3A_1536 = arith.addi %add3A_1534, %add3A_1535 : i32
      %get3A_1537 = arith.index_cast %add3A_1536 : i32 to index
      %get3A_1538 = tpu.vector_load %arg5[%get3A_1537] {strides = array<i32>} : memref<32896xf32, #tpu.memory_space<vmem>>, vector<16xf32>,
      %get3A_1539 = vector.shape_cast %get3A_1538 : vector<16xf32> to vector<16xf32>
      %gt3A = arith.cmpf ogt, %get3A_1539, %add3A_211 : vector<16xf32>
      %select_n3A_1540 = arith.select %gt3A, %broadcast_in_dim3A_157, %broadcast_in_dim3A_155 : vector<16xi1>, vector<16xi32>
      %add3A_1541 = arith.addi %while3A_1530, %select_n3A_1540 : vector<16xi32>
      %mul3A_1542 = arith.constant 128 : i32
      %mul3A_1543 = arith.muli %while3A_1529, %mul3A_1542 : i32
      %add3A_1544 = arith.constant 9216 : i32
      %add3A_1545 = arith.addi %add3A_1544, %mul3A_1543 : i32
      %add3A_1546 = arith.constant 16 : i32
      %add3A_1547 = arith.addi %add3A_1545, %add3A_1546 : i32
      %get3A_1548 = arith.index_cast %add3A_1547 : i32 to index
      %get3A_1549 = tpu.vector_load %arg5[%get3A_1548] {strides = array<i32>} : memref<32896xf32, #tpu.memory_space<vmem>>, vector<16xf32>,
      %get3A_1550 = vector.shape_cast %get3A_1549 : vector<16xf32> to vector<16xf32>
      %gt3A_1551 = arith.cmpf ogt, %get3A_1550, %add3A_211 : vector<16xf32>
      %select_n3A_1552 = arith.select %gt3A_1551, %broadcast_in_dim3A_157, %broadcast_in_dim3A_155 : vector<16xi1>, vector<16xi32>
      %add3A_1553 = arith.addi %add3A_1541, %select_n3A_1552 : vector<16xi32>
      %mul3A_1554 = arith.constant 128 : i32
      %mul3A_1555 = arith.muli %while3A_1529, %mul3A_1554 : i32
      %add3A_1556 = arith.constant 9216 : i32
      %add3A_1557 = arith.addi %add3A_1556, %mul3A_1555 : i32
      %add3A_1558 = arith.constant 32 : i32
      %add3A_1559 = arith.addi %add3A_1557, %add3A_1558 : i32
      %get3A_1560 = arith.index_cast %add3A_1559 : i32 to index
      %get3A_1561 = tpu.vector_load %arg5[%get3A_1560] {strides = array<i32>} : memref<32896xf32, #tpu.memory_space<vmem>>, vector<16xf32>,
      %get3A_1562 = vector.shape_cast %get3A_1561 : vector<16xf32> to vector<16xf32>
      %gt3A_1563 = arith.cmpf ogt, %get3A_1562, %add3A_211 : vector<16xf32>
      %select_n3A_1564 = arith.select %gt3A_1563, %broadcast_in_dim3A_157, %broadcast_in_dim3A_155 : vector<16xi1>, vector<16xi32>
      %add3A_1565 = arith.addi %add3A_1553, %select_n3A_1564 : vector<16xi32>
      %mul3A_1566 = arith.constant 128 : i32
      %mul3A_1567 = arith.muli %while3A_1529, %mul3A_1566 : i32
      %add3A_1568 = arith.constant 9216 : i32
      %add3A_1569 = arith.addi %add3A_1568, %mul3A_1567 : i32
      %add3A_1570 = arith.constant 48 : i32
      %add3A_1571 = arith.addi %add3A_1569, %add3A_1570 : i32
      %get3A_1572 = arith.index_cast %add3A_1571 : i32 to index
      %get3A_1573 = tpu.vector_load %arg5[%get3A_1572] {strides = array<i32>} : memref<32896xf32, #tpu.memory_space<vmem>>, vector<16xf32>,
      %get3A_1574 = vector.shape_cast %get3A_1573 : vector<16xf32> to vector<16xf32>
      %gt3A_1575 = arith.cmpf ogt, %get3A_1574, %add3A_211 : vector<16xf32>
      %select_n3A_1576 = arith.select %gt3A_1575, %broadcast_in_dim3A_157, %broadcast_in_dim3A_155 : vector<16xi1>, vector<16xi32>
      %add3A_1577 = arith.addi %add3A_1565, %select_n3A_1576 : vector<16xi32>
      %mul3A_1578 = arith.constant 128 : i32
      %mul3A_1579 = arith.muli %while3A_1529, %mul3A_1578 : i32
      %add3A_1580 = arith.constant 9216 : i32
      %add3A_1581 = arith.addi %add3A_1580, %mul3A_1579 : i32
      %add3A_1582 = arith.constant 64 : i32
      %add3A_1583 = arith.addi %add3A_1581, %add3A_1582 : i32
      %get3A_1584 = arith.index_cast %add3A_1583 : i32 to index
      %get3A_1585 = tpu.vector_load %arg5[%get3A_1584] {strides = array<i32>} : memref<32896xf32, #tpu.memory_space<vmem>>, vector<16xf32>,
      %get3A_1586 = vector.shape_cast %get3A_1585 : vector<16xf32> to vector<16xf32>
      %gt3A_1587 = arith.cmpf ogt, %get3A_1586, %add3A_211 : vector<16xf32>
      %select_n3A_1588 = arith.select %gt3A_1587, %broadcast_in_dim3A_157, %broadcast_in_dim3A_155 : vector<16xi1>, vector<16xi32>
      %add3A_1589 = arith.addi %add3A_1577, %select_n3A_1588 : vector<16xi32>
      %mul3A_1590 = arith.constant 128 : i32
      %mul3A_1591 = arith.muli %while3A_1529, %mul3A_1590 : i32
      %add3A_1592 = arith.constant 9216 : i32
      %add3A_1593 = arith.addi %add3A_1592, %mul3A_1591 : i32
      %add3A_1594 = arith.constant 80 : i32
      %add3A_1595 = arith.addi %add3A_1593, %add3A_1594 : i32
      %get3A_1596 = arith.index_cast %add3A_1595 : i32 to index
      %get3A_1597 = tpu.vector_load %arg5[%get3A_1596] {strides = array<i32>} : memref<32896xf32, #tpu.memory_space<vmem>>, vector<16xf32>,
      %get3A_1598 = vector.shape_cast %get3A_1597 : vector<16xf32> to vector<16xf32>
      %gt3A_1599 = arith.cmpf ogt, %get3A_1598, %add3A_211 : vector<16xf32>
      %select_n3A_1600 = arith.select %gt3A_1599, %broadcast_in_dim3A_157, %broadcast_in_dim3A_155 : vector<16xi1>, vector<16xi32>
      %add3A_1601 = arith.addi %add3A_1589, %select_n3A_1600 : vector<16xi32>
      %mul3A_1602 = arith.constant 128 : i32
      %mul3A_1603 = arith.muli %while3A_1529, %mul3A_1602 : i32
      %add3A_1604 = arith.constant 9216 : i32
      %add3A_1605 = arith.addi %add3A_1604, %mul3A_1603 : i32
      %add3A_1606 = arith.constant 96 : i32
      %add3A_1607 = arith.addi %add3A_1605, %add3A_1606 : i32
      %get3A_1608 = arith.index_cast %add3A_1607 : i32 to index
      %get3A_1609 = tpu.vector_load %arg5[%get3A_1608] {strides = array<i32>} : memref<32896xf32, #tpu.memory_space<vmem>>, vector<16xf32>,
      %get3A_1610 = vector.shape_cast %get3A_1609 : vector<16xf32> to vector<16xf32>
      %gt3A_1611 = arith.cmpf ogt, %get3A_1610, %add3A_211 : vector<16xf32>
      %select_n3A_1612 = arith.select %gt3A_1611, %broadcast_in_dim3A_157, %broadcast_in_dim3A_155 : vector<16xi1>, vector<16xi32>
      %add3A_1613 = arith.addi %add3A_1601, %select_n3A_1612 : vector<16xi32>
      %mul3A_1614 = arith.constant 128 : i32
      %mul3A_1615 = arith.muli %while3A_1529, %mul3A_1614 : i32
      %add3A_1616 = arith.constant 9216 : i32
      %add3A_1617 = arith.addi %add3A_1616, %mul3A_1615 : i32
      %add3A_1618 = arith.constant 112 : i32
      %add3A_1619 = arith.addi %add3A_1617, %add3A_1618 : i32
      %get3A_1620 = arith.index_cast %add3A_1619 : i32 to index
      %get3A_1621 = tpu.vector_load %arg5[%get3A_1620] {strides = array<i32>} : memref<32896xf32, #tpu.memory_space<vmem>>, vector<16xf32>,
      %get3A_1622 = vector.shape_cast %get3A_1621 : vector<16xf32> to vector<16xf32>
      %gt3A_1623 = arith.cmpf ogt, %get3A_1622, %add3A_211 : vector<16xf32>
      %select_n3A_1624 = arith.select %gt3A_1623, %broadcast_in_dim3A_157, %broadcast_in_dim3A_155 : vector<16xi1>, vector<16xi32>
      %add3A_1625 = arith.addi %add3A_1613, %select_n3A_1624 : vector<16xi32>
      scf.yield %add3A_1625 : vector<16xi32>
    }
    %slice3A_350 = vector.extract_strided_slice %while3A_349 {offsets = [0], sizes = [1], strides = [1]} : vector<16xi32> to vector<1xi32>
    %squeeze3A_351 = vector.extract %slice3A_350[0] : i32 from vector<1xi32>
    %slice3A_352 = vector.extract_strided_slice %while3A_349 {offsets = [1], sizes = [1], strides = [1]} : vector<16xi32> to vector<1xi32>
    %squeeze3A_353 = vector.extract %slice3A_352[0] : i32 from vector<1xi32>
    %add3A_354 = arith.addi %squeeze3A_351, %squeeze3A_353 : i32
    %slice3A_355 = vector.extract_strided_slice %while3A_349 {offsets = [2], sizes = [1], strides = [1]} : vector<16xi32> to vector<1xi32>
    %squeeze3A_356 = vector.extract %slice3A_355[0] : i32 from vector<1xi32>
    %add3A_357 = arith.addi %add3A_354, %squeeze3A_356 : i32
    %slice3A_358 = vector.extract_strided_slice %while3A_349 {offsets = [3], sizes = [1], strides = [1]} : vector<16xi32> to vector<1xi32>
    %squeeze3A_359 = vector.extract %slice3A_358[0] : i32 from vector<1xi32>
    %add3A_360 = arith.addi %add3A_357, %squeeze3A_359 : i32
    %slice3A_361 = vector.extract_strided_slice %while3A_349 {offsets = [4], sizes = [1], strides = [1]} : vector<16xi32> to vector<1xi32>
    %squeeze3A_362 = vector.extract %slice3A_361[0] : i32 from vector<1xi32>
    %add3A_363 = arith.addi %add3A_360, %squeeze3A_362 : i32
    %slice3A_364 = vector.extract_strided_slice %while3A_349 {offsets = [5], sizes = [1], strides = [1]} : vector<16xi32> to vector<1xi32>
    %squeeze3A_365 = vector.extract %slice3A_364[0] : i32 from vector<1xi32>
    %add3A_366 = arith.addi %add3A_363, %squeeze3A_365 : i32
    %slice3A_367 = vector.extract_strided_slice %while3A_349 {offsets = [6], sizes = [1], strides = [1]} : vector<16xi32> to vector<1xi32>
    %squeeze3A_368 = vector.extract %slice3A_367[0] : i32 from vector<1xi32>
    %add3A_369 = arith.addi %add3A_366, %squeeze3A_368 : i32
    %slice3A_370 = vector.extract_strided_slice %while3A_349 {offsets = [7], sizes = [1], strides = [1]} : vector<16xi32> to vector<1xi32>
    %squeeze3A_371 = vector.extract %slice3A_370[0] : i32 from vector<1xi32>
    %add3A_372 = arith.addi %add3A_369, %squeeze3A_371 : i32
    %slice3A_373 = vector.extract_strided_slice %while3A_349 {offsets = [8], sizes = [1], strides = [1]} : vector<16xi32> to vector<1xi32>
    %squeeze3A_374 = vector.extract %slice3A_373[0] : i32 from vector<1xi32>
    %add3A_375 = arith.addi %add3A_372, %squeeze3A_374 : i32
    %slice3A_376 = vector.extract_strided_slice %while3A_349 {offsets = [9], sizes = [1], strides = [1]} : vector<16xi32> to vector<1xi32>
    %squeeze3A_377 = vector.extract %slice3A_376[0] : i32 from vector<1xi32>
    %add3A_378 = arith.addi %add3A_375, %squeeze3A_377 : i32
    %slice3A_379 = vector.extract_strided_slice %while3A_349 {offsets = [10], sizes = [1], strides = [1]} : vector<16xi32> to vector<1xi32>
    %squeeze3A_380 = vector.extract %slice3A_379[0] : i32 from vector<1xi32>
    %add3A_381 = arith.addi %add3A_378, %squeeze3A_380 : i32
    %slice3A_382 = vector.extract_strided_slice %while3A_349 {offsets = [11], sizes = [1], strides = [1]} : vector<16xi32> to vector<1xi32>
    %squeeze3A_383 = vector.extract %slice3A_382[0] : i32 from vector<1xi32>
    %add3A_384 = arith.addi %add3A_381, %squeeze3A_383 : i32
    %slice3A_385 = vector.extract_strided_slice %while3A_349 {offsets = [12], sizes = [1], strides = [1]} : vector<16xi32> to vector<1xi32>
    %squeeze3A_386 = vector.extract %slice3A_385[0] : i32 from vector<1xi32>
    %add3A_387 = arith.addi %add3A_384, %squeeze3A_386 : i32
    %slice3A_388 = vector.extract_strided_slice %while3A_349 {offsets = [13], sizes = [1], strides = [1]} : vector<16xi32> to vector<1xi32>
    %squeeze3A_389 = vector.extract %slice3A_388[0] : i32 from vector<1xi32>
    %add3A_390 = arith.addi %add3A_387, %squeeze3A_389 : i32
    %slice3A_391 = vector.extract_strided_slice %while3A_349 {offsets = [14], sizes = [1], strides = [1]} : vector<16xi32> to vector<1xi32>
    %squeeze3A_392 = vector.extract %slice3A_391[0] : i32 from vector<1xi32>
    %add3A_393 = arith.addi %add3A_390, %squeeze3A_392 : i32
    %slice3A_394 = vector.extract_strided_slice %while3A_349 {offsets = [15], sizes = [1], strides = [1]} : vector<16xi32> to vector<1xi32>
    %squeeze3A_395 = vector.extract %slice3A_394[0] : i32 from vector<1xi32>
    %add3A_396 = arith.addi %add3A_393, %squeeze3A_395 : i32
    %add3A_397 = arith.addi %add3A_328, %add3A_396 : i32
    %lt3A_398 = arith.constant 5 : i32
    %lt3A_399 = arith.cmpi slt, %add3A_397, %lt3A_398 : i32
    %add3A_400 = arith.constant 128 : i32
    %add3A_401 = arith.addi %squeeze3A, %add3A_400 : i32
    %sub3A_402 = arith.constant 1 : i32
    %sub3A_403 = arith.subi %add3A_401, %sub3A_402 : i32
    %jit3A_404 = arith.constant 128 : i32
    %div3A_405 = arith.divsi %sub3A_403, %jit3A_404 : i32
    %sign3A_406 = arith.constant 0 : i32
    %sign3A_407 = arith.cmpi sgt, %sub3A_403, %sign3A_406 : i32
    %sign3A_408 = arith.extui %sign3A_407 : i1 to i32
    %sign3A_409 = arith.constant 0 : i32
    %sign3A_410 = arith.cmpi slt, %sub3A_403, %sign3A_409 : i32
    %sign3A_411 = arith.extui %sign3A_410 : i1 to i32
    %sign3A_412 = arith.subi %sign3A_408, %sign3A_411 : i32
    %sign3A_413 = arith.constant 0 : i32
    %sign3A_414 = arith.cmpi sgt, %jit3A_404, %sign3A_413 : i32
    %sign3A_415 = arith.extui %sign3A_414 : i1 to i32
    %sign3A_416 = arith.constant 0 : i32
    %sign3A_417 = arith.cmpi slt, %jit3A_404, %sign3A_416 : i32
    %sign3A_418 = arith.extui %sign3A_417 : i1 to i32
    %sign3A_419 = arith.subi %sign3A_415, %sign3A_418 : i32
    %ne3A_420 = arith.cmpi ne, %sign3A_412, %sign3A_419 : i32
    %rem3A_421 = arith.remsi %sub3A_403, %jit3A_404 : i32
    %ne3A_422 = arith.constant 0 : i32
    %ne3A_423 = arith.cmpi ne, %rem3A_421, %ne3A_422 : i32
    %and3A_424 = arith.andi %ne3A_420, %ne3A_423 : i1
    %sub3A_425 = arith.constant 1 : i32
    %sub3A_426 = arith.subi %div3A_405, %sub3A_425 : i32
    %select_n3A_427 = arith.select %and3A_424, %sub3A_426, %div3A_405 : i32
    %jit3A_428 = arith.constant 0 : i32
    %select_n3A_429 = arith.select %lt3A_399, %select_n3A_427, %jit3A_428 : i32
    %while3A_430 = arith.constant 0 : i32
    %while3A_431 = arith.subi %select_n3A_429, %while3A_430 : i32
    %while3A_432 = arith.addi %while3A_430, %while3A_431 : i32
    %while3A_433 = arith.constant 1 : i32
    %while3A_434 = arith.divsi %while3A_431, %while3A_433 : i32
    %while3A_435 = arith.muli %while3A_434, %while3A_433 : i32
    %while3A_436 = arith.addi %while3A_430, %while3A_435 : i32
    %while3A_437 = arith.constant 1 : i32
    %while3A_438 = scf.for %while3A_1529 = %while3A_430 to %while3A_436 step %while3A_437 iter_args(%while3A_1530 = %broadcast_in_dim3A_155) -> (vector<16xi32>)  : i32 {
      %mul3A_1531 = arith.constant 128 : i32
      %mul3A_1532 = arith.muli %while3A_1529, %mul3A_1531 : i32
      %add3A_1533 = arith.constant 0 : i32
      %add3A_1534 = arith.addi %mul3A_1532, %add3A_1533 : i32
      %get3A_1535 = arith.index_cast %add3A_1534 : i32 to index
      %get3A_1536 = tpu.vector_load %arg5[%get3A_1535] {strides = array<i32>} : memref<32896xf32, #tpu.memory_space<vmem>>, vector<16xf32>,
      %get3A_1537 = vector.shape_cast %get3A_1536 : vector<16xf32> to vector<16xf32>
      %add3A_1538 = vector.broadcast %add3A_1534 : i32 to vector<16xi32>
      %add3A_1539 = arith.addi %iota3A, %add3A_1538 : vector<16xi32>
      %eq3A = arith.cmpf oeq, %get3A_1537, %add3A_211 : vector<16xf32>
      %lt3A_1540 = arith.cmpi slt, %add3A_1539, %add3A_200 : vector<16xi32>
      %and3A_1541 = arith.andi %eq3A, %lt3A_1540 : vector<16xi1>
      %select_n3A_1542 = arith.select %and3A_1541, %broadcast_in_dim3A_157, %broadcast_in_dim3A_155 : vector<16xi1>, vector<16xi32>
      %add3A_1543 = arith.addi %while3A_1530, %select_n3A_1542 : vector<16xi32>
      %mul3A_1544 = arith.constant 128 : i32
      %mul3A_1545 = arith.muli %while3A_1529, %mul3A_1544 : i32
      %add3A_1546 = arith.constant 16 : i32
      %add3A_1547 = arith.addi %mul3A_1545, %add3A_1546 : i32
      %get3A_1548 = arith.index_cast %add3A_1547 : i32 to index
      %get3A_1549 = tpu.vector_load %arg5[%get3A_1548] {strides = array<i32>} : memref<32896xf32, #tpu.memory_space<vmem>>, vector<16xf32>,
      %get3A_1550 = vector.shape_cast %get3A_1549 : vector<16xf32> to vector<16xf32>
      %add3A_1551 = vector.broadcast %add3A_1547 : i32 to vector<16xi32>
      %add3A_1552 = arith.addi %iota3A, %add3A_1551 : vector<16xi32>
      %eq3A_1553 = arith.cmpf oeq, %get3A_1550, %add3A_211 : vector<16xf32>
      %lt3A_1554 = arith.cmpi slt, %add3A_1552, %add3A_200 : vector<16xi32>
      %and3A_1555 = arith.andi %eq3A_1553, %lt3A_1554 : vector<16xi1>
      %select_n3A_1556 = arith.select %and3A_1555, %broadcast_in_dim3A_157, %broadcast_in_dim3A_155 : vector<16xi1>, vector<16xi32>
      %add3A_1557 = arith.addi %add3A_1543, %select_n3A_1556 : vector<16xi32>
      %mul3A_1558 = arith.constant 128 : i32
      %mul3A_1559 = arith.muli %while3A_1529, %mul3A_1558 : i32
      %add3A_1560 = arith.constant 32 : i32
      %add3A_1561 = arith.addi %mul3A_1559, %add3A_1560 : i32
      %get3A_1562 = arith.index_cast %add3A_1561 : i32 to index
      %get3A_1563 = tpu.vector_load %arg5[%get3A_1562] {strides = array<i32>} : memref<32896xf32, #tpu.memory_space<vmem>>, vector<16xf32>,
      %get3A_1564 = vector.shape_cast %get3A_1563 : vector<16xf32> to vector<16xf32>
      %add3A_1565 = vector.broadcast %add3A_1561 : i32 to vector<16xi32>
      %add3A_1566 = arith.addi %iota3A, %add3A_1565 : vector<16xi32>
      %eq3A_1567 = arith.cmpf oeq, %get3A_1564, %add3A_211 : vector<16xf32>
      %lt3A_1568 = arith.cmpi slt, %add3A_1566, %add3A_200 : vector<16xi32>
      %and3A_1569 = arith.andi %eq3A_1567, %lt3A_1568 : vector<16xi1>
      %select_n3A_1570 = arith.select %and3A_1569, %broadcast_in_dim3A_157, %broadcast_in_dim3A_155 : vector<16xi1>, vector<16xi32>
      %add3A_1571 = arith.addi %add3A_1557, %select_n3A_1570 : vector<16xi32>
      %mul3A_1572 = arith.constant 128 : i32
      %mul3A_1573 = arith.muli %while3A_1529, %mul3A_1572 : i32
      %add3A_1574 = arith.constant 48 : i32
      %add3A_1575 = arith.addi %mul3A_1573, %add3A_1574 : i32
      %get3A_1576 = arith.index_cast %add3A_1575 : i32 to index
      %get3A_1577 = tpu.vector_load %arg5[%get3A_1576] {strides = array<i32>} : memref<32896xf32, #tpu.memory_space<vmem>>, vector<16xf32>,
      %get3A_1578 = vector.shape_cast %get3A_1577 : vector<16xf32> to vector<16xf32>
      %add3A_1579 = vector.broadcast %add3A_1575 : i32 to vector<16xi32>
      %add3A_1580 = arith.addi %iota3A, %add3A_1579 : vector<16xi32>
      %eq3A_1581 = arith.cmpf oeq, %get3A_1578, %add3A_211 : vector<16xf32>
      %lt3A_1582 = arith.cmpi slt, %add3A_1580, %add3A_200 : vector<16xi32>
      %and3A_1583 = arith.andi %eq3A_1581, %lt3A_1582 : vector<16xi1>
      %select_n3A_1584 = arith.select %and3A_1583, %broadcast_in_dim3A_157, %broadcast_in_dim3A_155 : vector<16xi1>, vector<16xi32>
      %add3A_1585 = arith.addi %add3A_1571, %select_n3A_1584 : vector<16xi32>
      %mul3A_1586 = arith.constant 128 : i32
      %mul3A_1587 = arith.muli %while3A_1529, %mul3A_1586 : i32
      %add3A_1588 = arith.constant 64 : i32
      %add3A_1589 = arith.addi %mul3A_1587, %add3A_1588 : i32
      %get3A_1590 = arith.index_cast %add3A_1589 : i32 to index
      %get3A_1591 = tpu.vector_load %arg5[%get3A_1590] {strides = array<i32>} : memref<32896xf32, #tpu.memory_space<vmem>>, vector<16xf32>,
      %get3A_1592 = vector.shape_cast %get3A_1591 : vector<16xf32> to vector<16xf32>
      %add3A_1593 = vector.broadcast %add3A_1589 : i32 to vector<16xi32>
      %add3A_1594 = arith.addi %iota3A, %add3A_1593 : vector<16xi32>
      %eq3A_1595 = arith.cmpf oeq, %get3A_1592, %add3A_211 : vector<16xf32>
      %lt3A_1596 = arith.cmpi slt, %add3A_1594, %add3A_200 : vector<16xi32>
      %and3A_1597 = arith.andi %eq3A_1595, %lt3A_1596 : vector<16xi1>
      %select_n3A_1598 = arith.select %and3A_1597, %broadcast_in_dim3A_157, %broadcast_in_dim3A_155 : vector<16xi1>, vector<16xi32>
      %add3A_1599 = arith.addi %add3A_1585, %select_n3A_1598 : vector<16xi32>
      %mul3A_1600 = arith.constant 128 : i32
      %mul3A_1601 = arith.muli %while3A_1529, %mul3A_1600 : i32
      %add3A_1602 = arith.constant 80 : i32
      %add3A_1603 = arith.addi %mul3A_1601, %add3A_1602 : i32
      %get3A_1604 = arith.index_cast %add3A_1603 : i32 to index
      %get3A_1605 = tpu.vector_load %arg5[%get3A_1604] {strides = array<i32>} : memref<32896xf32, #tpu.memory_space<vmem>>, vector<16xf32>,
      %get3A_1606 = vector.shape_cast %get3A_1605 : vector<16xf32> to vector<16xf32>
      %add3A_1607 = vector.broadcast %add3A_1603 : i32 to vector<16xi32>
      %add3A_1608 = arith.addi %iota3A, %add3A_1607 : vector<16xi32>
      %eq3A_1609 = arith.cmpf oeq, %get3A_1606, %add3A_211 : vector<16xf32>
      %lt3A_1610 = arith.cmpi slt, %add3A_1608, %add3A_200 : vector<16xi32>
      %and3A_1611 = arith.andi %eq3A_1609, %lt3A_1610 : vector<16xi1>
      %select_n3A_1612 = arith.select %and3A_1611, %broadcast_in_dim3A_157, %broadcast_in_dim3A_155 : vector<16xi1>, vector<16xi32>
      %add3A_1613 = arith.addi %add3A_1599, %select_n3A_1612 : vector<16xi32>
      %mul3A_1614 = arith.constant 128 : i32
      %mul3A_1615 = arith.muli %while3A_1529, %mul3A_1614 : i32
      %add3A_1616 = arith.constant 96 : i32
      %add3A_1617 = arith.addi %mul3A_1615, %add3A_1616 : i32
      %get3A_1618 = arith.index_cast %add3A_1617 : i32 to index
      %get3A_1619 = tpu.vector_load %arg5[%get3A_1618] {strides = array<i32>} : memref<32896xf32, #tpu.memory_space<vmem>>, vector<16xf32>,
      %get3A_1620 = vector.shape_cast %get3A_1619 : vector<16xf32> to vector<16xf32>
      %add3A_1621 = vector.broadcast %add3A_1617 : i32 to vector<16xi32>
      %add3A_1622 = arith.addi %iota3A, %add3A_1621 : vector<16xi32>
      %eq3A_1623 = arith.cmpf oeq, %get3A_1620, %add3A_211 : vector<16xf32>
      %lt3A_1624 = arith.cmpi slt, %add3A_1622, %add3A_200 : vector<16xi32>
      %and3A_1625 = arith.andi %eq3A_1623, %lt3A_1624 : vector<16xi1>
      %select_n3A_1626 = arith.select %and3A_1625, %broadcast_in_dim3A_157, %broadcast_in_dim3A_155 : vector<16xi1>, vector<16xi32>
      %add3A_1627 = arith.addi %add3A_1613, %select_n3A_1626 : vector<16xi32>
      %mul3A_1628 = arith.constant 128 : i32
      %mul3A_1629 = arith.muli %while3A_1529, %mul3A_1628 : i32
      %add3A_1630 = arith.constant 112 : i32
      %add3A_1631 = arith.addi %mul3A_1629, %add3A_1630 : i32
      %get3A_1632 = arith.index_cast %add3A_1631 : i32 to index
      %get3A_1633 = tpu.vector_load %arg5[%get3A_1632] {strides = array<i32>} : memref<32896xf32, #tpu.memory_space<vmem>>, vector<16xf32>,
      %get3A_1634 = vector.shape_cast %get3A_1633 : vector<16xf32> to vector<16xf32>
      %add3A_1635 = vector.broadcast %add3A_1631 : i32 to vector<16xi32>
      %add3A_1636 = arith.addi %iota3A, %add3A_1635 : vector<16xi32>
      %eq3A_1637 = arith.cmpf oeq, %get3A_1634, %add3A_211 : vector<16xf32>
      %lt3A_1638 = arith.cmpi slt, %add3A_1636, %add3A_200 : vector<16xi32>
      %and3A_1639 = arith.andi %eq3A_1637, %lt3A_1638 : vector<16xi1>
      %select_n3A_1640 = arith.select %and3A_1639, %broadcast_in_dim3A_157, %broadcast_in_dim3A_155 : vector<16xi1>, vector<16xi32>
      %add3A_1641 = arith.addi %add3A_1627, %select_n3A_1640 : vector<16xi32>
      scf.yield %add3A_1641 : vector<16xi32>
    }
    %while3A_439 = arith.constant 1 : i32
    %while3A_440 = scf.for %while3A_1529 = %while3A_436 to %while3A_432 step %while3A_439 iter_args(%while3A_1530 = %while3A_438) -> (vector<16xi32>)  : i32 {
      %mul3A_1531 = arith.constant 128 : i32
      %mul3A_1532 = arith.muli %while3A_1529, %mul3A_1531 : i32
      %add3A_1533 = arith.constant 0 : i32
      %add3A_1534 = arith.addi %mul3A_1532, %add3A_1533 : i32
      %get3A_1535 = arith.index_cast %add3A_1534 : i32 to index
      %get3A_1536 = tpu.vector_load %arg5[%get3A_1535] {strides = array<i32>} : memref<32896xf32, #tpu.memory_space<vmem>>, vector<16xf32>,
      %get3A_1537 = vector.shape_cast %get3A_1536 : vector<16xf32> to vector<16xf32>
      %add3A_1538 = vector.broadcast %add3A_1534 : i32 to vector<16xi32>
      %add3A_1539 = arith.addi %iota3A, %add3A_1538 : vector<16xi32>
      %eq3A = arith.cmpf oeq, %get3A_1537, %add3A_211 : vector<16xf32>
      %lt3A_1540 = arith.cmpi slt, %add3A_1539, %add3A_200 : vector<16xi32>
      %and3A_1541 = arith.andi %eq3A, %lt3A_1540 : vector<16xi1>
      %select_n3A_1542 = arith.select %and3A_1541, %broadcast_in_dim3A_157, %broadcast_in_dim3A_155 : vector<16xi1>, vector<16xi32>
      %add3A_1543 = arith.addi %while3A_1530, %select_n3A_1542 : vector<16xi32>
      %mul3A_1544 = arith.constant 128 : i32
      %mul3A_1545 = arith.muli %while3A_1529, %mul3A_1544 : i32
      %add3A_1546 = arith.constant 16 : i32
      %add3A_1547 = arith.addi %mul3A_1545, %add3A_1546 : i32
      %get3A_1548 = arith.index_cast %add3A_1547 : i32 to index
      %get3A_1549 = tpu.vector_load %arg5[%get3A_1548] {strides = array<i32>} : memref<32896xf32, #tpu.memory_space<vmem>>, vector<16xf32>,
      %get3A_1550 = vector.shape_cast %get3A_1549 : vector<16xf32> to vector<16xf32>
      %add3A_1551 = vector.broadcast %add3A_1547 : i32 to vector<16xi32>
      %add3A_1552 = arith.addi %iota3A, %add3A_1551 : vector<16xi32>
      %eq3A_1553 = arith.cmpf oeq, %get3A_1550, %add3A_211 : vector<16xf32>
      %lt3A_1554 = arith.cmpi slt, %add3A_1552, %add3A_200 : vector<16xi32>
      %and3A_1555 = arith.andi %eq3A_1553, %lt3A_1554 : vector<16xi1>
      %select_n3A_1556 = arith.select %and3A_1555, %broadcast_in_dim3A_157, %broadcast_in_dim3A_155 : vector<16xi1>, vector<16xi32>
      %add3A_1557 = arith.addi %add3A_1543, %select_n3A_1556 : vector<16xi32>
      %mul3A_1558 = arith.constant 128 : i32
      %mul3A_1559 = arith.muli %while3A_1529, %mul3A_1558 : i32
      %add3A_1560 = arith.constant 32 : i32
      %add3A_1561 = arith.addi %mul3A_1559, %add3A_1560 : i32
      %get3A_1562 = arith.index_cast %add3A_1561 : i32 to index
      %get3A_1563 = tpu.vector_load %arg5[%get3A_1562] {strides = array<i32>} : memref<32896xf32, #tpu.memory_space<vmem>>, vector<16xf32>,
      %get3A_1564 = vector.shape_cast %get3A_1563 : vector<16xf32> to vector<16xf32>
      %add3A_1565 = vector.broadcast %add3A_1561 : i32 to vector<16xi32>
      %add3A_1566 = arith.addi %iota3A, %add3A_1565 : vector<16xi32>
      %eq3A_1567 = arith.cmpf oeq, %get3A_1564, %add3A_211 : vector<16xf32>
      %lt3A_1568 = arith.cmpi slt, %add3A_1566, %add3A_200 : vector<16xi32>
      %and3A_1569 = arith.andi %eq3A_1567, %lt3A_1568 : vector<16xi1>
      %select_n3A_1570 = arith.select %and3A_1569, %broadcast_in_dim3A_157, %broadcast_in_dim3A_155 : vector<16xi1>, vector<16xi32>
      %add3A_1571 = arith.addi %add3A_1557, %select_n3A_1570 : vector<16xi32>
      %mul3A_1572 = arith.constant 128 : i32
      %mul3A_1573 = arith.muli %while3A_1529, %mul3A_1572 : i32
      %add3A_1574 = arith.constant 48 : i32
      %add3A_1575 = arith.addi %mul3A_1573, %add3A_1574 : i32
      %get3A_1576 = arith.index_cast %add3A_1575 : i32 to index
      %get3A_1577 = tpu.vector_load %arg5[%get3A_1576] {strides = array<i32>} : memref<32896xf32, #tpu.memory_space<vmem>>, vector<16xf32>,
      %get3A_1578 = vector.shape_cast %get3A_1577 : vector<16xf32> to vector<16xf32>
      %add3A_1579 = vector.broadcast %add3A_1575 : i32 to vector<16xi32>
      %add3A_1580 = arith.addi %iota3A, %add3A_1579 : vector<16xi32>
      %eq3A_1581 = arith.cmpf oeq, %get3A_1578, %add3A_211 : vector<16xf32>
      %lt3A_1582 = arith.cmpi slt, %add3A_1580, %add3A_200 : vector<16xi32>
      %and3A_1583 = arith.andi %eq3A_1581, %lt3A_1582 : vector<16xi1>
      %select_n3A_1584 = arith.select %and3A_1583, %broadcast_in_dim3A_157, %broadcast_in_dim3A_155 : vector<16xi1>, vector<16xi32>
      %add3A_1585 = arith.addi %add3A_1571, %select_n3A_1584 : vector<16xi32>
      %mul3A_1586 = arith.constant 128 : i32
      %mul3A_1587 = arith.muli %while3A_1529, %mul3A_1586 : i32
      %add3A_1588 = arith.constant 64 : i32
      %add3A_1589 = arith.addi %mul3A_1587, %add3A_1588 : i32
      %get3A_1590 = arith.index_cast %add3A_1589 : i32 to index
      %get3A_1591 = tpu.vector_load %arg5[%get3A_1590] {strides = array<i32>} : memref<32896xf32, #tpu.memory_space<vmem>>, vector<16xf32>,
      %get3A_1592 = vector.shape_cast %get3A_1591 : vector<16xf32> to vector<16xf32>
      %add3A_1593 = vector.broadcast %add3A_1589 : i32 to vector<16xi32>
      %add3A_1594 = arith.addi %iota3A, %add3A_1593 : vector<16xi32>
      %eq3A_1595 = arith.cmpf oeq, %get3A_1592, %add3A_211 : vector<16xf32>
      %lt3A_1596 = arith.cmpi slt, %add3A_1594, %add3A_200 : vector<16xi32>
      %and3A_1597 = arith.andi %eq3A_1595, %lt3A_1596 : vector<16xi1>
      %select_n3A_1598 = arith.select %and3A_1597, %broadcast_in_dim3A_157, %broadcast_in_dim3A_155 : vector<16xi1>, vector<16xi32>
      %add3A_1599 = arith.addi %add3A_1585, %select_n3A_1598 : vector<16xi32>
      %mul3A_1600 = arith.constant 128 : i32
      %mul3A_1601 = arith.muli %while3A_1529, %mul3A_1600 : i32
      %add3A_1602 = arith.constant 80 : i32
      %add3A_1603 = arith.addi %mul3A_1601, %add3A_1602 : i32
      %get3A_1604 = arith.index_cast %add3A_1603 : i32 to index
      %get3A_1605 = tpu.vector_load %arg5[%get3A_1604] {strides = array<i32>} : memref<32896xf32, #tpu.memory_space<vmem>>, vector<16xf32>,
      %get3A_1606 = vector.shape_cast %get3A_1605 : vector<16xf32> to vector<16xf32>
      %add3A_1607 = vector.broadcast %add3A_1603 : i32 to vector<16xi32>
      %add3A_1608 = arith.addi %iota3A, %add3A_1607 : vector<16xi32>
      %eq3A_1609 = arith.cmpf oeq, %get3A_1606, %add3A_211 : vector<16xf32>
      %lt3A_1610 = arith.cmpi slt, %add3A_1608, %add3A_200 : vector<16xi32>
      %and3A_1611 = arith.andi %eq3A_1609, %lt3A_1610 : vector<16xi1>
      %select_n3A_1612 = arith.select %and3A_1611, %broadcast_in_dim3A_157, %broadcast_in_dim3A_155 : vector<16xi1>, vector<16xi32>
      %add3A_1613 = arith.addi %add3A_1599, %select_n3A_1612 : vector<16xi32>
      %mul3A_1614 = arith.constant 128 : i32
      %mul3A_1615 = arith.muli %while3A_1529, %mul3A_1614 : i32
      %add3A_1616 = arith.constant 96 : i32
      %add3A_1617 = arith.addi %mul3A_1615, %add3A_1616 : i32
      %get3A_1618 = arith.index_cast %add3A_1617 : i32 to index
      %get3A_1619 = tpu.vector_load %arg5[%get3A_1618] {strides = array<i32>} : memref<32896xf32, #tpu.memory_space<vmem>>, vector<16xf32>,
      %get3A_1620 = vector.shape_cast %get3A_1619 : vector<16xf32> to vector<16xf32>
      %add3A_1621 = vector.broadcast %add3A_1617 : i32 to vector<16xi32>
      %add3A_1622 = arith.addi %iota3A, %add3A_1621 : vector<16xi32>
      %eq3A_1623 = arith.cmpf oeq, %get3A_1620, %add3A_211 : vector<16xf32>
      %lt3A_1624 = arith.cmpi slt, %add3A_1622, %add3A_200 : vector<16xi32>
      %and3A_1625 = arith.andi %eq3A_1623, %lt3A_1624 : vector<16xi1>
      %select_n3A_1626 = arith.select %and3A_1625, %broadcast_in_dim3A_157, %broadcast_in_dim3A_155 : vector<16xi1>, vector<16xi32>
      %add3A_1627 = arith.addi %add3A_1613, %select_n3A_1626 : vector<16xi32>
      %mul3A_1628 = arith.constant 128 : i32
      %mul3A_1629 = arith.muli %while3A_1529, %mul3A_1628 : i32
      %add3A_1630 = arith.constant 112 : i32
      %add3A_1631 = arith.addi %mul3A_1629, %add3A_1630 : i32
      %get3A_1632 = arith.index_cast %add3A_1631 : i32 to index
      %get3A_1633 = tpu.vector_load %arg5[%get3A_1632] {strides = array<i32>} : memref<32896xf32, #tpu.memory_space<vmem>>, vector<16xf32>,
      %get3A_1634 = vector.shape_cast %get3A_1633 : vector<16xf32> to vector<16xf32>
      %add3A_1635 = vector.broadcast %add3A_1631 : i32 to vector<16xi32>
      %add3A_1636 = arith.addi %iota3A, %add3A_1635 : vector<16xi32>
      %eq3A_1637 = arith.cmpf oeq, %get3A_1634, %add3A_211 : vector<16xf32>
      %lt3A_1638 = arith.cmpi slt, %add3A_1636, %add3A_200 : vector<16xi32>
      %and3A_1639 = arith.andi %eq3A_1637, %lt3A_1638 : vector<16xi1>
      %select_n3A_1640 = arith.select %and3A_1639, %broadcast_in_dim3A_157, %broadcast_in_dim3A_155 : vector<16xi1>, vector<16xi32>
      %add3A_1641 = arith.addi %add3A_1627, %select_n3A_1640 : vector<16xi32>
      scf.yield %add3A_1641 : vector<16xi32>
    }
    %slice3A_441 = vector.extract_strided_slice %while3A_440 {offsets = [0], sizes = [1], strides = [1]} : vector<16xi32> to vector<1xi32>
    %squeeze3A_442 = vector.extract %slice3A_441[0] : i32 from vector<1xi32>
    %slice3A_443 = vector.extract_strided_slice %while3A_440 {offsets = [1], sizes = [1], strides = [1]} : vector<16xi32> to vector<1xi32>
    %squeeze3A_444 = vector.extract %slice3A_443[0] : i32 from vector<1xi32>
    %add3A_445 = arith.addi %squeeze3A_442, %squeeze3A_444 : i32
    %slice3A_446 = vector.extract_strided_slice %while3A_440 {offsets = [2], sizes = [1], strides = [1]} : vector<16xi32> to vector<1xi32>
    %squeeze3A_447 = vector.extract %slice3A_446[0] : i32 from vector<1xi32>
    %add3A_448 = arith.addi %add3A_445, %squeeze3A_447 : i32
    %slice3A_449 = vector.extract_strided_slice %while3A_440 {offsets = [3], sizes = [1], strides = [1]} : vector<16xi32> to vector<1xi32>
    %squeeze3A_450 = vector.extract %slice3A_449[0] : i32 from vector<1xi32>
    %add3A_451 = arith.addi %add3A_448, %squeeze3A_450 : i32
    %slice3A_452 = vector.extract_strided_slice %while3A_440 {offsets = [4], sizes = [1], strides = [1]} : vector<16xi32> to vector<1xi32>
    %squeeze3A_453 = vector.extract %slice3A_452[0] : i32 from vector<1xi32>
    %add3A_454 = arith.addi %add3A_451, %squeeze3A_453 : i32
    %slice3A_455 = vector.extract_strided_slice %while3A_440 {offsets = [5], sizes = [1], strides = [1]} : vector<16xi32> to vector<1xi32>
    %squeeze3A_456 = vector.extract %slice3A_455[0] : i32 from vector<1xi32>
    %add3A_457 = arith.addi %add3A_454, %squeeze3A_456 : i32
    %slice3A_458 = vector.extract_strided_slice %while3A_440 {offsets = [6], sizes = [1], strides = [1]} : vector<16xi32> to vector<1xi32>
    %squeeze3A_459 = vector.extract %slice3A_458[0] : i32 from vector<1xi32>
    %add3A_460 = arith.addi %add3A_457, %squeeze3A_459 : i32
    %slice3A_461 = vector.extract_strided_slice %while3A_440 {offsets = [7], sizes = [1], strides = [1]} : vector<16xi32> to vector<1xi32>
    %squeeze3A_462 = vector.extract %slice3A_461[0] : i32 from vector<1xi32>
    %add3A_463 = arith.addi %add3A_460, %squeeze3A_462 : i32
    %slice3A_464 = vector.extract_strided_slice %while3A_440 {offsets = [8], sizes = [1], strides = [1]} : vector<16xi32> to vector<1xi32>
    %squeeze3A_465 = vector.extract %slice3A_464[0] : i32 from vector<1xi32>
    %add3A_466 = arith.addi %add3A_463, %squeeze3A_465 : i32
    %slice3A_467 = vector.extract_strided_slice %while3A_440 {offsets = [9], sizes = [1], strides = [1]} : vector<16xi32> to vector<1xi32>
    %squeeze3A_468 = vector.extract %slice3A_467[0] : i32 from vector<1xi32>
    %add3A_469 = arith.addi %add3A_466, %squeeze3A_468 : i32
    %slice3A_470 = vector.extract_strided_slice %while3A_440 {offsets = [10], sizes = [1], strides = [1]} : vector<16xi32> to vector<1xi32>
    %squeeze3A_471 = vector.extract %slice3A_470[0] : i32 from vector<1xi32>
    %add3A_472 = arith.addi %add3A_469, %squeeze3A_471 : i32
    %slice3A_473 = vector.extract_strided_slice %while3A_440 {offsets = [11], sizes = [1], strides = [1]} : vector<16xi32> to vector<1xi32>
    %squeeze3A_474 = vector.extract %slice3A_473[0] : i32 from vector<1xi32>
    %add3A_475 = arith.addi %add3A_472, %squeeze3A_474 : i32
    %slice3A_476 = vector.extract_strided_slice %while3A_440 {offsets = [12], sizes = [1], strides = [1]} : vector<16xi32> to vector<1xi32>
    %squeeze3A_477 = vector.extract %slice3A_476[0] : i32 from vector<1xi32>
    %add3A_478 = arith.addi %add3A_475, %squeeze3A_477 : i32
    %slice3A_479 = vector.extract_strided_slice %while3A_440 {offsets = [13], sizes = [1], strides = [1]} : vector<16xi32> to vector<1xi32>
    %squeeze3A_480 = vector.extract %slice3A_479[0] : i32 from vector<1xi32>
    %add3A_481 = arith.addi %add3A_478, %squeeze3A_480 : i32
    %slice3A_482 = vector.extract_strided_slice %while3A_440 {offsets = [14], sizes = [1], strides = [1]} : vector<16xi32> to vector<1xi32>
    %squeeze3A_483 = vector.extract %slice3A_482[0] : i32 from vector<1xi32>
    %add3A_484 = arith.addi %add3A_481, %squeeze3A_483 : i32
    %slice3A_485 = vector.extract_strided_slice %while3A_440 {offsets = [15], sizes = [1], strides = [1]} : vector<16xi32> to vector<1xi32>
    %squeeze3A_486 = vector.extract %slice3A_485[0] : i32 from vector<1xi32>
    %add3A_487 = arith.addi %add3A_484, %squeeze3A_486 : i32
    %add3A_488 = arith.addi %add3A_397, %add3A_487 : i32
    %lt3A_489 = arith.constant 5 : i32
    %lt3A_490 = arith.cmpi slt, %add3A_488, %lt3A_489 : i32
    %jit3A_491 = arith.constant 1 : i32
    %jit3A_492 = arith.constant 0 : i32
    %select_n3A_493 = arith.select %lt3A_490, %jit3A_491, %jit3A_492 : i32
    %add3A_494 = arith.constant 0 : i32
    %add3A_495 = arith.addi %add3A_494, %select_n3A_493 : i32
    %add3A_496 = arith.constant 1 : i32
    %add3A_497 = arith.addi %mul3A_2, %add3A_496 : i32
    %add3A_498 = arith.constant 1 : i32
    %add3A_499 = arith.addi %add3A_497, %add3A_498 : i32
    %dma_start3A_500 = arith.constant 0 : i32
    %dma_start3A_501 = tpu.memref_slice %arg5[%dma_start3A_500] : memref<32896xf32, #tpu.memory_space<vmem>> -> memref<1024xf32, #tpu.memory_space<vmem>>
    %dma_start3A_502 = arith.constant 0 : i32
    %dma_start3A_503 = tpu.memref_slice %arg2[%add3A_499, %dma_start3A_502] : memref<128x32768xf32, #tpu.memory_space<hbm>> -> memref<1x1024xf32, #tpu.memory_space<hbm>>
    %dma_start3A_504 = tpu.memref_squeeze %dma_start3A_503 : memref<1x1024xf32, #tpu.memory_space<hbm>> -> memref<1024xf32, #tpu.memory_space<hbm>>
    %dma_start3A_505 = arith.constant 0 : i32
    %dma_start3A_506 = tpu.memref_slice %arg5[%dma_start3A_505] : memref<32896xf32, #tpu.memory_space<vmem>> -> memref<1024xf32, #tpu.memory_space<vmem>>
    %dma_start3A_507 = arith.constant 0 : i32
    %dma_start3A_508 = tpu.memref_slice %arg2[%add3A_499, %dma_start3A_507] : memref<128x32768xf32, #tpu.memory_space<hbm>> -> memref<1x1024xf32, #tpu.memory_space<hbm>>
    %dma_start3A_509 = tpu.memref_squeeze %dma_start3A_508 : memref<1x1024xf32, #tpu.memory_space<hbm>> -> memref<1024xf32, #tpu.memory_space<hbm>>
    tpu.enqueue_dma source(%dma_start3A_509 : memref<1024xf32, #tpu.memory_space<hbm>>) target(%dma_start3A_506 : memref<1024xf32, #tpu.memory_space<vmem>>) target_semaphore(%arg10 : memref<!tpu.dma_semaphore, #tpu.memory_space<semaphore_mem>>)
    %dma_wait3A_510 = arith.constant 0 : i32
    %dma_wait3A_511 = tpu.memref_slice %arg6[%dma_wait3A_510] : memref<32896xf32, #tpu.memory_space<vmem>> -> memref<1024xf32, #tpu.memory_space<vmem>>
    %dma_wait3A_512 = arith.constant 0 : i32
    %dma_wait3A_513 = tpu.memref_slice %arg2[%add3A_161, %dma_wait3A_512] : memref<128x32768xf32, #tpu.memory_space<hbm>> -> memref<1x1024xf32, #tpu.memory_space<hbm>>
    %dma_wait3A_514 = tpu.memref_squeeze %dma_wait3A_513 : memref<1x1024xf32, #tpu.memory_space<hbm>> -> memref<1024xf32, #tpu.memory_space<hbm>>
    %dma_wait3A_515 = arith.constant 0 : i32
    %dma_wait3A_516 = tpu.memref_slice %arg6[%dma_wait3A_515] : memref<32896xf32, #tpu.memory_space<vmem>> -> memref<1024xf32, #tpu.memory_space<vmem>>
    %dma_wait3A_517 = arith.constant 0 : i32
    %dma_wait3A_518 = tpu.memref_slice %arg2[%add3A_161, %dma_wait3A_517] : memref<128x32768xf32, #tpu.memory_space<hbm>> -> memref<1x1024xf32, #tpu.memory_space<hbm>>
    %dma_wait3A_519 = tpu.memref_squeeze %dma_wait3A_518 : memref<1x1024xf32, #tpu.memory_space<hbm>> -> memref<1024xf32, #tpu.memory_space<hbm>>
    tpu.wait_dma2 semaphore(%arg11 : memref<!tpu.dma_semaphore, #tpu.memory_space<semaphore_mem>>) src(%dma_wait3A_519 : memref<1024xf32, #tpu.memory_space<hbm>>) dst(%dma_wait3A_516 : memref<1024xf32, #tpu.memory_space<vmem>>)
    %dma_wait3A_520 = arith.constant 32 : i32
    %dma_wait3A_521 = tpu.memref_slice %arg8[%dma_wait3A_520] : memref<128xf32, #tpu.memory_space<vmem>> -> memref<16xf32, #tpu.memory_space<vmem>>
    %dma_wait3A_522 = tpu.memref_slice %arg2[%add3A_146, %mul3A_80] : memref<128x32768xf32, #tpu.memory_space<hbm>> -> memref<1x16xf32, #tpu.memory_space<hbm>>
    %dma_wait3A_523 = tpu.memref_squeeze %dma_wait3A_522 : memref<1x16xf32, #tpu.memory_space<hbm>> -> memref<16xf32, #tpu.memory_space<hbm>>
    %dma_wait3A_524 = arith.constant 32 : i32
    %dma_wait3A_525 = tpu.memref_slice %arg8[%dma_wait3A_524] : memref<128xf32, #tpu.memory_space<vmem>> -> memref<16xf32, #tpu.memory_space<vmem>>
    %dma_wait3A_526 = tpu.memref_slice %arg2[%add3A_146, %mul3A_80] : memref<128x32768xf32, #tpu.memory_space<hbm>> -> memref<1x16xf32, #tpu.memory_space<hbm>>
    %dma_wait3A_527 = tpu.memref_squeeze %dma_wait3A_526 : memref<1x16xf32, #tpu.memory_space<hbm>> -> memref<16xf32, #tpu.memory_space<hbm>>
    tpu.wait_dma2 semaphore(%arg13 : memref<!tpu.dma_semaphore, #tpu.memory_space<semaphore_mem>>) src(%dma_wait3A_527 : memref<16xf32, #tpu.memory_space<hbm>>) dst(%dma_wait3A_525 : memref<16xf32, #tpu.memory_space<vmem>>)
    %add3A_528 = arith.constant 2 : i32
    %add3A_529 = arith.addi %add3A_497, %add3A_528 : i32
    %dma_start3A_530 = arith.constant 96 : i32
    %dma_start3A_531 = tpu.memref_slice %arg8[%dma_start3A_530] : memref<128xf32, #tpu.memory_space<vmem>> -> memref<16xf32, #tpu.memory_space<vmem>>
    %dma_start3A_532 = tpu.memref_slice %arg2[%add3A_529, %mul3A_132] : memref<128x32768xf32, #tpu.memory_space<hbm>> -> memref<1x16xf32, #tpu.memory_space<hbm>>
    %dma_start3A_533 = tpu.memref_squeeze %dma_start3A_532 : memref<1x16xf32, #tpu.memory_space<hbm>> -> memref<16xf32, #tpu.memory_space<hbm>>
    %dma_start3A_534 = arith.constant 96 : i32
    %dma_start3A_535 = tpu.memref_slice %arg8[%dma_start3A_534] : memref<128xf32, #tpu.memory_space<vmem>> -> memref<16xf32, #tpu.memory_space<vmem>>
    %dma_start3A_536 = tpu.memref_slice %arg2[%add3A_529, %mul3A_132] : memref<128x32768xf32, #tpu.memory_space<hbm>> -> memref<1x16xf32, #tpu.memory_space<hbm>>
    %dma_start3A_537 = tpu.memref_squeeze %dma_start3A_536 : memref<1x16xf32, #tpu.memory_space<hbm>> -> memref<16xf32, #tpu.memory_space<hbm>>
    tpu.enqueue_dma source(%dma_start3A_537 : memref<16xf32, #tpu.memory_space<hbm>>) target(%dma_start3A_535 : memref<16xf32, #tpu.memory_space<vmem>>) target_semaphore(%arg13 : memref<!tpu.dma_semaphore, #tpu.memory_space<semaphore_mem>>)
    %add3A_538 = vector.broadcast %squeeze3A_22 : i32 to vector<16xi32>
    %add3A_539 = arith.addi %broadcast_in_dim3A_155, %add3A_538 : vector<16xi32>
    %broadcast_in_dim3A_540 = arith.constant 0.000000e+00 : f32
    %broadcast_in_dim3A_541 = vector.broadcast %broadcast_in_dim3A_540 : f32 to vector<16xf32>
    %add3A_542 = arith.constant 32 : i32
    %add3A_543 = arith.addi %add3A_542, %sub3A_134 : i32
    %get3A_544 = arith.index_cast %add3A_543 : i32 to index
    %get3A_545 = tpu.vector_load %arg8[%get3A_544] {strides = array<i32>} : memref<128xf32, #tpu.memory_space<vmem>>, vector<16xf32>,
    %get3A_546 = vector.shape_cast %get3A_545 : vector<16xf32> to vector<16xf32>
    %slice3A_547 = vector.extract_strided_slice %get3A_546 {offsets = [0], sizes = [1], strides = [1]} : vector<16xf32> to vector<1xf32>
    %squeeze3A_548 = vector.extract %slice3A_547[0] : f32 from vector<1xf32>
    %add3A_549 = vector.broadcast %squeeze3A_548 : f32 to vector<16xf32>
    %add3A_550 = arith.addf %broadcast_in_dim3A_541, %add3A_549 : vector<16xf32>
    %scan3A_551 = arith.constant 0 : i32
    %scan3A_552 = arith.constant 8 : i32
    %scan3A_553 = arith.addi %scan3A_551, %scan3A_552 : i32
    %scan3A_554 = arith.constant 1 : i32
    %scan3A_555 = scf.for %scan3A_1529 = %scan3A_551 to %scan3A_553 step %scan3A_554 iter_args(%scan3A_1530 = %broadcast_in_dim3A_155) -> (vector<16xi32>)  : i32 {
      %mul3A_1531 = arith.constant 128 : i32
      %mul3A_1532 = arith.muli %scan3A_1529, %mul3A_1531 : i32
      %add3A_1533 = arith.constant 0 : i32
      %add3A_1534 = arith.addi %add3A_1533, %mul3A_1532 : i32
      %add3A_1535 = arith.constant 0 : i32
      %add3A_1536 = arith.addi %add3A_1534, %add3A_1535 : i32
      %get3A_1537 = arith.index_cast %add3A_1536 : i32 to index
      %get3A_1538 = tpu.vector_load %arg6[%get3A_1537] {strides = array<i32>} : memref<32896xf32, #tpu.memory_space<vmem>>, vector<16xf32>,
      %get3A_1539 = vector.shape_cast %get3A_1538 : vector<16xf32> to vector<16xf32>
      %gt3A = arith.cmpf ogt, %get3A_1539, %add3A_550 : vector<16xf32>
      %select_n3A_1540 = arith.select %gt3A, %broadcast_in_dim3A_157, %broadcast_in_dim3A_155 : vector<16xi1>, vector<16xi32>
      %add3A_1541 = arith.addi %scan3A_1530, %select_n3A_1540 : vector<16xi32>
      %mul3A_1542 = arith.constant 128 : i32
      %mul3A_1543 = arith.muli %scan3A_1529, %mul3A_1542 : i32
      %add3A_1544 = arith.constant 0 : i32
      %add3A_1545 = arith.addi %add3A_1544, %mul3A_1543 : i32
      %add3A_1546 = arith.constant 16 : i32
      %add3A_1547 = arith.addi %add3A_1545, %add3A_1546 : i32
      %get3A_1548 = arith.index_cast %add3A_1547 : i32 to index
      %get3A_1549 = tpu.vector_load %arg6[%get3A_1548] {strides = array<i32>} : memref<32896xf32, #tpu.memory_space<vmem>>, vector<16xf32>,
      %get3A_1550 = vector.shape_cast %get3A_1549 : vector<16xf32> to vector<16xf32>
      %gt3A_1551 = arith.cmpf ogt, %get3A_1550, %add3A_550 : vector<16xf32>
      %select_n3A_1552 = arith.select %gt3A_1551, %broadcast_in_dim3A_157, %broadcast_in_dim3A_155 : vector<16xi1>, vector<16xi32>
      %add3A_1553 = arith.addi %add3A_1541, %select_n3A_1552 : vector<16xi32>
      %mul3A_1554 = arith.constant 128 : i32
      %mul3A_1555 = arith.muli %scan3A_1529, %mul3A_1554 : i32
      %add3A_1556 = arith.constant 0 : i32
      %add3A_1557 = arith.addi %add3A_1556, %mul3A_1555 : i32
      %add3A_1558 = arith.constant 32 : i32
      %add3A_1559 = arith.addi %add3A_1557, %add3A_1558 : i32
      %get3A_1560 = arith.index_cast %add3A_1559 : i32 to index
      %get3A_1561 = tpu.vector_load %arg6[%get3A_1560] {strides = array<i32>} : memref<32896xf32, #tpu.memory_space<vmem>>, vector<16xf32>,
      %get3A_1562 = vector.shape_cast %get3A_1561 : vector<16xf32> to vector<16xf32>
      %gt3A_1563 = arith.cmpf ogt, %get3A_1562, %add3A_550 : vector<16xf32>
      %select_n3A_1564 = arith.select %gt3A_1563, %broadcast_in_dim3A_157, %broadcast_in_dim3A_155 : vector<16xi1>, vector<16xi32>
      %add3A_1565 = arith.addi %add3A_1553, %select_n3A_1564 : vector<16xi32>
      %mul3A_1566 = arith.constant 128 : i32
      %mul3A_1567 = arith.muli %scan3A_1529, %mul3A_1566 : i32
      %add3A_1568 = arith.constant 0 : i32
      %add3A_1569 = arith.addi %add3A_1568, %mul3A_1567 : i32
      %add3A_1570 = arith.constant 48 : i32
      %add3A_1571 = arith.addi %add3A_1569, %add3A_1570 : i32
      %get3A_1572 = arith.index_cast %add3A_1571 : i32 to index
      %get3A_1573 = tpu.vector_load %arg6[%get3A_1572] {strides = array<i32>} : memref<32896xf32, #tpu.memory_space<vmem>>, vector<16xf32>,
      %get3A_1574 = vector.shape_cast %get3A_1573 : vector<16xf32> to vector<16xf32>
      %gt3A_1575 = arith.cmpf ogt, %get3A_1574, %add3A_550 : vector<16xf32>
      %select_n3A_1576 = arith.select %gt3A_1575, %broadcast_in_dim3A_157, %broadcast_in_dim3A_155 : vector<16xi1>, vector<16xi32>
      %add3A_1577 = arith.addi %add3A_1565, %select_n3A_1576 : vector<16xi32>
      %mul3A_1578 = arith.constant 128 : i32
      %mul3A_1579 = arith.muli %scan3A_1529, %mul3A_1578 : i32
      %add3A_1580 = arith.constant 0 : i32
      %add3A_1581 = arith.addi %add3A_1580, %mul3A_1579 : i32
      %add3A_1582 = arith.constant 64 : i32
      %add3A_1583 = arith.addi %add3A_1581, %add3A_1582 : i32
      %get3A_1584 = arith.index_cast %add3A_1583 : i32 to index
      %get3A_1585 = tpu.vector_load %arg6[%get3A_1584] {strides = array<i32>} : memref<32896xf32, #tpu.memory_space<vmem>>, vector<16xf32>,
      %get3A_1586 = vector.shape_cast %get3A_1585 : vector<16xf32> to vector<16xf32>
      %gt3A_1587 = arith.cmpf ogt, %get3A_1586, %add3A_550 : vector<16xf32>
      %select_n3A_1588 = arith.select %gt3A_1587, %broadcast_in_dim3A_157, %broadcast_in_dim3A_155 : vector<16xi1>, vector<16xi32>
      %add3A_1589 = arith.addi %add3A_1577, %select_n3A_1588 : vector<16xi32>
      %mul3A_1590 = arith.constant 128 : i32
      %mul3A_1591 = arith.muli %scan3A_1529, %mul3A_1590 : i32
      %add3A_1592 = arith.constant 0 : i32
      %add3A_1593 = arith.addi %add3A_1592, %mul3A_1591 : i32
      %add3A_1594 = arith.constant 80 : i32
      %add3A_1595 = arith.addi %add3A_1593, %add3A_1594 : i32
      %get3A_1596 = arith.index_cast %add3A_1595 : i32 to index
      %get3A_1597 = tpu.vector_load %arg6[%get3A_1596] {strides = array<i32>} : memref<32896xf32, #tpu.memory_space<vmem>>, vector<16xf32>,
      %get3A_1598 = vector.shape_cast %get3A_1597 : vector<16xf32> to vector<16xf32>
      %gt3A_1599 = arith.cmpf ogt, %get3A_1598, %add3A_550 : vector<16xf32>
      %select_n3A_1600 = arith.select %gt3A_1599, %broadcast_in_dim3A_157, %broadcast_in_dim3A_155 : vector<16xi1>, vector<16xi32>
      %add3A_1601 = arith.addi %add3A_1589, %select_n3A_1600 : vector<16xi32>
      %mul3A_1602 = arith.constant 128 : i32
      %mul3A_1603 = arith.muli %scan3A_1529, %mul3A_1602 : i32
      %add3A_1604 = arith.constant 0 : i32
      %add3A_1605 = arith.addi %add3A_1604, %mul3A_1603 : i32
      %add3A_1606 = arith.constant 96 : i32
      %add3A_1607 = arith.addi %add3A_1605, %add3A_1606 : i32
      %get3A_1608 = arith.index_cast %add3A_1607 : i32 to index
      %get3A_1609 = tpu.vector_load %arg6[%get3A_1608] {strides = array<i32>} : memref<32896xf32, #tpu.memory_space<vmem>>, vector<16xf32>,
      %get3A_1610 = vector.shape_cast %get3A_1609 : vector<16xf32> to vector<16xf32>
      %gt3A_1611 = arith.cmpf ogt, %get3A_1610, %add3A_550 : vector<16xf32>
      %select_n3A_1612 = arith.select %gt3A_1611, %broadcast_in_dim3A_157, %broadcast_in_dim3A_155 : vector<16xi1>, vector<16xi32>
      %add3A_1613 = arith.addi %add3A_1601, %select_n3A_1612 : vector<16xi32>
      %mul3A_1614 = arith.constant 128 : i32
      %mul3A_1615 = arith.muli %scan3A_1529, %mul3A_1614 : i32
      %add3A_1616 = arith.constant 0 : i32
      %add3A_1617 = arith.addi %add3A_1616, %mul3A_1615 : i32
      %add3A_1618 = arith.constant 112 : i32
      %add3A_1619 = arith.addi %add3A_1617, %add3A_1618 : i32
      %get3A_1620 = arith.index_cast %add3A_1619 : i32 to index
      %get3A_1621 = tpu.vector_load %arg6[%get3A_1620] {strides = array<i32>} : memref<32896xf32, #tpu.memory_space<vmem>>, vector<16xf32>,
      %get3A_1622 = vector.shape_cast %get3A_1621 : vector<16xf32> to vector<16xf32>
      %gt3A_1623 = arith.cmpf ogt, %get3A_1622, %add3A_550 : vector<16xf32>
      %select_n3A_1624 = arith.select %gt3A_1623, %broadcast_in_dim3A_157, %broadcast_in_dim3A_155 : vector<16xi1>, vector<16xi32>
      %add3A_1625 = arith.addi %add3A_1613, %select_n3A_1624 : vector<16xi32>
      scf.yield %add3A_1625 : vector<16xi32>
    }
    %scan3A_556 = arith.constant 8 : i32
    %slice3A_557 = vector.extract_strided_slice %scan3A_555 {offsets = [0], sizes = [1], strides = [1]} : vector<16xi32> to vector<1xi32>
    %squeeze3A_558 = vector.extract %slice3A_557[0] : i32 from vector<1xi32>
    %slice3A_559 = vector.extract_strided_slice %scan3A_555 {offsets = [1], sizes = [1], strides = [1]} : vector<16xi32> to vector<1xi32>
    %squeeze3A_560 = vector.extract %slice3A_559[0] : i32 from vector<1xi32>
    %add3A_561 = arith.addi %squeeze3A_558, %squeeze3A_560 : i32
    %slice3A_562 = vector.extract_strided_slice %scan3A_555 {offsets = [2], sizes = [1], strides = [1]} : vector<16xi32> to vector<1xi32>
    %squeeze3A_563 = vector.extract %slice3A_562[0] : i32 from vector<1xi32>
    %add3A_564 = arith.addi %add3A_561, %squeeze3A_563 : i32
    %slice3A_565 = vector.extract_strided_slice %scan3A_555 {offsets = [3], sizes = [1], strides = [1]} : vector<16xi32> to vector<1xi32>
    %squeeze3A_566 = vector.extract %slice3A_565[0] : i32 from vector<1xi32>
    %add3A_567 = arith.addi %add3A_564, %squeeze3A_566 : i32
    %slice3A_568 = vector.extract_strided_slice %scan3A_555 {offsets = [4], sizes = [1], strides = [1]} : vector<16xi32> to vector<1xi32>
    %squeeze3A_569 = vector.extract %slice3A_568[0] : i32 from vector<1xi32>
    %add3A_570 = arith.addi %add3A_567, %squeeze3A_569 : i32
    %slice3A_571 = vector.extract_strided_slice %scan3A_555 {offsets = [5], sizes = [1], strides = [1]} : vector<16xi32> to vector<1xi32>
    %squeeze3A_572 = vector.extract %slice3A_571[0] : i32 from vector<1xi32>
    %add3A_573 = arith.addi %add3A_570, %squeeze3A_572 : i32
    %slice3A_574 = vector.extract_strided_slice %scan3A_555 {offsets = [6], sizes = [1], strides = [1]} : vector<16xi32> to vector<1xi32>
    %squeeze3A_575 = vector.extract %slice3A_574[0] : i32 from vector<1xi32>
    %add3A_576 = arith.addi %add3A_573, %squeeze3A_575 : i32
    %slice3A_577 = vector.extract_strided_slice %scan3A_555 {offsets = [7], sizes = [1], strides = [1]} : vector<16xi32> to vector<1xi32>
    %squeeze3A_578 = vector.extract %slice3A_577[0] : i32 from vector<1xi32>
    %add3A_579 = arith.addi %add3A_576, %squeeze3A_578 : i32
    %slice3A_580 = vector.extract_strided_slice %scan3A_555 {offsets = [8], sizes = [1], strides = [1]} : vector<16xi32> to vector<1xi32>
    %squeeze3A_581 = vector.extract %slice3A_580[0] : i32 from vector<1xi32>
    %add3A_582 = arith.addi %add3A_579, %squeeze3A_581 : i32
    %slice3A_583 = vector.extract_strided_slice %scan3A_555 {offsets = [9], sizes = [1], strides = [1]} : vector<16xi32> to vector<1xi32>
    %squeeze3A_584 = vector.extract %slice3A_583[0] : i32 from vector<1xi32>
    %add3A_585 = arith.addi %add3A_582, %squeeze3A_584 : i32
    %slice3A_586 = vector.extract_strided_slice %scan3A_555 {offsets = [10], sizes = [1], strides = [1]} : vector<16xi32> to vector<1xi32>
    %squeeze3A_587 = vector.extract %slice3A_586[0] : i32 from vector<1xi32>
    %add3A_588 = arith.addi %add3A_585, %squeeze3A_587 : i32
    %slice3A_589 = vector.extract_strided_slice %scan3A_555 {offsets = [11], sizes = [1], strides = [1]} : vector<16xi32> to vector<1xi32>
    %squeeze3A_590 = vector.extract %slice3A_589[0] : i32 from vector<1xi32>
    %add3A_591 = arith.addi %add3A_588, %squeeze3A_590 : i32
    %slice3A_592 = vector.extract_strided_slice %scan3A_555 {offsets = [12], sizes = [1], strides = [1]} : vector<16xi32> to vector<1xi32>
    %squeeze3A_593 = vector.extract %slice3A_592[0] : i32 from vector<1xi32>
    %add3A_594 = arith.addi %add3A_591, %squeeze3A_593 : i32
    %slice3A_595 = vector.extract_strided_slice %scan3A_555 {offsets = [13], sizes = [1], strides = [1]} : vector<16xi32> to vector<1xi32>
    %squeeze3A_596 = vector.extract %slice3A_595[0] : i32 from vector<1xi32>
    %add3A_597 = arith.addi %add3A_594, %squeeze3A_596 : i32
    %slice3A_598 = vector.extract_strided_slice %scan3A_555 {offsets = [14], sizes = [1], strides = [1]} : vector<16xi32> to vector<1xi32>
    %squeeze3A_599 = vector.extract %slice3A_598[0] : i32 from vector<1xi32>
    %add3A_600 = arith.addi %add3A_597, %squeeze3A_599 : i32
    %slice3A_601 = vector.extract_strided_slice %scan3A_555 {offsets = [15], sizes = [1], strides = [1]} : vector<16xi32> to vector<1xi32>
    %squeeze3A_602 = vector.extract %slice3A_601[0] : i32 from vector<1xi32>
    %add3A_603 = arith.addi %add3A_600, %squeeze3A_602 : i32
    %lt3A_604 = arith.constant 5 : i32
    %lt3A_605 = arith.cmpi slt, %add3A_603, %lt3A_604 : i32
    %convert_element_type3A_606 = arith.extui %lt3A_605 : i1 to i32
    %cond3A_607 = arith.constant 0 : i32
    %cond3A_608 = arith.cmpi ne, %convert_element_type3A_606, %cond3A_607 : i32
    scf.if %cond3A_608 {
      "tpu.region"() ({
        %run_scoped3A = tpu.sem_alloc : memref<!tpu.dma_semaphore, #tpu.memory_space<semaphore_mem>>
        %dma_start3A_1529 = arith.constant 1024 : i32
        %dma_start3A_1530 = tpu.memref_slice %arg6[%dma_start3A_1529] : memref<32896xf32, #tpu.memory_space<vmem>> -> memref<8192xf32, #tpu.memory_space<vmem>>
        %dma_start3A_1531 = arith.constant 1024 : i32
        %dma_start3A_1532 = tpu.memref_slice %arg2[%add3A_497, %dma_start3A_1531] : memref<128x32768xf32, #tpu.memory_space<hbm>> -> memref<1x8192xf32, #tpu.memory_space<hbm>>
        %dma_start3A_1533 = tpu.memref_squeeze %dma_start3A_1532 : memref<1x8192xf32, #tpu.memory_space<hbm>> -> memref<8192xf32, #tpu.memory_space<hbm>>
        %dma_start3A_1534 = arith.constant 1024 : i32
        %dma_start3A_1535 = tpu.memref_slice %arg6[%dma_start3A_1534] : memref<32896xf32, #tpu.memory_space<vmem>> -> memref<8192xf32, #tpu.memory_space<vmem>>
        %dma_start3A_1536 = arith.constant 1024 : i32
        %dma_start3A_1537 = tpu.memref_slice %arg2[%add3A_497, %dma_start3A_1536] : memref<128x32768xf32, #tpu.memory_space<hbm>> -> memref<1x8192xf32, #tpu.memory_space<hbm>>
        %dma_start3A_1538 = tpu.memref_squeeze %dma_start3A_1537 : memref<1x8192xf32, #tpu.memory_space<hbm>> -> memref<8192xf32, #tpu.memory_space<hbm>>
        tpu.enqueue_dma source(%dma_start3A_1538 : memref<8192xf32, #tpu.memory_space<hbm>>) target(%dma_start3A_1535 : memref<8192xf32, #tpu.memory_space<vmem>>) target_semaphore(%run_scoped3A : memref<!tpu.dma_semaphore, #tpu.memory_space<semaphore_mem>>)
        %dma_wait3A_1539 = arith.constant 1024 : i32
        %dma_wait3A_1540 = tpu.memref_slice %arg6[%dma_wait3A_1539] : memref<32896xf32, #tpu.memory_space<vmem>> -> memref<8192xf32, #tpu.memory_space<vmem>>
        %dma_wait3A_1541 = arith.constant 1024 : i32
        %dma_wait3A_1542 = tpu.memref_slice %arg2[%add3A_497, %dma_wait3A_1541] : memref<128x32768xf32, #tpu.memory_space<hbm>> -> memref<1x8192xf32, #tpu.memory_space<hbm>>
        %dma_wait3A_1543 = tpu.memref_squeeze %dma_wait3A_1542 : memref<1x8192xf32, #tpu.memory_space<hbm>> -> memref<8192xf32, #tpu.memory_space<hbm>>
        %dma_wait3A_1544 = arith.constant 1024 : i32
        %dma_wait3A_1545 = tpu.memref_slice %arg6[%dma_wait3A_1544] : memref<32896xf32, #tpu.memory_space<vmem>> -> memref<8192xf32, #tpu.memory_space<vmem>>
        %dma_wait3A_1546 = arith.constant 1024 : i32
        %dma_wait3A_1547 = tpu.memref_slice %arg2[%add3A_497, %dma_wait3A_1546] : memref<128x32768xf32, #tpu.memory_space<hbm>> -> memref<1x8192xf32, #tpu.memory_space<hbm>>
        %dma_wait3A_1548 = tpu.memref_squeeze %dma_wait3A_1547 : memref<1x8192xf32, #tpu.memory_space<hbm>> -> memref<8192xf32, #tpu.memory_space<hbm>>
        tpu.wait_dma2 semaphore(%run_scoped3A : memref<!tpu.dma_semaphore, #tpu.memory_space<semaphore_mem>>) src(%dma_wait3A_1548 : memref<8192xf32, #tpu.memory_space<hbm>>) dst(%dma_wait3A_1545 : memref<8192xf32, #tpu.memory_space<vmem>>)
        tpu.yield
      }) : () -> ()
    } else {
    }
    %lt3A_609 = arith.constant 5 : i32
    %lt3A_610 = arith.cmpi slt, %add3A_603, %lt3A_609 : i32
    %jit3A_611 = arith.constant 64 : i32
    %jit3A_612 = arith.constant 0 : i32
    %select_n3A_613 = arith.select %lt3A_610, %jit3A_611, %jit3A_612 : i32
    %while3A_614 = arith.constant 0 : i32
    %while3A_615 = arith.subi %select_n3A_613, %while3A_614 : i32
    %while3A_616 = arith.addi %while3A_614, %while3A_615 : i32
    %while3A_617 = arith.constant 1 : i32
    %while3A_618 = arith.divsi %while3A_615, %while3A_617 : i32
    %while3A_619 = arith.muli %while3A_618, %while3A_617 : i32
    %while3A_620 = arith.addi %while3A_614, %while3A_619 : i32
    %while3A_621 = arith.constant 1 : i32
    %while3A_622 = scf.for %while3A_1529 = %while3A_614 to %while3A_620 step %while3A_621 iter_args(%while3A_1530 = %broadcast_in_dim3A_155) -> (vector<16xi32>)  : i32 {
      %mul3A_1531 = arith.constant 128 : i32
      %mul3A_1532 = arith.muli %while3A_1529, %mul3A_1531 : i32
      %add3A_1533 = arith.constant 1024 : i32
      %add3A_1534 = arith.addi %add3A_1533, %mul3A_1532 : i32
      %add3A_1535 = arith.constant 0 : i32
      %add3A_1536 = arith.addi %add3A_1534, %add3A_1535 : i32
      %get3A_1537 = arith.index_cast %add3A_1536 : i32 to index
      %get3A_1538 = tpu.vector_load %arg6[%get3A_1537] {strides = array<i32>} : memref<32896xf32, #tpu.memory_space<vmem>>, vector<16xf32>,
      %get3A_1539 = vector.shape_cast %get3A_1538 : vector<16xf32> to vector<16xf32>
      %gt3A = arith.cmpf ogt, %get3A_1539, %add3A_550 : vector<16xf32>
      %select_n3A_1540 = arith.select %gt3A, %broadcast_in_dim3A_157, %broadcast_in_dim3A_155 : vector<16xi1>, vector<16xi32>
      %add3A_1541 = arith.addi %while3A_1530, %select_n3A_1540 : vector<16xi32>
      %mul3A_1542 = arith.constant 128 : i32
      %mul3A_1543 = arith.muli %while3A_1529, %mul3A_1542 : i32
      %add3A_1544 = arith.constant 1024 : i32
      %add3A_1545 = arith.addi %add3A_1544, %mul3A_1543 : i32
      %add3A_1546 = arith.constant 16 : i32
      %add3A_1547 = arith.addi %add3A_1545, %add3A_1546 : i32
      %get3A_1548 = arith.index_cast %add3A_1547 : i32 to index
      %get3A_1549 = tpu.vector_load %arg6[%get3A_1548] {strides = array<i32>} : memref<32896xf32, #tpu.memory_space<vmem>>, vector<16xf32>,
      %get3A_1550 = vector.shape_cast %get3A_1549 : vector<16xf32> to vector<16xf32>
      %gt3A_1551 = arith.cmpf ogt, %get3A_1550, %add3A_550 : vector<16xf32>
      %select_n3A_1552 = arith.select %gt3A_1551, %broadcast_in_dim3A_157, %broadcast_in_dim3A_155 : vector<16xi1>, vector<16xi32>
      %add3A_1553 = arith.addi %add3A_1541, %select_n3A_1552 : vector<16xi32>
      %mul3A_1554 = arith.constant 128 : i32
      %mul3A_1555 = arith.muli %while3A_1529, %mul3A_1554 : i32
      %add3A_1556 = arith.constant 1024 : i32
      %add3A_1557 = arith.addi %add3A_1556, %mul3A_1555 : i32
      %add3A_1558 = arith.constant 32 : i32
      %add3A_1559 = arith.addi %add3A_1557, %add3A_1558 : i32
      %get3A_1560 = arith.index_cast %add3A_1559 : i32 to index
      %get3A_1561 = tpu.vector_load %arg6[%get3A_1560] {strides = array<i32>} : memref<32896xf32, #tpu.memory_space<vmem>>, vector<16xf32>,
      %get3A_1562 = vector.shape_cast %get3A_1561 : vector<16xf32> to vector<16xf32>
      %gt3A_1563 = arith.cmpf ogt, %get3A_1562, %add3A_550 : vector<16xf32>
      %select_n3A_1564 = arith.select %gt3A_1563, %broadcast_in_dim3A_157, %broadcast_in_dim3A_155 : vector<16xi1>, vector<16xi32>
      %add3A_1565 = arith.addi %add3A_1553, %select_n3A_1564 : vector<16xi32>
      %mul3A_1566 = arith.constant 128 : i32
      %mul3A_1567 = arith.muli %while3A_1529, %mul3A_1566 : i32
      %add3A_1568 = arith.constant 1024 : i32
      %add3A_1569 = arith.addi %add3A_1568, %mul3A_1567 : i32
      %add3A_1570 = arith.constant 48 : i32
      %add3A_1571 = arith.addi %add3A_1569, %add3A_1570 : i32
      %get3A_1572 = arith.index_cast %add3A_1571 : i32 to index
      %get3A_1573 = tpu.vector_load %arg6[%get3A_1572] {strides = array<i32>} : memref<32896xf32, #tpu.memory_space<vmem>>, vector<16xf32>,
      %get3A_1574 = vector.shape_cast %get3A_1573 : vector<16xf32> to vector<16xf32>
      %gt3A_1575 = arith.cmpf ogt, %get3A_1574, %add3A_550 : vector<16xf32>
      %select_n3A_1576 = arith.select %gt3A_1575, %broadcast_in_dim3A_157, %broadcast_in_dim3A_155 : vector<16xi1>, vector<16xi32>
      %add3A_1577 = arith.addi %add3A_1565, %select_n3A_1576 : vector<16xi32>
      %mul3A_1578 = arith.constant 128 : i32
      %mul3A_1579 = arith.muli %while3A_1529, %mul3A_1578 : i32
      %add3A_1580 = arith.constant 1024 : i32
      %add3A_1581 = arith.addi %add3A_1580, %mul3A_1579 : i32
      %add3A_1582 = arith.constant 64 : i32
      %add3A_1583 = arith.addi %add3A_1581, %add3A_1582 : i32
      %get3A_1584 = arith.index_cast %add3A_1583 : i32 to index
      %get3A_1585 = tpu.vector_load %arg6[%get3A_1584] {strides = array<i32>} : memref<32896xf32, #tpu.memory_space<vmem>>, vector<16xf32>,
      %get3A_1586 = vector.shape_cast %get3A_1585 : vector<16xf32> to vector<16xf32>
      %gt3A_1587 = arith.cmpf ogt, %get3A_1586, %add3A_550 : vector<16xf32>
      %select_n3A_1588 = arith.select %gt3A_1587, %broadcast_in_dim3A_157, %broadcast_in_dim3A_155 : vector<16xi1>, vector<16xi32>
      %add3A_1589 = arith.addi %add3A_1577, %select_n3A_1588 : vector<16xi32>
      %mul3A_1590 = arith.constant 128 : i32
      %mul3A_1591 = arith.muli %while3A_1529, %mul3A_1590 : i32
      %add3A_1592 = arith.constant 1024 : i32
      %add3A_1593 = arith.addi %add3A_1592, %mul3A_1591 : i32
      %add3A_1594 = arith.constant 80 : i32
      %add3A_1595 = arith.addi %add3A_1593, %add3A_1594 : i32
      %get3A_1596 = arith.index_cast %add3A_1595 : i32 to index
      %get3A_1597 = tpu.vector_load %arg6[%get3A_1596] {strides = array<i32>} : memref<32896xf32, #tpu.memory_space<vmem>>, vector<16xf32>,
      %get3A_1598 = vector.shape_cast %get3A_1597 : vector<16xf32> to vector<16xf32>
      %gt3A_1599 = arith.cmpf ogt, %get3A_1598, %add3A_550 : vector<16xf32>
      %select_n3A_1600 = arith.select %gt3A_1599, %broadcast_in_dim3A_157, %broadcast_in_dim3A_155 : vector<16xi1>, vector<16xi32>
      %add3A_1601 = arith.addi %add3A_1589, %select_n3A_1600 : vector<16xi32>
      %mul3A_1602 = arith.constant 128 : i32
      %mul3A_1603 = arith.muli %while3A_1529, %mul3A_1602 : i32
      %add3A_1604 = arith.constant 1024 : i32
      %add3A_1605 = arith.addi %add3A_1604, %mul3A_1603 : i32
      %add3A_1606 = arith.constant 96 : i32
      %add3A_1607 = arith.addi %add3A_1605, %add3A_1606 : i32
      %get3A_1608 = arith.index_cast %add3A_1607 : i32 to index
      %get3A_1609 = tpu.vector_load %arg6[%get3A_1608] {strides = array<i32>} : memref<32896xf32, #tpu.memory_space<vmem>>, vector<16xf32>,
      %get3A_1610 = vector.shape_cast %get3A_1609 : vector<16xf32> to vector<16xf32>
      %gt3A_1611 = arith.cmpf ogt, %get3A_1610, %add3A_550 : vector<16xf32>
      %select_n3A_1612 = arith.select %gt3A_1611, %broadcast_in_dim3A_157, %broadcast_in_dim3A_155 : vector<16xi1>, vector<16xi32>
      %add3A_1613 = arith.addi %add3A_1601, %select_n3A_1612 : vector<16xi32>
      %mul3A_1614 = arith.constant 128 : i32
      %mul3A_1615 = arith.muli %while3A_1529, %mul3A_1614 : i32
      %add3A_1616 = arith.constant 1024 : i32
      %add3A_1617 = arith.addi %add3A_1616, %mul3A_1615 : i32
      %add3A_1618 = arith.constant 112 : i32
      %add3A_1619 = arith.addi %add3A_1617, %add3A_1618 : i32
      %get3A_1620 = arith.index_cast %add3A_1619 : i32 to index
      %get3A_1621 = tpu.vector_load %arg6[%get3A_1620] {strides = array<i32>} : memref<32896xf32, #tpu.memory_space<vmem>>, vector<16xf32>,
      %get3A_1622 = vector.shape_cast %get3A_1621 : vector<16xf32> to vector<16xf32>
      %gt3A_1623 = arith.cmpf ogt, %get3A_1622, %add3A_550 : vector<16xf32>
      %select_n3A_1624 = arith.select %gt3A_1623, %broadcast_in_dim3A_157, %broadcast_in_dim3A_155 : vector<16xi1>, vector<16xi32>
      %add3A_1625 = arith.addi %add3A_1613, %select_n3A_1624 : vector<16xi32>
      scf.yield %add3A_1625 : vector<16xi32>
    }
    %while3A_623 = arith.constant 1 : i32
    %while3A_624 = scf.for %while3A_1529 = %while3A_620 to %while3A_616 step %while3A_623 iter_args(%while3A_1530 = %while3A_622) -> (vector<16xi32>)  : i32 {
      %mul3A_1531 = arith.constant 128 : i32
      %mul3A_1532 = arith.muli %while3A_1529, %mul3A_1531 : i32
      %add3A_1533 = arith.constant 1024 : i32
      %add3A_1534 = arith.addi %add3A_1533, %mul3A_1532 : i32
      %add3A_1535 = arith.constant 0 : i32
      %add3A_1536 = arith.addi %add3A_1534, %add3A_1535 : i32
      %get3A_1537 = arith.index_cast %add3A_1536 : i32 to index
      %get3A_1538 = tpu.vector_load %arg6[%get3A_1537] {strides = array<i32>} : memref<32896xf32, #tpu.memory_space<vmem>>, vector<16xf32>,
      %get3A_1539 = vector.shape_cast %get3A_1538 : vector<16xf32> to vector<16xf32>
      %gt3A = arith.cmpf ogt, %get3A_1539, %add3A_550 : vector<16xf32>
      %select_n3A_1540 = arith.select %gt3A, %broadcast_in_dim3A_157, %broadcast_in_dim3A_155 : vector<16xi1>, vector<16xi32>
      %add3A_1541 = arith.addi %while3A_1530, %select_n3A_1540 : vector<16xi32>
      %mul3A_1542 = arith.constant 128 : i32
      %mul3A_1543 = arith.muli %while3A_1529, %mul3A_1542 : i32
      %add3A_1544 = arith.constant 1024 : i32
      %add3A_1545 = arith.addi %add3A_1544, %mul3A_1543 : i32
      %add3A_1546 = arith.constant 16 : i32
      %add3A_1547 = arith.addi %add3A_1545, %add3A_1546 : i32
      %get3A_1548 = arith.index_cast %add3A_1547 : i32 to index
      %get3A_1549 = tpu.vector_load %arg6[%get3A_1548] {strides = array<i32>} : memref<32896xf32, #tpu.memory_space<vmem>>, vector<16xf32>,
      %get3A_1550 = vector.shape_cast %get3A_1549 : vector<16xf32> to vector<16xf32>
      %gt3A_1551 = arith.cmpf ogt, %get3A_1550, %add3A_550 : vector<16xf32>
      %select_n3A_1552 = arith.select %gt3A_1551, %broadcast_in_dim3A_157, %broadcast_in_dim3A_155 : vector<16xi1>, vector<16xi32>
      %add3A_1553 = arith.addi %add3A_1541, %select_n3A_1552 : vector<16xi32>
      %mul3A_1554 = arith.constant 128 : i32
      %mul3A_1555 = arith.muli %while3A_1529, %mul3A_1554 : i32
      %add3A_1556 = arith.constant 1024 : i32
      %add3A_1557 = arith.addi %add3A_1556, %mul3A_1555 : i32
      %add3A_1558 = arith.constant 32 : i32
      %add3A_1559 = arith.addi %add3A_1557, %add3A_1558 : i32
      %get3A_1560 = arith.index_cast %add3A_1559 : i32 to index
      %get3A_1561 = tpu.vector_load %arg6[%get3A_1560] {strides = array<i32>} : memref<32896xf32, #tpu.memory_space<vmem>>, vector<16xf32>,
      %get3A_1562 = vector.shape_cast %get3A_1561 : vector<16xf32> to vector<16xf32>
      %gt3A_1563 = arith.cmpf ogt, %get3A_1562, %add3A_550 : vector<16xf32>
      %select_n3A_1564 = arith.select %gt3A_1563, %broadcast_in_dim3A_157, %broadcast_in_dim3A_155 : vector<16xi1>, vector<16xi32>
      %add3A_1565 = arith.addi %add3A_1553, %select_n3A_1564 : vector<16xi32>
      %mul3A_1566 = arith.constant 128 : i32
      %mul3A_1567 = arith.muli %while3A_1529, %mul3A_1566 : i32
      %add3A_1568 = arith.constant 1024 : i32
      %add3A_1569 = arith.addi %add3A_1568, %mul3A_1567 : i32
      %add3A_1570 = arith.constant 48 : i32
      %add3A_1571 = arith.addi %add3A_1569, %add3A_1570 : i32
      %get3A_1572 = arith.index_cast %add3A_1571 : i32 to index
      %get3A_1573 = tpu.vector_load %arg6[%get3A_1572] {strides = array<i32>} : memref<32896xf32, #tpu.memory_space<vmem>>, vector<16xf32>,
      %get3A_1574 = vector.shape_cast %get3A_1573 : vector<16xf32> to vector<16xf32>
      %gt3A_1575 = arith.cmpf ogt, %get3A_1574, %add3A_550 : vector<16xf32>
      %select_n3A_1576 = arith.select %gt3A_1575, %broadcast_in_dim3A_157, %broadcast_in_dim3A_155 : vector<16xi1>, vector<16xi32>
      %add3A_1577 = arith.addi %add3A_1565, %select_n3A_1576 : vector<16xi32>
      %mul3A_1578 = arith.constant 128 : i32
      %mul3A_1579 = arith.muli %while3A_1529, %mul3A_1578 : i32
      %add3A_1580 = arith.constant 1024 : i32
      %add3A_1581 = arith.addi %add3A_1580, %mul3A_1579 : i32
      %add3A_1582 = arith.constant 64 : i32
      %add3A_1583 = arith.addi %add3A_1581, %add3A_1582 : i32
      %get3A_1584 = arith.index_cast %add3A_1583 : i32 to index
      %get3A_1585 = tpu.vector_load %arg6[%get3A_1584] {strides = array<i32>} : memref<32896xf32, #tpu.memory_space<vmem>>, vector<16xf32>,
      %get3A_1586 = vector.shape_cast %get3A_1585 : vector<16xf32> to vector<16xf32>
      %gt3A_1587 = arith.cmpf ogt, %get3A_1586, %add3A_550 : vector<16xf32>
      %select_n3A_1588 = arith.select %gt3A_1587, %broadcast_in_dim3A_157, %broadcast_in_dim3A_155 : vector<16xi1>, vector<16xi32>
      %add3A_1589 = arith.addi %add3A_1577, %select_n3A_1588 : vector<16xi32>
      %mul3A_1590 = arith.constant 128 : i32
      %mul3A_1591 = arith.muli %while3A_1529, %mul3A_1590 : i32
      %add3A_1592 = arith.constant 1024 : i32
      %add3A_1593 = arith.addi %add3A_1592, %mul3A_1591 : i32
      %add3A_1594 = arith.constant 80 : i32
      %add3A_1595 = arith.addi %add3A_1593, %add3A_1594 : i32
      %get3A_1596 = arith.index_cast %add3A_1595 : i32 to index
      %get3A_1597 = tpu.vector_load %arg6[%get3A_1596] {strides = array<i32>} : memref<32896xf32, #tpu.memory_space<vmem>>, vector<16xf32>,
      %get3A_1598 = vector.shape_cast %get3A_1597 : vector<16xf32> to vector<16xf32>
      %gt3A_1599 = arith.cmpf ogt, %get3A_1598, %add3A_550 : vector<16xf32>
      %select_n3A_1600 = arith.select %gt3A_1599, %broadcast_in_dim3A_157, %broadcast_in_dim3A_155 : vector<16xi1>, vector<16xi32>
      %add3A_1601 = arith.addi %add3A_1589, %select_n3A_1600 : vector<16xi32>
      %mul3A_1602 = arith.constant 128 : i32
      %mul3A_1603 = arith.muli %while3A_1529, %mul3A_1602 : i32
      %add3A_1604 = arith.constant 1024 : i32
      %add3A_1605 = arith.addi %add3A_1604, %mul3A_1603 : i32
      %add3A_1606 = arith.constant 96 : i32
      %add3A_1607 = arith.addi %add3A_1605, %add3A_1606 : i32
      %get3A_1608 = arith.index_cast %add3A_1607 : i32 to index
      %get3A_1609 = tpu.vector_load %arg6[%get3A_1608] {strides = array<i32>} : memref<32896xf32, #tpu.memory_space<vmem>>, vector<16xf32>,
      %get3A_1610 = vector.shape_cast %get3A_1609 : vector<16xf32> to vector<16xf32>
      %gt3A_1611 = arith.cmpf ogt, %get3A_1610, %add3A_550 : vector<16xf32>
      %select_n3A_1612 = arith.select %gt3A_1611, %broadcast_in_dim3A_157, %broadcast_in_dim3A_155 : vector<16xi1>, vector<16xi32>
      %add3A_1613 = arith.addi %add3A_1601, %select_n3A_1612 : vector<16xi32>
      %mul3A_1614 = arith.constant 128 : i32
      %mul3A_1615 = arith.muli %while3A_1529, %mul3A_1614 : i32
      %add3A_1616 = arith.constant 1024 : i32
      %add3A_1617 = arith.addi %add3A_1616, %mul3A_1615 : i32
      %add3A_1618 = arith.constant 112 : i32
      %add3A_1619 = arith.addi %add3A_1617, %add3A_1618 : i32
      %get3A_1620 = arith.index_cast %add3A_1619 : i32 to index
      %get3A_1621 = tpu.vector_load %arg6[%get3A_1620] {strides = array<i32>} : memref<32896xf32, #tpu.memory_space<vmem>>, vector<16xf32>,
      %get3A_1622 = vector.shape_cast %get3A_1621 : vector<16xf32> to vector<16xf32>
      %gt3A_1623 = arith.cmpf ogt, %get3A_1622, %add3A_550 : vector<16xf32>
      %select_n3A_1624 = arith.select %gt3A_1623, %broadcast_in_dim3A_157, %broadcast_in_dim3A_155 : vector<16xi1>, vector<16xi32>
      %add3A_1625 = arith.addi %add3A_1613, %select_n3A_1624 : vector<16xi32>
      scf.yield %add3A_1625 : vector<16xi32>
    }
    %slice3A_625 = vector.extract_strided_slice %while3A_624 {offsets = [0], sizes = [1], strides = [1]} : vector<16xi32> to vector<1xi32>
    %squeeze3A_626 = vector.extract %slice3A_625[0] : i32 from vector<1xi32>
    %slice3A_627 = vector.extract_strided_slice %while3A_624 {offsets = [1], sizes = [1], strides = [1]} : vector<16xi32> to vector<1xi32>
    %squeeze3A_628 = vector.extract %slice3A_627[0] : i32 from vector<1xi32>
    %add3A_629 = arith.addi %squeeze3A_626, %squeeze3A_628 : i32
    %slice3A_630 = vector.extract_strided_slice %while3A_624 {offsets = [2], sizes = [1], strides = [1]} : vector<16xi32> to vector<1xi32>
    %squeeze3A_631 = vector.extract %slice3A_630[0] : i32 from vector<1xi32>
    %add3A_632 = arith.addi %add3A_629, %squeeze3A_631 : i32
    %slice3A_633 = vector.extract_strided_slice %while3A_624 {offsets = [3], sizes = [1], strides = [1]} : vector<16xi32> to vector<1xi32>
    %squeeze3A_634 = vector.extract %slice3A_633[0] : i32 from vector<1xi32>
    %add3A_635 = arith.addi %add3A_632, %squeeze3A_634 : i32
    %slice3A_636 = vector.extract_strided_slice %while3A_624 {offsets = [4], sizes = [1], strides = [1]} : vector<16xi32> to vector<1xi32>
    %squeeze3A_637 = vector.extract %slice3A_636[0] : i32 from vector<1xi32>
    %add3A_638 = arith.addi %add3A_635, %squeeze3A_637 : i32
    %slice3A_639 = vector.extract_strided_slice %while3A_624 {offsets = [5], sizes = [1], strides = [1]} : vector<16xi32> to vector<1xi32>
    %squeeze3A_640 = vector.extract %slice3A_639[0] : i32 from vector<1xi32>
    %add3A_641 = arith.addi %add3A_638, %squeeze3A_640 : i32
    %slice3A_642 = vector.extract_strided_slice %while3A_624 {offsets = [6], sizes = [1], strides = [1]} : vector<16xi32> to vector<1xi32>
    %squeeze3A_643 = vector.extract %slice3A_642[0] : i32 from vector<1xi32>
    %add3A_644 = arith.addi %add3A_641, %squeeze3A_643 : i32
    %slice3A_645 = vector.extract_strided_slice %while3A_624 {offsets = [7], sizes = [1], strides = [1]} : vector<16xi32> to vector<1xi32>
    %squeeze3A_646 = vector.extract %slice3A_645[0] : i32 from vector<1xi32>
    %add3A_647 = arith.addi %add3A_644, %squeeze3A_646 : i32
    %slice3A_648 = vector.extract_strided_slice %while3A_624 {offsets = [8], sizes = [1], strides = [1]} : vector<16xi32> to vector<1xi32>
    %squeeze3A_649 = vector.extract %slice3A_648[0] : i32 from vector<1xi32>
    %add3A_650 = arith.addi %add3A_647, %squeeze3A_649 : i32
    %slice3A_651 = vector.extract_strided_slice %while3A_624 {offsets = [9], sizes = [1], strides = [1]} : vector<16xi32> to vector<1xi32>
    %squeeze3A_652 = vector.extract %slice3A_651[0] : i32 from vector<1xi32>
    %add3A_653 = arith.addi %add3A_650, %squeeze3A_652 : i32
    %slice3A_654 = vector.extract_strided_slice %while3A_624 {offsets = [10], sizes = [1], strides = [1]} : vector<16xi32> to vector<1xi32>
    %squeeze3A_655 = vector.extract %slice3A_654[0] : i32 from vector<1xi32>
    %add3A_656 = arith.addi %add3A_653, %squeeze3A_655 : i32
    %slice3A_657 = vector.extract_strided_slice %while3A_624 {offsets = [11], sizes = [1], strides = [1]} : vector<16xi32> to vector<1xi32>
    %squeeze3A_658 = vector.extract %slice3A_657[0] : i32 from vector<1xi32>
    %add3A_659 = arith.addi %add3A_656, %squeeze3A_658 : i32
    %slice3A_660 = vector.extract_strided_slice %while3A_624 {offsets = [12], sizes = [1], strides = [1]} : vector<16xi32> to vector<1xi32>
    %squeeze3A_661 = vector.extract %slice3A_660[0] : i32 from vector<1xi32>
    %add3A_662 = arith.addi %add3A_659, %squeeze3A_661 : i32
    %slice3A_663 = vector.extract_strided_slice %while3A_624 {offsets = [13], sizes = [1], strides = [1]} : vector<16xi32> to vector<1xi32>
    %squeeze3A_664 = vector.extract %slice3A_663[0] : i32 from vector<1xi32>
    %add3A_665 = arith.addi %add3A_662, %squeeze3A_664 : i32
    %slice3A_666 = vector.extract_strided_slice %while3A_624 {offsets = [14], sizes = [1], strides = [1]} : vector<16xi32> to vector<1xi32>
    %squeeze3A_667 = vector.extract %slice3A_666[0] : i32 from vector<1xi32>
    %add3A_668 = arith.addi %add3A_665, %squeeze3A_667 : i32
    %slice3A_669 = vector.extract_strided_slice %while3A_624 {offsets = [15], sizes = [1], strides = [1]} : vector<16xi32> to vector<1xi32>
    %squeeze3A_670 = vector.extract %slice3A_669[0] : i32 from vector<1xi32>
    %add3A_671 = arith.addi %add3A_668, %squeeze3A_670 : i32
    %add3A_672 = arith.addi %add3A_603, %add3A_671 : i32
    %lt3A_673 = arith.constant 5 : i32
    %lt3A_674 = arith.cmpi slt, %add3A_672, %lt3A_673 : i32
    %convert_element_type3A_675 = arith.extui %lt3A_674 : i1 to i32
    %cond3A_676 = arith.constant 0 : i32
    %cond3A_677 = arith.cmpi ne, %convert_element_type3A_675, %cond3A_676 : i32
    scf.if %cond3A_677 {
      "tpu.region"() ({
        %run_scoped3A = tpu.sem_alloc : memref<!tpu.dma_semaphore, #tpu.memory_space<semaphore_mem>>
        %dma_start3A_1529 = arith.constant 9216 : i32
        %dma_start3A_1530 = tpu.memref_slice %arg6[%dma_start3A_1529] : memref<32896xf32, #tpu.memory_space<vmem>> -> memref<23552xf32, #tpu.memory_space<vmem>>
        %dma_start3A_1531 = arith.constant 9216 : i32
        %dma_start3A_1532 = tpu.memref_slice %arg2[%add3A_497, %dma_start3A_1531] : memref<128x32768xf32, #tpu.memory_space<hbm>> -> memref<1x23552xf32, #tpu.memory_space<hbm>>
        %dma_start3A_1533 = tpu.memref_squeeze %dma_start3A_1532 : memref<1x23552xf32, #tpu.memory_space<hbm>> -> memref<23552xf32, #tpu.memory_space<hbm>>
        %dma_start3A_1534 = arith.constant 9216 : i32
        %dma_start3A_1535 = tpu.memref_slice %arg6[%dma_start3A_1534] : memref<32896xf32, #tpu.memory_space<vmem>> -> memref<23552xf32, #tpu.memory_space<vmem>>
        %dma_start3A_1536 = arith.constant 9216 : i32
        %dma_start3A_1537 = tpu.memref_slice %arg2[%add3A_497, %dma_start3A_1536] : memref<128x32768xf32, #tpu.memory_space<hbm>> -> memref<1x23552xf32, #tpu.memory_space<hbm>>
        %dma_start3A_1538 = tpu.memref_squeeze %dma_start3A_1537 : memref<1x23552xf32, #tpu.memory_space<hbm>> -> memref<23552xf32, #tpu.memory_space<hbm>>
        tpu.enqueue_dma source(%dma_start3A_1538 : memref<23552xf32, #tpu.memory_space<hbm>>) target(%dma_start3A_1535 : memref<23552xf32, #tpu.memory_space<vmem>>) target_semaphore(%run_scoped3A : memref<!tpu.dma_semaphore, #tpu.memory_space<semaphore_mem>>)
        %dma_wait3A_1539 = arith.constant 9216 : i32
        %dma_wait3A_1540 = tpu.memref_slice %arg6[%dma_wait3A_1539] : memref<32896xf32, #tpu.memory_space<vmem>> -> memref<23552xf32, #tpu.memory_space<vmem>>
        %dma_wait3A_1541 = arith.constant 9216 : i32
        %dma_wait3A_1542 = tpu.memref_slice %arg2[%add3A_497, %dma_wait3A_1541] : memref<128x32768xf32, #tpu.memory_space<hbm>> -> memref<1x23552xf32, #tpu.memory_space<hbm>>
        %dma_wait3A_1543 = tpu.memref_squeeze %dma_wait3A_1542 : memref<1x23552xf32, #tpu.memory_space<hbm>> -> memref<23552xf32, #tpu.memory_space<hbm>>
        %dma_wait3A_1544 = arith.constant 9216 : i32
        %dma_wait3A_1545 = tpu.memref_slice %arg6[%dma_wait3A_1544] : memref<32896xf32, #tpu.memory_space<vmem>> -> memref<23552xf32, #tpu.memory_space<vmem>>
        %dma_wait3A_1546 = arith.constant 9216 : i32
        %dma_wait3A_1547 = tpu.memref_slice %arg2[%add3A_497, %dma_wait3A_1546] : memref<128x32768xf32, #tpu.memory_space<hbm>> -> memref<1x23552xf32, #tpu.memory_space<hbm>>
        %dma_wait3A_1548 = tpu.memref_squeeze %dma_wait3A_1547 : memref<1x23552xf32, #tpu.memory_space<hbm>> -> memref<23552xf32, #tpu.memory_space<hbm>>
        tpu.wait_dma2 semaphore(%run_scoped3A : memref<!tpu.dma_semaphore, #tpu.memory_space<semaphore_mem>>) src(%dma_wait3A_1548 : memref<23552xf32, #tpu.memory_space<hbm>>) dst(%dma_wait3A_1545 : memref<23552xf32, #tpu.memory_space<vmem>>)
        tpu.yield
      }) : () -> ()
    } else {
    }
    %lt3A_678 = arith.constant 5 : i32
    %lt3A_679 = arith.cmpi slt, %add3A_672, %lt3A_678 : i32
    %jit3A_680 = arith.constant 184 : i32
    %jit3A_681 = arith.constant 0 : i32
    %select_n3A_682 = arith.select %lt3A_679, %jit3A_680, %jit3A_681 : i32
    %while3A_683 = arith.constant 0 : i32
    %while3A_684 = arith.subi %select_n3A_682, %while3A_683 : i32
    %while3A_685 = arith.addi %while3A_683, %while3A_684 : i32
    %while3A_686 = arith.constant 1 : i32
    %while3A_687 = arith.divsi %while3A_684, %while3A_686 : i32
    %while3A_688 = arith.muli %while3A_687, %while3A_686 : i32
    %while3A_689 = arith.addi %while3A_683, %while3A_688 : i32
    %while3A_690 = arith.constant 1 : i32
    %while3A_691 = scf.for %while3A_1529 = %while3A_683 to %while3A_689 step %while3A_690 iter_args(%while3A_1530 = %broadcast_in_dim3A_155) -> (vector<16xi32>)  : i32 {
      %mul3A_1531 = arith.constant 128 : i32
      %mul3A_1532 = arith.muli %while3A_1529, %mul3A_1531 : i32
      %add3A_1533 = arith.constant 9216 : i32
      %add3A_1534 = arith.addi %add3A_1533, %mul3A_1532 : i32
      %add3A_1535 = arith.constant 0 : i32
      %add3A_1536 = arith.addi %add3A_1534, %add3A_1535 : i32
      %get3A_1537 = arith.index_cast %add3A_1536 : i32 to index
      %get3A_1538 = tpu.vector_load %arg6[%get3A_1537] {strides = array<i32>} : memref<32896xf32, #tpu.memory_space<vmem>>, vector<16xf32>,
      %get3A_1539 = vector.shape_cast %get3A_1538 : vector<16xf32> to vector<16xf32>
      %gt3A = arith.cmpf ogt, %get3A_1539, %add3A_550 : vector<16xf32>
      %select_n3A_1540 = arith.select %gt3A, %broadcast_in_dim3A_157, %broadcast_in_dim3A_155 : vector<16xi1>, vector<16xi32>
      %add3A_1541 = arith.addi %while3A_1530, %select_n3A_1540 : vector<16xi32>
      %mul3A_1542 = arith.constant 128 : i32
      %mul3A_1543 = arith.muli %while3A_1529, %mul3A_1542 : i32
      %add3A_1544 = arith.constant 9216 : i32
      %add3A_1545 = arith.addi %add3A_1544, %mul3A_1543 : i32
      %add3A_1546 = arith.constant 16 : i32
      %add3A_1547 = arith.addi %add3A_1545, %add3A_1546 : i32
      %get3A_1548 = arith.index_cast %add3A_1547 : i32 to index
      %get3A_1549 = tpu.vector_load %arg6[%get3A_1548] {strides = array<i32>} : memref<32896xf32, #tpu.memory_space<vmem>>, vector<16xf32>,
      %get3A_1550 = vector.shape_cast %get3A_1549 : vector<16xf32> to vector<16xf32>
      %gt3A_1551 = arith.cmpf ogt, %get3A_1550, %add3A_550 : vector<16xf32>
      %select_n3A_1552 = arith.select %gt3A_1551, %broadcast_in_dim3A_157, %broadcast_in_dim3A_155 : vector<16xi1>, vector<16xi32>
      %add3A_1553 = arith.addi %add3A_1541, %select_n3A_1552 : vector<16xi32>
      %mul3A_1554 = arith.constant 128 : i32
      %mul3A_1555 = arith.muli %while3A_1529, %mul3A_1554 : i32
      %add3A_1556 = arith.constant 9216 : i32
      %add3A_1557 = arith.addi %add3A_1556, %mul3A_1555 : i32
      %add3A_1558 = arith.constant 32 : i32
      %add3A_1559 = arith.addi %add3A_1557, %add3A_1558 : i32
      %get3A_1560 = arith.index_cast %add3A_1559 : i32 to index
      %get3A_1561 = tpu.vector_load %arg6[%get3A_1560] {strides = array<i32>} : memref<32896xf32, #tpu.memory_space<vmem>>, vector<16xf32>,
      %get3A_1562 = vector.shape_cast %get3A_1561 : vector<16xf32> to vector<16xf32>
      %gt3A_1563 = arith.cmpf ogt, %get3A_1562, %add3A_550 : vector<16xf32>
      %select_n3A_1564 = arith.select %gt3A_1563, %broadcast_in_dim3A_157, %broadcast_in_dim3A_155 : vector<16xi1>, vector<16xi32>
      %add3A_1565 = arith.addi %add3A_1553, %select_n3A_1564 : vector<16xi32>
      %mul3A_1566 = arith.constant 128 : i32
      %mul3A_1567 = arith.muli %while3A_1529, %mul3A_1566 : i32
      %add3A_1568 = arith.constant 9216 : i32
      %add3A_1569 = arith.addi %add3A_1568, %mul3A_1567 : i32
      %add3A_1570 = arith.constant 48 : i32
      %add3A_1571 = arith.addi %add3A_1569, %add3A_1570 : i32
      %get3A_1572 = arith.index_cast %add3A_1571 : i32 to index
      %get3A_1573 = tpu.vector_load %arg6[%get3A_1572] {strides = array<i32>} : memref<32896xf32, #tpu.memory_space<vmem>>, vector<16xf32>,
      %get3A_1574 = vector.shape_cast %get3A_1573 : vector<16xf32> to vector<16xf32>
      %gt3A_1575 = arith.cmpf ogt, %get3A_1574, %add3A_550 : vector<16xf32>
      %select_n3A_1576 = arith.select %gt3A_1575, %broadcast_in_dim3A_157, %broadcast_in_dim3A_155 : vector<16xi1>, vector<16xi32>
      %add3A_1577 = arith.addi %add3A_1565, %select_n3A_1576 : vector<16xi32>
      %mul3A_1578 = arith.constant 128 : i32
      %mul3A_1579 = arith.muli %while3A_1529, %mul3A_1578 : i32
      %add3A_1580 = arith.constant 9216 : i32
      %add3A_1581 = arith.addi %add3A_1580, %mul3A_1579 : i32
      %add3A_1582 = arith.constant 64 : i32
      %add3A_1583 = arith.addi %add3A_1581, %add3A_1582 : i32
      %get3A_1584 = arith.index_cast %add3A_1583 : i32 to index
      %get3A_1585 = tpu.vector_load %arg6[%get3A_1584] {strides = array<i32>} : memref<32896xf32, #tpu.memory_space<vmem>>, vector<16xf32>,
      %get3A_1586 = vector.shape_cast %get3A_1585 : vector<16xf32> to vector<16xf32>
      %gt3A_1587 = arith.cmpf ogt, %get3A_1586, %add3A_550 : vector<16xf32>
      %select_n3A_1588 = arith.select %gt3A_1587, %broadcast_in_dim3A_157, %broadcast_in_dim3A_155 : vector<16xi1>, vector<16xi32>
      %add3A_1589 = arith.addi %add3A_1577, %select_n3A_1588 : vector<16xi32>
      %mul3A_1590 = arith.constant 128 : i32
      %mul3A_1591 = arith.muli %while3A_1529, %mul3A_1590 : i32
      %add3A_1592 = arith.constant 9216 : i32
      %add3A_1593 = arith.addi %add3A_1592, %mul3A_1591 : i32
      %add3A_1594 = arith.constant 80 : i32
      %add3A_1595 = arith.addi %add3A_1593, %add3A_1594 : i32
      %get3A_1596 = arith.index_cast %add3A_1595 : i32 to index
      %get3A_1597 = tpu.vector_load %arg6[%get3A_1596] {strides = array<i32>} : memref<32896xf32, #tpu.memory_space<vmem>>, vector<16xf32>,
      %get3A_1598 = vector.shape_cast %get3A_1597 : vector<16xf32> to vector<16xf32>
      %gt3A_1599 = arith.cmpf ogt, %get3A_1598, %add3A_550 : vector<16xf32>
      %select_n3A_1600 = arith.select %gt3A_1599, %broadcast_in_dim3A_157, %broadcast_in_dim3A_155 : vector<16xi1>, vector<16xi32>
      %add3A_1601 = arith.addi %add3A_1589, %select_n3A_1600 : vector<16xi32>
      %mul3A_1602 = arith.constant 128 : i32
      %mul3A_1603 = arith.muli %while3A_1529, %mul3A_1602 : i32
      %add3A_1604 = arith.constant 9216 : i32
      %add3A_1605 = arith.addi %add3A_1604, %mul3A_1603 : i32
      %add3A_1606 = arith.constant 96 : i32
      %add3A_1607 = arith.addi %add3A_1605, %add3A_1606 : i32
      %get3A_1608 = arith.index_cast %add3A_1607 : i32 to index
      %get3A_1609 = tpu.vector_load %arg6[%get3A_1608] {strides = array<i32>} : memref<32896xf32, #tpu.memory_space<vmem>>, vector<16xf32>,
      %get3A_1610 = vector.shape_cast %get3A_1609 : vector<16xf32> to vector<16xf32>
      %gt3A_1611 = arith.cmpf ogt, %get3A_1610, %add3A_550 : vector<16xf32>
      %select_n3A_1612 = arith.select %gt3A_1611, %broadcast_in_dim3A_157, %broadcast_in_dim3A_155 : vector<16xi1>, vector<16xi32>
      %add3A_1613 = arith.addi %add3A_1601, %select_n3A_1612 : vector<16xi32>
      %mul3A_1614 = arith.constant 128 : i32
      %mul3A_1615 = arith.muli %while3A_1529, %mul3A_1614 : i32
      %add3A_1616 = arith.constant 9216 : i32
      %add3A_1617 = arith.addi %add3A_1616, %mul3A_1615 : i32
      %add3A_1618 = arith.constant 112 : i32
      %add3A_1619 = arith.addi %add3A_1617, %add3A_1618 : i32
      %get3A_1620 = arith.index_cast %add3A_1619 : i32 to index
      %get3A_1621 = tpu.vector_load %arg6[%get3A_1620] {strides = array<i32>} : memref<32896xf32, #tpu.memory_space<vmem>>, vector<16xf32>,
      %get3A_1622 = vector.shape_cast %get3A_1621 : vector<16xf32> to vector<16xf32>
      %gt3A_1623 = arith.cmpf ogt, %get3A_1622, %add3A_550 : vector<16xf32>
      %select_n3A_1624 = arith.select %gt3A_1623, %broadcast_in_dim3A_157, %broadcast_in_dim3A_155 : vector<16xi1>, vector<16xi32>
      %add3A_1625 = arith.addi %add3A_1613, %select_n3A_1624 : vector<16xi32>
      scf.yield %add3A_1625 : vector<16xi32>
    }
    %while3A_692 = arith.constant 1 : i32
    %while3A_693 = scf.for %while3A_1529 = %while3A_689 to %while3A_685 step %while3A_692 iter_args(%while3A_1530 = %while3A_691) -> (vector<16xi32>)  : i32 {
      %mul3A_1531 = arith.constant 128 : i32
      %mul3A_1532 = arith.muli %while3A_1529, %mul3A_1531 : i32
      %add3A_1533 = arith.constant 9216 : i32
      %add3A_1534 = arith.addi %add3A_1533, %mul3A_1532 : i32
      %add3A_1535 = arith.constant 0 : i32
      %add3A_1536 = arith.addi %add3A_1534, %add3A_1535 : i32
      %get3A_1537 = arith.index_cast %add3A_1536 : i32 to index
      %get3A_1538 = tpu.vector_load %arg6[%get3A_1537] {strides = array<i32>} : memref<32896xf32, #tpu.memory_space<vmem>>, vector<16xf32>,
      %get3A_1539 = vector.shape_cast %get3A_1538 : vector<16xf32> to vector<16xf32>
      %gt3A = arith.cmpf ogt, %get3A_1539, %add3A_550 : vector<16xf32>
      %select_n3A_1540 = arith.select %gt3A, %broadcast_in_dim3A_157, %broadcast_in_dim3A_155 : vector<16xi1>, vector<16xi32>
      %add3A_1541 = arith.addi %while3A_1530, %select_n3A_1540 : vector<16xi32>
      %mul3A_1542 = arith.constant 128 : i32
      %mul3A_1543 = arith.muli %while3A_1529, %mul3A_1542 : i32
      %add3A_1544 = arith.constant 9216 : i32
      %add3A_1545 = arith.addi %add3A_1544, %mul3A_1543 : i32
      %add3A_1546 = arith.constant 16 : i32
      %add3A_1547 = arith.addi %add3A_1545, %add3A_1546 : i32
      %get3A_1548 = arith.index_cast %add3A_1547 : i32 to index
      %get3A_1549 = tpu.vector_load %arg6[%get3A_1548] {strides = array<i32>} : memref<32896xf32, #tpu.memory_space<vmem>>, vector<16xf32>,
      %get3A_1550 = vector.shape_cast %get3A_1549 : vector<16xf32> to vector<16xf32>
      %gt3A_1551 = arith.cmpf ogt, %get3A_1550, %add3A_550 : vector<16xf32>
      %select_n3A_1552 = arith.select %gt3A_1551, %broadcast_in_dim3A_157, %broadcast_in_dim3A_155 : vector<16xi1>, vector<16xi32>
      %add3A_1553 = arith.addi %add3A_1541, %select_n3A_1552 : vector<16xi32>
      %mul3A_1554 = arith.constant 128 : i32
      %mul3A_1555 = arith.muli %while3A_1529, %mul3A_1554 : i32
      %add3A_1556 = arith.constant 9216 : i32
      %add3A_1557 = arith.addi %add3A_1556, %mul3A_1555 : i32
      %add3A_1558 = arith.constant 32 : i32
      %add3A_1559 = arith.addi %add3A_1557, %add3A_1558 : i32
      %get3A_1560 = arith.index_cast %add3A_1559 : i32 to index
      %get3A_1561 = tpu.vector_load %arg6[%get3A_1560] {strides = array<i32>} : memref<32896xf32, #tpu.memory_space<vmem>>, vector<16xf32>,
      %get3A_1562 = vector.shape_cast %get3A_1561 : vector<16xf32> to vector<16xf32>
      %gt3A_1563 = arith.cmpf ogt, %get3A_1562, %add3A_550 : vector<16xf32>
      %select_n3A_1564 = arith.select %gt3A_1563, %broadcast_in_dim3A_157, %broadcast_in_dim3A_155 : vector<16xi1>, vector<16xi32>
      %add3A_1565 = arith.addi %add3A_1553, %select_n3A_1564 : vector<16xi32>
      %mul3A_1566 = arith.constant 128 : i32
      %mul3A_1567 = arith.muli %while3A_1529, %mul3A_1566 : i32
      %add3A_1568 = arith.constant 9216 : i32
      %add3A_1569 = arith.addi %add3A_1568, %mul3A_1567 : i32
      %add3A_1570 = arith.constant 48 : i32
      %add3A_1571 = arith.addi %add3A_1569, %add3A_1570 : i32
      %get3A_1572 = arith.index_cast %add3A_1571 : i32 to index
      %get3A_1573 = tpu.vector_load %arg6[%get3A_1572] {strides = array<i32>} : memref<32896xf32, #tpu.memory_space<vmem>>, vector<16xf32>,
      %get3A_1574 = vector.shape_cast %get3A_1573 : vector<16xf32> to vector<16xf32>
      %gt3A_1575 = arith.cmpf ogt, %get3A_1574, %add3A_550 : vector<16xf32>
      %select_n3A_1576 = arith.select %gt3A_1575, %broadcast_in_dim3A_157, %broadcast_in_dim3A_155 : vector<16xi1>, vector<16xi32>
      %add3A_1577 = arith.addi %add3A_1565, %select_n3A_1576 : vector<16xi32>
      %mul3A_1578 = arith.constant 128 : i32
      %mul3A_1579 = arith.muli %while3A_1529, %mul3A_1578 : i32
      %add3A_1580 = arith.constant 9216 : i32
      %add3A_1581 = arith.addi %add3A_1580, %mul3A_1579 : i32
      %add3A_1582 = arith.constant 64 : i32
      %add3A_1583 = arith.addi %add3A_1581, %add3A_1582 : i32
      %get3A_1584 = arith.index_cast %add3A_1583 : i32 to index
      %get3A_1585 = tpu.vector_load %arg6[%get3A_1584] {strides = array<i32>} : memref<32896xf32, #tpu.memory_space<vmem>>, vector<16xf32>,
      %get3A_1586 = vector.shape_cast %get3A_1585 : vector<16xf32> to vector<16xf32>
      %gt3A_1587 = arith.cmpf ogt, %get3A_1586, %add3A_550 : vector<16xf32>
      %select_n3A_1588 = arith.select %gt3A_1587, %broadcast_in_dim3A_157, %broadcast_in_dim3A_155 : vector<16xi1>, vector<16xi32>
      %add3A_1589 = arith.addi %add3A_1577, %select_n3A_1588 : vector<16xi32>
      %mul3A_1590 = arith.constant 128 : i32
      %mul3A_1591 = arith.muli %while3A_1529, %mul3A_1590 : i32
      %add3A_1592 = arith.constant 9216 : i32
      %add3A_1593 = arith.addi %add3A_1592, %mul3A_1591 : i32
      %add3A_1594 = arith.constant 80 : i32
      %add3A_1595 = arith.addi %add3A_1593, %add3A_1594 : i32
      %get3A_1596 = arith.index_cast %add3A_1595 : i32 to index
      %get3A_1597 = tpu.vector_load %arg6[%get3A_1596] {strides = array<i32>} : memref<32896xf32, #tpu.memory_space<vmem>>, vector<16xf32>,
      %get3A_1598 = vector.shape_cast %get3A_1597 : vector<16xf32> to vector<16xf32>
      %gt3A_1599 = arith.cmpf ogt, %get3A_1598, %add3A_550 : vector<16xf32>
      %select_n3A_1600 = arith.select %gt3A_1599, %broadcast_in_dim3A_157, %broadcast_in_dim3A_155 : vector<16xi1>, vector<16xi32>
      %add3A_1601 = arith.addi %add3A_1589, %select_n3A_1600 : vector<16xi32>
      %mul3A_1602 = arith.constant 128 : i32
      %mul3A_1603 = arith.muli %while3A_1529, %mul3A_1602 : i32
      %add3A_1604 = arith.constant 9216 : i32
      %add3A_1605 = arith.addi %add3A_1604, %mul3A_1603 : i32
      %add3A_1606 = arith.constant 96 : i32
      %add3A_1607 = arith.addi %add3A_1605, %add3A_1606 : i32
      %get3A_1608 = arith.index_cast %add3A_1607 : i32 to index
      %get3A_1609 = tpu.vector_load %arg6[%get3A_1608] {strides = array<i32>} : memref<32896xf32, #tpu.memory_space<vmem>>, vector<16xf32>,
      %get3A_1610 = vector.shape_cast %get3A_1609 : vector<16xf32> to vector<16xf32>
      %gt3A_1611 = arith.cmpf ogt, %get3A_1610, %add3A_550 : vector<16xf32>
      %select_n3A_1612 = arith.select %gt3A_1611, %broadcast_in_dim3A_157, %broadcast_in_dim3A_155 : vector<16xi1>, vector<16xi32>
      %add3A_1613 = arith.addi %add3A_1601, %select_n3A_1612 : vector<16xi32>
      %mul3A_1614 = arith.constant 128 : i32
      %mul3A_1615 = arith.muli %while3A_1529, %mul3A_1614 : i32
      %add3A_1616 = arith.constant 9216 : i32
      %add3A_1617 = arith.addi %add3A_1616, %mul3A_1615 : i32
      %add3A_1618 = arith.constant 112 : i32
      %add3A_1619 = arith.addi %add3A_1617, %add3A_1618 : i32
      %get3A_1620 = arith.index_cast %add3A_1619 : i32 to index
      %get3A_1621 = tpu.vector_load %arg6[%get3A_1620] {strides = array<i32>} : memref<32896xf32, #tpu.memory_space<vmem>>, vector<16xf32>,
      %get3A_1622 = vector.shape_cast %get3A_1621 : vector<16xf32> to vector<16xf32>
      %gt3A_1623 = arith.cmpf ogt, %get3A_1622, %add3A_550 : vector<16xf32>
      %select_n3A_1624 = arith.select %gt3A_1623, %broadcast_in_dim3A_157, %broadcast_in_dim3A_155 : vector<16xi1>, vector<16xi32>
      %add3A_1625 = arith.addi %add3A_1613, %select_n3A_1624 : vector<16xi32>
      scf.yield %add3A_1625 : vector<16xi32>
    }
    %slice3A_694 = vector.extract_strided_slice %while3A_693 {offsets = [0], sizes = [1], strides = [1]} : vector<16xi32> to vector<1xi32>
    %squeeze3A_695 = vector.extract %slice3A_694[0] : i32 from vector<1xi32>
    %slice3A_696 = vector.extract_strided_slice %while3A_693 {offsets = [1], sizes = [1], strides = [1]} : vector<16xi32> to vector<1xi32>
    %squeeze3A_697 = vector.extract %slice3A_696[0] : i32 from vector<1xi32>
    %add3A_698 = arith.addi %squeeze3A_695, %squeeze3A_697 : i32
    %slice3A_699 = vector.extract_strided_slice %while3A_693 {offsets = [2], sizes = [1], strides = [1]} : vector<16xi32> to vector<1xi32>
    %squeeze3A_700 = vector.extract %slice3A_699[0] : i32 from vector<1xi32>
    %add3A_701 = arith.addi %add3A_698, %squeeze3A_700 : i32
    %slice3A_702 = vector.extract_strided_slice %while3A_693 {offsets = [3], sizes = [1], strides = [1]} : vector<16xi32> to vector<1xi32>
    %squeeze3A_703 = vector.extract %slice3A_702[0] : i32 from vector<1xi32>
    %add3A_704 = arith.addi %add3A_701, %squeeze3A_703 : i32
    %slice3A_705 = vector.extract_strided_slice %while3A_693 {offsets = [4], sizes = [1], strides = [1]} : vector<16xi32> to vector<1xi32>
    %squeeze3A_706 = vector.extract %slice3A_705[0] : i32 from vector<1xi32>
    %add3A_707 = arith.addi %add3A_704, %squeeze3A_706 : i32
    %slice3A_708 = vector.extract_strided_slice %while3A_693 {offsets = [5], sizes = [1], strides = [1]} : vector<16xi32> to vector<1xi32>
    %squeeze3A_709 = vector.extract %slice3A_708[0] : i32 from vector<1xi32>
    %add3A_710 = arith.addi %add3A_707, %squeeze3A_709 : i32
    %slice3A_711 = vector.extract_strided_slice %while3A_693 {offsets = [6], sizes = [1], strides = [1]} : vector<16xi32> to vector<1xi32>
    %squeeze3A_712 = vector.extract %slice3A_711[0] : i32 from vector<1xi32>
    %add3A_713 = arith.addi %add3A_710, %squeeze3A_712 : i32
    %slice3A_714 = vector.extract_strided_slice %while3A_693 {offsets = [7], sizes = [1], strides = [1]} : vector<16xi32> to vector<1xi32>
    %squeeze3A_715 = vector.extract %slice3A_714[0] : i32 from vector<1xi32>
    %add3A_716 = arith.addi %add3A_713, %squeeze3A_715 : i32
    %slice3A_717 = vector.extract_strided_slice %while3A_693 {offsets = [8], sizes = [1], strides = [1]} : vector<16xi32> to vector<1xi32>
    %squeeze3A_718 = vector.extract %slice3A_717[0] : i32 from vector<1xi32>
    %add3A_719 = arith.addi %add3A_716, %squeeze3A_718 : i32
    %slice3A_720 = vector.extract_strided_slice %while3A_693 {offsets = [9], sizes = [1], strides = [1]} : vector<16xi32> to vector<1xi32>
    %squeeze3A_721 = vector.extract %slice3A_720[0] : i32 from vector<1xi32>
    %add3A_722 = arith.addi %add3A_719, %squeeze3A_721 : i32
    %slice3A_723 = vector.extract_strided_slice %while3A_693 {offsets = [10], sizes = [1], strides = [1]} : vector<16xi32> to vector<1xi32>
    %squeeze3A_724 = vector.extract %slice3A_723[0] : i32 from vector<1xi32>
    %add3A_725 = arith.addi %add3A_722, %squeeze3A_724 : i32
    %slice3A_726 = vector.extract_strided_slice %while3A_693 {offsets = [11], sizes = [1], strides = [1]} : vector<16xi32> to vector<1xi32>
    %squeeze3A_727 = vector.extract %slice3A_726[0] : i32 from vector<1xi32>
    %add3A_728 = arith.addi %add3A_725, %squeeze3A_727 : i32
    %slice3A_729 = vector.extract_strided_slice %while3A_693 {offsets = [12], sizes = [1], strides = [1]} : vector<16xi32> to vector<1xi32>
    %squeeze3A_730 = vector.extract %slice3A_729[0] : i32 from vector<1xi32>
    %add3A_731 = arith.addi %add3A_728, %squeeze3A_730 : i32
    %slice3A_732 = vector.extract_strided_slice %while3A_693 {offsets = [13], sizes = [1], strides = [1]} : vector<16xi32> to vector<1xi32>
    %squeeze3A_733 = vector.extract %slice3A_732[0] : i32 from vector<1xi32>
    %add3A_734 = arith.addi %add3A_731, %squeeze3A_733 : i32
    %slice3A_735 = vector.extract_strided_slice %while3A_693 {offsets = [14], sizes = [1], strides = [1]} : vector<16xi32> to vector<1xi32>
    %squeeze3A_736 = vector.extract %slice3A_735[0] : i32 from vector<1xi32>
    %add3A_737 = arith.addi %add3A_734, %squeeze3A_736 : i32
    %slice3A_738 = vector.extract_strided_slice %while3A_693 {offsets = [15], sizes = [1], strides = [1]} : vector<16xi32> to vector<1xi32>
    %squeeze3A_739 = vector.extract %slice3A_738[0] : i32 from vector<1xi32>
    %add3A_740 = arith.addi %add3A_737, %squeeze3A_739 : i32
    %add3A_741 = arith.addi %add3A_672, %add3A_740 : i32
    %lt3A_742 = arith.constant 5 : i32
    %lt3A_743 = arith.cmpi slt, %add3A_741, %lt3A_742 : i32
    %add3A_744 = arith.constant 128 : i32
    %add3A_745 = arith.addi %squeeze3A_22, %add3A_744 : i32
    %sub3A_746 = arith.constant 1 : i32
    %sub3A_747 = arith.subi %add3A_745, %sub3A_746 : i32
    %jit3A_748 = arith.constant 128 : i32
    %div3A_749 = arith.divsi %sub3A_747, %jit3A_748 : i32
    %sign3A_750 = arith.constant 0 : i32
    %sign3A_751 = arith.cmpi sgt, %sub3A_747, %sign3A_750 : i32
    %sign3A_752 = arith.extui %sign3A_751 : i1 to i32
    %sign3A_753 = arith.constant 0 : i32
    %sign3A_754 = arith.cmpi slt, %sub3A_747, %sign3A_753 : i32
    %sign3A_755 = arith.extui %sign3A_754 : i1 to i32
    %sign3A_756 = arith.subi %sign3A_752, %sign3A_755 : i32
    %sign3A_757 = arith.constant 0 : i32
    %sign3A_758 = arith.cmpi sgt, %jit3A_748, %sign3A_757 : i32
    %sign3A_759 = arith.extui %sign3A_758 : i1 to i32
    %sign3A_760 = arith.constant 0 : i32
    %sign3A_761 = arith.cmpi slt, %jit3A_748, %sign3A_760 : i32
    %sign3A_762 = arith.extui %sign3A_761 : i1 to i32
    %sign3A_763 = arith.subi %sign3A_759, %sign3A_762 : i32
    %ne3A_764 = arith.cmpi ne, %sign3A_756, %sign3A_763 : i32
    %rem3A_765 = arith.remsi %sub3A_747, %jit3A_748 : i32
    %ne3A_766 = arith.constant 0 : i32
    %ne3A_767 = arith.cmpi ne, %rem3A_765, %ne3A_766 : i32
    %and3A_768 = arith.andi %ne3A_764, %ne3A_767 : i1
    %sub3A_769 = arith.constant 1 : i32
    %sub3A_770 = arith.subi %div3A_749, %sub3A_769 : i32
    %select_n3A_771 = arith.select %and3A_768, %sub3A_770, %div3A_749 : i32
    %jit3A_772 = arith.constant 0 : i32
    %select_n3A_773 = arith.select %lt3A_743, %select_n3A_771, %jit3A_772 : i32
    %while3A_774 = arith.constant 0 : i32
    %while3A_775 = arith.subi %select_n3A_773, %while3A_774 : i32
    %while3A_776 = arith.addi %while3A_774, %while3A_775 : i32
    %while3A_777 = arith.constant 1 : i32
    %while3A_778 = arith.divsi %while3A_775, %while3A_777 : i32
    %while3A_779 = arith.muli %while3A_778, %while3A_777 : i32
    %while3A_780 = arith.addi %while3A_774, %while3A_779 : i32
    %while3A_781 = arith.constant 1 : i32
    %while3A_782 = scf.for %while3A_1529 = %while3A_774 to %while3A_780 step %while3A_781 iter_args(%while3A_1530 = %broadcast_in_dim3A_155) -> (vector<16xi32>)  : i32 {
      %mul3A_1531 = arith.constant 128 : i32
      %mul3A_1532 = arith.muli %while3A_1529, %mul3A_1531 : i32
      %add3A_1533 = arith.constant 0 : i32
      %add3A_1534 = arith.addi %mul3A_1532, %add3A_1533 : i32
      %get3A_1535 = arith.index_cast %add3A_1534 : i32 to index
      %get3A_1536 = tpu.vector_load %arg6[%get3A_1535] {strides = array<i32>} : memref<32896xf32, #tpu.memory_space<vmem>>, vector<16xf32>,
      %get3A_1537 = vector.shape_cast %get3A_1536 : vector<16xf32> to vector<16xf32>
      %add3A_1538 = vector.broadcast %add3A_1534 : i32 to vector<16xi32>
      %add3A_1539 = arith.addi %iota3A, %add3A_1538 : vector<16xi32>
      %eq3A = arith.cmpf oeq, %get3A_1537, %add3A_550 : vector<16xf32>
      %lt3A_1540 = arith.cmpi slt, %add3A_1539, %add3A_539 : vector<16xi32>
      %and3A_1541 = arith.andi %eq3A, %lt3A_1540 : vector<16xi1>
      %select_n3A_1542 = arith.select %and3A_1541, %broadcast_in_dim3A_157, %broadcast_in_dim3A_155 : vector<16xi1>, vector<16xi32>
      %add3A_1543 = arith.addi %while3A_1530, %select_n3A_1542 : vector<16xi32>
      %mul3A_1544 = arith.constant 128 : i32
      %mul3A_1545 = arith.muli %while3A_1529, %mul3A_1544 : i32
      %add3A_1546 = arith.constant 16 : i32
      %add3A_1547 = arith.addi %mul3A_1545, %add3A_1546 : i32
      %get3A_1548 = arith.index_cast %add3A_1547 : i32 to index
      %get3A_1549 = tpu.vector_load %arg6[%get3A_1548] {strides = array<i32>} : memref<32896xf32, #tpu.memory_space<vmem>>, vector<16xf32>,
      %get3A_1550 = vector.shape_cast %get3A_1549 : vector<16xf32> to vector<16xf32>
      %add3A_1551 = vector.broadcast %add3A_1547 : i32 to vector<16xi32>
      %add3A_1552 = arith.addi %iota3A, %add3A_1551 : vector<16xi32>
      %eq3A_1553 = arith.cmpf oeq, %get3A_1550, %add3A_550 : vector<16xf32>
      %lt3A_1554 = arith.cmpi slt, %add3A_1552, %add3A_539 : vector<16xi32>
      %and3A_1555 = arith.andi %eq3A_1553, %lt3A_1554 : vector<16xi1>
      %select_n3A_1556 = arith.select %and3A_1555, %broadcast_in_dim3A_157, %broadcast_in_dim3A_155 : vector<16xi1>, vector<16xi32>
      %add3A_1557 = arith.addi %add3A_1543, %select_n3A_1556 : vector<16xi32>
      %mul3A_1558 = arith.constant 128 : i32
      %mul3A_1559 = arith.muli %while3A_1529, %mul3A_1558 : i32
      %add3A_1560 = arith.constant 32 : i32
      %add3A_1561 = arith.addi %mul3A_1559, %add3A_1560 : i32
      %get3A_1562 = arith.index_cast %add3A_1561 : i32 to index
      %get3A_1563 = tpu.vector_load %arg6[%get3A_1562] {strides = array<i32>} : memref<32896xf32, #tpu.memory_space<vmem>>, vector<16xf32>,
      %get3A_1564 = vector.shape_cast %get3A_1563 : vector<16xf32> to vector<16xf32>
      %add3A_1565 = vector.broadcast %add3A_1561 : i32 to vector<16xi32>
      %add3A_1566 = arith.addi %iota3A, %add3A_1565 : vector<16xi32>
      %eq3A_1567 = arith.cmpf oeq, %get3A_1564, %add3A_550 : vector<16xf32>
      %lt3A_1568 = arith.cmpi slt, %add3A_1566, %add3A_539 : vector<16xi32>
      %and3A_1569 = arith.andi %eq3A_1567, %lt3A_1568 : vector<16xi1>
      %select_n3A_1570 = arith.select %and3A_1569, %broadcast_in_dim3A_157, %broadcast_in_dim3A_155 : vector<16xi1>, vector<16xi32>
      %add3A_1571 = arith.addi %add3A_1557, %select_n3A_1570 : vector<16xi32>
      %mul3A_1572 = arith.constant 128 : i32
      %mul3A_1573 = arith.muli %while3A_1529, %mul3A_1572 : i32
      %add3A_1574 = arith.constant 48 : i32
      %add3A_1575 = arith.addi %mul3A_1573, %add3A_1574 : i32
      %get3A_1576 = arith.index_cast %add3A_1575 : i32 to index
      %get3A_1577 = tpu.vector_load %arg6[%get3A_1576] {strides = array<i32>} : memref<32896xf32, #tpu.memory_space<vmem>>, vector<16xf32>,
      %get3A_1578 = vector.shape_cast %get3A_1577 : vector<16xf32> to vector<16xf32>
      %add3A_1579 = vector.broadcast %add3A_1575 : i32 to vector<16xi32>
      %add3A_1580 = arith.addi %iota3A, %add3A_1579 : vector<16xi32>
      %eq3A_1581 = arith.cmpf oeq, %get3A_1578, %add3A_550 : vector<16xf32>
      %lt3A_1582 = arith.cmpi slt, %add3A_1580, %add3A_539 : vector<16xi32>
      %and3A_1583 = arith.andi %eq3A_1581, %lt3A_1582 : vector<16xi1>
      %select_n3A_1584 = arith.select %and3A_1583, %broadcast_in_dim3A_157, %broadcast_in_dim3A_155 : vector<16xi1>, vector<16xi32>
      %add3A_1585 = arith.addi %add3A_1571, %select_n3A_1584 : vector<16xi32>
      %mul3A_1586 = arith.constant 128 : i32
      %mul3A_1587 = arith.muli %while3A_1529, %mul3A_1586 : i32
      %add3A_1588 = arith.constant 64 : i32
      %add3A_1589 = arith.addi %mul3A_1587, %add3A_1588 : i32
      %get3A_1590 = arith.index_cast %add3A_1589 : i32 to index
      %get3A_1591 = tpu.vector_load %arg6[%get3A_1590] {strides = array<i32>} : memref<32896xf32, #tpu.memory_space<vmem>>, vector<16xf32>,
      %get3A_1592 = vector.shape_cast %get3A_1591 : vector<16xf32> to vector<16xf32>
      %add3A_1593 = vector.broadcast %add3A_1589 : i32 to vector<16xi32>
      %add3A_1594 = arith.addi %iota3A, %add3A_1593 : vector<16xi32>
      %eq3A_1595 = arith.cmpf oeq, %get3A_1592, %add3A_550 : vector<16xf32>
      %lt3A_1596 = arith.cmpi slt, %add3A_1594, %add3A_539 : vector<16xi32>
      %and3A_1597 = arith.andi %eq3A_1595, %lt3A_1596 : vector<16xi1>
      %select_n3A_1598 = arith.select %and3A_1597, %broadcast_in_dim3A_157, %broadcast_in_dim3A_155 : vector<16xi1>, vector<16xi32>
      %add3A_1599 = arith.addi %add3A_1585, %select_n3A_1598 : vector<16xi32>
      %mul3A_1600 = arith.constant 128 : i32
      %mul3A_1601 = arith.muli %while3A_1529, %mul3A_1600 : i32
      %add3A_1602 = arith.constant 80 : i32
      %add3A_1603 = arith.addi %mul3A_1601, %add3A_1602 : i32
      %get3A_1604 = arith.index_cast %add3A_1603 : i32 to index
      %get3A_1605 = tpu.vector_load %arg6[%get3A_1604] {strides = array<i32>} : memref<32896xf32, #tpu.memory_space<vmem>>, vector<16xf32>,
      %get3A_1606 = vector.shape_cast %get3A_1605 : vector<16xf32> to vector<16xf32>
      %add3A_1607 = vector.broadcast %add3A_1603 : i32 to vector<16xi32>
      %add3A_1608 = arith.addi %iota3A, %add3A_1607 : vector<16xi32>
      %eq3A_1609 = arith.cmpf oeq, %get3A_1606, %add3A_550 : vector<16xf32>
      %lt3A_1610 = arith.cmpi slt, %add3A_1608, %add3A_539 : vector<16xi32>
      %and3A_1611 = arith.andi %eq3A_1609, %lt3A_1610 : vector<16xi1>
      %select_n3A_1612 = arith.select %and3A_1611, %broadcast_in_dim3A_157, %broadcast_in_dim3A_155 : vector<16xi1>, vector<16xi32>
      %add3A_1613 = arith.addi %add3A_1599, %select_n3A_1612 : vector<16xi32>
      %mul3A_1614 = arith.constant 128 : i32
      %mul3A_1615 = arith.muli %while3A_1529, %mul3A_1614 : i32
      %add3A_1616 = arith.constant 96 : i32
      %add3A_1617 = arith.addi %mul3A_1615, %add3A_1616 : i32
      %get3A_1618 = arith.index_cast %add3A_1617 : i32 to index
      %get3A_1619 = tpu.vector_load %arg6[%get3A_1618] {strides = array<i32>} : memref<32896xf32, #tpu.memory_space<vmem>>, vector<16xf32>,
      %get3A_1620 = vector.shape_cast %get3A_1619 : vector<16xf32> to vector<16xf32>
      %add3A_1621 = vector.broadcast %add3A_1617 : i32 to vector<16xi32>
      %add3A_1622 = arith.addi %iota3A, %add3A_1621 : vector<16xi32>
      %eq3A_1623 = arith.cmpf oeq, %get3A_1620, %add3A_550 : vector<16xf32>
      %lt3A_1624 = arith.cmpi slt, %add3A_1622, %add3A_539 : vector<16xi32>
      %and3A_1625 = arith.andi %eq3A_1623, %lt3A_1624 : vector<16xi1>
      %select_n3A_1626 = arith.select %and3A_1625, %broadcast_in_dim3A_157, %broadcast_in_dim3A_155 : vector<16xi1>, vector<16xi32>
      %add3A_1627 = arith.addi %add3A_1613, %select_n3A_1626 : vector<16xi32>
      %mul3A_1628 = arith.constant 128 : i32
      %mul3A_1629 = arith.muli %while3A_1529, %mul3A_1628 : i32
      %add3A_1630 = arith.constant 112 : i32
      %add3A_1631 = arith.addi %mul3A_1629, %add3A_1630 : i32
      %get3A_1632 = arith.index_cast %add3A_1631 : i32 to index
      %get3A_1633 = tpu.vector_load %arg6[%get3A_1632] {strides = array<i32>} : memref<32896xf32, #tpu.memory_space<vmem>>, vector<16xf32>,
      %get3A_1634 = vector.shape_cast %get3A_1633 : vector<16xf32> to vector<16xf32>
      %add3A_1635 = vector.broadcast %add3A_1631 : i32 to vector<16xi32>
      %add3A_1636 = arith.addi %iota3A, %add3A_1635 : vector<16xi32>
      %eq3A_1637 = arith.cmpf oeq, %get3A_1634, %add3A_550 : vector<16xf32>
      %lt3A_1638 = arith.cmpi slt, %add3A_1636, %add3A_539 : vector<16xi32>
      %and3A_1639 = arith.andi %eq3A_1637, %lt3A_1638 : vector<16xi1>
      %select_n3A_1640 = arith.select %and3A_1639, %broadcast_in_dim3A_157, %broadcast_in_dim3A_155 : vector<16xi1>, vector<16xi32>
      %add3A_1641 = arith.addi %add3A_1627, %select_n3A_1640 : vector<16xi32>
      scf.yield %add3A_1641 : vector<16xi32>
    }
    %while3A_783 = arith.constant 1 : i32
    %while3A_784 = scf.for %while3A_1529 = %while3A_780 to %while3A_776 step %while3A_783 iter_args(%while3A_1530 = %while3A_782) -> (vector<16xi32>)  : i32 {
      %mul3A_1531 = arith.constant 128 : i32
      %mul3A_1532 = arith.muli %while3A_1529, %mul3A_1531 : i32
      %add3A_1533 = arith.constant 0 : i32
      %add3A_1534 = arith.addi %mul3A_1532, %add3A_1533 : i32
      %get3A_1535 = arith.index_cast %add3A_1534 : i32 to index
      %get3A_1536 = tpu.vector_load %arg6[%get3A_1535] {strides = array<i32>} : memref<32896xf32, #tpu.memory_space<vmem>>, vector<16xf32>,
      %get3A_1537 = vector.shape_cast %get3A_1536 : vector<16xf32> to vector<16xf32>
      %add3A_1538 = vector.broadcast %add3A_1534 : i32 to vector<16xi32>
      %add3A_1539 = arith.addi %iota3A, %add3A_1538 : vector<16xi32>
      %eq3A = arith.cmpf oeq, %get3A_1537, %add3A_550 : vector<16xf32>
      %lt3A_1540 = arith.cmpi slt, %add3A_1539, %add3A_539 : vector<16xi32>
      %and3A_1541 = arith.andi %eq3A, %lt3A_1540 : vector<16xi1>
      %select_n3A_1542 = arith.select %and3A_1541, %broadcast_in_dim3A_157, %broadcast_in_dim3A_155 : vector<16xi1>, vector<16xi32>
      %add3A_1543 = arith.addi %while3A_1530, %select_n3A_1542 : vector<16xi32>
      %mul3A_1544 = arith.constant 128 : i32
      %mul3A_1545 = arith.muli %while3A_1529, %mul3A_1544 : i32
      %add3A_1546 = arith.constant 16 : i32
      %add3A_1547 = arith.addi %mul3A_1545, %add3A_1546 : i32
      %get3A_1548 = arith.index_cast %add3A_1547 : i32 to index
      %get3A_1549 = tpu.vector_load %arg6[%get3A_1548] {strides = array<i32>} : memref<32896xf32, #tpu.memory_space<vmem>>, vector<16xf32>,
      %get3A_1550 = vector.shape_cast %get3A_1549 : vector<16xf32> to vector<16xf32>
      %add3A_1551 = vector.broadcast %add3A_1547 : i32 to vector<16xi32>
      %add3A_1552 = arith.addi %iota3A, %add3A_1551 : vector<16xi32>
      %eq3A_1553 = arith.cmpf oeq, %get3A_1550, %add3A_550 : vector<16xf32>
      %lt3A_1554 = arith.cmpi slt, %add3A_1552, %add3A_539 : vector<16xi32>
      %and3A_1555 = arith.andi %eq3A_1553, %lt3A_1554 : vector<16xi1>
      %select_n3A_1556 = arith.select %and3A_1555, %broadcast_in_dim3A_157, %broadcast_in_dim3A_155 : vector<16xi1>, vector<16xi32>
      %add3A_1557 = arith.addi %add3A_1543, %select_n3A_1556 : vector<16xi32>
      %mul3A_1558 = arith.constant 128 : i32
      %mul3A_1559 = arith.muli %while3A_1529, %mul3A_1558 : i32
      %add3A_1560 = arith.constant 32 : i32
      %add3A_1561 = arith.addi %mul3A_1559, %add3A_1560 : i32
      %get3A_1562 = arith.index_cast %add3A_1561 : i32 to index
      %get3A_1563 = tpu.vector_load %arg6[%get3A_1562] {strides = array<i32>} : memref<32896xf32, #tpu.memory_space<vmem>>, vector<16xf32>,
      %get3A_1564 = vector.shape_cast %get3A_1563 : vector<16xf32> to vector<16xf32>
      %add3A_1565 = vector.broadcast %add3A_1561 : i32 to vector<16xi32>
      %add3A_1566 = arith.addi %iota3A, %add3A_1565 : vector<16xi32>
      %eq3A_1567 = arith.cmpf oeq, %get3A_1564, %add3A_550 : vector<16xf32>
      %lt3A_1568 = arith.cmpi slt, %add3A_1566, %add3A_539 : vector<16xi32>
      %and3A_1569 = arith.andi %eq3A_1567, %lt3A_1568 : vector<16xi1>
      %select_n3A_1570 = arith.select %and3A_1569, %broadcast_in_dim3A_157, %broadcast_in_dim3A_155 : vector<16xi1>, vector<16xi32>
      %add3A_1571 = arith.addi %add3A_1557, %select_n3A_1570 : vector<16xi32>
      %mul3A_1572 = arith.constant 128 : i32
      %mul3A_1573 = arith.muli %while3A_1529, %mul3A_1572 : i32
      %add3A_1574 = arith.constant 48 : i32
      %add3A_1575 = arith.addi %mul3A_1573, %add3A_1574 : i32
      %get3A_1576 = arith.index_cast %add3A_1575 : i32 to index
      %get3A_1577 = tpu.vector_load %arg6[%get3A_1576] {strides = array<i32>} : memref<32896xf32, #tpu.memory_space<vmem>>, vector<16xf32>,
      %get3A_1578 = vector.shape_cast %get3A_1577 : vector<16xf32> to vector<16xf32>
      %add3A_1579 = vector.broadcast %add3A_1575 : i32 to vector<16xi32>
      %add3A_1580 = arith.addi %iota3A, %add3A_1579 : vector<16xi32>
      %eq3A_1581 = arith.cmpf oeq, %get3A_1578, %add3A_550 : vector<16xf32>
      %lt3A_1582 = arith.cmpi slt, %add3A_1580, %add3A_539 : vector<16xi32>
      %and3A_1583 = arith.andi %eq3A_1581, %lt3A_1582 : vector<16xi1>
      %select_n3A_1584 = arith.select %and3A_1583, %broadcast_in_dim3A_157, %broadcast_in_dim3A_155 : vector<16xi1>, vector<16xi32>
      %add3A_1585 = arith.addi %add3A_1571, %select_n3A_1584 : vector<16xi32>
      %mul3A_1586 = arith.constant 128 : i32
      %mul3A_1587 = arith.muli %while3A_1529, %mul3A_1586 : i32
      %add3A_1588 = arith.constant 64 : i32
      %add3A_1589 = arith.addi %mul3A_1587, %add3A_1588 : i32
      %get3A_1590 = arith.index_cast %add3A_1589 : i32 to index
      %get3A_1591 = tpu.vector_load %arg6[%get3A_1590] {strides = array<i32>} : memref<32896xf32, #tpu.memory_space<vmem>>, vector<16xf32>,
      %get3A_1592 = vector.shape_cast %get3A_1591 : vector<16xf32> to vector<16xf32>
      %add3A_1593 = vector.broadcast %add3A_1589 : i32 to vector<16xi32>
      %add3A_1594 = arith.addi %iota3A, %add3A_1593 : vector<16xi32>
      %eq3A_1595 = arith.cmpf oeq, %get3A_1592, %add3A_550 : vector<16xf32>
      %lt3A_1596 = arith.cmpi slt, %add3A_1594, %add3A_539 : vector<16xi32>
      %and3A_1597 = arith.andi %eq3A_1595, %lt3A_1596 : vector<16xi1>
      %select_n3A_1598 = arith.select %and3A_1597, %broadcast_in_dim3A_157, %broadcast_in_dim3A_155 : vector<16xi1>, vector<16xi32>
      %add3A_1599 = arith.addi %add3A_1585, %select_n3A_1598 : vector<16xi32>
      %mul3A_1600 = arith.constant 128 : i32
      %mul3A_1601 = arith.muli %while3A_1529, %mul3A_1600 : i32
      %add3A_1602 = arith.constant 80 : i32
      %add3A_1603 = arith.addi %mul3A_1601, %add3A_1602 : i32
      %get3A_1604 = arith.index_cast %add3A_1603 : i32 to index
      %get3A_1605 = tpu.vector_load %arg6[%get3A_1604] {strides = array<i32>} : memref<32896xf32, #tpu.memory_space<vmem>>, vector<16xf32>,
      %get3A_1606 = vector.shape_cast %get3A_1605 : vector<16xf32> to vector<16xf32>
      %add3A_1607 = vector.broadcast %add3A_1603 : i32 to vector<16xi32>
      %add3A_1608 = arith.addi %iota3A, %add3A_1607 : vector<16xi32>
      %eq3A_1609 = arith.cmpf oeq, %get3A_1606, %add3A_550 : vector<16xf32>
      %lt3A_1610 = arith.cmpi slt, %add3A_1608, %add3A_539 : vector<16xi32>
      %and3A_1611 = arith.andi %eq3A_1609, %lt3A_1610 : vector<16xi1>
      %select_n3A_1612 = arith.select %and3A_1611, %broadcast_in_dim3A_157, %broadcast_in_dim3A_155 : vector<16xi1>, vector<16xi32>
      %add3A_1613 = arith.addi %add3A_1599, %select_n3A_1612 : vector<16xi32>
      %mul3A_1614 = arith.constant 128 : i32
      %mul3A_1615 = arith.muli %while3A_1529, %mul3A_1614 : i32
      %add3A_1616 = arith.constant 96 : i32
      %add3A_1617 = arith.addi %mul3A_1615, %add3A_1616 : i32
      %get3A_1618 = arith.index_cast %add3A_1617 : i32 to index
      %get3A_1619 = tpu.vector_load %arg6[%get3A_1618] {strides = array<i32>} : memref<32896xf32, #tpu.memory_space<vmem>>, vector<16xf32>,
      %get3A_1620 = vector.shape_cast %get3A_1619 : vector<16xf32> to vector<16xf32>
      %add3A_1621 = vector.broadcast %add3A_1617 : i32 to vector<16xi32>
      %add3A_1622 = arith.addi %iota3A, %add3A_1621 : vector<16xi32>
      %eq3A_1623 = arith.cmpf oeq, %get3A_1620, %add3A_550 : vector<16xf32>
      %lt3A_1624 = arith.cmpi slt, %add3A_1622, %add3A_539 : vector<16xi32>
      %and3A_1625 = arith.andi %eq3A_1623, %lt3A_1624 : vector<16xi1>
      %select_n3A_1626 = arith.select %and3A_1625, %broadcast_in_dim3A_157, %broadcast_in_dim3A_155 : vector<16xi1>, vector<16xi32>
      %add3A_1627 = arith.addi %add3A_1613, %select_n3A_1626 : vector<16xi32>
      %mul3A_1628 = arith.constant 128 : i32
      %mul3A_1629 = arith.muli %while3A_1529, %mul3A_1628 : i32
      %add3A_1630 = arith.constant 112 : i32
      %add3A_1631 = arith.addi %mul3A_1629, %add3A_1630 : i32
      %get3A_1632 = arith.index_cast %add3A_1631 : i32 to index
      %get3A_1633 = tpu.vector_load %arg6[%get3A_1632] {strides = array<i32>} : memref<32896xf32, #tpu.memory_space<vmem>>, vector<16xf32>,
      %get3A_1634 = vector.shape_cast %get3A_1633 : vector<16xf32> to vector<16xf32>
      %add3A_1635 = vector.broadcast %add3A_1631 : i32 to vector<16xi32>
      %add3A_1636 = arith.addi %iota3A, %add3A_1635 : vector<16xi32>
      %eq3A_1637 = arith.cmpf oeq, %get3A_1634, %add3A_550 : vector<16xf32>
      %lt3A_1638 = arith.cmpi slt, %add3A_1636, %add3A_539 : vector<16xi32>
      %and3A_1639 = arith.andi %eq3A_1637, %lt3A_1638 : vector<16xi1>
      %select_n3A_1640 = arith.select %and3A_1639, %broadcast_in_dim3A_157, %broadcast_in_dim3A_155 : vector<16xi1>, vector<16xi32>
      %add3A_1641 = arith.addi %add3A_1627, %select_n3A_1640 : vector<16xi32>
      scf.yield %add3A_1641 : vector<16xi32>
    }
    %slice3A_785 = vector.extract_strided_slice %while3A_784 {offsets = [0], sizes = [1], strides = [1]} : vector<16xi32> to vector<1xi32>
    %squeeze3A_786 = vector.extract %slice3A_785[0] : i32 from vector<1xi32>
    %slice3A_787 = vector.extract_strided_slice %while3A_784 {offsets = [1], sizes = [1], strides = [1]} : vector<16xi32> to vector<1xi32>
    %squeeze3A_788 = vector.extract %slice3A_787[0] : i32 from vector<1xi32>
    %add3A_789 = arith.addi %squeeze3A_786, %squeeze3A_788 : i32
    %slice3A_790 = vector.extract_strided_slice %while3A_784 {offsets = [2], sizes = [1], strides = [1]} : vector<16xi32> to vector<1xi32>
    %squeeze3A_791 = vector.extract %slice3A_790[0] : i32 from vector<1xi32>
    %add3A_792 = arith.addi %add3A_789, %squeeze3A_791 : i32
    %slice3A_793 = vector.extract_strided_slice %while3A_784 {offsets = [3], sizes = [1], strides = [1]} : vector<16xi32> to vector<1xi32>
    %squeeze3A_794 = vector.extract %slice3A_793[0] : i32 from vector<1xi32>
    %add3A_795 = arith.addi %add3A_792, %squeeze3A_794 : i32
    %slice3A_796 = vector.extract_strided_slice %while3A_784 {offsets = [4], sizes = [1], strides = [1]} : vector<16xi32> to vector<1xi32>
    %squeeze3A_797 = vector.extract %slice3A_796[0] : i32 from vector<1xi32>
    %add3A_798 = arith.addi %add3A_795, %squeeze3A_797 : i32
    %slice3A_799 = vector.extract_strided_slice %while3A_784 {offsets = [5], sizes = [1], strides = [1]} : vector<16xi32> to vector<1xi32>
    %squeeze3A_800 = vector.extract %slice3A_799[0] : i32 from vector<1xi32>
    %add3A_801 = arith.addi %add3A_798, %squeeze3A_800 : i32
    %slice3A_802 = vector.extract_strided_slice %while3A_784 {offsets = [6], sizes = [1], strides = [1]} : vector<16xi32> to vector<1xi32>
    %squeeze3A_803 = vector.extract %slice3A_802[0] : i32 from vector<1xi32>
    %add3A_804 = arith.addi %add3A_801, %squeeze3A_803 : i32
    %slice3A_805 = vector.extract_strided_slice %while3A_784 {offsets = [7], sizes = [1], strides = [1]} : vector<16xi32> to vector<1xi32>
    %squeeze3A_806 = vector.extract %slice3A_805[0] : i32 from vector<1xi32>
    %add3A_807 = arith.addi %add3A_804, %squeeze3A_806 : i32
    %slice3A_808 = vector.extract_strided_slice %while3A_784 {offsets = [8], sizes = [1], strides = [1]} : vector<16xi32> to vector<1xi32>
    %squeeze3A_809 = vector.extract %slice3A_808[0] : i32 from vector<1xi32>
    %add3A_810 = arith.addi %add3A_807, %squeeze3A_809 : i32
    %slice3A_811 = vector.extract_strided_slice %while3A_784 {offsets = [9], sizes = [1], strides = [1]} : vector<16xi32> to vector<1xi32>
    %squeeze3A_812 = vector.extract %slice3A_811[0] : i32 from vector<1xi32>
    %add3A_813 = arith.addi %add3A_810, %squeeze3A_812 : i32
    %slice3A_814 = vector.extract_strided_slice %while3A_784 {offsets = [10], sizes = [1], strides = [1]} : vector<16xi32> to vector<1xi32>
    %squeeze3A_815 = vector.extract %slice3A_814[0] : i32 from vector<1xi32>
    %add3A_816 = arith.addi %add3A_813, %squeeze3A_815 : i32
    %slice3A_817 = vector.extract_strided_slice %while3A_784 {offsets = [11], sizes = [1], strides = [1]} : vector<16xi32> to vector<1xi32>
    %squeeze3A_818 = vector.extract %slice3A_817[0] : i32 from vector<1xi32>
    %add3A_819 = arith.addi %add3A_816, %squeeze3A_818 : i32
    %slice3A_820 = vector.extract_strided_slice %while3A_784 {offsets = [12], sizes = [1], strides = [1]} : vector<16xi32> to vector<1xi32>
    %squeeze3A_821 = vector.extract %slice3A_820[0] : i32 from vector<1xi32>
    %add3A_822 = arith.addi %add3A_819, %squeeze3A_821 : i32
    %slice3A_823 = vector.extract_strided_slice %while3A_784 {offsets = [13], sizes = [1], strides = [1]} : vector<16xi32> to vector<1xi32>
    %squeeze3A_824 = vector.extract %slice3A_823[0] : i32 from vector<1xi32>
    %add3A_825 = arith.addi %add3A_822, %squeeze3A_824 : i32
    %slice3A_826 = vector.extract_strided_slice %while3A_784 {offsets = [14], sizes = [1], strides = [1]} : vector<16xi32> to vector<1xi32>
    %squeeze3A_827 = vector.extract %slice3A_826[0] : i32 from vector<1xi32>
    %add3A_828 = arith.addi %add3A_825, %squeeze3A_827 : i32
    %slice3A_829 = vector.extract_strided_slice %while3A_784 {offsets = [15], sizes = [1], strides = [1]} : vector<16xi32> to vector<1xi32>
    %squeeze3A_830 = vector.extract %slice3A_829[0] : i32 from vector<1xi32>
    %add3A_831 = arith.addi %add3A_828, %squeeze3A_830 : i32
    %add3A_832 = arith.addi %add3A_741, %add3A_831 : i32
    %lt3A_833 = arith.constant 5 : i32
    %lt3A_834 = arith.cmpi slt, %add3A_832, %lt3A_833 : i32
    %jit3A_835 = arith.constant 1 : i32
    %jit3A_836 = arith.constant 0 : i32
    %select_n3A_837 = arith.select %lt3A_834, %jit3A_835, %jit3A_836 : i32
    %add3A_838 = arith.addi %add3A_495, %select_n3A_837 : i32
    %add3A_839 = arith.constant 2 : i32
    %add3A_840 = arith.addi %mul3A_2, %add3A_839 : i32
    %add3A_841 = arith.constant 1 : i32
    %add3A_842 = arith.addi %add3A_840, %add3A_841 : i32
    %dma_start3A_843 = arith.constant 0 : i32
    %dma_start3A_844 = tpu.memref_slice %arg6[%dma_start3A_843] : memref<32896xf32, #tpu.memory_space<vmem>> -> memref<1024xf32, #tpu.memory_space<vmem>>
    %dma_start3A_845 = arith.constant 0 : i32
    %dma_start3A_846 = tpu.memref_slice %arg2[%add3A_842, %dma_start3A_845] : memref<128x32768xf32, #tpu.memory_space<hbm>> -> memref<1x1024xf32, #tpu.memory_space<hbm>>
    %dma_start3A_847 = tpu.memref_squeeze %dma_start3A_846 : memref<1x1024xf32, #tpu.memory_space<hbm>> -> memref<1024xf32, #tpu.memory_space<hbm>>
    %dma_start3A_848 = arith.constant 0 : i32
    %dma_start3A_849 = tpu.memref_slice %arg6[%dma_start3A_848] : memref<32896xf32, #tpu.memory_space<vmem>> -> memref<1024xf32, #tpu.memory_space<vmem>>
    %dma_start3A_850 = arith.constant 0 : i32
    %dma_start3A_851 = tpu.memref_slice %arg2[%add3A_842, %dma_start3A_850] : memref<128x32768xf32, #tpu.memory_space<hbm>> -> memref<1x1024xf32, #tpu.memory_space<hbm>>
    %dma_start3A_852 = tpu.memref_squeeze %dma_start3A_851 : memref<1x1024xf32, #tpu.memory_space<hbm>> -> memref<1024xf32, #tpu.memory_space<hbm>>
    tpu.enqueue_dma source(%dma_start3A_852 : memref<1024xf32, #tpu.memory_space<hbm>>) target(%dma_start3A_849 : memref<1024xf32, #tpu.memory_space<vmem>>) target_semaphore(%arg11 : memref<!tpu.dma_semaphore, #tpu.memory_space<semaphore_mem>>)
    %dma_wait3A_853 = arith.constant 0 : i32
    %dma_wait3A_854 = tpu.memref_slice %arg5[%dma_wait3A_853] : memref<32896xf32, #tpu.memory_space<vmem>> -> memref<1024xf32, #tpu.memory_space<vmem>>
    %dma_wait3A_855 = arith.constant 0 : i32
    %dma_wait3A_856 = tpu.memref_slice %arg2[%add3A_499, %dma_wait3A_855] : memref<128x32768xf32, #tpu.memory_space<hbm>> -> memref<1x1024xf32, #tpu.memory_space<hbm>>
    %dma_wait3A_857 = tpu.memref_squeeze %dma_wait3A_856 : memref<1x1024xf32, #tpu.memory_space<hbm>> -> memref<1024xf32, #tpu.memory_space<hbm>>
    %dma_wait3A_858 = arith.constant 0 : i32
    %dma_wait3A_859 = tpu.memref_slice %arg5[%dma_wait3A_858] : memref<32896xf32, #tpu.memory_space<vmem>> -> memref<1024xf32, #tpu.memory_space<vmem>>
    %dma_wait3A_860 = arith.constant 0 : i32
    %dma_wait3A_861 = tpu.memref_slice %arg2[%add3A_499, %dma_wait3A_860] : memref<128x32768xf32, #tpu.memory_space<hbm>> -> memref<1x1024xf32, #tpu.memory_space<hbm>>
    %dma_wait3A_862 = tpu.memref_squeeze %dma_wait3A_861 : memref<1x1024xf32, #tpu.memory_space<hbm>> -> memref<1024xf32, #tpu.memory_space<hbm>>
    tpu.wait_dma2 semaphore(%arg10 : memref<!tpu.dma_semaphore, #tpu.memory_space<semaphore_mem>>) src(%dma_wait3A_862 : memref<1024xf32, #tpu.memory_space<hbm>>) dst(%dma_wait3A_859 : memref<1024xf32, #tpu.memory_space<vmem>>)
    %dma_wait3A_863 = arith.constant 64 : i32
    %dma_wait3A_864 = tpu.memref_slice %arg8[%dma_wait3A_863] : memref<128xf32, #tpu.memory_space<vmem>> -> memref<16xf32, #tpu.memory_space<vmem>>
    %dma_wait3A_865 = tpu.memref_slice %arg2[%add3A_190, %mul3A_106] : memref<128x32768xf32, #tpu.memory_space<hbm>> -> memref<1x16xf32, #tpu.memory_space<hbm>>
    %dma_wait3A_866 = tpu.memref_squeeze %dma_wait3A_865 : memref<1x16xf32, #tpu.memory_space<hbm>> -> memref<16xf32, #tpu.memory_space<hbm>>
    %dma_wait3A_867 = arith.constant 64 : i32
    %dma_wait3A_868 = tpu.memref_slice %arg8[%dma_wait3A_867] : memref<128xf32, #tpu.memory_space<vmem>> -> memref<16xf32, #tpu.memory_space<vmem>>
    %dma_wait3A_869 = tpu.memref_slice %arg2[%add3A_190, %mul3A_106] : memref<128x32768xf32, #tpu.memory_space<hbm>> -> memref<1x16xf32, #tpu.memory_space<hbm>>
    %dma_wait3A_870 = tpu.memref_squeeze %dma_wait3A_869 : memref<1x16xf32, #tpu.memory_space<hbm>> -> memref<16xf32, #tpu.memory_space<hbm>>
    tpu.wait_dma2 semaphore(%arg12 : memref<!tpu.dma_semaphore, #tpu.memory_space<semaphore_mem>>) src(%dma_wait3A_870 : memref<16xf32, #tpu.memory_space<hbm>>) dst(%dma_wait3A_868 : memref<16xf32, #tpu.memory_space<vmem>>)
    %add3A_871 = vector.broadcast %squeeze3A_29 : i32 to vector<16xi32>
    %add3A_872 = arith.addi %broadcast_in_dim3A_155, %add3A_871 : vector<16xi32>
    %broadcast_in_dim3A_873 = arith.constant 0.000000e+00 : f32
    %broadcast_in_dim3A_874 = vector.broadcast %broadcast_in_dim3A_873 : f32 to vector<16xf32>
    %add3A_875 = arith.constant 64 : i32
    %add3A_876 = arith.addi %add3A_875, %sub3A_135 : i32
    %get3A_877 = arith.index_cast %add3A_876 : i32 to index
    %get3A_878 = tpu.vector_load %arg8[%get3A_877] {strides = array<i32>} : memref<128xf32, #tpu.memory_space<vmem>>, vector<16xf32>,
    %get3A_879 = vector.shape_cast %get3A_878 : vector<16xf32> to vector<16xf32>
    %slice3A_880 = vector.extract_strided_slice %get3A_879 {offsets = [0], sizes = [1], strides = [1]} : vector<16xf32> to vector<1xf32>
    %squeeze3A_881 = vector.extract %slice3A_880[0] : f32 from vector<1xf32>
    %add3A_882 = vector.broadcast %squeeze3A_881 : f32 to vector<16xf32>
    %add3A_883 = arith.addf %broadcast_in_dim3A_874, %add3A_882 : vector<16xf32>
    %scan3A_884 = arith.constant 0 : i32
    %scan3A_885 = arith.constant 8 : i32
    %scan3A_886 = arith.addi %scan3A_884, %scan3A_885 : i32
    %scan3A_887 = arith.constant 1 : i32
    %scan3A_888 = scf.for %scan3A_1529 = %scan3A_884 to %scan3A_886 step %scan3A_887 iter_args(%scan3A_1530 = %broadcast_in_dim3A_155) -> (vector<16xi32>)  : i32 {
      %mul3A_1531 = arith.constant 128 : i32
      %mul3A_1532 = arith.muli %scan3A_1529, %mul3A_1531 : i32
      %add3A_1533 = arith.constant 0 : i32
      %add3A_1534 = arith.addi %add3A_1533, %mul3A_1532 : i32
      %add3A_1535 = arith.constant 0 : i32
      %add3A_1536 = arith.addi %add3A_1534, %add3A_1535 : i32
      %get3A_1537 = arith.index_cast %add3A_1536 : i32 to index
      %get3A_1538 = tpu.vector_load %arg5[%get3A_1537] {strides = array<i32>} : memref<32896xf32, #tpu.memory_space<vmem>>, vector<16xf32>,
      %get3A_1539 = vector.shape_cast %get3A_1538 : vector<16xf32> to vector<16xf32>
      %gt3A = arith.cmpf ogt, %get3A_1539, %add3A_883 : vector<16xf32>
      %select_n3A_1540 = arith.select %gt3A, %broadcast_in_dim3A_157, %broadcast_in_dim3A_155 : vector<16xi1>, vector<16xi32>
      %add3A_1541 = arith.addi %scan3A_1530, %select_n3A_1540 : vector<16xi32>
      %mul3A_1542 = arith.constant 128 : i32
      %mul3A_1543 = arith.muli %scan3A_1529, %mul3A_1542 : i32
      %add3A_1544 = arith.constant 0 : i32
      %add3A_1545 = arith.addi %add3A_1544, %mul3A_1543 : i32
      %add3A_1546 = arith.constant 16 : i32
      %add3A_1547 = arith.addi %add3A_1545, %add3A_1546 : i32
      %get3A_1548 = arith.index_cast %add3A_1547 : i32 to index
      %get3A_1549 = tpu.vector_load %arg5[%get3A_1548] {strides = array<i32>} : memref<32896xf32, #tpu.memory_space<vmem>>, vector<16xf32>,
      %get3A_1550 = vector.shape_cast %get3A_1549 : vector<16xf32> to vector<16xf32>
      %gt3A_1551 = arith.cmpf ogt, %get3A_1550, %add3A_883 : vector<16xf32>
      %select_n3A_1552 = arith.select %gt3A_1551, %broadcast_in_dim3A_157, %broadcast_in_dim3A_155 : vector<16xi1>, vector<16xi32>
      %add3A_1553 = arith.addi %add3A_1541, %select_n3A_1552 : vector<16xi32>
      %mul3A_1554 = arith.constant 128 : i32
      %mul3A_1555 = arith.muli %scan3A_1529, %mul3A_1554 : i32
      %add3A_1556 = arith.constant 0 : i32
      %add3A_1557 = arith.addi %add3A_1556, %mul3A_1555 : i32
      %add3A_1558 = arith.constant 32 : i32
      %add3A_1559 = arith.addi %add3A_1557, %add3A_1558 : i32
      %get3A_1560 = arith.index_cast %add3A_1559 : i32 to index
      %get3A_1561 = tpu.vector_load %arg5[%get3A_1560] {strides = array<i32>} : memref<32896xf32, #tpu.memory_space<vmem>>, vector<16xf32>,
      %get3A_1562 = vector.shape_cast %get3A_1561 : vector<16xf32> to vector<16xf32>
      %gt3A_1563 = arith.cmpf ogt, %get3A_1562, %add3A_883 : vector<16xf32>
      %select_n3A_1564 = arith.select %gt3A_1563, %broadcast_in_dim3A_157, %broadcast_in_dim3A_155 : vector<16xi1>, vector<16xi32>
      %add3A_1565 = arith.addi %add3A_1553, %select_n3A_1564 : vector<16xi32>
      %mul3A_1566 = arith.constant 128 : i32
      %mul3A_1567 = arith.muli %scan3A_1529, %mul3A_1566 : i32
      %add3A_1568 = arith.constant 0 : i32
      %add3A_1569 = arith.addi %add3A_1568, %mul3A_1567 : i32
      %add3A_1570 = arith.constant 48 : i32
      %add3A_1571 = arith.addi %add3A_1569, %add3A_1570 : i32
      %get3A_1572 = arith.index_cast %add3A_1571 : i32 to index
      %get3A_1573 = tpu.vector_load %arg5[%get3A_1572] {strides = array<i32>} : memref<32896xf32, #tpu.memory_space<vmem>>, vector<16xf32>,
      %get3A_1574 = vector.shape_cast %get3A_1573 : vector<16xf32> to vector<16xf32>
      %gt3A_1575 = arith.cmpf ogt, %get3A_1574, %add3A_883 : vector<16xf32>
      %select_n3A_1576 = arith.select %gt3A_1575, %broadcast_in_dim3A_157, %broadcast_in_dim3A_155 : vector<16xi1>, vector<16xi32>
      %add3A_1577 = arith.addi %add3A_1565, %select_n3A_1576 : vector<16xi32>
      %mul3A_1578 = arith.constant 128 : i32
      %mul3A_1579 = arith.muli %scan3A_1529, %mul3A_1578 : i32
      %add3A_1580 = arith.constant 0 : i32
      %add3A_1581 = arith.addi %add3A_1580, %mul3A_1579 : i32
      %add3A_1582 = arith.constant 64 : i32
      %add3A_1583 = arith.addi %add3A_1581, %add3A_1582 : i32
      %get3A_1584 = arith.index_cast %add3A_1583 : i32 to index
      %get3A_1585 = tpu.vector_load %arg5[%get3A_1584] {strides = array<i32>} : memref<32896xf32, #tpu.memory_space<vmem>>, vector<16xf32>,
      %get3A_1586 = vector.shape_cast %get3A_1585 : vector<16xf32> to vector<16xf32>
      %gt3A_1587 = arith.cmpf ogt, %get3A_1586, %add3A_883 : vector<16xf32>
      %select_n3A_1588 = arith.select %gt3A_1587, %broadcast_in_dim3A_157, %broadcast_in_dim3A_155 : vector<16xi1>, vector<16xi32>
      %add3A_1589 = arith.addi %add3A_1577, %select_n3A_1588 : vector<16xi32>
      %mul3A_1590 = arith.constant 128 : i32
      %mul3A_1591 = arith.muli %scan3A_1529, %mul3A_1590 : i32
      %add3A_1592 = arith.constant 0 : i32
      %add3A_1593 = arith.addi %add3A_1592, %mul3A_1591 : i32
      %add3A_1594 = arith.constant 80 : i32
      %add3A_1595 = arith.addi %add3A_1593, %add3A_1594 : i32
      %get3A_1596 = arith.index_cast %add3A_1595 : i32 to index
      %get3A_1597 = tpu.vector_load %arg5[%get3A_1596] {strides = array<i32>} : memref<32896xf32, #tpu.memory_space<vmem>>, vector<16xf32>,
      %get3A_1598 = vector.shape_cast %get3A_1597 : vector<16xf32> to vector<16xf32>
      %gt3A_1599 = arith.cmpf ogt, %get3A_1598, %add3A_883 : vector<16xf32>
      %select_n3A_1600 = arith.select %gt3A_1599, %broadcast_in_dim3A_157, %broadcast_in_dim3A_155 : vector<16xi1>, vector<16xi32>
      %add3A_1601 = arith.addi %add3A_1589, %select_n3A_1600 : vector<16xi32>
      %mul3A_1602 = arith.constant 128 : i32
      %mul3A_1603 = arith.muli %scan3A_1529, %mul3A_1602 : i32
      %add3A_1604 = arith.constant 0 : i32
      %add3A_1605 = arith.addi %add3A_1604, %mul3A_1603 : i32
      %add3A_1606 = arith.constant 96 : i32
      %add3A_1607 = arith.addi %add3A_1605, %add3A_1606 : i32
      %get3A_1608 = arith.index_cast %add3A_1607 : i32 to index
      %get3A_1609 = tpu.vector_load %arg5[%get3A_1608] {strides = array<i32>} : memref<32896xf32, #tpu.memory_space<vmem>>, vector<16xf32>,
      %get3A_1610 = vector.shape_cast %get3A_1609 : vector<16xf32> to vector<16xf32>
      %gt3A_1611 = arith.cmpf ogt, %get3A_1610, %add3A_883 : vector<16xf32>
      %select_n3A_1612 = arith.select %gt3A_1611, %broadcast_in_dim3A_157, %broadcast_in_dim3A_155 : vector<16xi1>, vector<16xi32>
      %add3A_1613 = arith.addi %add3A_1601, %select_n3A_1612 : vector<16xi32>
      %mul3A_1614 = arith.constant 128 : i32
      %mul3A_1615 = arith.muli %scan3A_1529, %mul3A_1614 : i32
      %add3A_1616 = arith.constant 0 : i32
      %add3A_1617 = arith.addi %add3A_1616, %mul3A_1615 : i32
      %add3A_1618 = arith.constant 112 : i32
      %add3A_1619 = arith.addi %add3A_1617, %add3A_1618 : i32
      %get3A_1620 = arith.index_cast %add3A_1619 : i32 to index
      %get3A_1621 = tpu.vector_load %arg5[%get3A_1620] {strides = array<i32>} : memref<32896xf32, #tpu.memory_space<vmem>>, vector<16xf32>,
      %get3A_1622 = vector.shape_cast %get3A_1621 : vector<16xf32> to vector<16xf32>
      %gt3A_1623 = arith.cmpf ogt, %get3A_1622, %add3A_883 : vector<16xf32>
      %select_n3A_1624 = arith.select %gt3A_1623, %broadcast_in_dim3A_157, %broadcast_in_dim3A_155 : vector<16xi1>, vector<16xi32>
      %add3A_1625 = arith.addi %add3A_1613, %select_n3A_1624 : vector<16xi32>
      scf.yield %add3A_1625 : vector<16xi32>
    }
    %scan3A_889 = arith.constant 8 : i32
    %slice3A_890 = vector.extract_strided_slice %scan3A_888 {offsets = [0], sizes = [1], strides = [1]} : vector<16xi32> to vector<1xi32>
    %squeeze3A_891 = vector.extract %slice3A_890[0] : i32 from vector<1xi32>
    %slice3A_892 = vector.extract_strided_slice %scan3A_888 {offsets = [1], sizes = [1], strides = [1]} : vector<16xi32> to vector<1xi32>
    %squeeze3A_893 = vector.extract %slice3A_892[0] : i32 from vector<1xi32>
    %add3A_894 = arith.addi %squeeze3A_891, %squeeze3A_893 : i32
    %slice3A_895 = vector.extract_strided_slice %scan3A_888 {offsets = [2], sizes = [1], strides = [1]} : vector<16xi32> to vector<1xi32>
    %squeeze3A_896 = vector.extract %slice3A_895[0] : i32 from vector<1xi32>
    %add3A_897 = arith.addi %add3A_894, %squeeze3A_896 : i32
    %slice3A_898 = vector.extract_strided_slice %scan3A_888 {offsets = [3], sizes = [1], strides = [1]} : vector<16xi32> to vector<1xi32>
    %squeeze3A_899 = vector.extract %slice3A_898[0] : i32 from vector<1xi32>
    %add3A_900 = arith.addi %add3A_897, %squeeze3A_899 : i32
    %slice3A_901 = vector.extract_strided_slice %scan3A_888 {offsets = [4], sizes = [1], strides = [1]} : vector<16xi32> to vector<1xi32>
    %squeeze3A_902 = vector.extract %slice3A_901[0] : i32 from vector<1xi32>
    %add3A_903 = arith.addi %add3A_900, %squeeze3A_902 : i32
    %slice3A_904 = vector.extract_strided_slice %scan3A_888 {offsets = [5], sizes = [1], strides = [1]} : vector<16xi32> to vector<1xi32>
    %squeeze3A_905 = vector.extract %slice3A_904[0] : i32 from vector<1xi32>
    %add3A_906 = arith.addi %add3A_903, %squeeze3A_905 : i32
    %slice3A_907 = vector.extract_strided_slice %scan3A_888 {offsets = [6], sizes = [1], strides = [1]} : vector<16xi32> to vector<1xi32>
    %squeeze3A_908 = vector.extract %slice3A_907[0] : i32 from vector<1xi32>
    %add3A_909 = arith.addi %add3A_906, %squeeze3A_908 : i32
    %slice3A_910 = vector.extract_strided_slice %scan3A_888 {offsets = [7], sizes = [1], strides = [1]} : vector<16xi32> to vector<1xi32>
    %squeeze3A_911 = vector.extract %slice3A_910[0] : i32 from vector<1xi32>
    %add3A_912 = arith.addi %add3A_909, %squeeze3A_911 : i32
    %slice3A_913 = vector.extract_strided_slice %scan3A_888 {offsets = [8], sizes = [1], strides = [1]} : vector<16xi32> to vector<1xi32>
    %squeeze3A_914 = vector.extract %slice3A_913[0] : i32 from vector<1xi32>
    %add3A_915 = arith.addi %add3A_912, %squeeze3A_914 : i32
    %slice3A_916 = vector.extract_strided_slice %scan3A_888 {offsets = [9], sizes = [1], strides = [1]} : vector<16xi32> to vector<1xi32>
    %squeeze3A_917 = vector.extract %slice3A_916[0] : i32 from vector<1xi32>
    %add3A_918 = arith.addi %add3A_915, %squeeze3A_917 : i32
    %slice3A_919 = vector.extract_strided_slice %scan3A_888 {offsets = [10], sizes = [1], strides = [1]} : vector<16xi32> to vector<1xi32>
    %squeeze3A_920 = vector.extract %slice3A_919[0] : i32 from vector<1xi32>
    %add3A_921 = arith.addi %add3A_918, %squeeze3A_920 : i32
    %slice3A_922 = vector.extract_strided_slice %scan3A_888 {offsets = [11], sizes = [1], strides = [1]} : vector<16xi32> to vector<1xi32>
    %squeeze3A_923 = vector.extract %slice3A_922[0] : i32 from vector<1xi32>
    %add3A_924 = arith.addi %add3A_921, %squeeze3A_923 : i32
    %slice3A_925 = vector.extract_strided_slice %scan3A_888 {offsets = [12], sizes = [1], strides = [1]} : vector<16xi32> to vector<1xi32>
    %squeeze3A_926 = vector.extract %slice3A_925[0] : i32 from vector<1xi32>
    %add3A_927 = arith.addi %add3A_924, %squeeze3A_926 : i32
    %slice3A_928 = vector.extract_strided_slice %scan3A_888 {offsets = [13], sizes = [1], strides = [1]} : vector<16xi32> to vector<1xi32>
    %squeeze3A_929 = vector.extract %slice3A_928[0] : i32 from vector<1xi32>
    %add3A_930 = arith.addi %add3A_927, %squeeze3A_929 : i32
    %slice3A_931 = vector.extract_strided_slice %scan3A_888 {offsets = [14], sizes = [1], strides = [1]} : vector<16xi32> to vector<1xi32>
    %squeeze3A_932 = vector.extract %slice3A_931[0] : i32 from vector<1xi32>
    %add3A_933 = arith.addi %add3A_930, %squeeze3A_932 : i32
    %slice3A_934 = vector.extract_strided_slice %scan3A_888 {offsets = [15], sizes = [1], strides = [1]} : vector<16xi32> to vector<1xi32>
    %squeeze3A_935 = vector.extract %slice3A_934[0] : i32 from vector<1xi32>
    %add3A_936 = arith.addi %add3A_933, %squeeze3A_935 : i32
    %lt3A_937 = arith.constant 5 : i32
    %lt3A_938 = arith.cmpi slt, %add3A_936, %lt3A_937 : i32
    %convert_element_type3A_939 = arith.extui %lt3A_938 : i1 to i32
    %cond3A_940 = arith.constant 0 : i32
    %cond3A_941 = arith.cmpi ne, %convert_element_type3A_939, %cond3A_940 : i32
    scf.if %cond3A_941 {
      "tpu.region"() ({
        %run_scoped3A = tpu.sem_alloc : memref<!tpu.dma_semaphore, #tpu.memory_space<semaphore_mem>>
        %dma_start3A_1529 = arith.constant 1024 : i32
        %dma_start3A_1530 = tpu.memref_slice %arg5[%dma_start3A_1529] : memref<32896xf32, #tpu.memory_space<vmem>> -> memref<8192xf32, #tpu.memory_space<vmem>>
        %dma_start3A_1531 = arith.constant 1024 : i32
        %dma_start3A_1532 = tpu.memref_slice %arg2[%add3A_840, %dma_start3A_1531] : memref<128x32768xf32, #tpu.memory_space<hbm>> -> memref<1x8192xf32, #tpu.memory_space<hbm>>
        %dma_start3A_1533 = tpu.memref_squeeze %dma_start3A_1532 : memref<1x8192xf32, #tpu.memory_space<hbm>> -> memref<8192xf32, #tpu.memory_space<hbm>>
        %dma_start3A_1534 = arith.constant 1024 : i32
        %dma_start3A_1535 = tpu.memref_slice %arg5[%dma_start3A_1534] : memref<32896xf32, #tpu.memory_space<vmem>> -> memref<8192xf32, #tpu.memory_space<vmem>>
        %dma_start3A_1536 = arith.constant 1024 : i32
        %dma_start3A_1537 = tpu.memref_slice %arg2[%add3A_840, %dma_start3A_1536] : memref<128x32768xf32, #tpu.memory_space<hbm>> -> memref<1x8192xf32, #tpu.memory_space<hbm>>
        %dma_start3A_1538 = tpu.memref_squeeze %dma_start3A_1537 : memref<1x8192xf32, #tpu.memory_space<hbm>> -> memref<8192xf32, #tpu.memory_space<hbm>>
        tpu.enqueue_dma source(%dma_start3A_1538 : memref<8192xf32, #tpu.memory_space<hbm>>) target(%dma_start3A_1535 : memref<8192xf32, #tpu.memory_space<vmem>>) target_semaphore(%run_scoped3A : memref<!tpu.dma_semaphore, #tpu.memory_space<semaphore_mem>>)
        %dma_wait3A_1539 = arith.constant 1024 : i32
        %dma_wait3A_1540 = tpu.memref_slice %arg5[%dma_wait3A_1539] : memref<32896xf32, #tpu.memory_space<vmem>> -> memref<8192xf32, #tpu.memory_space<vmem>>
        %dma_wait3A_1541 = arith.constant 1024 : i32
        %dma_wait3A_1542 = tpu.memref_slice %arg2[%add3A_840, %dma_wait3A_1541] : memref<128x32768xf32, #tpu.memory_space<hbm>> -> memref<1x8192xf32, #tpu.memory_space<hbm>>
        %dma_wait3A_1543 = tpu.memref_squeeze %dma_wait3A_1542 : memref<1x8192xf32, #tpu.memory_space<hbm>> -> memref<8192xf32, #tpu.memory_space<hbm>>
        %dma_wait3A_1544 = arith.constant 1024 : i32
        %dma_wait3A_1545 = tpu.memref_slice %arg5[%dma_wait3A_1544] : memref<32896xf32, #tpu.memory_space<vmem>> -> memref<8192xf32, #tpu.memory_space<vmem>>
        %dma_wait3A_1546 = arith.constant 1024 : i32
        %dma_wait3A_1547 = tpu.memref_slice %arg2[%add3A_840, %dma_wait3A_1546] : memref<128x32768xf32, #tpu.memory_space<hbm>> -> memref<1x8192xf32, #tpu.memory_space<hbm>>
        %dma_wait3A_1548 = tpu.memref_squeeze %dma_wait3A_1547 : memref<1x8192xf32, #tpu.memory_space<hbm>> -> memref<8192xf32, #tpu.memory_space<hbm>>
        tpu.wait_dma2 semaphore(%run_scoped3A : memref<!tpu.dma_semaphore, #tpu.memory_space<semaphore_mem>>) src(%dma_wait3A_1548 : memref<8192xf32, #tpu.memory_space<hbm>>) dst(%dma_wait3A_1545 : memref<8192xf32, #tpu.memory_space<vmem>>)
        tpu.yield
      }) : () -> ()
    } else {
    }
    %lt3A_942 = arith.constant 5 : i32
    %lt3A_943 = arith.cmpi slt, %add3A_936, %lt3A_942 : i32
    %jit3A_944 = arith.constant 64 : i32
    %jit3A_945 = arith.constant 0 : i32
    %select_n3A_946 = arith.select %lt3A_943, %jit3A_944, %jit3A_945 : i32
    %while3A_947 = arith.constant 0 : i32
    %while3A_948 = arith.subi %select_n3A_946, %while3A_947 : i32
    %while3A_949 = arith.addi %while3A_947, %while3A_948 : i32
    %while3A_950 = arith.constant 1 : i32
    %while3A_951 = arith.divsi %while3A_948, %while3A_950 : i32
    %while3A_952 = arith.muli %while3A_951, %while3A_950 : i32
    %while3A_953 = arith.addi %while3A_947, %while3A_952 : i32
    %while3A_954 = arith.constant 1 : i32
    %while3A_955 = scf.for %while3A_1529 = %while3A_947 to %while3A_953 step %while3A_954 iter_args(%while3A_1530 = %broadcast_in_dim3A_155) -> (vector<16xi32>)  : i32 {
      %mul3A_1531 = arith.constant 128 : i32
      %mul3A_1532 = arith.muli %while3A_1529, %mul3A_1531 : i32
      %add3A_1533 = arith.constant 1024 : i32
      %add3A_1534 = arith.addi %add3A_1533, %mul3A_1532 : i32
      %add3A_1535 = arith.constant 0 : i32
      %add3A_1536 = arith.addi %add3A_1534, %add3A_1535 : i32
      %get3A_1537 = arith.index_cast %add3A_1536 : i32 to index
      %get3A_1538 = tpu.vector_load %arg5[%get3A_1537] {strides = array<i32>} : memref<32896xf32, #tpu.memory_space<vmem>>, vector<16xf32>,
      %get3A_1539 = vector.shape_cast %get3A_1538 : vector<16xf32> to vector<16xf32>
      %gt3A = arith.cmpf ogt, %get3A_1539, %add3A_883 : vector<16xf32>
      %select_n3A_1540 = arith.select %gt3A, %broadcast_in_dim3A_157, %broadcast_in_dim3A_155 : vector<16xi1>, vector<16xi32>
      %add3A_1541 = arith.addi %while3A_1530, %select_n3A_1540 : vector<16xi32>
      %mul3A_1542 = arith.constant 128 : i32
      %mul3A_1543 = arith.muli %while3A_1529, %mul3A_1542 : i32
      %add3A_1544 = arith.constant 1024 : i32
      %add3A_1545 = arith.addi %add3A_1544, %mul3A_1543 : i32
      %add3A_1546 = arith.constant 16 : i32
      %add3A_1547 = arith.addi %add3A_1545, %add3A_1546 : i32
      %get3A_1548 = arith.index_cast %add3A_1547 : i32 to index
      %get3A_1549 = tpu.vector_load %arg5[%get3A_1548] {strides = array<i32>} : memref<32896xf32, #tpu.memory_space<vmem>>, vector<16xf32>,
      %get3A_1550 = vector.shape_cast %get3A_1549 : vector<16xf32> to vector<16xf32>
      %gt3A_1551 = arith.cmpf ogt, %get3A_1550, %add3A_883 : vector<16xf32>
      %select_n3A_1552 = arith.select %gt3A_1551, %broadcast_in_dim3A_157, %broadcast_in_dim3A_155 : vector<16xi1>, vector<16xi32>
      %add3A_1553 = arith.addi %add3A_1541, %select_n3A_1552 : vector<16xi32>
      %mul3A_1554 = arith.constant 128 : i32
      %mul3A_1555 = arith.muli %while3A_1529, %mul3A_1554 : i32
      %add3A_1556 = arith.constant 1024 : i32
      %add3A_1557 = arith.addi %add3A_1556, %mul3A_1555 : i32
      %add3A_1558 = arith.constant 32 : i32
      %add3A_1559 = arith.addi %add3A_1557, %add3A_1558 : i32
      %get3A_1560 = arith.index_cast %add3A_1559 : i32 to index
      %get3A_1561 = tpu.vector_load %arg5[%get3A_1560] {strides = array<i32>} : memref<32896xf32, #tpu.memory_space<vmem>>, vector<16xf32>,
      %get3A_1562 = vector.shape_cast %get3A_1561 : vector<16xf32> to vector<16xf32>
      %gt3A_1563 = arith.cmpf ogt, %get3A_1562, %add3A_883 : vector<16xf32>
      %select_n3A_1564 = arith.select %gt3A_1563, %broadcast_in_dim3A_157, %broadcast_in_dim3A_155 : vector<16xi1>, vector<16xi32>
      %add3A_1565 = arith.addi %add3A_1553, %select_n3A_1564 : vector<16xi32>
      %mul3A_1566 = arith.constant 128 : i32
      %mul3A_1567 = arith.muli %while3A_1529, %mul3A_1566 : i32
      %add3A_1568 = arith.constant 1024 : i32
      %add3A_1569 = arith.addi %add3A_1568, %mul3A_1567 : i32
      %add3A_1570 = arith.constant 48 : i32
      %add3A_1571 = arith.addi %add3A_1569, %add3A_1570 : i32
      %get3A_1572 = arith.index_cast %add3A_1571 : i32 to index
      %get3A_1573 = tpu.vector_load %arg5[%get3A_1572] {strides = array<i32>} : memref<32896xf32, #tpu.memory_space<vmem>>, vector<16xf32>,
      %get3A_1574 = vector.shape_cast %get3A_1573 : vector<16xf32> to vector<16xf32>
      %gt3A_1575 = arith.cmpf ogt, %get3A_1574, %add3A_883 : vector<16xf32>
      %select_n3A_1576 = arith.select %gt3A_1575, %broadcast_in_dim3A_157, %broadcast_in_dim3A_155 : vector<16xi1>, vector<16xi32>
      %add3A_1577 = arith.addi %add3A_1565, %select_n3A_1576 : vector<16xi32>
      %mul3A_1578 = arith.constant 128 : i32
      %mul3A_1579 = arith.muli %while3A_1529, %mul3A_1578 : i32
      %add3A_1580 = arith.constant 1024 : i32
      %add3A_1581 = arith.addi %add3A_1580, %mul3A_1579 : i32
      %add3A_1582 = arith.constant 64 : i32
      %add3A_1583 = arith.addi %add3A_1581, %add3A_1582 : i32
      %get3A_1584 = arith.index_cast %add3A_1583 : i32 to index
      %get3A_1585 = tpu.vector_load %arg5[%get3A_1584] {strides = array<i32>} : memref<32896xf32, #tpu.memory_space<vmem>>, vector<16xf32>,
      %get3A_1586 = vector.shape_cast %get3A_1585 : vector<16xf32> to vector<16xf32>
      %gt3A_1587 = arith.cmpf ogt, %get3A_1586, %add3A_883 : vector<16xf32>
      %select_n3A_1588 = arith.select %gt3A_1587, %broadcast_in_dim3A_157, %broadcast_in_dim3A_155 : vector<16xi1>, vector<16xi32>
      %add3A_1589 = arith.addi %add3A_1577, %select_n3A_1588 : vector<16xi32>
      %mul3A_1590 = arith.constant 128 : i32
      %mul3A_1591 = arith.muli %while3A_1529, %mul3A_1590 : i32
      %add3A_1592 = arith.constant 1024 : i32
      %add3A_1593 = arith.addi %add3A_1592, %mul3A_1591 : i32
      %add3A_1594 = arith.constant 80 : i32
      %add3A_1595 = arith.addi %add3A_1593, %add3A_1594 : i32
      %get3A_1596 = arith.index_cast %add3A_1595 : i32 to index
      %get3A_1597 = tpu.vector_load %arg5[%get3A_1596] {strides = array<i32>} : memref<32896xf32, #tpu.memory_space<vmem>>, vector<16xf32>,
      %get3A_1598 = vector.shape_cast %get3A_1597 : vector<16xf32> to vector<16xf32>
      %gt3A_1599 = arith.cmpf ogt, %get3A_1598, %add3A_883 : vector<16xf32>
      %select_n3A_1600 = arith.select %gt3A_1599, %broadcast_in_dim3A_157, %broadcast_in_dim3A_155 : vector<16xi1>, vector<16xi32>
      %add3A_1601 = arith.addi %add3A_1589, %select_n3A_1600 : vector<16xi32>
      %mul3A_1602 = arith.constant 128 : i32
      %mul3A_1603 = arith.muli %while3A_1529, %mul3A_1602 : i32
      %add3A_1604 = arith.constant 1024 : i32
      %add3A_1605 = arith.addi %add3A_1604, %mul3A_1603 : i32
      %add3A_1606 = arith.constant 96 : i32
      %add3A_1607 = arith.addi %add3A_1605, %add3A_1606 : i32
      %get3A_1608 = arith.index_cast %add3A_1607 : i32 to index
      %get3A_1609 = tpu.vector_load %arg5[%get3A_1608] {strides = array<i32>} : memref<32896xf32, #tpu.memory_space<vmem>>, vector<16xf32>,
      %get3A_1610 = vector.shape_cast %get3A_1609 : vector<16xf32> to vector<16xf32>
      %gt3A_1611 = arith.cmpf ogt, %get3A_1610, %add3A_883 : vector<16xf32>
      %select_n3A_1612 = arith.select %gt3A_1611, %broadcast_in_dim3A_157, %broadcast_in_dim3A_155 : vector<16xi1>, vector<16xi32>
      %add3A_1613 = arith.addi %add3A_1601, %select_n3A_1612 : vector<16xi32>
      %mul3A_1614 = arith.constant 128 : i32
      %mul3A_1615 = arith.muli %while3A_1529, %mul3A_1614 : i32
      %add3A_1616 = arith.constant 1024 : i32
      %add3A_1617 = arith.addi %add3A_1616, %mul3A_1615 : i32
      %add3A_1618 = arith.constant 112 : i32
      %add3A_1619 = arith.addi %add3A_1617, %add3A_1618 : i32
      %get3A_1620 = arith.index_cast %add3A_1619 : i32 to index
      %get3A_1621 = tpu.vector_load %arg5[%get3A_1620] {strides = array<i32>} : memref<32896xf32, #tpu.memory_space<vmem>>, vector<16xf32>,
      %get3A_1622 = vector.shape_cast %get3A_1621 : vector<16xf32> to vector<16xf32>
      %gt3A_1623 = arith.cmpf ogt, %get3A_1622, %add3A_883 : vector<16xf32>
      %select_n3A_1624 = arith.select %gt3A_1623, %broadcast_in_dim3A_157, %broadcast_in_dim3A_155 : vector<16xi1>, vector<16xi32>
      %add3A_1625 = arith.addi %add3A_1613, %select_n3A_1624 : vector<16xi32>
      scf.yield %add3A_1625 : vector<16xi32>
    }
    %while3A_956 = arith.constant 1 : i32
    %while3A_957 = scf.for %while3A_1529 = %while3A_953 to %while3A_949 step %while3A_956 iter_args(%while3A_1530 = %while3A_955) -> (vector<16xi32>)  : i32 {
      %mul3A_1531 = arith.constant 128 : i32
      %mul3A_1532 = arith.muli %while3A_1529, %mul3A_1531 : i32
      %add3A_1533 = arith.constant 1024 : i32
      %add3A_1534 = arith.addi %add3A_1533, %mul3A_1532 : i32
      %add3A_1535 = arith.constant 0 : i32
      %add3A_1536 = arith.addi %add3A_1534, %add3A_1535 : i32
      %get3A_1537 = arith.index_cast %add3A_1536 : i32 to index
      %get3A_1538 = tpu.vector_load %arg5[%get3A_1537] {strides = array<i32>} : memref<32896xf32, #tpu.memory_space<vmem>>, vector<16xf32>,
      %get3A_1539 = vector.shape_cast %get3A_1538 : vector<16xf32> to vector<16xf32>
      %gt3A = arith.cmpf ogt, %get3A_1539, %add3A_883 : vector<16xf32>
      %select_n3A_1540 = arith.select %gt3A, %broadcast_in_dim3A_157, %broadcast_in_dim3A_155 : vector<16xi1>, vector<16xi32>
      %add3A_1541 = arith.addi %while3A_1530, %select_n3A_1540 : vector<16xi32>
      %mul3A_1542 = arith.constant 128 : i32
      %mul3A_1543 = arith.muli %while3A_1529, %mul3A_1542 : i32
      %add3A_1544 = arith.constant 1024 : i32
      %add3A_1545 = arith.addi %add3A_1544, %mul3A_1543 : i32
      %add3A_1546 = arith.constant 16 : i32
      %add3A_1547 = arith.addi %add3A_1545, %add3A_1546 : i32
      %get3A_1548 = arith.index_cast %add3A_1547 : i32 to index
      %get3A_1549 = tpu.vector_load %arg5[%get3A_1548] {strides = array<i32>} : memref<32896xf32, #tpu.memory_space<vmem>>, vector<16xf32>,
      %get3A_1550 = vector.shape_cast %get3A_1549 : vector<16xf32> to vector<16xf32>
      %gt3A_1551 = arith.cmpf ogt, %get3A_1550, %add3A_883 : vector<16xf32>
      %select_n3A_1552 = arith.select %gt3A_1551, %broadcast_in_dim3A_157, %broadcast_in_dim3A_155 : vector<16xi1>, vector<16xi32>
      %add3A_1553 = arith.addi %add3A_1541, %select_n3A_1552 : vector<16xi32>
      %mul3A_1554 = arith.constant 128 : i32
      %mul3A_1555 = arith.muli %while3A_1529, %mul3A_1554 : i32
      %add3A_1556 = arith.constant 1024 : i32
      %add3A_1557 = arith.addi %add3A_1556, %mul3A_1555 : i32
      %add3A_1558 = arith.constant 32 : i32
      %add3A_1559 = arith.addi %add3A_1557, %add3A_1558 : i32
      %get3A_1560 = arith.index_cast %add3A_1559 : i32 to index
      %get3A_1561 = tpu.vector_load %arg5[%get3A_1560] {strides = array<i32>} : memref<32896xf32, #tpu.memory_space<vmem>>, vector<16xf32>,
      %get3A_1562 = vector.shape_cast %get3A_1561 : vector<16xf32> to vector<16xf32>
      %gt3A_1563 = arith.cmpf ogt, %get3A_1562, %add3A_883 : vector<16xf32>
      %select_n3A_1564 = arith.select %gt3A_1563, %broadcast_in_dim3A_157, %broadcast_in_dim3A_155 : vector<16xi1>, vector<16xi32>
      %add3A_1565 = arith.addi %add3A_1553, %select_n3A_1564 : vector<16xi32>
      %mul3A_1566 = arith.constant 128 : i32
      %mul3A_1567 = arith.muli %while3A_1529, %mul3A_1566 : i32
      %add3A_1568 = arith.constant 1024 : i32
      %add3A_1569 = arith.addi %add3A_1568, %mul3A_1567 : i32
      %add3A_1570 = arith.constant 48 : i32
      %add3A_1571 = arith.addi %add3A_1569, %add3A_1570 : i32
      %get3A_1572 = arith.index_cast %add3A_1571 : i32 to index
      %get3A_1573 = tpu.vector_load %arg5[%get3A_1572] {strides = array<i32>} : memref<32896xf32, #tpu.memory_space<vmem>>, vector<16xf32>,
      %get3A_1574 = vector.shape_cast %get3A_1573 : vector<16xf32> to vector<16xf32>
      %gt3A_1575 = arith.cmpf ogt, %get3A_1574, %add3A_883 : vector<16xf32>
      %select_n3A_1576 = arith.select %gt3A_1575, %broadcast_in_dim3A_157, %broadcast_in_dim3A_155 : vector<16xi1>, vector<16xi32>
      %add3A_1577 = arith.addi %add3A_1565, %select_n3A_1576 : vector<16xi32>
      %mul3A_1578 = arith.constant 128 : i32
      %mul3A_1579 = arith.muli %while3A_1529, %mul3A_1578 : i32
      %add3A_1580 = arith.constant 1024 : i32
      %add3A_1581 = arith.addi %add3A_1580, %mul3A_1579 : i32
      %add3A_1582 = arith.constant 64 : i32
      %add3A_1583 = arith.addi %add3A_1581, %add3A_1582 : i32
      %get3A_1584 = arith.index_cast %add3A_1583 : i32 to index
      %get3A_1585 = tpu.vector_load %arg5[%get3A_1584] {strides = array<i32>} : memref<32896xf32, #tpu.memory_space<vmem>>, vector<16xf32>,
      %get3A_1586 = vector.shape_cast %get3A_1585 : vector<16xf32> to vector<16xf32>
      %gt3A_1587 = arith.cmpf ogt, %get3A_1586, %add3A_883 : vector<16xf32>
      %select_n3A_1588 = arith.select %gt3A_1587, %broadcast_in_dim3A_157, %broadcast_in_dim3A_155 : vector<16xi1>, vector<16xi32>
      %add3A_1589 = arith.addi %add3A_1577, %select_n3A_1588 : vector<16xi32>
      %mul3A_1590 = arith.constant 128 : i32
      %mul3A_1591 = arith.muli %while3A_1529, %mul3A_1590 : i32
      %add3A_1592 = arith.constant 1024 : i32
      %add3A_1593 = arith.addi %add3A_1592, %mul3A_1591 : i32
      %add3A_1594 = arith.constant 80 : i32
      %add3A_1595 = arith.addi %add3A_1593, %add3A_1594 : i32
      %get3A_1596 = arith.index_cast %add3A_1595 : i32 to index
      %get3A_1597 = tpu.vector_load %arg5[%get3A_1596] {strides = array<i32>} : memref<32896xf32, #tpu.memory_space<vmem>>, vector<16xf32>,
      %get3A_1598 = vector.shape_cast %get3A_1597 : vector<16xf32> to vector<16xf32>
      %gt3A_1599 = arith.cmpf ogt, %get3A_1598, %add3A_883 : vector<16xf32>
      %select_n3A_1600 = arith.select %gt3A_1599, %broadcast_in_dim3A_157, %broadcast_in_dim3A_155 : vector<16xi1>, vector<16xi32>
      %add3A_1601 = arith.addi %add3A_1589, %select_n3A_1600 : vector<16xi32>
      %mul3A_1602 = arith.constant 128 : i32
      %mul3A_1603 = arith.muli %while3A_1529, %mul3A_1602 : i32
      %add3A_1604 = arith.constant 1024 : i32
      %add3A_1605 = arith.addi %add3A_1604, %mul3A_1603 : i32
      %add3A_1606 = arith.constant 96 : i32
      %add3A_1607 = arith.addi %add3A_1605, %add3A_1606 : i32
      %get3A_1608 = arith.index_cast %add3A_1607 : i32 to index
      %get3A_1609 = tpu.vector_load %arg5[%get3A_1608] {strides = array<i32>} : memref<32896xf32, #tpu.memory_space<vmem>>, vector<16xf32>,
      %get3A_1610 = vector.shape_cast %get3A_1609 : vector<16xf32> to vector<16xf32>
      %gt3A_1611 = arith.cmpf ogt, %get3A_1610, %add3A_883 : vector<16xf32>
      %select_n3A_1612 = arith.select %gt3A_1611, %broadcast_in_dim3A_157, %broadcast_in_dim3A_155 : vector<16xi1>, vector<16xi32>
      %add3A_1613 = arith.addi %add3A_1601, %select_n3A_1612 : vector<16xi32>
      %mul3A_1614 = arith.constant 128 : i32
      %mul3A_1615 = arith.muli %while3A_1529, %mul3A_1614 : i32
      %add3A_1616 = arith.constant 1024 : i32
      %add3A_1617 = arith.addi %add3A_1616, %mul3A_1615 : i32
      %add3A_1618 = arith.constant 112 : i32
      %add3A_1619 = arith.addi %add3A_1617, %add3A_1618 : i32
      %get3A_1620 = arith.index_cast %add3A_1619 : i32 to index
      %get3A_1621 = tpu.vector_load %arg5[%get3A_1620] {strides = array<i32>} : memref<32896xf32, #tpu.memory_space<vmem>>, vector<16xf32>,
      %get3A_1622 = vector.shape_cast %get3A_1621 : vector<16xf32> to vector<16xf32>
      %gt3A_1623 = arith.cmpf ogt, %get3A_1622, %add3A_883 : vector<16xf32>
      %select_n3A_1624 = arith.select %gt3A_1623, %broadcast_in_dim3A_157, %broadcast_in_dim3A_155 : vector<16xi1>, vector<16xi32>
      %add3A_1625 = arith.addi %add3A_1613, %select_n3A_1624 : vector<16xi32>
      scf.yield %add3A_1625 : vector<16xi32>
    }
    %slice3A_958 = vector.extract_strided_slice %while3A_957 {offsets = [0], sizes = [1], strides = [1]} : vector<16xi32> to vector<1xi32>
    %squeeze3A_959 = vector.extract %slice3A_958[0] : i32 from vector<1xi32>
    %slice3A_960 = vector.extract_strided_slice %while3A_957 {offsets = [1], sizes = [1], strides = [1]} : vector<16xi32> to vector<1xi32>
    %squeeze3A_961 = vector.extract %slice3A_960[0] : i32 from vector<1xi32>
    %add3A_962 = arith.addi %squeeze3A_959, %squeeze3A_961 : i32
    %slice3A_963 = vector.extract_strided_slice %while3A_957 {offsets = [2], sizes = [1], strides = [1]} : vector<16xi32> to vector<1xi32>
    %squeeze3A_964 = vector.extract %slice3A_963[0] : i32 from vector<1xi32>
    %add3A_965 = arith.addi %add3A_962, %squeeze3A_964 : i32
    %slice3A_966 = vector.extract_strided_slice %while3A_957 {offsets = [3], sizes = [1], strides = [1]} : vector<16xi32> to vector<1xi32>
    %squeeze3A_967 = vector.extract %slice3A_966[0] : i32 from vector<1xi32>
    %add3A_968 = arith.addi %add3A_965, %squeeze3A_967 : i32
    %slice3A_969 = vector.extract_strided_slice %while3A_957 {offsets = [4], sizes = [1], strides = [1]} : vector<16xi32> to vector<1xi32>
    %squeeze3A_970 = vector.extract %slice3A_969[0] : i32 from vector<1xi32>
    %add3A_971 = arith.addi %add3A_968, %squeeze3A_970 : i32
    %slice3A_972 = vector.extract_strided_slice %while3A_957 {offsets = [5], sizes = [1], strides = [1]} : vector<16xi32> to vector<1xi32>
    %squeeze3A_973 = vector.extract %slice3A_972[0] : i32 from vector<1xi32>
    %add3A_974 = arith.addi %add3A_971, %squeeze3A_973 : i32
    %slice3A_975 = vector.extract_strided_slice %while3A_957 {offsets = [6], sizes = [1], strides = [1]} : vector<16xi32> to vector<1xi32>
    %squeeze3A_976 = vector.extract %slice3A_975[0] : i32 from vector<1xi32>
    %add3A_977 = arith.addi %add3A_974, %squeeze3A_976 : i32
    %slice3A_978 = vector.extract_strided_slice %while3A_957 {offsets = [7], sizes = [1], strides = [1]} : vector<16xi32> to vector<1xi32>
    %squeeze3A_979 = vector.extract %slice3A_978[0] : i32 from vector<1xi32>
    %add3A_980 = arith.addi %add3A_977, %squeeze3A_979 : i32
    %slice3A_981 = vector.extract_strided_slice %while3A_957 {offsets = [8], sizes = [1], strides = [1]} : vector<16xi32> to vector<1xi32>
    %squeeze3A_982 = vector.extract %slice3A_981[0] : i32 from vector<1xi32>
    %add3A_983 = arith.addi %add3A_980, %squeeze3A_982 : i32
    %slice3A_984 = vector.extract_strided_slice %while3A_957 {offsets = [9], sizes = [1], strides = [1]} : vector<16xi32> to vector<1xi32>
    %squeeze3A_985 = vector.extract %slice3A_984[0] : i32 from vector<1xi32>
    %add3A_986 = arith.addi %add3A_983, %squeeze3A_985 : i32
    %slice3A_987 = vector.extract_strided_slice %while3A_957 {offsets = [10], sizes = [1], strides = [1]} : vector<16xi32> to vector<1xi32>
    %squeeze3A_988 = vector.extract %slice3A_987[0] : i32 from vector<1xi32>
    %add3A_989 = arith.addi %add3A_986, %squeeze3A_988 : i32
    %slice3A_990 = vector.extract_strided_slice %while3A_957 {offsets = [11], sizes = [1], strides = [1]} : vector<16xi32> to vector<1xi32>
    %squeeze3A_991 = vector.extract %slice3A_990[0] : i32 from vector<1xi32>
    %add3A_992 = arith.addi %add3A_989, %squeeze3A_991 : i32
    %slice3A_993 = vector.extract_strided_slice %while3A_957 {offsets = [12], sizes = [1], strides = [1]} : vector<16xi32> to vector<1xi32>
    %squeeze3A_994 = vector.extract %slice3A_993[0] : i32 from vector<1xi32>
    %add3A_995 = arith.addi %add3A_992, %squeeze3A_994 : i32
    %slice3A_996 = vector.extract_strided_slice %while3A_957 {offsets = [13], sizes = [1], strides = [1]} : vector<16xi32> to vector<1xi32>
    %squeeze3A_997 = vector.extract %slice3A_996[0] : i32 from vector<1xi32>
    %add3A_998 = arith.addi %add3A_995, %squeeze3A_997 : i32
    %slice3A_999 = vector.extract_strided_slice %while3A_957 {offsets = [14], sizes = [1], strides = [1]} : vector<16xi32> to vector<1xi32>
    %squeeze3A_1000 = vector.extract %slice3A_999[0] : i32 from vector<1xi32>
    %add3A_1001 = arith.addi %add3A_998, %squeeze3A_1000 : i32
    %slice3A_1002 = vector.extract_strided_slice %while3A_957 {offsets = [15], sizes = [1], strides = [1]} : vector<16xi32> to vector<1xi32>
    %squeeze3A_1003 = vector.extract %slice3A_1002[0] : i32 from vector<1xi32>
    %add3A_1004 = arith.addi %add3A_1001, %squeeze3A_1003 : i32
    %add3A_1005 = arith.addi %add3A_936, %add3A_1004 : i32
    %lt3A_1006 = arith.constant 5 : i32
    %lt3A_1007 = arith.cmpi slt, %add3A_1005, %lt3A_1006 : i32
    %convert_element_type3A_1008 = arith.extui %lt3A_1007 : i1 to i32
    %cond3A_1009 = arith.constant 0 : i32
    %cond3A_1010 = arith.cmpi ne, %convert_element_type3A_1008, %cond3A_1009 : i32
    scf.if %cond3A_1010 {
      "tpu.region"() ({
        %run_scoped3A = tpu.sem_alloc : memref<!tpu.dma_semaphore, #tpu.memory_space<semaphore_mem>>
        %dma_start3A_1529 = arith.constant 9216 : i32
        %dma_start3A_1530 = tpu.memref_slice %arg5[%dma_start3A_1529] : memref<32896xf32, #tpu.memory_space<vmem>> -> memref<23552xf32, #tpu.memory_space<vmem>>
        %dma_start3A_1531 = arith.constant 9216 : i32
        %dma_start3A_1532 = tpu.memref_slice %arg2[%add3A_840, %dma_start3A_1531] : memref<128x32768xf32, #tpu.memory_space<hbm>> -> memref<1x23552xf32, #tpu.memory_space<hbm>>
        %dma_start3A_1533 = tpu.memref_squeeze %dma_start3A_1532 : memref<1x23552xf32, #tpu.memory_space<hbm>> -> memref<23552xf32, #tpu.memory_space<hbm>>
        %dma_start3A_1534 = arith.constant 9216 : i32
        %dma_start3A_1535 = tpu.memref_slice %arg5[%dma_start3A_1534] : memref<32896xf32, #tpu.memory_space<vmem>> -> memref<23552xf32, #tpu.memory_space<vmem>>
        %dma_start3A_1536 = arith.constant 9216 : i32
        %dma_start3A_1537 = tpu.memref_slice %arg2[%add3A_840, %dma_start3A_1536] : memref<128x32768xf32, #tpu.memory_space<hbm>> -> memref<1x23552xf32, #tpu.memory_space<hbm>>
        %dma_start3A_1538 = tpu.memref_squeeze %dma_start3A_1537 : memref<1x23552xf32, #tpu.memory_space<hbm>> -> memref<23552xf32, #tpu.memory_space<hbm>>
        tpu.enqueue_dma source(%dma_start3A_1538 : memref<23552xf32, #tpu.memory_space<hbm>>) target(%dma_start3A_1535 : memref<23552xf32, #tpu.memory_space<vmem>>) target_semaphore(%run_scoped3A : memref<!tpu.dma_semaphore, #tpu.memory_space<semaphore_mem>>)
        %dma_wait3A_1539 = arith.constant 9216 : i32
        %dma_wait3A_1540 = tpu.memref_slice %arg5[%dma_wait3A_1539] : memref<32896xf32, #tpu.memory_space<vmem>> -> memref<23552xf32, #tpu.memory_space<vmem>>
        %dma_wait3A_1541 = arith.constant 9216 : i32
        %dma_wait3A_1542 = tpu.memref_slice %arg2[%add3A_840, %dma_wait3A_1541] : memref<128x32768xf32, #tpu.memory_space<hbm>> -> memref<1x23552xf32, #tpu.memory_space<hbm>>
        %dma_wait3A_1543 = tpu.memref_squeeze %dma_wait3A_1542 : memref<1x23552xf32, #tpu.memory_space<hbm>> -> memref<23552xf32, #tpu.memory_space<hbm>>
        %dma_wait3A_1544 = arith.constant 9216 : i32
        %dma_wait3A_1545 = tpu.memref_slice %arg5[%dma_wait3A_1544] : memref<32896xf32, #tpu.memory_space<vmem>> -> memref<23552xf32, #tpu.memory_space<vmem>>
        %dma_wait3A_1546 = arith.constant 9216 : i32
        %dma_wait3A_1547 = tpu.memref_slice %arg2[%add3A_840, %dma_wait3A_1546] : memref<128x32768xf32, #tpu.memory_space<hbm>> -> memref<1x23552xf32, #tpu.memory_space<hbm>>
        %dma_wait3A_1548 = tpu.memref_squeeze %dma_wait3A_1547 : memref<1x23552xf32, #tpu.memory_space<hbm>> -> memref<23552xf32, #tpu.memory_space<hbm>>
        tpu.wait_dma2 semaphore(%run_scoped3A : memref<!tpu.dma_semaphore, #tpu.memory_space<semaphore_mem>>) src(%dma_wait3A_1548 : memref<23552xf32, #tpu.memory_space<hbm>>) dst(%dma_wait3A_1545 : memref<23552xf32, #tpu.memory_space<vmem>>)
        tpu.yield
      }) : () -> ()
    } else {
    }
    %lt3A_1011 = arith.constant 5 : i32
    %lt3A_1012 = arith.cmpi slt, %add3A_1005, %lt3A_1011 : i32
    %jit3A_1013 = arith.constant 184 : i32
    %jit3A_1014 = arith.constant 0 : i32
    %select_n3A_1015 = arith.select %lt3A_1012, %jit3A_1013, %jit3A_1014 : i32
    %while3A_1016 = arith.constant 0 : i32
    %while3A_1017 = arith.subi %select_n3A_1015, %while3A_1016 : i32
    %while3A_1018 = arith.addi %while3A_1016, %while3A_1017 : i32
    %while3A_1019 = arith.constant 1 : i32
    %while3A_1020 = arith.divsi %while3A_1017, %while3A_1019 : i32
    %while3A_1021 = arith.muli %while3A_1020, %while3A_1019 : i32
    %while3A_1022 = arith.addi %while3A_1016, %while3A_1021 : i32
    %while3A_1023 = arith.constant 1 : i32
    %while3A_1024 = scf.for %while3A_1529 = %while3A_1016 to %while3A_1022 step %while3A_1023 iter_args(%while3A_1530 = %broadcast_in_dim3A_155) -> (vector<16xi32>)  : i32 {
      %mul3A_1531 = arith.constant 128 : i32
      %mul3A_1532 = arith.muli %while3A_1529, %mul3A_1531 : i32
      %add3A_1533 = arith.constant 9216 : i32
      %add3A_1534 = arith.addi %add3A_1533, %mul3A_1532 : i32
      %add3A_1535 = arith.constant 0 : i32
      %add3A_1536 = arith.addi %add3A_1534, %add3A_1535 : i32
      %get3A_1537 = arith.index_cast %add3A_1536 : i32 to index
      %get3A_1538 = tpu.vector_load %arg5[%get3A_1537] {strides = array<i32>} : memref<32896xf32, #tpu.memory_space<vmem>>, vector<16xf32>,
      %get3A_1539 = vector.shape_cast %get3A_1538 : vector<16xf32> to vector<16xf32>
      %gt3A = arith.cmpf ogt, %get3A_1539, %add3A_883 : vector<16xf32>
      %select_n3A_1540 = arith.select %gt3A, %broadcast_in_dim3A_157, %broadcast_in_dim3A_155 : vector<16xi1>, vector<16xi32>
      %add3A_1541 = arith.addi %while3A_1530, %select_n3A_1540 : vector<16xi32>
      %mul3A_1542 = arith.constant 128 : i32
      %mul3A_1543 = arith.muli %while3A_1529, %mul3A_1542 : i32
      %add3A_1544 = arith.constant 9216 : i32
      %add3A_1545 = arith.addi %add3A_1544, %mul3A_1543 : i32
      %add3A_1546 = arith.constant 16 : i32
      %add3A_1547 = arith.addi %add3A_1545, %add3A_1546 : i32
      %get3A_1548 = arith.index_cast %add3A_1547 : i32 to index
      %get3A_1549 = tpu.vector_load %arg5[%get3A_1548] {strides = array<i32>} : memref<32896xf32, #tpu.memory_space<vmem>>, vector<16xf32>,
      %get3A_1550 = vector.shape_cast %get3A_1549 : vector<16xf32> to vector<16xf32>
      %gt3A_1551 = arith.cmpf ogt, %get3A_1550, %add3A_883 : vector<16xf32>
      %select_n3A_1552 = arith.select %gt3A_1551, %broadcast_in_dim3A_157, %broadcast_in_dim3A_155 : vector<16xi1>, vector<16xi32>
      %add3A_1553 = arith.addi %add3A_1541, %select_n3A_1552 : vector<16xi32>
      %mul3A_1554 = arith.constant 128 : i32
      %mul3A_1555 = arith.muli %while3A_1529, %mul3A_1554 : i32
      %add3A_1556 = arith.constant 9216 : i32
      %add3A_1557 = arith.addi %add3A_1556, %mul3A_1555 : i32
      %add3A_1558 = arith.constant 32 : i32
      %add3A_1559 = arith.addi %add3A_1557, %add3A_1558 : i32
      %get3A_1560 = arith.index_cast %add3A_1559 : i32 to index
      %get3A_1561 = tpu.vector_load %arg5[%get3A_1560] {strides = array<i32>} : memref<32896xf32, #tpu.memory_space<vmem>>, vector<16xf32>,
      %get3A_1562 = vector.shape_cast %get3A_1561 : vector<16xf32> to vector<16xf32>
      %gt3A_1563 = arith.cmpf ogt, %get3A_1562, %add3A_883 : vector<16xf32>
      %select_n3A_1564 = arith.select %gt3A_1563, %broadcast_in_dim3A_157, %broadcast_in_dim3A_155 : vector<16xi1>, vector<16xi32>
      %add3A_1565 = arith.addi %add3A_1553, %select_n3A_1564 : vector<16xi32>
      %mul3A_1566 = arith.constant 128 : i32
      %mul3A_1567 = arith.muli %while3A_1529, %mul3A_1566 : i32
      %add3A_1568 = arith.constant 9216 : i32
      %add3A_1569 = arith.addi %add3A_1568, %mul3A_1567 : i32
      %add3A_1570 = arith.constant 48 : i32
      %add3A_1571 = arith.addi %add3A_1569, %add3A_1570 : i32
      %get3A_1572 = arith.index_cast %add3A_1571 : i32 to index
      %get3A_1573 = tpu.vector_load %arg5[%get3A_1572] {strides = array<i32>} : memref<32896xf32, #tpu.memory_space<vmem>>, vector<16xf32>,
      %get3A_1574 = vector.shape_cast %get3A_1573 : vector<16xf32> to vector<16xf32>
      %gt3A_1575 = arith.cmpf ogt, %get3A_1574, %add3A_883 : vector<16xf32>
      %select_n3A_1576 = arith.select %gt3A_1575, %broadcast_in_dim3A_157, %broadcast_in_dim3A_155 : vector<16xi1>, vector<16xi32>
      %add3A_1577 = arith.addi %add3A_1565, %select_n3A_1576 : vector<16xi32>
      %mul3A_1578 = arith.constant 128 : i32
      %mul3A_1579 = arith.muli %while3A_1529, %mul3A_1578 : i32
      %add3A_1580 = arith.constant 9216 : i32
      %add3A_1581 = arith.addi %add3A_1580, %mul3A_1579 : i32
      %add3A_1582 = arith.constant 64 : i32
      %add3A_1583 = arith.addi %add3A_1581, %add3A_1582 : i32
      %get3A_1584 = arith.index_cast %add3A_1583 : i32 to index
      %get3A_1585 = tpu.vector_load %arg5[%get3A_1584] {strides = array<i32>} : memref<32896xf32, #tpu.memory_space<vmem>>, vector<16xf32>,
      %get3A_1586 = vector.shape_cast %get3A_1585 : vector<16xf32> to vector<16xf32>
      %gt3A_1587 = arith.cmpf ogt, %get3A_1586, %add3A_883 : vector<16xf32>
      %select_n3A_1588 = arith.select %gt3A_1587, %broadcast_in_dim3A_157, %broadcast_in_dim3A_155 : vector<16xi1>, vector<16xi32>
      %add3A_1589 = arith.addi %add3A_1577, %select_n3A_1588 : vector<16xi32>
      %mul3A_1590 = arith.constant 128 : i32
      %mul3A_1591 = arith.muli %while3A_1529, %mul3A_1590 : i32
      %add3A_1592 = arith.constant 9216 : i32
      %add3A_1593 = arith.addi %add3A_1592, %mul3A_1591 : i32
      %add3A_1594 = arith.constant 80 : i32
      %add3A_1595 = arith.addi %add3A_1593, %add3A_1594 : i32
      %get3A_1596 = arith.index_cast %add3A_1595 : i32 to index
      %get3A_1597 = tpu.vector_load %arg5[%get3A_1596] {strides = array<i32>} : memref<32896xf32, #tpu.memory_space<vmem>>, vector<16xf32>,
      %get3A_1598 = vector.shape_cast %get3A_1597 : vector<16xf32> to vector<16xf32>
      %gt3A_1599 = arith.cmpf ogt, %get3A_1598, %add3A_883 : vector<16xf32>
      %select_n3A_1600 = arith.select %gt3A_1599, %broadcast_in_dim3A_157, %broadcast_in_dim3A_155 : vector<16xi1>, vector<16xi32>
      %add3A_1601 = arith.addi %add3A_1589, %select_n3A_1600 : vector<16xi32>
      %mul3A_1602 = arith.constant 128 : i32
      %mul3A_1603 = arith.muli %while3A_1529, %mul3A_1602 : i32
      %add3A_1604 = arith.constant 9216 : i32
      %add3A_1605 = arith.addi %add3A_1604, %mul3A_1603 : i32
      %add3A_1606 = arith.constant 96 : i32
      %add3A_1607 = arith.addi %add3A_1605, %add3A_1606 : i32
      %get3A_1608 = arith.index_cast %add3A_1607 : i32 to index
      %get3A_1609 = tpu.vector_load %arg5[%get3A_1608] {strides = array<i32>} : memref<32896xf32, #tpu.memory_space<vmem>>, vector<16xf32>,
      %get3A_1610 = vector.shape_cast %get3A_1609 : vector<16xf32> to vector<16xf32>
      %gt3A_1611 = arith.cmpf ogt, %get3A_1610, %add3A_883 : vector<16xf32>
      %select_n3A_1612 = arith.select %gt3A_1611, %broadcast_in_dim3A_157, %broadcast_in_dim3A_155 : vector<16xi1>, vector<16xi32>
      %add3A_1613 = arith.addi %add3A_1601, %select_n3A_1612 : vector<16xi32>
      %mul3A_1614 = arith.constant 128 : i32
      %mul3A_1615 = arith.muli %while3A_1529, %mul3A_1614 : i32
      %add3A_1616 = arith.constant 9216 : i32
      %add3A_1617 = arith.addi %add3A_1616, %mul3A_1615 : i32
      %add3A_1618 = arith.constant 112 : i32
      %add3A_1619 = arith.addi %add3A_1617, %add3A_1618 : i32
      %get3A_1620 = arith.index_cast %add3A_1619 : i32 to index
      %get3A_1621 = tpu.vector_load %arg5[%get3A_1620] {strides = array<i32>} : memref<32896xf32, #tpu.memory_space<vmem>>, vector<16xf32>,
      %get3A_1622 = vector.shape_cast %get3A_1621 : vector<16xf32> to vector<16xf32>
      %gt3A_1623 = arith.cmpf ogt, %get3A_1622, %add3A_883 : vector<16xf32>
      %select_n3A_1624 = arith.select %gt3A_1623, %broadcast_in_dim3A_157, %broadcast_in_dim3A_155 : vector<16xi1>, vector<16xi32>
      %add3A_1625 = arith.addi %add3A_1613, %select_n3A_1624 : vector<16xi32>
      scf.yield %add3A_1625 : vector<16xi32>
    }
    %while3A_1025 = arith.constant 1 : i32
    %while3A_1026 = scf.for %while3A_1529 = %while3A_1022 to %while3A_1018 step %while3A_1025 iter_args(%while3A_1530 = %while3A_1024) -> (vector<16xi32>)  : i32 {
      %mul3A_1531 = arith.constant 128 : i32
      %mul3A_1532 = arith.muli %while3A_1529, %mul3A_1531 : i32
      %add3A_1533 = arith.constant 9216 : i32
      %add3A_1534 = arith.addi %add3A_1533, %mul3A_1532 : i32
      %add3A_1535 = arith.constant 0 : i32
      %add3A_1536 = arith.addi %add3A_1534, %add3A_1535 : i32
      %get3A_1537 = arith.index_cast %add3A_1536 : i32 to index
      %get3A_1538 = tpu.vector_load %arg5[%get3A_1537] {strides = array<i32>} : memref<32896xf32, #tpu.memory_space<vmem>>, vector<16xf32>,
      %get3A_1539 = vector.shape_cast %get3A_1538 : vector<16xf32> to vector<16xf32>
      %gt3A = arith.cmpf ogt, %get3A_1539, %add3A_883 : vector<16xf32>
      %select_n3A_1540 = arith.select %gt3A, %broadcast_in_dim3A_157, %broadcast_in_dim3A_155 : vector<16xi1>, vector<16xi32>
      %add3A_1541 = arith.addi %while3A_1530, %select_n3A_1540 : vector<16xi32>
      %mul3A_1542 = arith.constant 128 : i32
      %mul3A_1543 = arith.muli %while3A_1529, %mul3A_1542 : i32
      %add3A_1544 = arith.constant 9216 : i32
      %add3A_1545 = arith.addi %add3A_1544, %mul3A_1543 : i32
      %add3A_1546 = arith.constant 16 : i32
      %add3A_1547 = arith.addi %add3A_1545, %add3A_1546 : i32
      %get3A_1548 = arith.index_cast %add3A_1547 : i32 to index
      %get3A_1549 = tpu.vector_load %arg5[%get3A_1548] {strides = array<i32>} : memref<32896xf32, #tpu.memory_space<vmem>>, vector<16xf32>,
      %get3A_1550 = vector.shape_cast %get3A_1549 : vector<16xf32> to vector<16xf32>
      %gt3A_1551 = arith.cmpf ogt, %get3A_1550, %add3A_883 : vector<16xf32>
      %select_n3A_1552 = arith.select %gt3A_1551, %broadcast_in_dim3A_157, %broadcast_in_dim3A_155 : vector<16xi1>, vector<16xi32>
      %add3A_1553 = arith.addi %add3A_1541, %select_n3A_1552 : vector<16xi32>
      %mul3A_1554 = arith.constant 128 : i32
      %mul3A_1555 = arith.muli %while3A_1529, %mul3A_1554 : i32
      %add3A_1556 = arith.constant 9216 : i32
      %add3A_1557 = arith.addi %add3A_1556, %mul3A_1555 : i32
      %add3A_1558 = arith.constant 32 : i32
      %add3A_1559 = arith.addi %add3A_1557, %add3A_1558 : i32
      %get3A_1560 = arith.index_cast %add3A_1559 : i32 to index
      %get3A_1561 = tpu.vector_load %arg5[%get3A_1560] {strides = array<i32>} : memref<32896xf32, #tpu.memory_space<vmem>>, vector<16xf32>,
      %get3A_1562 = vector.shape_cast %get3A_1561 : vector<16xf32> to vector<16xf32>
      %gt3A_1563 = arith.cmpf ogt, %get3A_1562, %add3A_883 : vector<16xf32>
      %select_n3A_1564 = arith.select %gt3A_1563, %broadcast_in_dim3A_157, %broadcast_in_dim3A_155 : vector<16xi1>, vector<16xi32>
      %add3A_1565 = arith.addi %add3A_1553, %select_n3A_1564 : vector<16xi32>
      %mul3A_1566 = arith.constant 128 : i32
      %mul3A_1567 = arith.muli %while3A_1529, %mul3A_1566 : i32
      %add3A_1568 = arith.constant 9216 : i32
      %add3A_1569 = arith.addi %add3A_1568, %mul3A_1567 : i32
      %add3A_1570 = arith.constant 48 : i32
      %add3A_1571 = arith.addi %add3A_1569, %add3A_1570 : i32
      %get3A_1572 = arith.index_cast %add3A_1571 : i32 to index
      %get3A_1573 = tpu.vector_load %arg5[%get3A_1572] {strides = array<i32>} : memref<32896xf32, #tpu.memory_space<vmem>>, vector<16xf32>,
      %get3A_1574 = vector.shape_cast %get3A_1573 : vector<16xf32> to vector<16xf32>
      %gt3A_1575 = arith.cmpf ogt, %get3A_1574, %add3A_883 : vector<16xf32>
      %select_n3A_1576 = arith.select %gt3A_1575, %broadcast_in_dim3A_157, %broadcast_in_dim3A_155 : vector<16xi1>, vector<16xi32>
      %add3A_1577 = arith.addi %add3A_1565, %select_n3A_1576 : vector<16xi32>
      %mul3A_1578 = arith.constant 128 : i32
      %mul3A_1579 = arith.muli %while3A_1529, %mul3A_1578 : i32
      %add3A_1580 = arith.constant 9216 : i32
      %add3A_1581 = arith.addi %add3A_1580, %mul3A_1579 : i32
      %add3A_1582 = arith.constant 64 : i32
      %add3A_1583 = arith.addi %add3A_1581, %add3A_1582 : i32
      %get3A_1584 = arith.index_cast %add3A_1583 : i32 to index
      %get3A_1585 = tpu.vector_load %arg5[%get3A_1584] {strides = array<i32>} : memref<32896xf32, #tpu.memory_space<vmem>>, vector<16xf32>,
      %get3A_1586 = vector.shape_cast %get3A_1585 : vector<16xf32> to vector<16xf32>
      %gt3A_1587 = arith.cmpf ogt, %get3A_1586, %add3A_883 : vector<16xf32>
      %select_n3A_1588 = arith.select %gt3A_1587, %broadcast_in_dim3A_157, %broadcast_in_dim3A_155 : vector<16xi1>, vector<16xi32>
      %add3A_1589 = arith.addi %add3A_1577, %select_n3A_1588 : vector<16xi32>
      %mul3A_1590 = arith.constant 128 : i32
      %mul3A_1591 = arith.muli %while3A_1529, %mul3A_1590 : i32
      %add3A_1592 = arith.constant 9216 : i32
      %add3A_1593 = arith.addi %add3A_1592, %mul3A_1591 : i32
      %add3A_1594 = arith.constant 80 : i32
      %add3A_1595 = arith.addi %add3A_1593, %add3A_1594 : i32
      %get3A_1596 = arith.index_cast %add3A_1595 : i32 to index
      %get3A_1597 = tpu.vector_load %arg5[%get3A_1596] {strides = array<i32>} : memref<32896xf32, #tpu.memory_space<vmem>>, vector<16xf32>,
      %get3A_1598 = vector.shape_cast %get3A_1597 : vector<16xf32> to vector<16xf32>
      %gt3A_1599 = arith.cmpf ogt, %get3A_1598, %add3A_883 : vector<16xf32>
      %select_n3A_1600 = arith.select %gt3A_1599, %broadcast_in_dim3A_157, %broadcast_in_dim3A_155 : vector<16xi1>, vector<16xi32>
      %add3A_1601 = arith.addi %add3A_1589, %select_n3A_1600 : vector<16xi32>
      %mul3A_1602 = arith.constant 128 : i32
      %mul3A_1603 = arith.muli %while3A_1529, %mul3A_1602 : i32
      %add3A_1604 = arith.constant 9216 : i32
      %add3A_1605 = arith.addi %add3A_1604, %mul3A_1603 : i32
      %add3A_1606 = arith.constant 96 : i32
      %add3A_1607 = arith.addi %add3A_1605, %add3A_1606 : i32
      %get3A_1608 = arith.index_cast %add3A_1607 : i32 to index
      %get3A_1609 = tpu.vector_load %arg5[%get3A_1608] {strides = array<i32>} : memref<32896xf32, #tpu.memory_space<vmem>>, vector<16xf32>,
      %get3A_1610 = vector.shape_cast %get3A_1609 : vector<16xf32> to vector<16xf32>
      %gt3A_1611 = arith.cmpf ogt, %get3A_1610, %add3A_883 : vector<16xf32>
      %select_n3A_1612 = arith.select %gt3A_1611, %broadcast_in_dim3A_157, %broadcast_in_dim3A_155 : vector<16xi1>, vector<16xi32>
      %add3A_1613 = arith.addi %add3A_1601, %select_n3A_1612 : vector<16xi32>
      %mul3A_1614 = arith.constant 128 : i32
      %mul3A_1615 = arith.muli %while3A_1529, %mul3A_1614 : i32
      %add3A_1616 = arith.constant 9216 : i32
      %add3A_1617 = arith.addi %add3A_1616, %mul3A_1615 : i32
      %add3A_1618 = arith.constant 112 : i32
      %add3A_1619 = arith.addi %add3A_1617, %add3A_1618 : i32
      %get3A_1620 = arith.index_cast %add3A_1619 : i32 to index
      %get3A_1621 = tpu.vector_load %arg5[%get3A_1620] {strides = array<i32>} : memref<32896xf32, #tpu.memory_space<vmem>>, vector<16xf32>,
      %get3A_1622 = vector.shape_cast %get3A_1621 : vector<16xf32> to vector<16xf32>
      %gt3A_1623 = arith.cmpf ogt, %get3A_1622, %add3A_883 : vector<16xf32>
      %select_n3A_1624 = arith.select %gt3A_1623, %broadcast_in_dim3A_157, %broadcast_in_dim3A_155 : vector<16xi1>, vector<16xi32>
      %add3A_1625 = arith.addi %add3A_1613, %select_n3A_1624 : vector<16xi32>
      scf.yield %add3A_1625 : vector<16xi32>
    }
    %slice3A_1027 = vector.extract_strided_slice %while3A_1026 {offsets = [0], sizes = [1], strides = [1]} : vector<16xi32> to vector<1xi32>
    %squeeze3A_1028 = vector.extract %slice3A_1027[0] : i32 from vector<1xi32>
    %slice3A_1029 = vector.extract_strided_slice %while3A_1026 {offsets = [1], sizes = [1], strides = [1]} : vector<16xi32> to vector<1xi32>
    %squeeze3A_1030 = vector.extract %slice3A_1029[0] : i32 from vector<1xi32>
    %add3A_1031 = arith.addi %squeeze3A_1028, %squeeze3A_1030 : i32
    %slice3A_1032 = vector.extract_strided_slice %while3A_1026 {offsets = [2], sizes = [1], strides = [1]} : vector<16xi32> to vector<1xi32>
    %squeeze3A_1033 = vector.extract %slice3A_1032[0] : i32 from vector<1xi32>
    %add3A_1034 = arith.addi %add3A_1031, %squeeze3A_1033 : i32
    %slice3A_1035 = vector.extract_strided_slice %while3A_1026 {offsets = [3], sizes = [1], strides = [1]} : vector<16xi32> to vector<1xi32>
    %squeeze3A_1036 = vector.extract %slice3A_1035[0] : i32 from vector<1xi32>
    %add3A_1037 = arith.addi %add3A_1034, %squeeze3A_1036 : i32
    %slice3A_1038 = vector.extract_strided_slice %while3A_1026 {offsets = [4], sizes = [1], strides = [1]} : vector<16xi32> to vector<1xi32>
    %squeeze3A_1039 = vector.extract %slice3A_1038[0] : i32 from vector<1xi32>
    %add3A_1040 = arith.addi %add3A_1037, %squeeze3A_1039 : i32
    %slice3A_1041 = vector.extract_strided_slice %while3A_1026 {offsets = [5], sizes = [1], strides = [1]} : vector<16xi32> to vector<1xi32>
    %squeeze3A_1042 = vector.extract %slice3A_1041[0] : i32 from vector<1xi32>
    %add3A_1043 = arith.addi %add3A_1040, %squeeze3A_1042 : i32
    %slice3A_1044 = vector.extract_strided_slice %while3A_1026 {offsets = [6], sizes = [1], strides = [1]} : vector<16xi32> to vector<1xi32>
    %squeeze3A_1045 = vector.extract %slice3A_1044[0] : i32 from vector<1xi32>
    %add3A_1046 = arith.addi %add3A_1043, %squeeze3A_1045 : i32
    %slice3A_1047 = vector.extract_strided_slice %while3A_1026 {offsets = [7], sizes = [1], strides = [1]} : vector<16xi32> to vector<1xi32>
    %squeeze3A_1048 = vector.extract %slice3A_1047[0] : i32 from vector<1xi32>
    %add3A_1049 = arith.addi %add3A_1046, %squeeze3A_1048 : i32
    %slice3A_1050 = vector.extract_strided_slice %while3A_1026 {offsets = [8], sizes = [1], strides = [1]} : vector<16xi32> to vector<1xi32>
    %squeeze3A_1051 = vector.extract %slice3A_1050[0] : i32 from vector<1xi32>
    %add3A_1052 = arith.addi %add3A_1049, %squeeze3A_1051 : i32
    %slice3A_1053 = vector.extract_strided_slice %while3A_1026 {offsets = [9], sizes = [1], strides = [1]} : vector<16xi32> to vector<1xi32>
    %squeeze3A_1054 = vector.extract %slice3A_1053[0] : i32 from vector<1xi32>
    %add3A_1055 = arith.addi %add3A_1052, %squeeze3A_1054 : i32
    %slice3A_1056 = vector.extract_strided_slice %while3A_1026 {offsets = [10], sizes = [1], strides = [1]} : vector<16xi32> to vector<1xi32>
    %squeeze3A_1057 = vector.extract %slice3A_1056[0] : i32 from vector<1xi32>
    %add3A_1058 = arith.addi %add3A_1055, %squeeze3A_1057 : i32
    %slice3A_1059 = vector.extract_strided_slice %while3A_1026 {offsets = [11], sizes = [1], strides = [1]} : vector<16xi32> to vector<1xi32>
    %squeeze3A_1060 = vector.extract %slice3A_1059[0] : i32 from vector<1xi32>
    %add3A_1061 = arith.addi %add3A_1058, %squeeze3A_1060 : i32
    %slice3A_1062 = vector.extract_strided_slice %while3A_1026 {offsets = [12], sizes = [1], strides = [1]} : vector<16xi32> to vector<1xi32>
    %squeeze3A_1063 = vector.extract %slice3A_1062[0] : i32 from vector<1xi32>
    %add3A_1064 = arith.addi %add3A_1061, %squeeze3A_1063 : i32
    %slice3A_1065 = vector.extract_strided_slice %while3A_1026 {offsets = [13], sizes = [1], strides = [1]} : vector<16xi32> to vector<1xi32>
    %squeeze3A_1066 = vector.extract %slice3A_1065[0] : i32 from vector<1xi32>
    %add3A_1067 = arith.addi %add3A_1064, %squeeze3A_1066 : i32
    %slice3A_1068 = vector.extract_strided_slice %while3A_1026 {offsets = [14], sizes = [1], strides = [1]} : vector<16xi32> to vector<1xi32>
    %squeeze3A_1069 = vector.extract %slice3A_1068[0] : i32 from vector<1xi32>
    %add3A_1070 = arith.addi %add3A_1067, %squeeze3A_1069 : i32
    %slice3A_1071 = vector.extract_strided_slice %while3A_1026 {offsets = [15], sizes = [1], strides = [1]} : vector<16xi32> to vector<1xi32>
    %squeeze3A_1072 = vector.extract %slice3A_1071[0] : i32 from vector<1xi32>
    %add3A_1073 = arith.addi %add3A_1070, %squeeze3A_1072 : i32
    %add3A_1074 = arith.addi %add3A_1005, %add3A_1073 : i32
    %lt3A_1075 = arith.constant 5 : i32
    %lt3A_1076 = arith.cmpi slt, %add3A_1074, %lt3A_1075 : i32
    %add3A_1077 = arith.constant 128 : i32
    %add3A_1078 = arith.addi %squeeze3A_29, %add3A_1077 : i32
    %sub3A_1079 = arith.constant 1 : i32
    %sub3A_1080 = arith.subi %add3A_1078, %sub3A_1079 : i32
    %jit3A_1081 = arith.constant 128 : i32
    %div3A_1082 = arith.divsi %sub3A_1080, %jit3A_1081 : i32
    %sign3A_1083 = arith.constant 0 : i32
    %sign3A_1084 = arith.cmpi sgt, %sub3A_1080, %sign3A_1083 : i32
    %sign3A_1085 = arith.extui %sign3A_1084 : i1 to i32
    %sign3A_1086 = arith.constant 0 : i32
    %sign3A_1087 = arith.cmpi slt, %sub3A_1080, %sign3A_1086 : i32
    %sign3A_1088 = arith.extui %sign3A_1087 : i1 to i32
    %sign3A_1089 = arith.subi %sign3A_1085, %sign3A_1088 : i32
    %sign3A_1090 = arith.constant 0 : i32
    %sign3A_1091 = arith.cmpi sgt, %jit3A_1081, %sign3A_1090 : i32
    %sign3A_1092 = arith.extui %sign3A_1091 : i1 to i32
    %sign3A_1093 = arith.constant 0 : i32
    %sign3A_1094 = arith.cmpi slt, %jit3A_1081, %sign3A_1093 : i32
    %sign3A_1095 = arith.extui %sign3A_1094 : i1 to i32
    %sign3A_1096 = arith.subi %sign3A_1092, %sign3A_1095 : i32
    %ne3A_1097 = arith.cmpi ne, %sign3A_1089, %sign3A_1096 : i32
    %rem3A_1098 = arith.remsi %sub3A_1080, %jit3A_1081 : i32
    %ne3A_1099 = arith.constant 0 : i32
    %ne3A_1100 = arith.cmpi ne, %rem3A_1098, %ne3A_1099 : i32
    %and3A_1101 = arith.andi %ne3A_1097, %ne3A_1100 : i1
    %sub3A_1102 = arith.constant 1 : i32
    %sub3A_1103 = arith.subi %div3A_1082, %sub3A_1102 : i32
    %select_n3A_1104 = arith.select %and3A_1101, %sub3A_1103, %div3A_1082 : i32
    %jit3A_1105 = arith.constant 0 : i32
    %select_n3A_1106 = arith.select %lt3A_1076, %select_n3A_1104, %jit3A_1105 : i32
    %while3A_1107 = arith.constant 0 : i32
    %while3A_1108 = arith.subi %select_n3A_1106, %while3A_1107 : i32
    %while3A_1109 = arith.addi %while3A_1107, %while3A_1108 : i32
    %while3A_1110 = arith.constant 1 : i32
    %while3A_1111 = arith.divsi %while3A_1108, %while3A_1110 : i32
    %while3A_1112 = arith.muli %while3A_1111, %while3A_1110 : i32
    %while3A_1113 = arith.addi %while3A_1107, %while3A_1112 : i32
    %while3A_1114 = arith.constant 1 : i32
    %while3A_1115 = scf.for %while3A_1529 = %while3A_1107 to %while3A_1113 step %while3A_1114 iter_args(%while3A_1530 = %broadcast_in_dim3A_155) -> (vector<16xi32>)  : i32 {
      %mul3A_1531 = arith.constant 128 : i32
      %mul3A_1532 = arith.muli %while3A_1529, %mul3A_1531 : i32
      %add3A_1533 = arith.constant 0 : i32
      %add3A_1534 = arith.addi %mul3A_1532, %add3A_1533 : i32
      %get3A_1535 = arith.index_cast %add3A_1534 : i32 to index
      %get3A_1536 = tpu.vector_load %arg5[%get3A_1535] {strides = array<i32>} : memref<32896xf32, #tpu.memory_space<vmem>>, vector<16xf32>,
      %get3A_1537 = vector.shape_cast %get3A_1536 : vector<16xf32> to vector<16xf32>
      %add3A_1538 = vector.broadcast %add3A_1534 : i32 to vector<16xi32>
      %add3A_1539 = arith.addi %iota3A, %add3A_1538 : vector<16xi32>
      %eq3A = arith.cmpf oeq, %get3A_1537, %add3A_883 : vector<16xf32>
      %lt3A_1540 = arith.cmpi slt, %add3A_1539, %add3A_872 : vector<16xi32>
      %and3A_1541 = arith.andi %eq3A, %lt3A_1540 : vector<16xi1>
      %select_n3A_1542 = arith.select %and3A_1541, %broadcast_in_dim3A_157, %broadcast_in_dim3A_155 : vector<16xi1>, vector<16xi32>
      %add3A_1543 = arith.addi %while3A_1530, %select_n3A_1542 : vector<16xi32>
      %mul3A_1544 = arith.constant 128 : i32
      %mul3A_1545 = arith.muli %while3A_1529, %mul3A_1544 : i32
      %add3A_1546 = arith.constant 16 : i32
      %add3A_1547 = arith.addi %mul3A_1545, %add3A_1546 : i32
      %get3A_1548 = arith.index_cast %add3A_1547 : i32 to index
      %get3A_1549 = tpu.vector_load %arg5[%get3A_1548] {strides = array<i32>} : memref<32896xf32, #tpu.memory_space<vmem>>, vector<16xf32>,
      %get3A_1550 = vector.shape_cast %get3A_1549 : vector<16xf32> to vector<16xf32>
      %add3A_1551 = vector.broadcast %add3A_1547 : i32 to vector<16xi32>
      %add3A_1552 = arith.addi %iota3A, %add3A_1551 : vector<16xi32>
      %eq3A_1553 = arith.cmpf oeq, %get3A_1550, %add3A_883 : vector<16xf32>
      %lt3A_1554 = arith.cmpi slt, %add3A_1552, %add3A_872 : vector<16xi32>
      %and3A_1555 = arith.andi %eq3A_1553, %lt3A_1554 : vector<16xi1>
      %select_n3A_1556 = arith.select %and3A_1555, %broadcast_in_dim3A_157, %broadcast_in_dim3A_155 : vector<16xi1>, vector<16xi32>
      %add3A_1557 = arith.addi %add3A_1543, %select_n3A_1556 : vector<16xi32>
      %mul3A_1558 = arith.constant 128 : i32
      %mul3A_1559 = arith.muli %while3A_1529, %mul3A_1558 : i32
      %add3A_1560 = arith.constant 32 : i32
      %add3A_1561 = arith.addi %mul3A_1559, %add3A_1560 : i32
      %get3A_1562 = arith.index_cast %add3A_1561 : i32 to index
      %get3A_1563 = tpu.vector_load %arg5[%get3A_1562] {strides = array<i32>} : memref<32896xf32, #tpu.memory_space<vmem>>, vector<16xf32>,
      %get3A_1564 = vector.shape_cast %get3A_1563 : vector<16xf32> to vector<16xf32>
      %add3A_1565 = vector.broadcast %add3A_1561 : i32 to vector<16xi32>
      %add3A_1566 = arith.addi %iota3A, %add3A_1565 : vector<16xi32>
      %eq3A_1567 = arith.cmpf oeq, %get3A_1564, %add3A_883 : vector<16xf32>
      %lt3A_1568 = arith.cmpi slt, %add3A_1566, %add3A_872 : vector<16xi32>
      %and3A_1569 = arith.andi %eq3A_1567, %lt3A_1568 : vector<16xi1>
      %select_n3A_1570 = arith.select %and3A_1569, %broadcast_in_dim3A_157, %broadcast_in_dim3A_155 : vector<16xi1>, vector<16xi32>
      %add3A_1571 = arith.addi %add3A_1557, %select_n3A_1570 : vector<16xi32>
      %mul3A_1572 = arith.constant 128 : i32
      %mul3A_1573 = arith.muli %while3A_1529, %mul3A_1572 : i32
      %add3A_1574 = arith.constant 48 : i32
      %add3A_1575 = arith.addi %mul3A_1573, %add3A_1574 : i32
      %get3A_1576 = arith.index_cast %add3A_1575 : i32 to index
      %get3A_1577 = tpu.vector_load %arg5[%get3A_1576] {strides = array<i32>} : memref<32896xf32, #tpu.memory_space<vmem>>, vector<16xf32>,
      %get3A_1578 = vector.shape_cast %get3A_1577 : vector<16xf32> to vector<16xf32>
      %add3A_1579 = vector.broadcast %add3A_1575 : i32 to vector<16xi32>
      %add3A_1580 = arith.addi %iota3A, %add3A_1579 : vector<16xi32>
      %eq3A_1581 = arith.cmpf oeq, %get3A_1578, %add3A_883 : vector<16xf32>
      %lt3A_1582 = arith.cmpi slt, %add3A_1580, %add3A_872 : vector<16xi32>
      %and3A_1583 = arith.andi %eq3A_1581, %lt3A_1582 : vector<16xi1>
      %select_n3A_1584 = arith.select %and3A_1583, %broadcast_in_dim3A_157, %broadcast_in_dim3A_155 : vector<16xi1>, vector<16xi32>
      %add3A_1585 = arith.addi %add3A_1571, %select_n3A_1584 : vector<16xi32>
      %mul3A_1586 = arith.constant 128 : i32
      %mul3A_1587 = arith.muli %while3A_1529, %mul3A_1586 : i32
      %add3A_1588 = arith.constant 64 : i32
      %add3A_1589 = arith.addi %mul3A_1587, %add3A_1588 : i32
      %get3A_1590 = arith.index_cast %add3A_1589 : i32 to index
      %get3A_1591 = tpu.vector_load %arg5[%get3A_1590] {strides = array<i32>} : memref<32896xf32, #tpu.memory_space<vmem>>, vector<16xf32>,
      %get3A_1592 = vector.shape_cast %get3A_1591 : vector<16xf32> to vector<16xf32>
      %add3A_1593 = vector.broadcast %add3A_1589 : i32 to vector<16xi32>
      %add3A_1594 = arith.addi %iota3A, %add3A_1593 : vector<16xi32>
      %eq3A_1595 = arith.cmpf oeq, %get3A_1592, %add3A_883 : vector<16xf32>
      %lt3A_1596 = arith.cmpi slt, %add3A_1594, %add3A_872 : vector<16xi32>
      %and3A_1597 = arith.andi %eq3A_1595, %lt3A_1596 : vector<16xi1>
      %select_n3A_1598 = arith.select %and3A_1597, %broadcast_in_dim3A_157, %broadcast_in_dim3A_155 : vector<16xi1>, vector<16xi32>
      %add3A_1599 = arith.addi %add3A_1585, %select_n3A_1598 : vector<16xi32>
      %mul3A_1600 = arith.constant 128 : i32
      %mul3A_1601 = arith.muli %while3A_1529, %mul3A_1600 : i32
      %add3A_1602 = arith.constant 80 : i32
      %add3A_1603 = arith.addi %mul3A_1601, %add3A_1602 : i32
      %get3A_1604 = arith.index_cast %add3A_1603 : i32 to index
      %get3A_1605 = tpu.vector_load %arg5[%get3A_1604] {strides = array<i32>} : memref<32896xf32, #tpu.memory_space<vmem>>, vector<16xf32>,
      %get3A_1606 = vector.shape_cast %get3A_1605 : vector<16xf32> to vector<16xf32>
      %add3A_1607 = vector.broadcast %add3A_1603 : i32 to vector<16xi32>
      %add3A_1608 = arith.addi %iota3A, %add3A_1607 : vector<16xi32>
      %eq3A_1609 = arith.cmpf oeq, %get3A_1606, %add3A_883 : vector<16xf32>
      %lt3A_1610 = arith.cmpi slt, %add3A_1608, %add3A_872 : vector<16xi32>
      %and3A_1611 = arith.andi %eq3A_1609, %lt3A_1610 : vector<16xi1>
      %select_n3A_1612 = arith.select %and3A_1611, %broadcast_in_dim3A_157, %broadcast_in_dim3A_155 : vector<16xi1>, vector<16xi32>
      %add3A_1613 = arith.addi %add3A_1599, %select_n3A_1612 : vector<16xi32>
      %mul3A_1614 = arith.constant 128 : i32
      %mul3A_1615 = arith.muli %while3A_1529, %mul3A_1614 : i32
      %add3A_1616 = arith.constant 96 : i32
      %add3A_1617 = arith.addi %mul3A_1615, %add3A_1616 : i32
      %get3A_1618 = arith.index_cast %add3A_1617 : i32 to index
      %get3A_1619 = tpu.vector_load %arg5[%get3A_1618] {strides = array<i32>} : memref<32896xf32, #tpu.memory_space<vmem>>, vector<16xf32>,
      %get3A_1620 = vector.shape_cast %get3A_1619 : vector<16xf32> to vector<16xf32>
      %add3A_1621 = vector.broadcast %add3A_1617 : i32 to vector<16xi32>
      %add3A_1622 = arith.addi %iota3A, %add3A_1621 : vector<16xi32>
      %eq3A_1623 = arith.cmpf oeq, %get3A_1620, %add3A_883 : vector<16xf32>
      %lt3A_1624 = arith.cmpi slt, %add3A_1622, %add3A_872 : vector<16xi32>
      %and3A_1625 = arith.andi %eq3A_1623, %lt3A_1624 : vector<16xi1>
      %select_n3A_1626 = arith.select %and3A_1625, %broadcast_in_dim3A_157, %broadcast_in_dim3A_155 : vector<16xi1>, vector<16xi32>
      %add3A_1627 = arith.addi %add3A_1613, %select_n3A_1626 : vector<16xi32>
      %mul3A_1628 = arith.constant 128 : i32
      %mul3A_1629 = arith.muli %while3A_1529, %mul3A_1628 : i32
      %add3A_1630 = arith.constant 112 : i32
      %add3A_1631 = arith.addi %mul3A_1629, %add3A_1630 : i32
      %get3A_1632 = arith.index_cast %add3A_1631 : i32 to index
      %get3A_1633 = tpu.vector_load %arg5[%get3A_1632] {strides = array<i32>} : memref<32896xf32, #tpu.memory_space<vmem>>, vector<16xf32>,
      %get3A_1634 = vector.shape_cast %get3A_1633 : vector<16xf32> to vector<16xf32>
      %add3A_1635 = vector.broadcast %add3A_1631 : i32 to vector<16xi32>
      %add3A_1636 = arith.addi %iota3A, %add3A_1635 : vector<16xi32>
      %eq3A_1637 = arith.cmpf oeq, %get3A_1634, %add3A_883 : vector<16xf32>
      %lt3A_1638 = arith.cmpi slt, %add3A_1636, %add3A_872 : vector<16xi32>
      %and3A_1639 = arith.andi %eq3A_1637, %lt3A_1638 : vector<16xi1>
      %select_n3A_1640 = arith.select %and3A_1639, %broadcast_in_dim3A_157, %broadcast_in_dim3A_155 : vector<16xi1>, vector<16xi32>
      %add3A_1641 = arith.addi %add3A_1627, %select_n3A_1640 : vector<16xi32>
      scf.yield %add3A_1641 : vector<16xi32>
    }
    %while3A_1116 = arith.constant 1 : i32
    %while3A_1117 = scf.for %while3A_1529 = %while3A_1113 to %while3A_1109 step %while3A_1116 iter_args(%while3A_1530 = %while3A_1115) -> (vector<16xi32>)  : i32 {
      %mul3A_1531 = arith.constant 128 : i32
      %mul3A_1532 = arith.muli %while3A_1529, %mul3A_1531 : i32
      %add3A_1533 = arith.constant 0 : i32
      %add3A_1534 = arith.addi %mul3A_1532, %add3A_1533 : i32
      %get3A_1535 = arith.index_cast %add3A_1534 : i32 to index
      %get3A_1536 = tpu.vector_load %arg5[%get3A_1535] {strides = array<i32>} : memref<32896xf32, #tpu.memory_space<vmem>>, vector<16xf32>,
      %get3A_1537 = vector.shape_cast %get3A_1536 : vector<16xf32> to vector<16xf32>
      %add3A_1538 = vector.broadcast %add3A_1534 : i32 to vector<16xi32>
      %add3A_1539 = arith.addi %iota3A, %add3A_1538 : vector<16xi32>
      %eq3A = arith.cmpf oeq, %get3A_1537, %add3A_883 : vector<16xf32>
      %lt3A_1540 = arith.cmpi slt, %add3A_1539, %add3A_872 : vector<16xi32>
      %and3A_1541 = arith.andi %eq3A, %lt3A_1540 : vector<16xi1>
      %select_n3A_1542 = arith.select %and3A_1541, %broadcast_in_dim3A_157, %broadcast_in_dim3A_155 : vector<16xi1>, vector<16xi32>
      %add3A_1543 = arith.addi %while3A_1530, %select_n3A_1542 : vector<16xi32>
      %mul3A_1544 = arith.constant 128 : i32
      %mul3A_1545 = arith.muli %while3A_1529, %mul3A_1544 : i32
      %add3A_1546 = arith.constant 16 : i32
      %add3A_1547 = arith.addi %mul3A_1545, %add3A_1546 : i32
      %get3A_1548 = arith.index_cast %add3A_1547 : i32 to index
      %get3A_1549 = tpu.vector_load %arg5[%get3A_1548] {strides = array<i32>} : memref<32896xf32, #tpu.memory_space<vmem>>, vector<16xf32>,
      %get3A_1550 = vector.shape_cast %get3A_1549 : vector<16xf32> to vector<16xf32>
      %add3A_1551 = vector.broadcast %add3A_1547 : i32 to vector<16xi32>
      %add3A_1552 = arith.addi %iota3A, %add3A_1551 : vector<16xi32>
      %eq3A_1553 = arith.cmpf oeq, %get3A_1550, %add3A_883 : vector<16xf32>
      %lt3A_1554 = arith.cmpi slt, %add3A_1552, %add3A_872 : vector<16xi32>
      %and3A_1555 = arith.andi %eq3A_1553, %lt3A_1554 : vector<16xi1>
      %select_n3A_1556 = arith.select %and3A_1555, %broadcast_in_dim3A_157, %broadcast_in_dim3A_155 : vector<16xi1>, vector<16xi32>
      %add3A_1557 = arith.addi %add3A_1543, %select_n3A_1556 : vector<16xi32>
      %mul3A_1558 = arith.constant 128 : i32
      %mul3A_1559 = arith.muli %while3A_1529, %mul3A_1558 : i32
      %add3A_1560 = arith.constant 32 : i32
      %add3A_1561 = arith.addi %mul3A_1559, %add3A_1560 : i32
      %get3A_1562 = arith.index_cast %add3A_1561 : i32 to index
      %get3A_1563 = tpu.vector_load %arg5[%get3A_1562] {strides = array<i32>} : memref<32896xf32, #tpu.memory_space<vmem>>, vector<16xf32>,
      %get3A_1564 = vector.shape_cast %get3A_1563 : vector<16xf32> to vector<16xf32>
      %add3A_1565 = vector.broadcast %add3A_1561 : i32 to vector<16xi32>
      %add3A_1566 = arith.addi %iota3A, %add3A_1565 : vector<16xi32>
      %eq3A_1567 = arith.cmpf oeq, %get3A_1564, %add3A_883 : vector<16xf32>
      %lt3A_1568 = arith.cmpi slt, %add3A_1566, %add3A_872 : vector<16xi32>
      %and3A_1569 = arith.andi %eq3A_1567, %lt3A_1568 : vector<16xi1>
      %select_n3A_1570 = arith.select %and3A_1569, %broadcast_in_dim3A_157, %broadcast_in_dim3A_155 : vector<16xi1>, vector<16xi32>
      %add3A_1571 = arith.addi %add3A_1557, %select_n3A_1570 : vector<16xi32>
      %mul3A_1572 = arith.constant 128 : i32
      %mul3A_1573 = arith.muli %while3A_1529, %mul3A_1572 : i32
      %add3A_1574 = arith.constant 48 : i32
      %add3A_1575 = arith.addi %mul3A_1573, %add3A_1574 : i32
      %get3A_1576 = arith.index_cast %add3A_1575 : i32 to index
      %get3A_1577 = tpu.vector_load %arg5[%get3A_1576] {strides = array<i32>} : memref<32896xf32, #tpu.memory_space<vmem>>, vector<16xf32>,
      %get3A_1578 = vector.shape_cast %get3A_1577 : vector<16xf32> to vector<16xf32>
      %add3A_1579 = vector.broadcast %add3A_1575 : i32 to vector<16xi32>
      %add3A_1580 = arith.addi %iota3A, %add3A_1579 : vector<16xi32>
      %eq3A_1581 = arith.cmpf oeq, %get3A_1578, %add3A_883 : vector<16xf32>
      %lt3A_1582 = arith.cmpi slt, %add3A_1580, %add3A_872 : vector<16xi32>
      %and3A_1583 = arith.andi %eq3A_1581, %lt3A_1582 : vector<16xi1>
      %select_n3A_1584 = arith.select %and3A_1583, %broadcast_in_dim3A_157, %broadcast_in_dim3A_155 : vector<16xi1>, vector<16xi32>
      %add3A_1585 = arith.addi %add3A_1571, %select_n3A_1584 : vector<16xi32>
      %mul3A_1586 = arith.constant 128 : i32
      %mul3A_1587 = arith.muli %while3A_1529, %mul3A_1586 : i32
      %add3A_1588 = arith.constant 64 : i32
      %add3A_1589 = arith.addi %mul3A_1587, %add3A_1588 : i32
      %get3A_1590 = arith.index_cast %add3A_1589 : i32 to index
      %get3A_1591 = tpu.vector_load %arg5[%get3A_1590] {strides = array<i32>} : memref<32896xf32, #tpu.memory_space<vmem>>, vector<16xf32>,
      %get3A_1592 = vector.shape_cast %get3A_1591 : vector<16xf32> to vector<16xf32>
      %add3A_1593 = vector.broadcast %add3A_1589 : i32 to vector<16xi32>
      %add3A_1594 = arith.addi %iota3A, %add3A_1593 : vector<16xi32>
      %eq3A_1595 = arith.cmpf oeq, %get3A_1592, %add3A_883 : vector<16xf32>
      %lt3A_1596 = arith.cmpi slt, %add3A_1594, %add3A_872 : vector<16xi32>
      %and3A_1597 = arith.andi %eq3A_1595, %lt3A_1596 : vector<16xi1>
      %select_n3A_1598 = arith.select %and3A_1597, %broadcast_in_dim3A_157, %broadcast_in_dim3A_155 : vector<16xi1>, vector<16xi32>
      %add3A_1599 = arith.addi %add3A_1585, %select_n3A_1598 : vector<16xi32>
      %mul3A_1600 = arith.constant 128 : i32
      %mul3A_1601 = arith.muli %while3A_1529, %mul3A_1600 : i32
      %add3A_1602 = arith.constant 80 : i32
      %add3A_1603 = arith.addi %mul3A_1601, %add3A_1602 : i32
      %get3A_1604 = arith.index_cast %add3A_1603 : i32 to index
      %get3A_1605 = tpu.vector_load %arg5[%get3A_1604] {strides = array<i32>} : memref<32896xf32, #tpu.memory_space<vmem>>, vector<16xf32>,
      %get3A_1606 = vector.shape_cast %get3A_1605 : vector<16xf32> to vector<16xf32>
      %add3A_1607 = vector.broadcast %add3A_1603 : i32 to vector<16xi32>
      %add3A_1608 = arith.addi %iota3A, %add3A_1607 : vector<16xi32>
      %eq3A_1609 = arith.cmpf oeq, %get3A_1606, %add3A_883 : vector<16xf32>
      %lt3A_1610 = arith.cmpi slt, %add3A_1608, %add3A_872 : vector<16xi32>
      %and3A_1611 = arith.andi %eq3A_1609, %lt3A_1610 : vector<16xi1>
      %select_n3A_1612 = arith.select %and3A_1611, %broadcast_in_dim3A_157, %broadcast_in_dim3A_155 : vector<16xi1>, vector<16xi32>
      %add3A_1613 = arith.addi %add3A_1599, %select_n3A_1612 : vector<16xi32>
      %mul3A_1614 = arith.constant 128 : i32
      %mul3A_1615 = arith.muli %while3A_1529, %mul3A_1614 : i32
      %add3A_1616 = arith.constant 96 : i32
      %add3A_1617 = arith.addi %mul3A_1615, %add3A_1616 : i32
      %get3A_1618 = arith.index_cast %add3A_1617 : i32 to index
      %get3A_1619 = tpu.vector_load %arg5[%get3A_1618] {strides = array<i32>} : memref<32896xf32, #tpu.memory_space<vmem>>, vector<16xf32>,
      %get3A_1620 = vector.shape_cast %get3A_1619 : vector<16xf32> to vector<16xf32>
      %add3A_1621 = vector.broadcast %add3A_1617 : i32 to vector<16xi32>
      %add3A_1622 = arith.addi %iota3A, %add3A_1621 : vector<16xi32>
      %eq3A_1623 = arith.cmpf oeq, %get3A_1620, %add3A_883 : vector<16xf32>
      %lt3A_1624 = arith.cmpi slt, %add3A_1622, %add3A_872 : vector<16xi32>
      %and3A_1625 = arith.andi %eq3A_1623, %lt3A_1624 : vector<16xi1>
      %select_n3A_1626 = arith.select %and3A_1625, %broadcast_in_dim3A_157, %broadcast_in_dim3A_155 : vector<16xi1>, vector<16xi32>
      %add3A_1627 = arith.addi %add3A_1613, %select_n3A_1626 : vector<16xi32>
      %mul3A_1628 = arith.constant 128 : i32
      %mul3A_1629 = arith.muli %while3A_1529, %mul3A_1628 : i32
      %add3A_1630 = arith.constant 112 : i32
      %add3A_1631 = arith.addi %mul3A_1629, %add3A_1630 : i32
      %get3A_1632 = arith.index_cast %add3A_1631 : i32 to index
      %get3A_1633 = tpu.vector_load %arg5[%get3A_1632] {strides = array<i32>} : memref<32896xf32, #tpu.memory_space<vmem>>, vector<16xf32>,
      %get3A_1634 = vector.shape_cast %get3A_1633 : vector<16xf32> to vector<16xf32>
      %add3A_1635 = vector.broadcast %add3A_1631 : i32 to vector<16xi32>
      %add3A_1636 = arith.addi %iota3A, %add3A_1635 : vector<16xi32>
      %eq3A_1637 = arith.cmpf oeq, %get3A_1634, %add3A_883 : vector<16xf32>
      %lt3A_1638 = arith.cmpi slt, %add3A_1636, %add3A_872 : vector<16xi32>
      %and3A_1639 = arith.andi %eq3A_1637, %lt3A_1638 : vector<16xi1>
      %select_n3A_1640 = arith.select %and3A_1639, %broadcast_in_dim3A_157, %broadcast_in_dim3A_155 : vector<16xi1>, vector<16xi32>
      %add3A_1641 = arith.addi %add3A_1627, %select_n3A_1640 : vector<16xi32>
      scf.yield %add3A_1641 : vector<16xi32>
    }
    %slice3A_1118 = vector.extract_strided_slice %while3A_1117 {offsets = [0], sizes = [1], strides = [1]} : vector<16xi32> to vector<1xi32>
    %squeeze3A_1119 = vector.extract %slice3A_1118[0] : i32 from vector<1xi32>
    %slice3A_1120 = vector.extract_strided_slice %while3A_1117 {offsets = [1], sizes = [1], strides = [1]} : vector<16xi32> to vector<1xi32>
    %squeeze3A_1121 = vector.extract %slice3A_1120[0] : i32 from vector<1xi32>
    %add3A_1122 = arith.addi %squeeze3A_1119, %squeeze3A_1121 : i32
    %slice3A_1123 = vector.extract_strided_slice %while3A_1117 {offsets = [2], sizes = [1], strides = [1]} : vector<16xi32> to vector<1xi32>
    %squeeze3A_1124 = vector.extract %slice3A_1123[0] : i32 from vector<1xi32>
    %add3A_1125 = arith.addi %add3A_1122, %squeeze3A_1124 : i32
    %slice3A_1126 = vector.extract_strided_slice %while3A_1117 {offsets = [3], sizes = [1], strides = [1]} : vector<16xi32> to vector<1xi32>
    %squeeze3A_1127 = vector.extract %slice3A_1126[0] : i32 from vector<1xi32>
    %add3A_1128 = arith.addi %add3A_1125, %squeeze3A_1127 : i32
    %slice3A_1129 = vector.extract_strided_slice %while3A_1117 {offsets = [4], sizes = [1], strides = [1]} : vector<16xi32> to vector<1xi32>
    %squeeze3A_1130 = vector.extract %slice3A_1129[0] : i32 from vector<1xi32>
    %add3A_1131 = arith.addi %add3A_1128, %squeeze3A_1130 : i32
    %slice3A_1132 = vector.extract_strided_slice %while3A_1117 {offsets = [5], sizes = [1], strides = [1]} : vector<16xi32> to vector<1xi32>
    %squeeze3A_1133 = vector.extract %slice3A_1132[0] : i32 from vector<1xi32>
    %add3A_1134 = arith.addi %add3A_1131, %squeeze3A_1133 : i32
    %slice3A_1135 = vector.extract_strided_slice %while3A_1117 {offsets = [6], sizes = [1], strides = [1]} : vector<16xi32> to vector<1xi32>
    %squeeze3A_1136 = vector.extract %slice3A_1135[0] : i32 from vector<1xi32>
    %add3A_1137 = arith.addi %add3A_1134, %squeeze3A_1136 : i32
    %slice3A_1138 = vector.extract_strided_slice %while3A_1117 {offsets = [7], sizes = [1], strides = [1]} : vector<16xi32> to vector<1xi32>
    %squeeze3A_1139 = vector.extract %slice3A_1138[0] : i32 from vector<1xi32>
    %add3A_1140 = arith.addi %add3A_1137, %squeeze3A_1139 : i32
    %slice3A_1141 = vector.extract_strided_slice %while3A_1117 {offsets = [8], sizes = [1], strides = [1]} : vector<16xi32> to vector<1xi32>
    %squeeze3A_1142 = vector.extract %slice3A_1141[0] : i32 from vector<1xi32>
    %add3A_1143 = arith.addi %add3A_1140, %squeeze3A_1142 : i32
    %slice3A_1144 = vector.extract_strided_slice %while3A_1117 {offsets = [9], sizes = [1], strides = [1]} : vector<16xi32> to vector<1xi32>
    %squeeze3A_1145 = vector.extract %slice3A_1144[0] : i32 from vector<1xi32>
    %add3A_1146 = arith.addi %add3A_1143, %squeeze3A_1145 : i32
    %slice3A_1147 = vector.extract_strided_slice %while3A_1117 {offsets = [10], sizes = [1], strides = [1]} : vector<16xi32> to vector<1xi32>
    %squeeze3A_1148 = vector.extract %slice3A_1147[0] : i32 from vector<1xi32>
    %add3A_1149 = arith.addi %add3A_1146, %squeeze3A_1148 : i32
    %slice3A_1150 = vector.extract_strided_slice %while3A_1117 {offsets = [11], sizes = [1], strides = [1]} : vector<16xi32> to vector<1xi32>
    %squeeze3A_1151 = vector.extract %slice3A_1150[0] : i32 from vector<1xi32>
    %add3A_1152 = arith.addi %add3A_1149, %squeeze3A_1151 : i32
    %slice3A_1153 = vector.extract_strided_slice %while3A_1117 {offsets = [12], sizes = [1], strides = [1]} : vector<16xi32> to vector<1xi32>
    %squeeze3A_1154 = vector.extract %slice3A_1153[0] : i32 from vector<1xi32>
    %add3A_1155 = arith.addi %add3A_1152, %squeeze3A_1154 : i32
    %slice3A_1156 = vector.extract_strided_slice %while3A_1117 {offsets = [13], sizes = [1], strides = [1]} : vector<16xi32> to vector<1xi32>
    %squeeze3A_1157 = vector.extract %slice3A_1156[0] : i32 from vector<1xi32>
    %add3A_1158 = arith.addi %add3A_1155, %squeeze3A_1157 : i32
    %slice3A_1159 = vector.extract_strided_slice %while3A_1117 {offsets = [14], sizes = [1], strides = [1]} : vector<16xi32> to vector<1xi32>
    %squeeze3A_1160 = vector.extract %slice3A_1159[0] : i32 from vector<1xi32>
    %add3A_1161 = arith.addi %add3A_1158, %squeeze3A_1160 : i32
    %slice3A_1162 = vector.extract_strided_slice %while3A_1117 {offsets = [15], sizes = [1], strides = [1]} : vector<16xi32> to vector<1xi32>
    %squeeze3A_1163 = vector.extract %slice3A_1162[0] : i32 from vector<1xi32>
    %add3A_1164 = arith.addi %add3A_1161, %squeeze3A_1163 : i32
    %add3A_1165 = arith.addi %add3A_1074, %add3A_1164 : i32
    %lt3A_1166 = arith.constant 5 : i32
    %lt3A_1167 = arith.cmpi slt, %add3A_1165, %lt3A_1166 : i32
    %jit3A_1168 = arith.constant 1 : i32
    %jit3A_1169 = arith.constant 0 : i32
    %select_n3A_1170 = arith.select %lt3A_1167, %jit3A_1168, %jit3A_1169 : i32
    %add3A_1171 = arith.addi %add3A_838, %select_n3A_1170 : i32
    %add3A_1172 = arith.constant 3 : i32
    %add3A_1173 = arith.addi %mul3A_2, %add3A_1172 : i32
    %dma_wait3A_1174 = arith.constant 0 : i32
    %dma_wait3A_1175 = tpu.memref_slice %arg6[%dma_wait3A_1174] : memref<32896xf32, #tpu.memory_space<vmem>> -> memref<1024xf32, #tpu.memory_space<vmem>>
    %dma_wait3A_1176 = arith.constant 0 : i32
    %dma_wait3A_1177 = tpu.memref_slice %arg2[%add3A_842, %dma_wait3A_1176] : memref<128x32768xf32, #tpu.memory_space<hbm>> -> memref<1x1024xf32, #tpu.memory_space<hbm>>
    %dma_wait3A_1178 = tpu.memref_squeeze %dma_wait3A_1177 : memref<1x1024xf32, #tpu.memory_space<hbm>> -> memref<1024xf32, #tpu.memory_space<hbm>>
    %dma_wait3A_1179 = arith.constant 0 : i32
    %dma_wait3A_1180 = tpu.memref_slice %arg6[%dma_wait3A_1179] : memref<32896xf32, #tpu.memory_space<vmem>> -> memref<1024xf32, #tpu.memory_space<vmem>>
    %dma_wait3A_1181 = arith.constant 0 : i32
    %dma_wait3A_1182 = tpu.memref_slice %arg2[%add3A_842, %dma_wait3A_1181] : memref<128x32768xf32, #tpu.memory_space<hbm>> -> memref<1x1024xf32, #tpu.memory_space<hbm>>
    %dma_wait3A_1183 = tpu.memref_squeeze %dma_wait3A_1182 : memref<1x1024xf32, #tpu.memory_space<hbm>> -> memref<1024xf32, #tpu.memory_space<hbm>>
    tpu.wait_dma2 semaphore(%arg11 : memref<!tpu.dma_semaphore, #tpu.memory_space<semaphore_mem>>) src(%dma_wait3A_1183 : memref<1024xf32, #tpu.memory_space<hbm>>) dst(%dma_wait3A_1180 : memref<1024xf32, #tpu.memory_space<vmem>>)
    %dma_wait3A_1184 = arith.constant 96 : i32
    %dma_wait3A_1185 = tpu.memref_slice %arg8[%dma_wait3A_1184] : memref<128xf32, #tpu.memory_space<vmem>> -> memref<16xf32, #tpu.memory_space<vmem>>
    %dma_wait3A_1186 = tpu.memref_slice %arg2[%add3A_529, %mul3A_132] : memref<128x32768xf32, #tpu.memory_space<hbm>> -> memref<1x16xf32, #tpu.memory_space<hbm>>
    %dma_wait3A_1187 = tpu.memref_squeeze %dma_wait3A_1186 : memref<1x16xf32, #tpu.memory_space<hbm>> -> memref<16xf32, #tpu.memory_space<hbm>>
    %dma_wait3A_1188 = arith.constant 96 : i32
    %dma_wait3A_1189 = tpu.memref_slice %arg8[%dma_wait3A_1188] : memref<128xf32, #tpu.memory_space<vmem>> -> memref<16xf32, #tpu.memory_space<vmem>>
    %dma_wait3A_1190 = tpu.memref_slice %arg2[%add3A_529, %mul3A_132] : memref<128x32768xf32, #tpu.memory_space<hbm>> -> memref<1x16xf32, #tpu.memory_space<hbm>>
    %dma_wait3A_1191 = tpu.memref_squeeze %dma_wait3A_1190 : memref<1x16xf32, #tpu.memory_space<hbm>> -> memref<16xf32, #tpu.memory_space<hbm>>
    tpu.wait_dma2 semaphore(%arg13 : memref<!tpu.dma_semaphore, #tpu.memory_space<semaphore_mem>>) src(%dma_wait3A_1191 : memref<16xf32, #tpu.memory_space<hbm>>) dst(%dma_wait3A_1189 : memref<16xf32, #tpu.memory_space<vmem>>)
    %add3A_1192 = vector.broadcast %squeeze3A_36 : i32 to vector<16xi32>
    %add3A_1193 = arith.addi %broadcast_in_dim3A_155, %add3A_1192 : vector<16xi32>
    %broadcast_in_dim3A_1194 = arith.constant 0.000000e+00 : f32
    %broadcast_in_dim3A_1195 = vector.broadcast %broadcast_in_dim3A_1194 : f32 to vector<16xf32>
    %add3A_1196 = arith.constant 96 : i32
    %add3A_1197 = arith.addi %add3A_1196, %sub3A_136 : i32
    %get3A_1198 = arith.index_cast %add3A_1197 : i32 to index
    %get3A_1199 = tpu.vector_load %arg8[%get3A_1198] {strides = array<i32>} : memref<128xf32, #tpu.memory_space<vmem>>, vector<16xf32>,
    %get3A_1200 = vector.shape_cast %get3A_1199 : vector<16xf32> to vector<16xf32>
    %slice3A_1201 = vector.extract_strided_slice %get3A_1200 {offsets = [0], sizes = [1], strides = [1]} : vector<16xf32> to vector<1xf32>
    %squeeze3A_1202 = vector.extract %slice3A_1201[0] : f32 from vector<1xf32>
    %add3A_1203 = vector.broadcast %squeeze3A_1202 : f32 to vector<16xf32>
    %add3A_1204 = arith.addf %broadcast_in_dim3A_1195, %add3A_1203 : vector<16xf32>
    %scan3A_1205 = arith.constant 0 : i32
    %scan3A_1206 = arith.constant 8 : i32
    %scan3A_1207 = arith.addi %scan3A_1205, %scan3A_1206 : i32
    %scan3A_1208 = arith.constant 1 : i32
    %scan3A_1209 = scf.for %scan3A_1529 = %scan3A_1205 to %scan3A_1207 step %scan3A_1208 iter_args(%scan3A_1530 = %broadcast_in_dim3A_155) -> (vector<16xi32>)  : i32 {
      %mul3A_1531 = arith.constant 128 : i32
      %mul3A_1532 = arith.muli %scan3A_1529, %mul3A_1531 : i32
      %add3A_1533 = arith.constant 0 : i32
      %add3A_1534 = arith.addi %add3A_1533, %mul3A_1532 : i32
      %add3A_1535 = arith.constant 0 : i32
      %add3A_1536 = arith.addi %add3A_1534, %add3A_1535 : i32
      %get3A_1537 = arith.index_cast %add3A_1536 : i32 to index
      %get3A_1538 = tpu.vector_load %arg6[%get3A_1537] {strides = array<i32>} : memref<32896xf32, #tpu.memory_space<vmem>>, vector<16xf32>,
      %get3A_1539 = vector.shape_cast %get3A_1538 : vector<16xf32> to vector<16xf32>
      %gt3A = arith.cmpf ogt, %get3A_1539, %add3A_1204 : vector<16xf32>
      %select_n3A_1540 = arith.select %gt3A, %broadcast_in_dim3A_157, %broadcast_in_dim3A_155 : vector<16xi1>, vector<16xi32>
      %add3A_1541 = arith.addi %scan3A_1530, %select_n3A_1540 : vector<16xi32>
      %mul3A_1542 = arith.constant 128 : i32
      %mul3A_1543 = arith.muli %scan3A_1529, %mul3A_1542 : i32
      %add3A_1544 = arith.constant 0 : i32
      %add3A_1545 = arith.addi %add3A_1544, %mul3A_1543 : i32
      %add3A_1546 = arith.constant 16 : i32
      %add3A_1547 = arith.addi %add3A_1545, %add3A_1546 : i32
      %get3A_1548 = arith.index_cast %add3A_1547 : i32 to index
      %get3A_1549 = tpu.vector_load %arg6[%get3A_1548] {strides = array<i32>} : memref<32896xf32, #tpu.memory_space<vmem>>, vector<16xf32>,
      %get3A_1550 = vector.shape_cast %get3A_1549 : vector<16xf32> to vector<16xf32>
      %gt3A_1551 = arith.cmpf ogt, %get3A_1550, %add3A_1204 : vector<16xf32>
      %select_n3A_1552 = arith.select %gt3A_1551, %broadcast_in_dim3A_157, %broadcast_in_dim3A_155 : vector<16xi1>, vector<16xi32>
      %add3A_1553 = arith.addi %add3A_1541, %select_n3A_1552 : vector<16xi32>
      %mul3A_1554 = arith.constant 128 : i32
      %mul3A_1555 = arith.muli %scan3A_1529, %mul3A_1554 : i32
      %add3A_1556 = arith.constant 0 : i32
      %add3A_1557 = arith.addi %add3A_1556, %mul3A_1555 : i32
      %add3A_1558 = arith.constant 32 : i32
      %add3A_1559 = arith.addi %add3A_1557, %add3A_1558 : i32
      %get3A_1560 = arith.index_cast %add3A_1559 : i32 to index
      %get3A_1561 = tpu.vector_load %arg6[%get3A_1560] {strides = array<i32>} : memref<32896xf32, #tpu.memory_space<vmem>>, vector<16xf32>,
      %get3A_1562 = vector.shape_cast %get3A_1561 : vector<16xf32> to vector<16xf32>
      %gt3A_1563 = arith.cmpf ogt, %get3A_1562, %add3A_1204 : vector<16xf32>
      %select_n3A_1564 = arith.select %gt3A_1563, %broadcast_in_dim3A_157, %broadcast_in_dim3A_155 : vector<16xi1>, vector<16xi32>
      %add3A_1565 = arith.addi %add3A_1553, %select_n3A_1564 : vector<16xi32>
      %mul3A_1566 = arith.constant 128 : i32
      %mul3A_1567 = arith.muli %scan3A_1529, %mul3A_1566 : i32
      %add3A_1568 = arith.constant 0 : i32
      %add3A_1569 = arith.addi %add3A_1568, %mul3A_1567 : i32
      %add3A_1570 = arith.constant 48 : i32
      %add3A_1571 = arith.addi %add3A_1569, %add3A_1570 : i32
      %get3A_1572 = arith.index_cast %add3A_1571 : i32 to index
      %get3A_1573 = tpu.vector_load %arg6[%get3A_1572] {strides = array<i32>} : memref<32896xf32, #tpu.memory_space<vmem>>, vector<16xf32>,
      %get3A_1574 = vector.shape_cast %get3A_1573 : vector<16xf32> to vector<16xf32>
      %gt3A_1575 = arith.cmpf ogt, %get3A_1574, %add3A_1204 : vector<16xf32>
      %select_n3A_1576 = arith.select %gt3A_1575, %broadcast_in_dim3A_157, %broadcast_in_dim3A_155 : vector<16xi1>, vector<16xi32>
      %add3A_1577 = arith.addi %add3A_1565, %select_n3A_1576 : vector<16xi32>
      %mul3A_1578 = arith.constant 128 : i32
      %mul3A_1579 = arith.muli %scan3A_1529, %mul3A_1578 : i32
      %add3A_1580 = arith.constant 0 : i32
      %add3A_1581 = arith.addi %add3A_1580, %mul3A_1579 : i32
      %add3A_1582 = arith.constant 64 : i32
      %add3A_1583 = arith.addi %add3A_1581, %add3A_1582 : i32
      %get3A_1584 = arith.index_cast %add3A_1583 : i32 to index
      %get3A_1585 = tpu.vector_load %arg6[%get3A_1584] {strides = array<i32>} : memref<32896xf32, #tpu.memory_space<vmem>>, vector<16xf32>,
      %get3A_1586 = vector.shape_cast %get3A_1585 : vector<16xf32> to vector<16xf32>
      %gt3A_1587 = arith.cmpf ogt, %get3A_1586, %add3A_1204 : vector<16xf32>
      %select_n3A_1588 = arith.select %gt3A_1587, %broadcast_in_dim3A_157, %broadcast_in_dim3A_155 : vector<16xi1>, vector<16xi32>
      %add3A_1589 = arith.addi %add3A_1577, %select_n3A_1588 : vector<16xi32>
      %mul3A_1590 = arith.constant 128 : i32
      %mul3A_1591 = arith.muli %scan3A_1529, %mul3A_1590 : i32
      %add3A_1592 = arith.constant 0 : i32
      %add3A_1593 = arith.addi %add3A_1592, %mul3A_1591 : i32
      %add3A_1594 = arith.constant 80 : i32
      %add3A_1595 = arith.addi %add3A_1593, %add3A_1594 : i32
      %get3A_1596 = arith.index_cast %add3A_1595 : i32 to index
      %get3A_1597 = tpu.vector_load %arg6[%get3A_1596] {strides = array<i32>} : memref<32896xf32, #tpu.memory_space<vmem>>, vector<16xf32>,
      %get3A_1598 = vector.shape_cast %get3A_1597 : vector<16xf32> to vector<16xf32>
      %gt3A_1599 = arith.cmpf ogt, %get3A_1598, %add3A_1204 : vector<16xf32>
      %select_n3A_1600 = arith.select %gt3A_1599, %broadcast_in_dim3A_157, %broadcast_in_dim3A_155 : vector<16xi1>, vector<16xi32>
      %add3A_1601 = arith.addi %add3A_1589, %select_n3A_1600 : vector<16xi32>
      %mul3A_1602 = arith.constant 128 : i32
      %mul3A_1603 = arith.muli %scan3A_1529, %mul3A_1602 : i32
      %add3A_1604 = arith.constant 0 : i32
      %add3A_1605 = arith.addi %add3A_1604, %mul3A_1603 : i32
      %add3A_1606 = arith.constant 96 : i32
      %add3A_1607 = arith.addi %add3A_1605, %add3A_1606 : i32
      %get3A_1608 = arith.index_cast %add3A_1607 : i32 to index
      %get3A_1609 = tpu.vector_load %arg6[%get3A_1608] {strides = array<i32>} : memref<32896xf32, #tpu.memory_space<vmem>>, vector<16xf32>,
      %get3A_1610 = vector.shape_cast %get3A_1609 : vector<16xf32> to vector<16xf32>
      %gt3A_1611 = arith.cmpf ogt, %get3A_1610, %add3A_1204 : vector<16xf32>
      %select_n3A_1612 = arith.select %gt3A_1611, %broadcast_in_dim3A_157, %broadcast_in_dim3A_155 : vector<16xi1>, vector<16xi32>
      %add3A_1613 = arith.addi %add3A_1601, %select_n3A_1612 : vector<16xi32>
      %mul3A_1614 = arith.constant 128 : i32
      %mul3A_1615 = arith.muli %scan3A_1529, %mul3A_1614 : i32
      %add3A_1616 = arith.constant 0 : i32
      %add3A_1617 = arith.addi %add3A_1616, %mul3A_1615 : i32
      %add3A_1618 = arith.constant 112 : i32
      %add3A_1619 = arith.addi %add3A_1617, %add3A_1618 : i32
      %get3A_1620 = arith.index_cast %add3A_1619 : i32 to index
      %get3A_1621 = tpu.vector_load %arg6[%get3A_1620] {strides = array<i32>} : memref<32896xf32, #tpu.memory_space<vmem>>, vector<16xf32>,
      %get3A_1622 = vector.shape_cast %get3A_1621 : vector<16xf32> to vector<16xf32>
      %gt3A_1623 = arith.cmpf ogt, %get3A_1622, %add3A_1204 : vector<16xf32>
      %select_n3A_1624 = arith.select %gt3A_1623, %broadcast_in_dim3A_157, %broadcast_in_dim3A_155 : vector<16xi1>, vector<16xi32>
      %add3A_1625 = arith.addi %add3A_1613, %select_n3A_1624 : vector<16xi32>
      scf.yield %add3A_1625 : vector<16xi32>
    }
    %scan3A_1210 = arith.constant 8 : i32
    %slice3A_1211 = vector.extract_strided_slice %scan3A_1209 {offsets = [0], sizes = [1], strides = [1]} : vector<16xi32> to vector<1xi32>
    %squeeze3A_1212 = vector.extract %slice3A_1211[0] : i32 from vector<1xi32>
    %slice3A_1213 = vector.extract_strided_slice %scan3A_1209 {offsets = [1], sizes = [1], strides = [1]} : vector<16xi32> to vector<1xi32>
    %squeeze3A_1214 = vector.extract %slice3A_1213[0] : i32 from vector<1xi32>
    %add3A_1215 = arith.addi %squeeze3A_1212, %squeeze3A_1214 : i32
    %slice3A_1216 = vector.extract_strided_slice %scan3A_1209 {offsets = [2], sizes = [1], strides = [1]} : vector<16xi32> to vector<1xi32>
    %squeeze3A_1217 = vector.extract %slice3A_1216[0] : i32 from vector<1xi32>
    %add3A_1218 = arith.addi %add3A_1215, %squeeze3A_1217 : i32
    %slice3A_1219 = vector.extract_strided_slice %scan3A_1209 {offsets = [3], sizes = [1], strides = [1]} : vector<16xi32> to vector<1xi32>
    %squeeze3A_1220 = vector.extract %slice3A_1219[0] : i32 from vector<1xi32>
    %add3A_1221 = arith.addi %add3A_1218, %squeeze3A_1220 : i32
    %slice3A_1222 = vector.extract_strided_slice %scan3A_1209 {offsets = [4], sizes = [1], strides = [1]} : vector<16xi32> to vector<1xi32>
    %squeeze3A_1223 = vector.extract %slice3A_1222[0] : i32 from vector<1xi32>
    %add3A_1224 = arith.addi %add3A_1221, %squeeze3A_1223 : i32
    %slice3A_1225 = vector.extract_strided_slice %scan3A_1209 {offsets = [5], sizes = [1], strides = [1]} : vector<16xi32> to vector<1xi32>
    %squeeze3A_1226 = vector.extract %slice3A_1225[0] : i32 from vector<1xi32>
    %add3A_1227 = arith.addi %add3A_1224, %squeeze3A_1226 : i32
    %slice3A_1228 = vector.extract_strided_slice %scan3A_1209 {offsets = [6], sizes = [1], strides = [1]} : vector<16xi32> to vector<1xi32>
    %squeeze3A_1229 = vector.extract %slice3A_1228[0] : i32 from vector<1xi32>
    %add3A_1230 = arith.addi %add3A_1227, %squeeze3A_1229 : i32
    %slice3A_1231 = vector.extract_strided_slice %scan3A_1209 {offsets = [7], sizes = [1], strides = [1]} : vector<16xi32> to vector<1xi32>
    %squeeze3A_1232 = vector.extract %slice3A_1231[0] : i32 from vector<1xi32>
    %add3A_1233 = arith.addi %add3A_1230, %squeeze3A_1232 : i32
    %slice3A_1234 = vector.extract_strided_slice %scan3A_1209 {offsets = [8], sizes = [1], strides = [1]} : vector<16xi32> to vector<1xi32>
    %squeeze3A_1235 = vector.extract %slice3A_1234[0] : i32 from vector<1xi32>
    %add3A_1236 = arith.addi %add3A_1233, %squeeze3A_1235 : i32
    %slice3A_1237 = vector.extract_strided_slice %scan3A_1209 {offsets = [9], sizes = [1], strides = [1]} : vector<16xi32> to vector<1xi32>
    %squeeze3A_1238 = vector.extract %slice3A_1237[0] : i32 from vector<1xi32>
    %add3A_1239 = arith.addi %add3A_1236, %squeeze3A_1238 : i32
    %slice3A_1240 = vector.extract_strided_slice %scan3A_1209 {offsets = [10], sizes = [1], strides = [1]} : vector<16xi32> to vector<1xi32>
    %squeeze3A_1241 = vector.extract %slice3A_1240[0] : i32 from vector<1xi32>
    %add3A_1242 = arith.addi %add3A_1239, %squeeze3A_1241 : i32
    %slice3A_1243 = vector.extract_strided_slice %scan3A_1209 {offsets = [11], sizes = [1], strides = [1]} : vector<16xi32> to vector<1xi32>
    %squeeze3A_1244 = vector.extract %slice3A_1243[0] : i32 from vector<1xi32>
    %add3A_1245 = arith.addi %add3A_1242, %squeeze3A_1244 : i32
    %slice3A_1246 = vector.extract_strided_slice %scan3A_1209 {offsets = [12], sizes = [1], strides = [1]} : vector<16xi32> to vector<1xi32>
    %squeeze3A_1247 = vector.extract %slice3A_1246[0] : i32 from vector<1xi32>
    %add3A_1248 = arith.addi %add3A_1245, %squeeze3A_1247 : i32
    %slice3A_1249 = vector.extract_strided_slice %scan3A_1209 {offsets = [13], sizes = [1], strides = [1]} : vector<16xi32> to vector<1xi32>
    %squeeze3A_1250 = vector.extract %slice3A_1249[0] : i32 from vector<1xi32>
    %add3A_1251 = arith.addi %add3A_1248, %squeeze3A_1250 : i32
    %slice3A_1252 = vector.extract_strided_slice %scan3A_1209 {offsets = [14], sizes = [1], strides = [1]} : vector<16xi32> to vector<1xi32>
    %squeeze3A_1253 = vector.extract %slice3A_1252[0] : i32 from vector<1xi32>
    %add3A_1254 = arith.addi %add3A_1251, %squeeze3A_1253 : i32
    %slice3A_1255 = vector.extract_strided_slice %scan3A_1209 {offsets = [15], sizes = [1], strides = [1]} : vector<16xi32> to vector<1xi32>
    %squeeze3A_1256 = vector.extract %slice3A_1255[0] : i32 from vector<1xi32>
    %add3A_1257 = arith.addi %add3A_1254, %squeeze3A_1256 : i32
    %lt3A_1258 = arith.constant 5 : i32
    %lt3A_1259 = arith.cmpi slt, %add3A_1257, %lt3A_1258 : i32
    %convert_element_type3A_1260 = arith.extui %lt3A_1259 : i1 to i32
    %cond3A_1261 = arith.constant 0 : i32
    %cond3A_1262 = arith.cmpi ne, %convert_element_type3A_1260, %cond3A_1261 : i32
    scf.if %cond3A_1262 {
      "tpu.region"() ({
        %run_scoped3A = tpu.sem_alloc : memref<!tpu.dma_semaphore, #tpu.memory_space<semaphore_mem>>
        %dma_start3A_1529 = arith.constant 1024 : i32
        %dma_start3A_1530 = tpu.memref_slice %arg6[%dma_start3A_1529] : memref<32896xf32, #tpu.memory_space<vmem>> -> memref<8192xf32, #tpu.memory_space<vmem>>
        %dma_start3A_1531 = arith.constant 1024 : i32
        %dma_start3A_1532 = tpu.memref_slice %arg2[%add3A_1173, %dma_start3A_1531] : memref<128x32768xf32, #tpu.memory_space<hbm>> -> memref<1x8192xf32, #tpu.memory_space<hbm>>
        %dma_start3A_1533 = tpu.memref_squeeze %dma_start3A_1532 : memref<1x8192xf32, #tpu.memory_space<hbm>> -> memref<8192xf32, #tpu.memory_space<hbm>>
        %dma_start3A_1534 = arith.constant 1024 : i32
        %dma_start3A_1535 = tpu.memref_slice %arg6[%dma_start3A_1534] : memref<32896xf32, #tpu.memory_space<vmem>> -> memref<8192xf32, #tpu.memory_space<vmem>>
        %dma_start3A_1536 = arith.constant 1024 : i32
        %dma_start3A_1537 = tpu.memref_slice %arg2[%add3A_1173, %dma_start3A_1536] : memref<128x32768xf32, #tpu.memory_space<hbm>> -> memref<1x8192xf32, #tpu.memory_space<hbm>>
        %dma_start3A_1538 = tpu.memref_squeeze %dma_start3A_1537 : memref<1x8192xf32, #tpu.memory_space<hbm>> -> memref<8192xf32, #tpu.memory_space<hbm>>
        tpu.enqueue_dma source(%dma_start3A_1538 : memref<8192xf32, #tpu.memory_space<hbm>>) target(%dma_start3A_1535 : memref<8192xf32, #tpu.memory_space<vmem>>) target_semaphore(%run_scoped3A : memref<!tpu.dma_semaphore, #tpu.memory_space<semaphore_mem>>)
        %dma_wait3A_1539 = arith.constant 1024 : i32
        %dma_wait3A_1540 = tpu.memref_slice %arg6[%dma_wait3A_1539] : memref<32896xf32, #tpu.memory_space<vmem>> -> memref<8192xf32, #tpu.memory_space<vmem>>
        %dma_wait3A_1541 = arith.constant 1024 : i32
        %dma_wait3A_1542 = tpu.memref_slice %arg2[%add3A_1173, %dma_wait3A_1541] : memref<128x32768xf32, #tpu.memory_space<hbm>> -> memref<1x8192xf32, #tpu.memory_space<hbm>>
        %dma_wait3A_1543 = tpu.memref_squeeze %dma_wait3A_1542 : memref<1x8192xf32, #tpu.memory_space<hbm>> -> memref<8192xf32, #tpu.memory_space<hbm>>
        %dma_wait3A_1544 = arith.constant 1024 : i32
        %dma_wait3A_1545 = tpu.memref_slice %arg6[%dma_wait3A_1544] : memref<32896xf32, #tpu.memory_space<vmem>> -> memref<8192xf32, #tpu.memory_space<vmem>>
        %dma_wait3A_1546 = arith.constant 1024 : i32
        %dma_wait3A_1547 = tpu.memref_slice %arg2[%add3A_1173, %dma_wait3A_1546] : memref<128x32768xf32, #tpu.memory_space<hbm>> -> memref<1x8192xf32, #tpu.memory_space<hbm>>
        %dma_wait3A_1548 = tpu.memref_squeeze %dma_wait3A_1547 : memref<1x8192xf32, #tpu.memory_space<hbm>> -> memref<8192xf32, #tpu.memory_space<hbm>>
        tpu.wait_dma2 semaphore(%run_scoped3A : memref<!tpu.dma_semaphore, #tpu.memory_space<semaphore_mem>>) src(%dma_wait3A_1548 : memref<8192xf32, #tpu.memory_space<hbm>>) dst(%dma_wait3A_1545 : memref<8192xf32, #tpu.memory_space<vmem>>)
        tpu.yield
      }) : () -> ()
    } else {
    }
    %lt3A_1263 = arith.constant 5 : i32
    %lt3A_1264 = arith.cmpi slt, %add3A_1257, %lt3A_1263 : i32
    %jit3A_1265 = arith.constant 64 : i32
    %jit3A_1266 = arith.constant 0 : i32
    %select_n3A_1267 = arith.select %lt3A_1264, %jit3A_1265, %jit3A_1266 : i32
    %while3A_1268 = arith.constant 0 : i32
    %while3A_1269 = arith.subi %select_n3A_1267, %while3A_1268 : i32
    %while3A_1270 = arith.addi %while3A_1268, %while3A_1269 : i32
    %while3A_1271 = arith.constant 1 : i32
    %while3A_1272 = arith.divsi %while3A_1269, %while3A_1271 : i32
    %while3A_1273 = arith.muli %while3A_1272, %while3A_1271 : i32
    %while3A_1274 = arith.addi %while3A_1268, %while3A_1273 : i32
    %while3A_1275 = arith.constant 1 : i32
    %while3A_1276 = scf.for %while3A_1529 = %while3A_1268 to %while3A_1274 step %while3A_1275 iter_args(%while3A_1530 = %broadcast_in_dim3A_155) -> (vector<16xi32>)  : i32 {
      %mul3A_1531 = arith.constant 128 : i32
      %mul3A_1532 = arith.muli %while3A_1529, %mul3A_1531 : i32
      %add3A_1533 = arith.constant 1024 : i32
      %add3A_1534 = arith.addi %add3A_1533, %mul3A_1532 : i32
      %add3A_1535 = arith.constant 0 : i32
      %add3A_1536 = arith.addi %add3A_1534, %add3A_1535 : i32
      %get3A_1537 = arith.index_cast %add3A_1536 : i32 to index
      %get3A_1538 = tpu.vector_load %arg6[%get3A_1537] {strides = array<i32>} : memref<32896xf32, #tpu.memory_space<vmem>>, vector<16xf32>,
      %get3A_1539 = vector.shape_cast %get3A_1538 : vector<16xf32> to vector<16xf32>
      %gt3A = arith.cmpf ogt, %get3A_1539, %add3A_1204 : vector<16xf32>
      %select_n3A_1540 = arith.select %gt3A, %broadcast_in_dim3A_157, %broadcast_in_dim3A_155 : vector<16xi1>, vector<16xi32>
      %add3A_1541 = arith.addi %while3A_1530, %select_n3A_1540 : vector<16xi32>
      %mul3A_1542 = arith.constant 128 : i32
      %mul3A_1543 = arith.muli %while3A_1529, %mul3A_1542 : i32
      %add3A_1544 = arith.constant 1024 : i32
      %add3A_1545 = arith.addi %add3A_1544, %mul3A_1543 : i32
      %add3A_1546 = arith.constant 16 : i32
      %add3A_1547 = arith.addi %add3A_1545, %add3A_1546 : i32
      %get3A_1548 = arith.index_cast %add3A_1547 : i32 to index
      %get3A_1549 = tpu.vector_load %arg6[%get3A_1548] {strides = array<i32>} : memref<32896xf32, #tpu.memory_space<vmem>>, vector<16xf32>,
      %get3A_1550 = vector.shape_cast %get3A_1549 : vector<16xf32> to vector<16xf32>
      %gt3A_1551 = arith.cmpf ogt, %get3A_1550, %add3A_1204 : vector<16xf32>
      %select_n3A_1552 = arith.select %gt3A_1551, %broadcast_in_dim3A_157, %broadcast_in_dim3A_155 : vector<16xi1>, vector<16xi32>
      %add3A_1553 = arith.addi %add3A_1541, %select_n3A_1552 : vector<16xi32>
      %mul3A_1554 = arith.constant 128 : i32
      %mul3A_1555 = arith.muli %while3A_1529, %mul3A_1554 : i32
      %add3A_1556 = arith.constant 1024 : i32
      %add3A_1557 = arith.addi %add3A_1556, %mul3A_1555 : i32
      %add3A_1558 = arith.constant 32 : i32
      %add3A_1559 = arith.addi %add3A_1557, %add3A_1558 : i32
      %get3A_1560 = arith.index_cast %add3A_1559 : i32 to index
      %get3A_1561 = tpu.vector_load %arg6[%get3A_1560] {strides = array<i32>} : memref<32896xf32, #tpu.memory_space<vmem>>, vector<16xf32>,
      %get3A_1562 = vector.shape_cast %get3A_1561 : vector<16xf32> to vector<16xf32>
      %gt3A_1563 = arith.cmpf ogt, %get3A_1562, %add3A_1204 : vector<16xf32>
      %select_n3A_1564 = arith.select %gt3A_1563, %broadcast_in_dim3A_157, %broadcast_in_dim3A_155 : vector<16xi1>, vector<16xi32>
      %add3A_1565 = arith.addi %add3A_1553, %select_n3A_1564 : vector<16xi32>
      %mul3A_1566 = arith.constant 128 : i32
      %mul3A_1567 = arith.muli %while3A_1529, %mul3A_1566 : i32
      %add3A_1568 = arith.constant 1024 : i32
      %add3A_1569 = arith.addi %add3A_1568, %mul3A_1567 : i32
      %add3A_1570 = arith.constant 48 : i32
      %add3A_1571 = arith.addi %add3A_1569, %add3A_1570 : i32
      %get3A_1572 = arith.index_cast %add3A_1571 : i32 to index
      %get3A_1573 = tpu.vector_load %arg6[%get3A_1572] {strides = array<i32>} : memref<32896xf32, #tpu.memory_space<vmem>>, vector<16xf32>,
      %get3A_1574 = vector.shape_cast %get3A_1573 : vector<16xf32> to vector<16xf32>
      %gt3A_1575 = arith.cmpf ogt, %get3A_1574, %add3A_1204 : vector<16xf32>
      %select_n3A_1576 = arith.select %gt3A_1575, %broadcast_in_dim3A_157, %broadcast_in_dim3A_155 : vector<16xi1>, vector<16xi32>
      %add3A_1577 = arith.addi %add3A_1565, %select_n3A_1576 : vector<16xi32>
      %mul3A_1578 = arith.constant 128 : i32
      %mul3A_1579 = arith.muli %while3A_1529, %mul3A_1578 : i32
      %add3A_1580 = arith.constant 1024 : i32
      %add3A_1581 = arith.addi %add3A_1580, %mul3A_1579 : i32
      %add3A_1582 = arith.constant 64 : i32
      %add3A_1583 = arith.addi %add3A_1581, %add3A_1582 : i32
      %get3A_1584 = arith.index_cast %add3A_1583 : i32 to index
      %get3A_1585 = tpu.vector_load %arg6[%get3A_1584] {strides = array<i32>} : memref<32896xf32, #tpu.memory_space<vmem>>, vector<16xf32>,
      %get3A_1586 = vector.shape_cast %get3A_1585 : vector<16xf32> to vector<16xf32>
      %gt3A_1587 = arith.cmpf ogt, %get3A_1586, %add3A_1204 : vector<16xf32>
      %select_n3A_1588 = arith.select %gt3A_1587, %broadcast_in_dim3A_157, %broadcast_in_dim3A_155 : vector<16xi1>, vector<16xi32>
      %add3A_1589 = arith.addi %add3A_1577, %select_n3A_1588 : vector<16xi32>
      %mul3A_1590 = arith.constant 128 : i32
      %mul3A_1591 = arith.muli %while3A_1529, %mul3A_1590 : i32
      %add3A_1592 = arith.constant 1024 : i32
      %add3A_1593 = arith.addi %add3A_1592, %mul3A_1591 : i32
      %add3A_1594 = arith.constant 80 : i32
      %add3A_1595 = arith.addi %add3A_1593, %add3A_1594 : i32
      %get3A_1596 = arith.index_cast %add3A_1595 : i32 to index
      %get3A_1597 = tpu.vector_load %arg6[%get3A_1596] {strides = array<i32>} : memref<32896xf32, #tpu.memory_space<vmem>>, vector<16xf32>,
      %get3A_1598 = vector.shape_cast %get3A_1597 : vector<16xf32> to vector<16xf32>
      %gt3A_1599 = arith.cmpf ogt, %get3A_1598, %add3A_1204 : vector<16xf32>
      %select_n3A_1600 = arith.select %gt3A_1599, %broadcast_in_dim3A_157, %broadcast_in_dim3A_155 : vector<16xi1>, vector<16xi32>
      %add3A_1601 = arith.addi %add3A_1589, %select_n3A_1600 : vector<16xi32>
      %mul3A_1602 = arith.constant 128 : i32
      %mul3A_1603 = arith.muli %while3A_1529, %mul3A_1602 : i32
      %add3A_1604 = arith.constant 1024 : i32
      %add3A_1605 = arith.addi %add3A_1604, %mul3A_1603 : i32
      %add3A_1606 = arith.constant 96 : i32
      %add3A_1607 = arith.addi %add3A_1605, %add3A_1606 : i32
      %get3A_1608 = arith.index_cast %add3A_1607 : i32 to index
      %get3A_1609 = tpu.vector_load %arg6[%get3A_1608] {strides = array<i32>} : memref<32896xf32, #tpu.memory_space<vmem>>, vector<16xf32>,
      %get3A_1610 = vector.shape_cast %get3A_1609 : vector<16xf32> to vector<16xf32>
      %gt3A_1611 = arith.cmpf ogt, %get3A_1610, %add3A_1204 : vector<16xf32>
      %select_n3A_1612 = arith.select %gt3A_1611, %broadcast_in_dim3A_157, %broadcast_in_dim3A_155 : vector<16xi1>, vector<16xi32>
      %add3A_1613 = arith.addi %add3A_1601, %select_n3A_1612 : vector<16xi32>
      %mul3A_1614 = arith.constant 128 : i32
      %mul3A_1615 = arith.muli %while3A_1529, %mul3A_1614 : i32
      %add3A_1616 = arith.constant 1024 : i32
      %add3A_1617 = arith.addi %add3A_1616, %mul3A_1615 : i32
      %add3A_1618 = arith.constant 112 : i32
      %add3A_1619 = arith.addi %add3A_1617, %add3A_1618 : i32
      %get3A_1620 = arith.index_cast %add3A_1619 : i32 to index
      %get3A_1621 = tpu.vector_load %arg6[%get3A_1620] {strides = array<i32>} : memref<32896xf32, #tpu.memory_space<vmem>>, vector<16xf32>,
      %get3A_1622 = vector.shape_cast %get3A_1621 : vector<16xf32> to vector<16xf32>
      %gt3A_1623 = arith.cmpf ogt, %get3A_1622, %add3A_1204 : vector<16xf32>
      %select_n3A_1624 = arith.select %gt3A_1623, %broadcast_in_dim3A_157, %broadcast_in_dim3A_155 : vector<16xi1>, vector<16xi32>
      %add3A_1625 = arith.addi %add3A_1613, %select_n3A_1624 : vector<16xi32>
      scf.yield %add3A_1625 : vector<16xi32>
    }
    %while3A_1277 = arith.constant 1 : i32
    %while3A_1278 = scf.for %while3A_1529 = %while3A_1274 to %while3A_1270 step %while3A_1277 iter_args(%while3A_1530 = %while3A_1276) -> (vector<16xi32>)  : i32 {
      %mul3A_1531 = arith.constant 128 : i32
      %mul3A_1532 = arith.muli %while3A_1529, %mul3A_1531 : i32
      %add3A_1533 = arith.constant 1024 : i32
      %add3A_1534 = arith.addi %add3A_1533, %mul3A_1532 : i32
      %add3A_1535 = arith.constant 0 : i32
      %add3A_1536 = arith.addi %add3A_1534, %add3A_1535 : i32
      %get3A_1537 = arith.index_cast %add3A_1536 : i32 to index
      %get3A_1538 = tpu.vector_load %arg6[%get3A_1537] {strides = array<i32>} : memref<32896xf32, #tpu.memory_space<vmem>>, vector<16xf32>,
      %get3A_1539 = vector.shape_cast %get3A_1538 : vector<16xf32> to vector<16xf32>
      %gt3A = arith.cmpf ogt, %get3A_1539, %add3A_1204 : vector<16xf32>
      %select_n3A_1540 = arith.select %gt3A, %broadcast_in_dim3A_157, %broadcast_in_dim3A_155 : vector<16xi1>, vector<16xi32>
      %add3A_1541 = arith.addi %while3A_1530, %select_n3A_1540 : vector<16xi32>
      %mul3A_1542 = arith.constant 128 : i32
      %mul3A_1543 = arith.muli %while3A_1529, %mul3A_1542 : i32
      %add3A_1544 = arith.constant 1024 : i32
      %add3A_1545 = arith.addi %add3A_1544, %mul3A_1543 : i32
      %add3A_1546 = arith.constant 16 : i32
      %add3A_1547 = arith.addi %add3A_1545, %add3A_1546 : i32
      %get3A_1548 = arith.index_cast %add3A_1547 : i32 to index
      %get3A_1549 = tpu.vector_load %arg6[%get3A_1548] {strides = array<i32>} : memref<32896xf32, #tpu.memory_space<vmem>>, vector<16xf32>,
      %get3A_1550 = vector.shape_cast %get3A_1549 : vector<16xf32> to vector<16xf32>
      %gt3A_1551 = arith.cmpf ogt, %get3A_1550, %add3A_1204 : vector<16xf32>
      %select_n3A_1552 = arith.select %gt3A_1551, %broadcast_in_dim3A_157, %broadcast_in_dim3A_155 : vector<16xi1>, vector<16xi32>
      %add3A_1553 = arith.addi %add3A_1541, %select_n3A_1552 : vector<16xi32>
      %mul3A_1554 = arith.constant 128 : i32
      %mul3A_1555 = arith.muli %while3A_1529, %mul3A_1554 : i32
      %add3A_1556 = arith.constant 1024 : i32
      %add3A_1557 = arith.addi %add3A_1556, %mul3A_1555 : i32
      %add3A_1558 = arith.constant 32 : i32
      %add3A_1559 = arith.addi %add3A_1557, %add3A_1558 : i32
      %get3A_1560 = arith.index_cast %add3A_1559 : i32 to index
      %get3A_1561 = tpu.vector_load %arg6[%get3A_1560] {strides = array<i32>} : memref<32896xf32, #tpu.memory_space<vmem>>, vector<16xf32>,
      %get3A_1562 = vector.shape_cast %get3A_1561 : vector<16xf32> to vector<16xf32>
      %gt3A_1563 = arith.cmpf ogt, %get3A_1562, %add3A_1204 : vector<16xf32>
      %select_n3A_1564 = arith.select %gt3A_1563, %broadcast_in_dim3A_157, %broadcast_in_dim3A_155 : vector<16xi1>, vector<16xi32>
      %add3A_1565 = arith.addi %add3A_1553, %select_n3A_1564 : vector<16xi32>
      %mul3A_1566 = arith.constant 128 : i32
      %mul3A_1567 = arith.muli %while3A_1529, %mul3A_1566 : i32
      %add3A_1568 = arith.constant 1024 : i32
      %add3A_1569 = arith.addi %add3A_1568, %mul3A_1567 : i32
      %add3A_1570 = arith.constant 48 : i32
      %add3A_1571 = arith.addi %add3A_1569, %add3A_1570 : i32
      %get3A_1572 = arith.index_cast %add3A_1571 : i32 to index
      %get3A_1573 = tpu.vector_load %arg6[%get3A_1572] {strides = array<i32>} : memref<32896xf32, #tpu.memory_space<vmem>>, vector<16xf32>,
      %get3A_1574 = vector.shape_cast %get3A_1573 : vector<16xf32> to vector<16xf32>
      %gt3A_1575 = arith.cmpf ogt, %get3A_1574, %add3A_1204 : vector<16xf32>
      %select_n3A_1576 = arith.select %gt3A_1575, %broadcast_in_dim3A_157, %broadcast_in_dim3A_155 : vector<16xi1>, vector<16xi32>
      %add3A_1577 = arith.addi %add3A_1565, %select_n3A_1576 : vector<16xi32>
      %mul3A_1578 = arith.constant 128 : i32
      %mul3A_1579 = arith.muli %while3A_1529, %mul3A_1578 : i32
      %add3A_1580 = arith.constant 1024 : i32
      %add3A_1581 = arith.addi %add3A_1580, %mul3A_1579 : i32
      %add3A_1582 = arith.constant 64 : i32
      %add3A_1583 = arith.addi %add3A_1581, %add3A_1582 : i32
      %get3A_1584 = arith.index_cast %add3A_1583 : i32 to index
      %get3A_1585 = tpu.vector_load %arg6[%get3A_1584] {strides = array<i32>} : memref<32896xf32, #tpu.memory_space<vmem>>, vector<16xf32>,
      %get3A_1586 = vector.shape_cast %get3A_1585 : vector<16xf32> to vector<16xf32>
      %gt3A_1587 = arith.cmpf ogt, %get3A_1586, %add3A_1204 : vector<16xf32>
      %select_n3A_1588 = arith.select %gt3A_1587, %broadcast_in_dim3A_157, %broadcast_in_dim3A_155 : vector<16xi1>, vector<16xi32>
      %add3A_1589 = arith.addi %add3A_1577, %select_n3A_1588 : vector<16xi32>
      %mul3A_1590 = arith.constant 128 : i32
      %mul3A_1591 = arith.muli %while3A_1529, %mul3A_1590 : i32
      %add3A_1592 = arith.constant 1024 : i32
      %add3A_1593 = arith.addi %add3A_1592, %mul3A_1591 : i32
      %add3A_1594 = arith.constant 80 : i32
      %add3A_1595 = arith.addi %add3A_1593, %add3A_1594 : i32
      %get3A_1596 = arith.index_cast %add3A_1595 : i32 to index
      %get3A_1597 = tpu.vector_load %arg6[%get3A_1596] {strides = array<i32>} : memref<32896xf32, #tpu.memory_space<vmem>>, vector<16xf32>,
      %get3A_1598 = vector.shape_cast %get3A_1597 : vector<16xf32> to vector<16xf32>
      %gt3A_1599 = arith.cmpf ogt, %get3A_1598, %add3A_1204 : vector<16xf32>
      %select_n3A_1600 = arith.select %gt3A_1599, %broadcast_in_dim3A_157, %broadcast_in_dim3A_155 : vector<16xi1>, vector<16xi32>
      %add3A_1601 = arith.addi %add3A_1589, %select_n3A_1600 : vector<16xi32>
      %mul3A_1602 = arith.constant 128 : i32
      %mul3A_1603 = arith.muli %while3A_1529, %mul3A_1602 : i32
      %add3A_1604 = arith.constant 1024 : i32
      %add3A_1605 = arith.addi %add3A_1604, %mul3A_1603 : i32
      %add3A_1606 = arith.constant 96 : i32
      %add3A_1607 = arith.addi %add3A_1605, %add3A_1606 : i32
      %get3A_1608 = arith.index_cast %add3A_1607 : i32 to index
      %get3A_1609 = tpu.vector_load %arg6[%get3A_1608] {strides = array<i32>} : memref<32896xf32, #tpu.memory_space<vmem>>, vector<16xf32>,
      %get3A_1610 = vector.shape_cast %get3A_1609 : vector<16xf32> to vector<16xf32>
      %gt3A_1611 = arith.cmpf ogt, %get3A_1610, %add3A_1204 : vector<16xf32>
      %select_n3A_1612 = arith.select %gt3A_1611, %broadcast_in_dim3A_157, %broadcast_in_dim3A_155 : vector<16xi1>, vector<16xi32>
      %add3A_1613 = arith.addi %add3A_1601, %select_n3A_1612 : vector<16xi32>
      %mul3A_1614 = arith.constant 128 : i32
      %mul3A_1615 = arith.muli %while3A_1529, %mul3A_1614 : i32
      %add3A_1616 = arith.constant 1024 : i32
      %add3A_1617 = arith.addi %add3A_1616, %mul3A_1615 : i32
      %add3A_1618 = arith.constant 112 : i32
      %add3A_1619 = arith.addi %add3A_1617, %add3A_1618 : i32
      %get3A_1620 = arith.index_cast %add3A_1619 : i32 to index
      %get3A_1621 = tpu.vector_load %arg6[%get3A_1620] {strides = array<i32>} : memref<32896xf32, #tpu.memory_space<vmem>>, vector<16xf32>,
      %get3A_1622 = vector.shape_cast %get3A_1621 : vector<16xf32> to vector<16xf32>
      %gt3A_1623 = arith.cmpf ogt, %get3A_1622, %add3A_1204 : vector<16xf32>
      %select_n3A_1624 = arith.select %gt3A_1623, %broadcast_in_dim3A_157, %broadcast_in_dim3A_155 : vector<16xi1>, vector<16xi32>
      %add3A_1625 = arith.addi %add3A_1613, %select_n3A_1624 : vector<16xi32>
      scf.yield %add3A_1625 : vector<16xi32>
    }
    %slice3A_1279 = vector.extract_strided_slice %while3A_1278 {offsets = [0], sizes = [1], strides = [1]} : vector<16xi32> to vector<1xi32>
    %squeeze3A_1280 = vector.extract %slice3A_1279[0] : i32 from vector<1xi32>
    %slice3A_1281 = vector.extract_strided_slice %while3A_1278 {offsets = [1], sizes = [1], strides = [1]} : vector<16xi32> to vector<1xi32>
    %squeeze3A_1282 = vector.extract %slice3A_1281[0] : i32 from vector<1xi32>
    %add3A_1283 = arith.addi %squeeze3A_1280, %squeeze3A_1282 : i32
    %slice3A_1284 = vector.extract_strided_slice %while3A_1278 {offsets = [2], sizes = [1], strides = [1]} : vector<16xi32> to vector<1xi32>
    %squeeze3A_1285 = vector.extract %slice3A_1284[0] : i32 from vector<1xi32>
    %add3A_1286 = arith.addi %add3A_1283, %squeeze3A_1285 : i32
    %slice3A_1287 = vector.extract_strided_slice %while3A_1278 {offsets = [3], sizes = [1], strides = [1]} : vector<16xi32> to vector<1xi32>
    %squeeze3A_1288 = vector.extract %slice3A_1287[0] : i32 from vector<1xi32>
    %add3A_1289 = arith.addi %add3A_1286, %squeeze3A_1288 : i32
    %slice3A_1290 = vector.extract_strided_slice %while3A_1278 {offsets = [4], sizes = [1], strides = [1]} : vector<16xi32> to vector<1xi32>
    %squeeze3A_1291 = vector.extract %slice3A_1290[0] : i32 from vector<1xi32>
    %add3A_1292 = arith.addi %add3A_1289, %squeeze3A_1291 : i32
    %slice3A_1293 = vector.extract_strided_slice %while3A_1278 {offsets = [5], sizes = [1], strides = [1]} : vector<16xi32> to vector<1xi32>
    %squeeze3A_1294 = vector.extract %slice3A_1293[0] : i32 from vector<1xi32>
    %add3A_1295 = arith.addi %add3A_1292, %squeeze3A_1294 : i32
    %slice3A_1296 = vector.extract_strided_slice %while3A_1278 {offsets = [6], sizes = [1], strides = [1]} : vector<16xi32> to vector<1xi32>
    %squeeze3A_1297 = vector.extract %slice3A_1296[0] : i32 from vector<1xi32>
    %add3A_1298 = arith.addi %add3A_1295, %squeeze3A_1297 : i32
    %slice3A_1299 = vector.extract_strided_slice %while3A_1278 {offsets = [7], sizes = [1], strides = [1]} : vector<16xi32> to vector<1xi32>
    %squeeze3A_1300 = vector.extract %slice3A_1299[0] : i32 from vector<1xi32>
    %add3A_1301 = arith.addi %add3A_1298, %squeeze3A_1300 : i32
    %slice3A_1302 = vector.extract_strided_slice %while3A_1278 {offsets = [8], sizes = [1], strides = [1]} : vector<16xi32> to vector<1xi32>
    %squeeze3A_1303 = vector.extract %slice3A_1302[0] : i32 from vector<1xi32>
    %add3A_1304 = arith.addi %add3A_1301, %squeeze3A_1303 : i32
    %slice3A_1305 = vector.extract_strided_slice %while3A_1278 {offsets = [9], sizes = [1], strides = [1]} : vector<16xi32> to vector<1xi32>
    %squeeze3A_1306 = vector.extract %slice3A_1305[0] : i32 from vector<1xi32>
    %add3A_1307 = arith.addi %add3A_1304, %squeeze3A_1306 : i32
    %slice3A_1308 = vector.extract_strided_slice %while3A_1278 {offsets = [10], sizes = [1], strides = [1]} : vector<16xi32> to vector<1xi32>
    %squeeze3A_1309 = vector.extract %slice3A_1308[0] : i32 from vector<1xi32>
    %add3A_1310 = arith.addi %add3A_1307, %squeeze3A_1309 : i32
    %slice3A_1311 = vector.extract_strided_slice %while3A_1278 {offsets = [11], sizes = [1], strides = [1]} : vector<16xi32> to vector<1xi32>
    %squeeze3A_1312 = vector.extract %slice3A_1311[0] : i32 from vector<1xi32>
    %add3A_1313 = arith.addi %add3A_1310, %squeeze3A_1312 : i32
    %slice3A_1314 = vector.extract_strided_slice %while3A_1278 {offsets = [12], sizes = [1], strides = [1]} : vector<16xi32> to vector<1xi32>
    %squeeze3A_1315 = vector.extract %slice3A_1314[0] : i32 from vector<1xi32>
    %add3A_1316 = arith.addi %add3A_1313, %squeeze3A_1315 : i32
    %slice3A_1317 = vector.extract_strided_slice %while3A_1278 {offsets = [13], sizes = [1], strides = [1]} : vector<16xi32> to vector<1xi32>
    %squeeze3A_1318 = vector.extract %slice3A_1317[0] : i32 from vector<1xi32>
    %add3A_1319 = arith.addi %add3A_1316, %squeeze3A_1318 : i32
    %slice3A_1320 = vector.extract_strided_slice %while3A_1278 {offsets = [14], sizes = [1], strides = [1]} : vector<16xi32> to vector<1xi32>
    %squeeze3A_1321 = vector.extract %slice3A_1320[0] : i32 from vector<1xi32>
    %add3A_1322 = arith.addi %add3A_1319, %squeeze3A_1321 : i32
    %slice3A_1323 = vector.extract_strided_slice %while3A_1278 {offsets = [15], sizes = [1], strides = [1]} : vector<16xi32> to vector<1xi32>
    %squeeze3A_1324 = vector.extract %slice3A_1323[0] : i32 from vector<1xi32>
    %add3A_1325 = arith.addi %add3A_1322, %squeeze3A_1324 : i32
    %add3A_1326 = arith.addi %add3A_1257, %add3A_1325 : i32
    %lt3A_1327 = arith.constant 5 : i32
    %lt3A_1328 = arith.cmpi slt, %add3A_1326, %lt3A_1327 : i32
    %convert_element_type3A_1329 = arith.extui %lt3A_1328 : i1 to i32
    %cond3A_1330 = arith.constant 0 : i32
    %cond3A_1331 = arith.cmpi ne, %convert_element_type3A_1329, %cond3A_1330 : i32
    scf.if %cond3A_1331 {
      "tpu.region"() ({
        %run_scoped3A = tpu.sem_alloc : memref<!tpu.dma_semaphore, #tpu.memory_space<semaphore_mem>>
        %dma_start3A_1529 = arith.constant 9216 : i32
        %dma_start3A_1530 = tpu.memref_slice %arg6[%dma_start3A_1529] : memref<32896xf32, #tpu.memory_space<vmem>> -> memref<23552xf32, #tpu.memory_space<vmem>>
        %dma_start3A_1531 = arith.constant 9216 : i32
        %dma_start3A_1532 = tpu.memref_slice %arg2[%add3A_1173, %dma_start3A_1531] : memref<128x32768xf32, #tpu.memory_space<hbm>> -> memref<1x23552xf32, #tpu.memory_space<hbm>>
        %dma_start3A_1533 = tpu.memref_squeeze %dma_start3A_1532 : memref<1x23552xf32, #tpu.memory_space<hbm>> -> memref<23552xf32, #tpu.memory_space<hbm>>
        %dma_start3A_1534 = arith.constant 9216 : i32
        %dma_start3A_1535 = tpu.memref_slice %arg6[%dma_start3A_1534] : memref<32896xf32, #tpu.memory_space<vmem>> -> memref<23552xf32, #tpu.memory_space<vmem>>
        %dma_start3A_1536 = arith.constant 9216 : i32
        %dma_start3A_1537 = tpu.memref_slice %arg2[%add3A_1173, %dma_start3A_1536] : memref<128x32768xf32, #tpu.memory_space<hbm>> -> memref<1x23552xf32, #tpu.memory_space<hbm>>
        %dma_start3A_1538 = tpu.memref_squeeze %dma_start3A_1537 : memref<1x23552xf32, #tpu.memory_space<hbm>> -> memref<23552xf32, #tpu.memory_space<hbm>>
        tpu.enqueue_dma source(%dma_start3A_1538 : memref<23552xf32, #tpu.memory_space<hbm>>) target(%dma_start3A_1535 : memref<23552xf32, #tpu.memory_space<vmem>>) target_semaphore(%run_scoped3A : memref<!tpu.dma_semaphore, #tpu.memory_space<semaphore_mem>>)
        %dma_wait3A_1539 = arith.constant 9216 : i32
        %dma_wait3A_1540 = tpu.memref_slice %arg6[%dma_wait3A_1539] : memref<32896xf32, #tpu.memory_space<vmem>> -> memref<23552xf32, #tpu.memory_space<vmem>>
        %dma_wait3A_1541 = arith.constant 9216 : i32
        %dma_wait3A_1542 = tpu.memref_slice %arg2[%add3A_1173, %dma_wait3A_1541] : memref<128x32768xf32, #tpu.memory_space<hbm>> -> memref<1x23552xf32, #tpu.memory_space<hbm>>
        %dma_wait3A_1543 = tpu.memref_squeeze %dma_wait3A_1542 : memref<1x23552xf32, #tpu.memory_space<hbm>> -> memref<23552xf32, #tpu.memory_space<hbm>>
        %dma_wait3A_1544 = arith.constant 9216 : i32
        %dma_wait3A_1545 = tpu.memref_slice %arg6[%dma_wait3A_1544] : memref<32896xf32, #tpu.memory_space<vmem>> -> memref<23552xf32, #tpu.memory_space<vmem>>
        %dma_wait3A_1546 = arith.constant 9216 : i32
        %dma_wait3A_1547 = tpu.memref_slice %arg2[%add3A_1173, %dma_wait3A_1546] : memref<128x32768xf32, #tpu.memory_space<hbm>> -> memref<1x23552xf32, #tpu.memory_space<hbm>>
        %dma_wait3A_1548 = tpu.memref_squeeze %dma_wait3A_1547 : memref<1x23552xf32, #tpu.memory_space<hbm>> -> memref<23552xf32, #tpu.memory_space<hbm>>
        tpu.wait_dma2 semaphore(%run_scoped3A : memref<!tpu.dma_semaphore, #tpu.memory_space<semaphore_mem>>) src(%dma_wait3A_1548 : memref<23552xf32, #tpu.memory_space<hbm>>) dst(%dma_wait3A_1545 : memref<23552xf32, #tpu.memory_space<vmem>>)
        tpu.yield
      }) : () -> ()
    } else {
    }
    %lt3A_1332 = arith.constant 5 : i32
    %lt3A_1333 = arith.cmpi slt, %add3A_1326, %lt3A_1332 : i32
    %jit3A_1334 = arith.constant 184 : i32
    %jit3A_1335 = arith.constant 0 : i32
    %select_n3A_1336 = arith.select %lt3A_1333, %jit3A_1334, %jit3A_1335 : i32
    %while3A_1337 = arith.constant 0 : i32
    %while3A_1338 = arith.subi %select_n3A_1336, %while3A_1337 : i32
    %while3A_1339 = arith.addi %while3A_1337, %while3A_1338 : i32
    %while3A_1340 = arith.constant 1 : i32
    %while3A_1341 = arith.divsi %while3A_1338, %while3A_1340 : i32
    %while3A_1342 = arith.muli %while3A_1341, %while3A_1340 : i32
    %while3A_1343 = arith.addi %while3A_1337, %while3A_1342 : i32
    %while3A_1344 = arith.constant 1 : i32
    %while3A_1345 = scf.for %while3A_1529 = %while3A_1337 to %while3A_1343 step %while3A_1344 iter_args(%while3A_1530 = %broadcast_in_dim3A_155) -> (vector<16xi32>)  : i32 {
      %mul3A_1531 = arith.constant 128 : i32
      %mul3A_1532 = arith.muli %while3A_1529, %mul3A_1531 : i32
      %add3A_1533 = arith.constant 9216 : i32
      %add3A_1534 = arith.addi %add3A_1533, %mul3A_1532 : i32
      %add3A_1535 = arith.constant 0 : i32
      %add3A_1536 = arith.addi %add3A_1534, %add3A_1535 : i32
      %get3A_1537 = arith.index_cast %add3A_1536 : i32 to index
      %get3A_1538 = tpu.vector_load %arg6[%get3A_1537] {strides = array<i32>} : memref<32896xf32, #tpu.memory_space<vmem>>, vector<16xf32>,
      %get3A_1539 = vector.shape_cast %get3A_1538 : vector<16xf32> to vector<16xf32>
      %gt3A = arith.cmpf ogt, %get3A_1539, %add3A_1204 : vector<16xf32>
      %select_n3A_1540 = arith.select %gt3A, %broadcast_in_dim3A_157, %broadcast_in_dim3A_155 : vector<16xi1>, vector<16xi32>
      %add3A_1541 = arith.addi %while3A_1530, %select_n3A_1540 : vector<16xi32>
      %mul3A_1542 = arith.constant 128 : i32
      %mul3A_1543 = arith.muli %while3A_1529, %mul3A_1542 : i32
      %add3A_1544 = arith.constant 9216 : i32
      %add3A_1545 = arith.addi %add3A_1544, %mul3A_1543 : i32
      %add3A_1546 = arith.constant 16 : i32
      %add3A_1547 = arith.addi %add3A_1545, %add3A_1546 : i32
      %get3A_1548 = arith.index_cast %add3A_1547 : i32 to index
      %get3A_1549 = tpu.vector_load %arg6[%get3A_1548] {strides = array<i32>} : memref<32896xf32, #tpu.memory_space<vmem>>, vector<16xf32>,
      %get3A_1550 = vector.shape_cast %get3A_1549 : vector<16xf32> to vector<16xf32>
      %gt3A_1551 = arith.cmpf ogt, %get3A_1550, %add3A_1204 : vector<16xf32>
      %select_n3A_1552 = arith.select %gt3A_1551, %broadcast_in_dim3A_157, %broadcast_in_dim3A_155 : vector<16xi1>, vector<16xi32>
      %add3A_1553 = arith.addi %add3A_1541, %select_n3A_1552 : vector<16xi32>
      %mul3A_1554 = arith.constant 128 : i32
      %mul3A_1555 = arith.muli %while3A_1529, %mul3A_1554 : i32
      %add3A_1556 = arith.constant 9216 : i32
      %add3A_1557 = arith.addi %add3A_1556, %mul3A_1555 : i32
      %add3A_1558 = arith.constant 32 : i32
      %add3A_1559 = arith.addi %add3A_1557, %add3A_1558 : i32
      %get3A_1560 = arith.index_cast %add3A_1559 : i32 to index
      %get3A_1561 = tpu.vector_load %arg6[%get3A_1560] {strides = array<i32>} : memref<32896xf32, #tpu.memory_space<vmem>>, vector<16xf32>,
      %get3A_1562 = vector.shape_cast %get3A_1561 : vector<16xf32> to vector<16xf32>
      %gt3A_1563 = arith.cmpf ogt, %get3A_1562, %add3A_1204 : vector<16xf32>
      %select_n3A_1564 = arith.select %gt3A_1563, %broadcast_in_dim3A_157, %broadcast_in_dim3A_155 : vector<16xi1>, vector<16xi32>
      %add3A_1565 = arith.addi %add3A_1553, %select_n3A_1564 : vector<16xi32>
      %mul3A_1566 = arith.constant 128 : i32
      %mul3A_1567 = arith.muli %while3A_1529, %mul3A_1566 : i32
      %add3A_1568 = arith.constant 9216 : i32
      %add3A_1569 = arith.addi %add3A_1568, %mul3A_1567 : i32
      %add3A_1570 = arith.constant 48 : i32
      %add3A_1571 = arith.addi %add3A_1569, %add3A_1570 : i32
      %get3A_1572 = arith.index_cast %add3A_1571 : i32 to index
      %get3A_1573 = tpu.vector_load %arg6[%get3A_1572] {strides = array<i32>} : memref<32896xf32, #tpu.memory_space<vmem>>, vector<16xf32>,
      %get3A_1574 = vector.shape_cast %get3A_1573 : vector<16xf32> to vector<16xf32>
      %gt3A_1575 = arith.cmpf ogt, %get3A_1574, %add3A_1204 : vector<16xf32>
      %select_n3A_1576 = arith.select %gt3A_1575, %broadcast_in_dim3A_157, %broadcast_in_dim3A_155 : vector<16xi1>, vector<16xi32>
      %add3A_1577 = arith.addi %add3A_1565, %select_n3A_1576 : vector<16xi32>
      %mul3A_1578 = arith.constant 128 : i32
      %mul3A_1579 = arith.muli %while3A_1529, %mul3A_1578 : i32
      %add3A_1580 = arith.constant 9216 : i32
      %add3A_1581 = arith.addi %add3A_1580, %mul3A_1579 : i32
      %add3A_1582 = arith.constant 64 : i32
      %add3A_1583 = arith.addi %add3A_1581, %add3A_1582 : i32
      %get3A_1584 = arith.index_cast %add3A_1583 : i32 to index
      %get3A_1585 = tpu.vector_load %arg6[%get3A_1584] {strides = array<i32>} : memref<32896xf32, #tpu.memory_space<vmem>>, vector<16xf32>,
      %get3A_1586 = vector.shape_cast %get3A_1585 : vector<16xf32> to vector<16xf32>
      %gt3A_1587 = arith.cmpf ogt, %get3A_1586, %add3A_1204 : vector<16xf32>
      %select_n3A_1588 = arith.select %gt3A_1587, %broadcast_in_dim3A_157, %broadcast_in_dim3A_155 : vector<16xi1>, vector<16xi32>
      %add3A_1589 = arith.addi %add3A_1577, %select_n3A_1588 : vector<16xi32>
      %mul3A_1590 = arith.constant 128 : i32
      %mul3A_1591 = arith.muli %while3A_1529, %mul3A_1590 : i32
      %add3A_1592 = arith.constant 9216 : i32
      %add3A_1593 = arith.addi %add3A_1592, %mul3A_1591 : i32
      %add3A_1594 = arith.constant 80 : i32
      %add3A_1595 = arith.addi %add3A_1593, %add3A_1594 : i32
      %get3A_1596 = arith.index_cast %add3A_1595 : i32 to index
      %get3A_1597 = tpu.vector_load %arg6[%get3A_1596] {strides = array<i32>} : memref<32896xf32, #tpu.memory_space<vmem>>, vector<16xf32>,
      %get3A_1598 = vector.shape_cast %get3A_1597 : vector<16xf32> to vector<16xf32>
      %gt3A_1599 = arith.cmpf ogt, %get3A_1598, %add3A_1204 : vector<16xf32>
      %select_n3A_1600 = arith.select %gt3A_1599, %broadcast_in_dim3A_157, %broadcast_in_dim3A_155 : vector<16xi1>, vector<16xi32>
      %add3A_1601 = arith.addi %add3A_1589, %select_n3A_1600 : vector<16xi32>
      %mul3A_1602 = arith.constant 128 : i32
      %mul3A_1603 = arith.muli %while3A_1529, %mul3A_1602 : i32
      %add3A_1604 = arith.constant 9216 : i32
      %add3A_1605 = arith.addi %add3A_1604, %mul3A_1603 : i32
      %add3A_1606 = arith.constant 96 : i32
      %add3A_1607 = arith.addi %add3A_1605, %add3A_1606 : i32
      %get3A_1608 = arith.index_cast %add3A_1607 : i32 to index
      %get3A_1609 = tpu.vector_load %arg6[%get3A_1608] {strides = array<i32>} : memref<32896xf32, #tpu.memory_space<vmem>>, vector<16xf32>,
      %get3A_1610 = vector.shape_cast %get3A_1609 : vector<16xf32> to vector<16xf32>
      %gt3A_1611 = arith.cmpf ogt, %get3A_1610, %add3A_1204 : vector<16xf32>
      %select_n3A_1612 = arith.select %gt3A_1611, %broadcast_in_dim3A_157, %broadcast_in_dim3A_155 : vector<16xi1>, vector<16xi32>
      %add3A_1613 = arith.addi %add3A_1601, %select_n3A_1612 : vector<16xi32>
      %mul3A_1614 = arith.constant 128 : i32
      %mul3A_1615 = arith.muli %while3A_1529, %mul3A_1614 : i32
      %add3A_1616 = arith.constant 9216 : i32
      %add3A_1617 = arith.addi %add3A_1616, %mul3A_1615 : i32
      %add3A_1618 = arith.constant 112 : i32
      %add3A_1619 = arith.addi %add3A_1617, %add3A_1618 : i32
      %get3A_1620 = arith.index_cast %add3A_1619 : i32 to index
      %get3A_1621 = tpu.vector_load %arg6[%get3A_1620] {strides = array<i32>} : memref<32896xf32, #tpu.memory_space<vmem>>, vector<16xf32>,
      %get3A_1622 = vector.shape_cast %get3A_1621 : vector<16xf32> to vector<16xf32>
      %gt3A_1623 = arith.cmpf ogt, %get3A_1622, %add3A_1204 : vector<16xf32>
      %select_n3A_1624 = arith.select %gt3A_1623, %broadcast_in_dim3A_157, %broadcast_in_dim3A_155 : vector<16xi1>, vector<16xi32>
      %add3A_1625 = arith.addi %add3A_1613, %select_n3A_1624 : vector<16xi32>
      scf.yield %add3A_1625 : vector<16xi32>
    }
    %while3A_1346 = arith.constant 1 : i32
    %while3A_1347 = scf.for %while3A_1529 = %while3A_1343 to %while3A_1339 step %while3A_1346 iter_args(%while3A_1530 = %while3A_1345) -> (vector<16xi32>)  : i32 {
      %mul3A_1531 = arith.constant 128 : i32
      %mul3A_1532 = arith.muli %while3A_1529, %mul3A_1531 : i32
      %add3A_1533 = arith.constant 9216 : i32
      %add3A_1534 = arith.addi %add3A_1533, %mul3A_1532 : i32
      %add3A_1535 = arith.constant 0 : i32
      %add3A_1536 = arith.addi %add3A_1534, %add3A_1535 : i32
      %get3A_1537 = arith.index_cast %add3A_1536 : i32 to index
      %get3A_1538 = tpu.vector_load %arg6[%get3A_1537] {strides = array<i32>} : memref<32896xf32, #tpu.memory_space<vmem>>, vector<16xf32>,
      %get3A_1539 = vector.shape_cast %get3A_1538 : vector<16xf32> to vector<16xf32>
      %gt3A = arith.cmpf ogt, %get3A_1539, %add3A_1204 : vector<16xf32>
      %select_n3A_1540 = arith.select %gt3A, %broadcast_in_dim3A_157, %broadcast_in_dim3A_155 : vector<16xi1>, vector<16xi32>
      %add3A_1541 = arith.addi %while3A_1530, %select_n3A_1540 : vector<16xi32>
      %mul3A_1542 = arith.constant 128 : i32
      %mul3A_1543 = arith.muli %while3A_1529, %mul3A_1542 : i32
      %add3A_1544 = arith.constant 9216 : i32
      %add3A_1545 = arith.addi %add3A_1544, %mul3A_1543 : i32
      %add3A_1546 = arith.constant 16 : i32
      %add3A_1547 = arith.addi %add3A_1545, %add3A_1546 : i32
      %get3A_1548 = arith.index_cast %add3A_1547 : i32 to index
      %get3A_1549 = tpu.vector_load %arg6[%get3A_1548] {strides = array<i32>} : memref<32896xf32, #tpu.memory_space<vmem>>, vector<16xf32>,
      %get3A_1550 = vector.shape_cast %get3A_1549 : vector<16xf32> to vector<16xf32>
      %gt3A_1551 = arith.cmpf ogt, %get3A_1550, %add3A_1204 : vector<16xf32>
      %select_n3A_1552 = arith.select %gt3A_1551, %broadcast_in_dim3A_157, %broadcast_in_dim3A_155 : vector<16xi1>, vector<16xi32>
      %add3A_1553 = arith.addi %add3A_1541, %select_n3A_1552 : vector<16xi32>
      %mul3A_1554 = arith.constant 128 : i32
      %mul3A_1555 = arith.muli %while3A_1529, %mul3A_1554 : i32
      %add3A_1556 = arith.constant 9216 : i32
      %add3A_1557 = arith.addi %add3A_1556, %mul3A_1555 : i32
      %add3A_1558 = arith.constant 32 : i32
      %add3A_1559 = arith.addi %add3A_1557, %add3A_1558 : i32
      %get3A_1560 = arith.index_cast %add3A_1559 : i32 to index
      %get3A_1561 = tpu.vector_load %arg6[%get3A_1560] {strides = array<i32>} : memref<32896xf32, #tpu.memory_space<vmem>>, vector<16xf32>,
      %get3A_1562 = vector.shape_cast %get3A_1561 : vector<16xf32> to vector<16xf32>
      %gt3A_1563 = arith.cmpf ogt, %get3A_1562, %add3A_1204 : vector<16xf32>
      %select_n3A_1564 = arith.select %gt3A_1563, %broadcast_in_dim3A_157, %broadcast_in_dim3A_155 : vector<16xi1>, vector<16xi32>
      %add3A_1565 = arith.addi %add3A_1553, %select_n3A_1564 : vector<16xi32>
      %mul3A_1566 = arith.constant 128 : i32
      %mul3A_1567 = arith.muli %while3A_1529, %mul3A_1566 : i32
      %add3A_1568 = arith.constant 9216 : i32
      %add3A_1569 = arith.addi %add3A_1568, %mul3A_1567 : i32
      %add3A_1570 = arith.constant 48 : i32
      %add3A_1571 = arith.addi %add3A_1569, %add3A_1570 : i32
      %get3A_1572 = arith.index_cast %add3A_1571 : i32 to index
      %get3A_1573 = tpu.vector_load %arg6[%get3A_1572] {strides = array<i32>} : memref<32896xf32, #tpu.memory_space<vmem>>, vector<16xf32>,
      %get3A_1574 = vector.shape_cast %get3A_1573 : vector<16xf32> to vector<16xf32>
      %gt3A_1575 = arith.cmpf ogt, %get3A_1574, %add3A_1204 : vector<16xf32>
      %select_n3A_1576 = arith.select %gt3A_1575, %broadcast_in_dim3A_157, %broadcast_in_dim3A_155 : vector<16xi1>, vector<16xi32>
      %add3A_1577 = arith.addi %add3A_1565, %select_n3A_1576 : vector<16xi32>
      %mul3A_1578 = arith.constant 128 : i32
      %mul3A_1579 = arith.muli %while3A_1529, %mul3A_1578 : i32
      %add3A_1580 = arith.constant 9216 : i32
      %add3A_1581 = arith.addi %add3A_1580, %mul3A_1579 : i32
      %add3A_1582 = arith.constant 64 : i32
      %add3A_1583 = arith.addi %add3A_1581, %add3A_1582 : i32
      %get3A_1584 = arith.index_cast %add3A_1583 : i32 to index
      %get3A_1585 = tpu.vector_load %arg6[%get3A_1584] {strides = array<i32>} : memref<32896xf32, #tpu.memory_space<vmem>>, vector<16xf32>,
      %get3A_1586 = vector.shape_cast %get3A_1585 : vector<16xf32> to vector<16xf32>
      %gt3A_1587 = arith.cmpf ogt, %get3A_1586, %add3A_1204 : vector<16xf32>
      %select_n3A_1588 = arith.select %gt3A_1587, %broadcast_in_dim3A_157, %broadcast_in_dim3A_155 : vector<16xi1>, vector<16xi32>
      %add3A_1589 = arith.addi %add3A_1577, %select_n3A_1588 : vector<16xi32>
      %mul3A_1590 = arith.constant 128 : i32
      %mul3A_1591 = arith.muli %while3A_1529, %mul3A_1590 : i32
      %add3A_1592 = arith.constant 9216 : i32
      %add3A_1593 = arith.addi %add3A_1592, %mul3A_1591 : i32
      %add3A_1594 = arith.constant 80 : i32
      %add3A_1595 = arith.addi %add3A_1593, %add3A_1594 : i32
      %get3A_1596 = arith.index_cast %add3A_1595 : i32 to index
      %get3A_1597 = tpu.vector_load %arg6[%get3A_1596] {strides = array<i32>} : memref<32896xf32, #tpu.memory_space<vmem>>, vector<16xf32>,
      %get3A_1598 = vector.shape_cast %get3A_1597 : vector<16xf32> to vector<16xf32>
      %gt3A_1599 = arith.cmpf ogt, %get3A_1598, %add3A_1204 : vector<16xf32>
      %select_n3A_1600 = arith.select %gt3A_1599, %broadcast_in_dim3A_157, %broadcast_in_dim3A_155 : vector<16xi1>, vector<16xi32>
      %add3A_1601 = arith.addi %add3A_1589, %select_n3A_1600 : vector<16xi32>
      %mul3A_1602 = arith.constant 128 : i32
      %mul3A_1603 = arith.muli %while3A_1529, %mul3A_1602 : i32
      %add3A_1604 = arith.constant 9216 : i32
      %add3A_1605 = arith.addi %add3A_1604, %mul3A_1603 : i32
      %add3A_1606 = arith.constant 96 : i32
      %add3A_1607 = arith.addi %add3A_1605, %add3A_1606 : i32
      %get3A_1608 = arith.index_cast %add3A_1607 : i32 to index
      %get3A_1609 = tpu.vector_load %arg6[%get3A_1608] {strides = array<i32>} : memref<32896xf32, #tpu.memory_space<vmem>>, vector<16xf32>,
      %get3A_1610 = vector.shape_cast %get3A_1609 : vector<16xf32> to vector<16xf32>
      %gt3A_1611 = arith.cmpf ogt, %get3A_1610, %add3A_1204 : vector<16xf32>
      %select_n3A_1612 = arith.select %gt3A_1611, %broadcast_in_dim3A_157, %broadcast_in_dim3A_155 : vector<16xi1>, vector<16xi32>
      %add3A_1613 = arith.addi %add3A_1601, %select_n3A_1612 : vector<16xi32>
      %mul3A_1614 = arith.constant 128 : i32
      %mul3A_1615 = arith.muli %while3A_1529, %mul3A_1614 : i32
      %add3A_1616 = arith.constant 9216 : i32
      %add3A_1617 = arith.addi %add3A_1616, %mul3A_1615 : i32
      %add3A_1618 = arith.constant 112 : i32
      %add3A_1619 = arith.addi %add3A_1617, %add3A_1618 : i32
      %get3A_1620 = arith.index_cast %add3A_1619 : i32 to index
      %get3A_1621 = tpu.vector_load %arg6[%get3A_1620] {strides = array<i32>} : memref<32896xf32, #tpu.memory_space<vmem>>, vector<16xf32>,
      %get3A_1622 = vector.shape_cast %get3A_1621 : vector<16xf32> to vector<16xf32>
      %gt3A_1623 = arith.cmpf ogt, %get3A_1622, %add3A_1204 : vector<16xf32>
      %select_n3A_1624 = arith.select %gt3A_1623, %broadcast_in_dim3A_157, %broadcast_in_dim3A_155 : vector<16xi1>, vector<16xi32>
      %add3A_1625 = arith.addi %add3A_1613, %select_n3A_1624 : vector<16xi32>
      scf.yield %add3A_1625 : vector<16xi32>
    }
    %slice3A_1348 = vector.extract_strided_slice %while3A_1347 {offsets = [0], sizes = [1], strides = [1]} : vector<16xi32> to vector<1xi32>
    %squeeze3A_1349 = vector.extract %slice3A_1348[0] : i32 from vector<1xi32>
    %slice3A_1350 = vector.extract_strided_slice %while3A_1347 {offsets = [1], sizes = [1], strides = [1]} : vector<16xi32> to vector<1xi32>
    %squeeze3A_1351 = vector.extract %slice3A_1350[0] : i32 from vector<1xi32>
    %add3A_1352 = arith.addi %squeeze3A_1349, %squeeze3A_1351 : i32
    %slice3A_1353 = vector.extract_strided_slice %while3A_1347 {offsets = [2], sizes = [1], strides = [1]} : vector<16xi32> to vector<1xi32>
    %squeeze3A_1354 = vector.extract %slice3A_1353[0] : i32 from vector<1xi32>
    %add3A_1355 = arith.addi %add3A_1352, %squeeze3A_1354 : i32
    %slice3A_1356 = vector.extract_strided_slice %while3A_1347 {offsets = [3], sizes = [1], strides = [1]} : vector<16xi32> to vector<1xi32>
    %squeeze3A_1357 = vector.extract %slice3A_1356[0] : i32 from vector<1xi32>
    %add3A_1358 = arith.addi %add3A_1355, %squeeze3A_1357 : i32
    %slice3A_1359 = vector.extract_strided_slice %while3A_1347 {offsets = [4], sizes = [1], strides = [1]} : vector<16xi32> to vector<1xi32>
    %squeeze3A_1360 = vector.extract %slice3A_1359[0] : i32 from vector<1xi32>
    %add3A_1361 = arith.addi %add3A_1358, %squeeze3A_1360 : i32
    %slice3A_1362 = vector.extract_strided_slice %while3A_1347 {offsets = [5], sizes = [1], strides = [1]} : vector<16xi32> to vector<1xi32>
    %squeeze3A_1363 = vector.extract %slice3A_1362[0] : i32 from vector<1xi32>
    %add3A_1364 = arith.addi %add3A_1361, %squeeze3A_1363 : i32
    %slice3A_1365 = vector.extract_strided_slice %while3A_1347 {offsets = [6], sizes = [1], strides = [1]} : vector<16xi32> to vector<1xi32>
    %squeeze3A_1366 = vector.extract %slice3A_1365[0] : i32 from vector<1xi32>
    %add3A_1367 = arith.addi %add3A_1364, %squeeze3A_1366 : i32
    %slice3A_1368 = vector.extract_strided_slice %while3A_1347 {offsets = [7], sizes = [1], strides = [1]} : vector<16xi32> to vector<1xi32>
    %squeeze3A_1369 = vector.extract %slice3A_1368[0] : i32 from vector<1xi32>
    %add3A_1370 = arith.addi %add3A_1367, %squeeze3A_1369 : i32
    %slice3A_1371 = vector.extract_strided_slice %while3A_1347 {offsets = [8], sizes = [1], strides = [1]} : vector<16xi32> to vector<1xi32>
    %squeeze3A_1372 = vector.extract %slice3A_1371[0] : i32 from vector<1xi32>
    %add3A_1373 = arith.addi %add3A_1370, %squeeze3A_1372 : i32
    %slice3A_1374 = vector.extract_strided_slice %while3A_1347 {offsets = [9], sizes = [1], strides = [1]} : vector<16xi32> to vector<1xi32>
    %squeeze3A_1375 = vector.extract %slice3A_1374[0] : i32 from vector<1xi32>
    %add3A_1376 = arith.addi %add3A_1373, %squeeze3A_1375 : i32
    %slice3A_1377 = vector.extract_strided_slice %while3A_1347 {offsets = [10], sizes = [1], strides = [1]} : vector<16xi32> to vector<1xi32>
    %squeeze3A_1378 = vector.extract %slice3A_1377[0] : i32 from vector<1xi32>
    %add3A_1379 = arith.addi %add3A_1376, %squeeze3A_1378 : i32
    %slice3A_1380 = vector.extract_strided_slice %while3A_1347 {offsets = [11], sizes = [1], strides = [1]} : vector<16xi32> to vector<1xi32>
    %squeeze3A_1381 = vector.extract %slice3A_1380[0] : i32 from vector<1xi32>
    %add3A_1382 = arith.addi %add3A_1379, %squeeze3A_1381 : i32
    %slice3A_1383 = vector.extract_strided_slice %while3A_1347 {offsets = [12], sizes = [1], strides = [1]} : vector<16xi32> to vector<1xi32>
    %squeeze3A_1384 = vector.extract %slice3A_1383[0] : i32 from vector<1xi32>
    %add3A_1385 = arith.addi %add3A_1382, %squeeze3A_1384 : i32
    %slice3A_1386 = vector.extract_strided_slice %while3A_1347 {offsets = [13], sizes = [1], strides = [1]} : vector<16xi32> to vector<1xi32>
    %squeeze3A_1387 = vector.extract %slice3A_1386[0] : i32 from vector<1xi32>
    %add3A_1388 = arith.addi %add3A_1385, %squeeze3A_1387 : i32
    %slice3A_1389 = vector.extract_strided_slice %while3A_1347 {offsets = [14], sizes = [1], strides = [1]} : vector<16xi32> to vector<1xi32>
    %squeeze3A_1390 = vector.extract %slice3A_1389[0] : i32 from vector<1xi32>
    %add3A_1391 = arith.addi %add3A_1388, %squeeze3A_1390 : i32
    %slice3A_1392 = vector.extract_strided_slice %while3A_1347 {offsets = [15], sizes = [1], strides = [1]} : vector<16xi32> to vector<1xi32>
    %squeeze3A_1393 = vector.extract %slice3A_1392[0] : i32 from vector<1xi32>
    %add3A_1394 = arith.addi %add3A_1391, %squeeze3A_1393 : i32
    %add3A_1395 = arith.addi %add3A_1326, %add3A_1394 : i32
    %lt3A_1396 = arith.constant 5 : i32
    %lt3A_1397 = arith.cmpi slt, %add3A_1395, %lt3A_1396 : i32
    %add3A_1398 = arith.constant 128 : i32
    %add3A_1399 = arith.addi %squeeze3A_36, %add3A_1398 : i32
    %sub3A_1400 = arith.constant 1 : i32
    %sub3A_1401 = arith.subi %add3A_1399, %sub3A_1400 : i32
    %jit3A_1402 = arith.constant 128 : i32
    %div3A_1403 = arith.divsi %sub3A_1401, %jit3A_1402 : i32
    %sign3A_1404 = arith.constant 0 : i32
    %sign3A_1405 = arith.cmpi sgt, %sub3A_1401, %sign3A_1404 : i32
    %sign3A_1406 = arith.extui %sign3A_1405 : i1 to i32
    %sign3A_1407 = arith.constant 0 : i32
    %sign3A_1408 = arith.cmpi slt, %sub3A_1401, %sign3A_1407 : i32
    %sign3A_1409 = arith.extui %sign3A_1408 : i1 to i32
    %sign3A_1410 = arith.subi %sign3A_1406, %sign3A_1409 : i32
    %sign3A_1411 = arith.constant 0 : i32
    %sign3A_1412 = arith.cmpi sgt, %jit3A_1402, %sign3A_1411 : i32
    %sign3A_1413 = arith.extui %sign3A_1412 : i1 to i32
    %sign3A_1414 = arith.constant 0 : i32
    %sign3A_1415 = arith.cmpi slt, %jit3A_1402, %sign3A_1414 : i32
    %sign3A_1416 = arith.extui %sign3A_1415 : i1 to i32
    %sign3A_1417 = arith.subi %sign3A_1413, %sign3A_1416 : i32
    %ne3A_1418 = arith.cmpi ne, %sign3A_1410, %sign3A_1417 : i32
    %rem3A_1419 = arith.remsi %sub3A_1401, %jit3A_1402 : i32
    %ne3A_1420 = arith.constant 0 : i32
    %ne3A_1421 = arith.cmpi ne, %rem3A_1419, %ne3A_1420 : i32
    %and3A_1422 = arith.andi %ne3A_1418, %ne3A_1421 : i1
    %sub3A_1423 = arith.constant 1 : i32
    %sub3A_1424 = arith.subi %div3A_1403, %sub3A_1423 : i32
    %select_n3A_1425 = arith.select %and3A_1422, %sub3A_1424, %div3A_1403 : i32
    %jit3A_1426 = arith.constant 0 : i32
    %select_n3A_1427 = arith.select %lt3A_1397, %select_n3A_1425, %jit3A_1426 : i32
    %while3A_1428 = arith.constant 0 : i32
    %while3A_1429 = arith.subi %select_n3A_1427, %while3A_1428 : i32
    %while3A_1430 = arith.addi %while3A_1428, %while3A_1429 : i32
    %while3A_1431 = arith.constant 1 : i32
    %while3A_1432 = arith.divsi %while3A_1429, %while3A_1431 : i32
    %while3A_1433 = arith.muli %while3A_1432, %while3A_1431 : i32
    %while3A_1434 = arith.addi %while3A_1428, %while3A_1433 : i32
    %while3A_1435 = arith.constant 1 : i32
    %while3A_1436 = scf.for %while3A_1529 = %while3A_1428 to %while3A_1434 step %while3A_1435 iter_args(%while3A_1530 = %broadcast_in_dim3A_155) -> (vector<16xi32>)  : i32 {
      %mul3A_1531 = arith.constant 128 : i32
      %mul3A_1532 = arith.muli %while3A_1529, %mul3A_1531 : i32
      %add3A_1533 = arith.constant 0 : i32
      %add3A_1534 = arith.addi %mul3A_1532, %add3A_1533 : i32
      %get3A_1535 = arith.index_cast %add3A_1534 : i32 to index
      %get3A_1536 = tpu.vector_load %arg6[%get3A_1535] {strides = array<i32>} : memref<32896xf32, #tpu.memory_space<vmem>>, vector<16xf32>,
      %get3A_1537 = vector.shape_cast %get3A_1536 : vector<16xf32> to vector<16xf32>
      %add3A_1538 = vector.broadcast %add3A_1534 : i32 to vector<16xi32>
      %add3A_1539 = arith.addi %iota3A, %add3A_1538 : vector<16xi32>
      %eq3A = arith.cmpf oeq, %get3A_1537, %add3A_1204 : vector<16xf32>
      %lt3A_1540 = arith.cmpi slt, %add3A_1539, %add3A_1193 : vector<16xi32>
      %and3A_1541 = arith.andi %eq3A, %lt3A_1540 : vector<16xi1>
      %select_n3A_1542 = arith.select %and3A_1541, %broadcast_in_dim3A_157, %broadcast_in_dim3A_155 : vector<16xi1>, vector<16xi32>
      %add3A_1543 = arith.addi %while3A_1530, %select_n3A_1542 : vector<16xi32>
      %mul3A_1544 = arith.constant 128 : i32
      %mul3A_1545 = arith.muli %while3A_1529, %mul3A_1544 : i32
      %add3A_1546 = arith.constant 16 : i32
      %add3A_1547 = arith.addi %mul3A_1545, %add3A_1546 : i32
      %get3A_1548 = arith.index_cast %add3A_1547 : i32 to index
      %get3A_1549 = tpu.vector_load %arg6[%get3A_1548] {strides = array<i32>} : memref<32896xf32, #tpu.memory_space<vmem>>, vector<16xf32>,
      %get3A_1550 = vector.shape_cast %get3A_1549 : vector<16xf32> to vector<16xf32>
      %add3A_1551 = vector.broadcast %add3A_1547 : i32 to vector<16xi32>
      %add3A_1552 = arith.addi %iota3A, %add3A_1551 : vector<16xi32>
      %eq3A_1553 = arith.cmpf oeq, %get3A_1550, %add3A_1204 : vector<16xf32>
      %lt3A_1554 = arith.cmpi slt, %add3A_1552, %add3A_1193 : vector<16xi32>
      %and3A_1555 = arith.andi %eq3A_1553, %lt3A_1554 : vector<16xi1>
      %select_n3A_1556 = arith.select %and3A_1555, %broadcast_in_dim3A_157, %broadcast_in_dim3A_155 : vector<16xi1>, vector<16xi32>
      %add3A_1557 = arith.addi %add3A_1543, %select_n3A_1556 : vector<16xi32>
      %mul3A_1558 = arith.constant 128 : i32
      %mul3A_1559 = arith.muli %while3A_1529, %mul3A_1558 : i32
      %add3A_1560 = arith.constant 32 : i32
      %add3A_1561 = arith.addi %mul3A_1559, %add3A_1560 : i32
      %get3A_1562 = arith.index_cast %add3A_1561 : i32 to index
      %get3A_1563 = tpu.vector_load %arg6[%get3A_1562] {strides = array<i32>} : memref<32896xf32, #tpu.memory_space<vmem>>, vector<16xf32>,
      %get3A_1564 = vector.shape_cast %get3A_1563 : vector<16xf32> to vector<16xf32>
      %add3A_1565 = vector.broadcast %add3A_1561 : i32 to vector<16xi32>
      %add3A_1566 = arith.addi %iota3A, %add3A_1565 : vector<16xi32>
      %eq3A_1567 = arith.cmpf oeq, %get3A_1564, %add3A_1204 : vector<16xf32>
      %lt3A_1568 = arith.cmpi slt, %add3A_1566, %add3A_1193 : vector<16xi32>
      %and3A_1569 = arith.andi %eq3A_1567, %lt3A_1568 : vector<16xi1>
      %select_n3A_1570 = arith.select %and3A_1569, %broadcast_in_dim3A_157, %broadcast_in_dim3A_155 : vector<16xi1>, vector<16xi32>
      %add3A_1571 = arith.addi %add3A_1557, %select_n3A_1570 : vector<16xi32>
      %mul3A_1572 = arith.constant 128 : i32
      %mul3A_1573 = arith.muli %while3A_1529, %mul3A_1572 : i32
      %add3A_1574 = arith.constant 48 : i32
      %add3A_1575 = arith.addi %mul3A_1573, %add3A_1574 : i32
      %get3A_1576 = arith.index_cast %add3A_1575 : i32 to index
      %get3A_1577 = tpu.vector_load %arg6[%get3A_1576] {strides = array<i32>} : memref<32896xf32, #tpu.memory_space<vmem>>, vector<16xf32>,
      %get3A_1578 = vector.shape_cast %get3A_1577 : vector<16xf32> to vector<16xf32>
      %add3A_1579 = vector.broadcast %add3A_1575 : i32 to vector<16xi32>
      %add3A_1580 = arith.addi %iota3A, %add3A_1579 : vector<16xi32>
      %eq3A_1581 = arith.cmpf oeq, %get3A_1578, %add3A_1204 : vector<16xf32>
      %lt3A_1582 = arith.cmpi slt, %add3A_1580, %add3A_1193 : vector<16xi32>
      %and3A_1583 = arith.andi %eq3A_1581, %lt3A_1582 : vector<16xi1>
      %select_n3A_1584 = arith.select %and3A_1583, %broadcast_in_dim3A_157, %broadcast_in_dim3A_155 : vector<16xi1>, vector<16xi32>
      %add3A_1585 = arith.addi %add3A_1571, %select_n3A_1584 : vector<16xi32>
      %mul3A_1586 = arith.constant 128 : i32
      %mul3A_1587 = arith.muli %while3A_1529, %mul3A_1586 : i32
      %add3A_1588 = arith.constant 64 : i32
      %add3A_1589 = arith.addi %mul3A_1587, %add3A_1588 : i32
      %get3A_1590 = arith.index_cast %add3A_1589 : i32 to index
      %get3A_1591 = tpu.vector_load %arg6[%get3A_1590] {strides = array<i32>} : memref<32896xf32, #tpu.memory_space<vmem>>, vector<16xf32>,
      %get3A_1592 = vector.shape_cast %get3A_1591 : vector<16xf32> to vector<16xf32>
      %add3A_1593 = vector.broadcast %add3A_1589 : i32 to vector<16xi32>
      %add3A_1594 = arith.addi %iota3A, %add3A_1593 : vector<16xi32>
      %eq3A_1595 = arith.cmpf oeq, %get3A_1592, %add3A_1204 : vector<16xf32>
      %lt3A_1596 = arith.cmpi slt, %add3A_1594, %add3A_1193 : vector<16xi32>
      %and3A_1597 = arith.andi %eq3A_1595, %lt3A_1596 : vector<16xi1>
      %select_n3A_1598 = arith.select %and3A_1597, %broadcast_in_dim3A_157, %broadcast_in_dim3A_155 : vector<16xi1>, vector<16xi32>
      %add3A_1599 = arith.addi %add3A_1585, %select_n3A_1598 : vector<16xi32>
      %mul3A_1600 = arith.constant 128 : i32
      %mul3A_1601 = arith.muli %while3A_1529, %mul3A_1600 : i32
      %add3A_1602 = arith.constant 80 : i32
      %add3A_1603 = arith.addi %mul3A_1601, %add3A_1602 : i32
      %get3A_1604 = arith.index_cast %add3A_1603 : i32 to index
      %get3A_1605 = tpu.vector_load %arg6[%get3A_1604] {strides = array<i32>} : memref<32896xf32, #tpu.memory_space<vmem>>, vector<16xf32>,
      %get3A_1606 = vector.shape_cast %get3A_1605 : vector<16xf32> to vector<16xf32>
      %add3A_1607 = vector.broadcast %add3A_1603 : i32 to vector<16xi32>
      %add3A_1608 = arith.addi %iota3A, %add3A_1607 : vector<16xi32>
      %eq3A_1609 = arith.cmpf oeq, %get3A_1606, %add3A_1204 : vector<16xf32>
      %lt3A_1610 = arith.cmpi slt, %add3A_1608, %add3A_1193 : vector<16xi32>
      %and3A_1611 = arith.andi %eq3A_1609, %lt3A_1610 : vector<16xi1>
      %select_n3A_1612 = arith.select %and3A_1611, %broadcast_in_dim3A_157, %broadcast_in_dim3A_155 : vector<16xi1>, vector<16xi32>
      %add3A_1613 = arith.addi %add3A_1599, %select_n3A_1612 : vector<16xi32>
      %mul3A_1614 = arith.constant 128 : i32
      %mul3A_1615 = arith.muli %while3A_1529, %mul3A_1614 : i32
      %add3A_1616 = arith.constant 96 : i32
      %add3A_1617 = arith.addi %mul3A_1615, %add3A_1616 : i32
      %get3A_1618 = arith.index_cast %add3A_1617 : i32 to index
      %get3A_1619 = tpu.vector_load %arg6[%get3A_1618] {strides = array<i32>} : memref<32896xf32, #tpu.memory_space<vmem>>, vector<16xf32>,
      %get3A_1620 = vector.shape_cast %get3A_1619 : vector<16xf32> to vector<16xf32>
      %add3A_1621 = vector.broadcast %add3A_1617 : i32 to vector<16xi32>
      %add3A_1622 = arith.addi %iota3A, %add3A_1621 : vector<16xi32>
      %eq3A_1623 = arith.cmpf oeq, %get3A_1620, %add3A_1204 : vector<16xf32>
      %lt3A_1624 = arith.cmpi slt, %add3A_1622, %add3A_1193 : vector<16xi32>
      %and3A_1625 = arith.andi %eq3A_1623, %lt3A_1624 : vector<16xi1>
      %select_n3A_1626 = arith.select %and3A_1625, %broadcast_in_dim3A_157, %broadcast_in_dim3A_155 : vector<16xi1>, vector<16xi32>
      %add3A_1627 = arith.addi %add3A_1613, %select_n3A_1626 : vector<16xi32>
      %mul3A_1628 = arith.constant 128 : i32
      %mul3A_1629 = arith.muli %while3A_1529, %mul3A_1628 : i32
      %add3A_1630 = arith.constant 112 : i32
      %add3A_1631 = arith.addi %mul3A_1629, %add3A_1630 : i32
      %get3A_1632 = arith.index_cast %add3A_1631 : i32 to index
      %get3A_1633 = tpu.vector_load %arg6[%get3A_1632] {strides = array<i32>} : memref<32896xf32, #tpu.memory_space<vmem>>, vector<16xf32>,
      %get3A_1634 = vector.shape_cast %get3A_1633 : vector<16xf32> to vector<16xf32>
      %add3A_1635 = vector.broadcast %add3A_1631 : i32 to vector<16xi32>
      %add3A_1636 = arith.addi %iota3A, %add3A_1635 : vector<16xi32>
      %eq3A_1637 = arith.cmpf oeq, %get3A_1634, %add3A_1204 : vector<16xf32>
      %lt3A_1638 = arith.cmpi slt, %add3A_1636, %add3A_1193 : vector<16xi32>
      %and3A_1639 = arith.andi %eq3A_1637, %lt3A_1638 : vector<16xi1>
      %select_n3A_1640 = arith.select %and3A_1639, %broadcast_in_dim3A_157, %broadcast_in_dim3A_155 : vector<16xi1>, vector<16xi32>
      %add3A_1641 = arith.addi %add3A_1627, %select_n3A_1640 : vector<16xi32>
      scf.yield %add3A_1641 : vector<16xi32>
    }
    %while3A_1437 = arith.constant 1 : i32
    %while3A_1438 = scf.for %while3A_1529 = %while3A_1434 to %while3A_1430 step %while3A_1437 iter_args(%while3A_1530 = %while3A_1436) -> (vector<16xi32>)  : i32 {
      %mul3A_1531 = arith.constant 128 : i32
      %mul3A_1532 = arith.muli %while3A_1529, %mul3A_1531 : i32
      %add3A_1533 = arith.constant 0 : i32
      %add3A_1534 = arith.addi %mul3A_1532, %add3A_1533 : i32
      %get3A_1535 = arith.index_cast %add3A_1534 : i32 to index
      %get3A_1536 = tpu.vector_load %arg6[%get3A_1535] {strides = array<i32>} : memref<32896xf32, #tpu.memory_space<vmem>>, vector<16xf32>,
      %get3A_1537 = vector.shape_cast %get3A_1536 : vector<16xf32> to vector<16xf32>
      %add3A_1538 = vector.broadcast %add3A_1534 : i32 to vector<16xi32>
      %add3A_1539 = arith.addi %iota3A, %add3A_1538 : vector<16xi32>
      %eq3A = arith.cmpf oeq, %get3A_1537, %add3A_1204 : vector<16xf32>
      %lt3A_1540 = arith.cmpi slt, %add3A_1539, %add3A_1193 : vector<16xi32>
      %and3A_1541 = arith.andi %eq3A, %lt3A_1540 : vector<16xi1>
      %select_n3A_1542 = arith.select %and3A_1541, %broadcast_in_dim3A_157, %broadcast_in_dim3A_155 : vector<16xi1>, vector<16xi32>
      %add3A_1543 = arith.addi %while3A_1530, %select_n3A_1542 : vector<16xi32>
      %mul3A_1544 = arith.constant 128 : i32
      %mul3A_1545 = arith.muli %while3A_1529, %mul3A_1544 : i32
      %add3A_1546 = arith.constant 16 : i32
      %add3A_1547 = arith.addi %mul3A_1545, %add3A_1546 : i32
      %get3A_1548 = arith.index_cast %add3A_1547 : i32 to index
      %get3A_1549 = tpu.vector_load %arg6[%get3A_1548] {strides = array<i32>} : memref<32896xf32, #tpu.memory_space<vmem>>, vector<16xf32>,
      %get3A_1550 = vector.shape_cast %get3A_1549 : vector<16xf32> to vector<16xf32>
      %add3A_1551 = vector.broadcast %add3A_1547 : i32 to vector<16xi32>
      %add3A_1552 = arith.addi %iota3A, %add3A_1551 : vector<16xi32>
      %eq3A_1553 = arith.cmpf oeq, %get3A_1550, %add3A_1204 : vector<16xf32>
      %lt3A_1554 = arith.cmpi slt, %add3A_1552, %add3A_1193 : vector<16xi32>
      %and3A_1555 = arith.andi %eq3A_1553, %lt3A_1554 : vector<16xi1>
      %select_n3A_1556 = arith.select %and3A_1555, %broadcast_in_dim3A_157, %broadcast_in_dim3A_155 : vector<16xi1>, vector<16xi32>
      %add3A_1557 = arith.addi %add3A_1543, %select_n3A_1556 : vector<16xi32>
      %mul3A_1558 = arith.constant 128 : i32
      %mul3A_1559 = arith.muli %while3A_1529, %mul3A_1558 : i32
      %add3A_1560 = arith.constant 32 : i32
      %add3A_1561 = arith.addi %mul3A_1559, %add3A_1560 : i32
      %get3A_1562 = arith.index_cast %add3A_1561 : i32 to index
      %get3A_1563 = tpu.vector_load %arg6[%get3A_1562] {strides = array<i32>} : memref<32896xf32, #tpu.memory_space<vmem>>, vector<16xf32>,
      %get3A_1564 = vector.shape_cast %get3A_1563 : vector<16xf32> to vector<16xf32>
      %add3A_1565 = vector.broadcast %add3A_1561 : i32 to vector<16xi32>
      %add3A_1566 = arith.addi %iota3A, %add3A_1565 : vector<16xi32>
      %eq3A_1567 = arith.cmpf oeq, %get3A_1564, %add3A_1204 : vector<16xf32>
      %lt3A_1568 = arith.cmpi slt, %add3A_1566, %add3A_1193 : vector<16xi32>
      %and3A_1569 = arith.andi %eq3A_1567, %lt3A_1568 : vector<16xi1>
      %select_n3A_1570 = arith.select %and3A_1569, %broadcast_in_dim3A_157, %broadcast_in_dim3A_155 : vector<16xi1>, vector<16xi32>
      %add3A_1571 = arith.addi %add3A_1557, %select_n3A_1570 : vector<16xi32>
      %mul3A_1572 = arith.constant 128 : i32
      %mul3A_1573 = arith.muli %while3A_1529, %mul3A_1572 : i32
      %add3A_1574 = arith.constant 48 : i32
      %add3A_1575 = arith.addi %mul3A_1573, %add3A_1574 : i32
      %get3A_1576 = arith.index_cast %add3A_1575 : i32 to index
      %get3A_1577 = tpu.vector_load %arg6[%get3A_1576] {strides = array<i32>} : memref<32896xf32, #tpu.memory_space<vmem>>, vector<16xf32>,
      %get3A_1578 = vector.shape_cast %get3A_1577 : vector<16xf32> to vector<16xf32>
      %add3A_1579 = vector.broadcast %add3A_1575 : i32 to vector<16xi32>
      %add3A_1580 = arith.addi %iota3A, %add3A_1579 : vector<16xi32>
      %eq3A_1581 = arith.cmpf oeq, %get3A_1578, %add3A_1204 : vector<16xf32>
      %lt3A_1582 = arith.cmpi slt, %add3A_1580, %add3A_1193 : vector<16xi32>
      %and3A_1583 = arith.andi %eq3A_1581, %lt3A_1582 : vector<16xi1>
      %select_n3A_1584 = arith.select %and3A_1583, %broadcast_in_dim3A_157, %broadcast_in_dim3A_155 : vector<16xi1>, vector<16xi32>
      %add3A_1585 = arith.addi %add3A_1571, %select_n3A_1584 : vector<16xi32>
      %mul3A_1586 = arith.constant 128 : i32
      %mul3A_1587 = arith.muli %while3A_1529, %mul3A_1586 : i32
      %add3A_1588 = arith.constant 64 : i32
      %add3A_1589 = arith.addi %mul3A_1587, %add3A_1588 : i32
      %get3A_1590 = arith.index_cast %add3A_1589 : i32 to index
      %get3A_1591 = tpu.vector_load %arg6[%get3A_1590] {strides = array<i32>} : memref<32896xf32, #tpu.memory_space<vmem>>, vector<16xf32>,
      %get3A_1592 = vector.shape_cast %get3A_1591 : vector<16xf32> to vector<16xf32>
      %add3A_1593 = vector.broadcast %add3A_1589 : i32 to vector<16xi32>
      %add3A_1594 = arith.addi %iota3A, %add3A_1593 : vector<16xi32>
      %eq3A_1595 = arith.cmpf oeq, %get3A_1592, %add3A_1204 : vector<16xf32>
      %lt3A_1596 = arith.cmpi slt, %add3A_1594, %add3A_1193 : vector<16xi32>
      %and3A_1597 = arith.andi %eq3A_1595, %lt3A_1596 : vector<16xi1>
      %select_n3A_1598 = arith.select %and3A_1597, %broadcast_in_dim3A_157, %broadcast_in_dim3A_155 : vector<16xi1>, vector<16xi32>
      %add3A_1599 = arith.addi %add3A_1585, %select_n3A_1598 : vector<16xi32>
      %mul3A_1600 = arith.constant 128 : i32
      %mul3A_1601 = arith.muli %while3A_1529, %mul3A_1600 : i32
      %add3A_1602 = arith.constant 80 : i32
      %add3A_1603 = arith.addi %mul3A_1601, %add3A_1602 : i32
      %get3A_1604 = arith.index_cast %add3A_1603 : i32 to index
      %get3A_1605 = tpu.vector_load %arg6[%get3A_1604] {strides = array<i32>} : memref<32896xf32, #tpu.memory_space<vmem>>, vector<16xf32>,
      %get3A_1606 = vector.shape_cast %get3A_1605 : vector<16xf32> to vector<16xf32>
      %add3A_1607 = vector.broadcast %add3A_1603 : i32 to vector<16xi32>
      %add3A_1608 = arith.addi %iota3A, %add3A_1607 : vector<16xi32>
      %eq3A_1609 = arith.cmpf oeq, %get3A_1606, %add3A_1204 : vector<16xf32>
      %lt3A_1610 = arith.cmpi slt, %add3A_1608, %add3A_1193 : vector<16xi32>
      %and3A_1611 = arith.andi %eq3A_1609, %lt3A_1610 : vector<16xi1>
      %select_n3A_1612 = arith.select %and3A_1611, %broadcast_in_dim3A_157, %broadcast_in_dim3A_155 : vector<16xi1>, vector<16xi32>
      %add3A_1613 = arith.addi %add3A_1599, %select_n3A_1612 : vector<16xi32>
      %mul3A_1614 = arith.constant 128 : i32
      %mul3A_1615 = arith.muli %while3A_1529, %mul3A_1614 : i32
      %add3A_1616 = arith.constant 96 : i32
      %add3A_1617 = arith.addi %mul3A_1615, %add3A_1616 : i32
      %get3A_1618 = arith.index_cast %add3A_1617 : i32 to index
      %get3A_1619 = tpu.vector_load %arg6[%get3A_1618] {strides = array<i32>} : memref<32896xf32, #tpu.memory_space<vmem>>, vector<16xf32>,
      %get3A_1620 = vector.shape_cast %get3A_1619 : vector<16xf32> to vector<16xf32>
      %add3A_1621 = vector.broadcast %add3A_1617 : i32 to vector<16xi32>
      %add3A_1622 = arith.addi %iota3A, %add3A_1621 : vector<16xi32>
      %eq3A_1623 = arith.cmpf oeq, %get3A_1620, %add3A_1204 : vector<16xf32>
      %lt3A_1624 = arith.cmpi slt, %add3A_1622, %add3A_1193 : vector<16xi32>
      %and3A_1625 = arith.andi %eq3A_1623, %lt3A_1624 : vector<16xi1>
      %select_n3A_1626 = arith.select %and3A_1625, %broadcast_in_dim3A_157, %broadcast_in_dim3A_155 : vector<16xi1>, vector<16xi32>
      %add3A_1627 = arith.addi %add3A_1613, %select_n3A_1626 : vector<16xi32>
      %mul3A_1628 = arith.constant 128 : i32
      %mul3A_1629 = arith.muli %while3A_1529, %mul3A_1628 : i32
      %add3A_1630 = arith.constant 112 : i32
      %add3A_1631 = arith.addi %mul3A_1629, %add3A_1630 : i32
      %get3A_1632 = arith.index_cast %add3A_1631 : i32 to index
      %get3A_1633 = tpu.vector_load %arg6[%get3A_1632] {strides = array<i32>} : memref<32896xf32, #tpu.memory_space<vmem>>, vector<16xf32>,
      %get3A_1634 = vector.shape_cast %get3A_1633 : vector<16xf32> to vector<16xf32>
      %add3A_1635 = vector.broadcast %add3A_1631 : i32 to vector<16xi32>
      %add3A_1636 = arith.addi %iota3A, %add3A_1635 : vector<16xi32>
      %eq3A_1637 = arith.cmpf oeq, %get3A_1634, %add3A_1204 : vector<16xf32>
      %lt3A_1638 = arith.cmpi slt, %add3A_1636, %add3A_1193 : vector<16xi32>
      %and3A_1639 = arith.andi %eq3A_1637, %lt3A_1638 : vector<16xi1>
      %select_n3A_1640 = arith.select %and3A_1639, %broadcast_in_dim3A_157, %broadcast_in_dim3A_155 : vector<16xi1>, vector<16xi32>
      %add3A_1641 = arith.addi %add3A_1627, %select_n3A_1640 : vector<16xi32>
      scf.yield %add3A_1641 : vector<16xi32>
    }
    %slice3A_1439 = vector.extract_strided_slice %while3A_1438 {offsets = [0], sizes = [1], strides = [1]} : vector<16xi32> to vector<1xi32>
    %squeeze3A_1440 = vector.extract %slice3A_1439[0] : i32 from vector<1xi32>
    %slice3A_1441 = vector.extract_strided_slice %while3A_1438 {offsets = [1], sizes = [1], strides = [1]} : vector<16xi32> to vector<1xi32>
    %squeeze3A_1442 = vector.extract %slice3A_1441[0] : i32 from vector<1xi32>
    %add3A_1443 = arith.addi %squeeze3A_1440, %squeeze3A_1442 : i32
    %slice3A_1444 = vector.extract_strided_slice %while3A_1438 {offsets = [2], sizes = [1], strides = [1]} : vector<16xi32> to vector<1xi32>
    %squeeze3A_1445 = vector.extract %slice3A_1444[0] : i32 from vector<1xi32>
    %add3A_1446 = arith.addi %add3A_1443, %squeeze3A_1445 : i32
    %slice3A_1447 = vector.extract_strided_slice %while3A_1438 {offsets = [3], sizes = [1], strides = [1]} : vector<16xi32> to vector<1xi32>
    %squeeze3A_1448 = vector.extract %slice3A_1447[0] : i32 from vector<1xi32>
    %add3A_1449 = arith.addi %add3A_1446, %squeeze3A_1448 : i32
    %slice3A_1450 = vector.extract_strided_slice %while3A_1438 {offsets = [4], sizes = [1], strides = [1]} : vector<16xi32> to vector<1xi32>
    %squeeze3A_1451 = vector.extract %slice3A_1450[0] : i32 from vector<1xi32>
    %add3A_1452 = arith.addi %add3A_1449, %squeeze3A_1451 : i32
    %slice3A_1453 = vector.extract_strided_slice %while3A_1438 {offsets = [5], sizes = [1], strides = [1]} : vector<16xi32> to vector<1xi32>
    %squeeze3A_1454 = vector.extract %slice3A_1453[0] : i32 from vector<1xi32>
    %add3A_1455 = arith.addi %add3A_1452, %squeeze3A_1454 : i32
    %slice3A_1456 = vector.extract_strided_slice %while3A_1438 {offsets = [6], sizes = [1], strides = [1]} : vector<16xi32> to vector<1xi32>
    %squeeze3A_1457 = vector.extract %slice3A_1456[0] : i32 from vector<1xi32>
    %add3A_1458 = arith.addi %add3A_1455, %squeeze3A_1457 : i32
    %slice3A_1459 = vector.extract_strided_slice %while3A_1438 {offsets = [7], sizes = [1], strides = [1]} : vector<16xi32> to vector<1xi32>
    %squeeze3A_1460 = vector.extract %slice3A_1459[0] : i32 from vector<1xi32>
    %add3A_1461 = arith.addi %add3A_1458, %squeeze3A_1460 : i32
    %slice3A_1462 = vector.extract_strided_slice %while3A_1438 {offsets = [8], sizes = [1], strides = [1]} : vector<16xi32> to vector<1xi32>
    %squeeze3A_1463 = vector.extract %slice3A_1462[0] : i32 from vector<1xi32>
    %add3A_1464 = arith.addi %add3A_1461, %squeeze3A_1463 : i32
    %slice3A_1465 = vector.extract_strided_slice %while3A_1438 {offsets = [9], sizes = [1], strides = [1]} : vector<16xi32> to vector<1xi32>
    %squeeze3A_1466 = vector.extract %slice3A_1465[0] : i32 from vector<1xi32>
    %add3A_1467 = arith.addi %add3A_1464, %squeeze3A_1466 : i32
    %slice3A_1468 = vector.extract_strided_slice %while3A_1438 {offsets = [10], sizes = [1], strides = [1]} : vector<16xi32> to vector<1xi32>
    %squeeze3A_1469 = vector.extract %slice3A_1468[0] : i32 from vector<1xi32>
    %add3A_1470 = arith.addi %add3A_1467, %squeeze3A_1469 : i32
    %slice3A_1471 = vector.extract_strided_slice %while3A_1438 {offsets = [11], sizes = [1], strides = [1]} : vector<16xi32> to vector<1xi32>
    %squeeze3A_1472 = vector.extract %slice3A_1471[0] : i32 from vector<1xi32>
    %add3A_1473 = arith.addi %add3A_1470, %squeeze3A_1472 : i32
    %slice3A_1474 = vector.extract_strided_slice %while3A_1438 {offsets = [12], sizes = [1], strides = [1]} : vector<16xi32> to vector<1xi32>
    %squeeze3A_1475 = vector.extract %slice3A_1474[0] : i32 from vector<1xi32>
    %add3A_1476 = arith.addi %add3A_1473, %squeeze3A_1475 : i32
    %slice3A_1477 = vector.extract_strided_slice %while3A_1438 {offsets = [13], sizes = [1], strides = [1]} : vector<16xi32> to vector<1xi32>
    %squeeze3A_1478 = vector.extract %slice3A_1477[0] : i32 from vector<1xi32>
    %add3A_1479 = arith.addi %add3A_1476, %squeeze3A_1478 : i32
    %slice3A_1480 = vector.extract_strided_slice %while3A_1438 {offsets = [14], sizes = [1], strides = [1]} : vector<16xi32> to vector<1xi32>
    %squeeze3A_1481 = vector.extract %slice3A_1480[0] : i32 from vector<1xi32>
    %add3A_1482 = arith.addi %add3A_1479, %squeeze3A_1481 : i32
    %slice3A_1483 = vector.extract_strided_slice %while3A_1438 {offsets = [15], sizes = [1], strides = [1]} : vector<16xi32> to vector<1xi32>
    %squeeze3A_1484 = vector.extract %slice3A_1483[0] : i32 from vector<1xi32>
    %add3A_1485 = arith.addi %add3A_1482, %squeeze3A_1484 : i32
    %add3A_1486 = arith.addi %add3A_1395, %add3A_1485 : i32
    %lt3A_1487 = arith.constant 5 : i32
    %lt3A_1488 = arith.cmpi slt, %add3A_1486, %lt3A_1487 : i32
    %jit3A_1489 = arith.constant 1 : i32
    %jit3A_1490 = arith.constant 0 : i32
    %select_n3A_1491 = arith.select %lt3A_1488, %jit3A_1489, %jit3A_1490 : i32
    %add3A_1492 = arith.addi %add3A_1171, %select_n3A_1491 : i32
    %broadcast_in_dim3A_1493 = arith.constant 0.000000e+00 : f32
    %broadcast_in_dim3A_1494 = vector.broadcast %broadcast_in_dim3A_1493 : f32 to vector<16xf32>
    %convert_element_type3A_1495 = arith.sitofp %add3A_1492 : i32 to f32
    %add3A_1496 = vector.broadcast %convert_element_type3A_1495 : f32 to vector<16xf32>
    %add3A_1497 = arith.addf %broadcast_in_dim3A_1494, %add3A_1496 : vector<16xf32>
    %swap3A = arith.constant 0 : index
    %swap3A_1498 = tpu.vector_load %arg9[%swap3A] {strides = array<i32>} : memref<128xf32, #tpu.memory_space<vmem>>, vector<16xf32>,
    %swap3A_1499 = vector.shape_cast %swap3A_1498 : vector<16xf32> to vector<16xf32>
    %swap3A_1500 = vector.shape_cast %add3A_1497 : vector<16xf32> to vector<16xf32>
    tpu.vector_store %arg9[%swap3A], %swap3A_1500 {strides = array<i32>} : memref<128xf32, #tpu.memory_space<vmem>>, vector<16xf32>,
    %swap3A_1501 = arith.constant 16 : index
    %swap3A_1502 = tpu.vector_load %arg9[%swap3A_1501] {strides = array<i32>} : memref<128xf32, #tpu.memory_space<vmem>>, vector<16xf32>,
    %swap3A_1503 = vector.shape_cast %swap3A_1502 : vector<16xf32> to vector<16xf32>
    %swap3A_1504 = vector.shape_cast %add3A_1497 : vector<16xf32> to vector<16xf32>
    tpu.vector_store %arg9[%swap3A_1501], %swap3A_1504 {strides = array<i32>} : memref<128xf32, #tpu.memory_space<vmem>>, vector<16xf32>,
    %swap3A_1505 = arith.constant 32 : index
    %swap3A_1506 = tpu.vector_load %arg9[%swap3A_1505] {strides = array<i32>} : memref<128xf32, #tpu.memory_space<vmem>>, vector<16xf32>,
    %swap3A_1507 = vector.shape_cast %swap3A_1506 : vector<16xf32> to vector<16xf32>
    %swap3A_1508 = vector.shape_cast %add3A_1497 : vector<16xf32> to vector<16xf32>
    tpu.vector_store %arg9[%swap3A_1505], %swap3A_1508 {strides = array<i32>} : memref<128xf32, #tpu.memory_space<vmem>>, vector<16xf32>,
    %swap3A_1509 = arith.constant 48 : index
    %swap3A_1510 = tpu.vector_load %arg9[%swap3A_1509] {strides = array<i32>} : memref<128xf32, #tpu.memory_space<vmem>>, vector<16xf32>,
    %swap3A_1511 = vector.shape_cast %swap3A_1510 : vector<16xf32> to vector<16xf32>
    %swap3A_1512 = vector.shape_cast %add3A_1497 : vector<16xf32> to vector<16xf32>
    tpu.vector_store %arg9[%swap3A_1509], %swap3A_1512 {strides = array<i32>} : memref<128xf32, #tpu.memory_space<vmem>>, vector<16xf32>,
    %swap3A_1513 = arith.constant 64 : index
    %swap3A_1514 = tpu.vector_load %arg9[%swap3A_1513] {strides = array<i32>} : memref<128xf32, #tpu.memory_space<vmem>>, vector<16xf32>,
    %swap3A_1515 = vector.shape_cast %swap3A_1514 : vector<16xf32> to vector<16xf32>
    %swap3A_1516 = vector.shape_cast %add3A_1497 : vector<16xf32> to vector<16xf32>
    tpu.vector_store %arg9[%swap3A_1513], %swap3A_1516 {strides = array<i32>} : memref<128xf32, #tpu.memory_space<vmem>>, vector<16xf32>,
    %swap3A_1517 = arith.constant 80 : index
    %swap3A_1518 = tpu.vector_load %arg9[%swap3A_1517] {strides = array<i32>} : memref<128xf32, #tpu.memory_space<vmem>>, vector<16xf32>,
    %swap3A_1519 = vector.shape_cast %swap3A_1518 : vector<16xf32> to vector<16xf32>
    %swap3A_1520 = vector.shape_cast %add3A_1497 : vector<16xf32> to vector<16xf32>
    tpu.vector_store %arg9[%swap3A_1517], %swap3A_1520 {strides = array<i32>} : memref<128xf32, #tpu.memory_space<vmem>>, vector<16xf32>,
    %swap3A_1521 = arith.constant 96 : index
    %swap3A_1522 = tpu.vector_load %arg9[%swap3A_1521] {strides = array<i32>} : memref<128xf32, #tpu.memory_space<vmem>>, vector<16xf32>,
    %swap3A_1523 = vector.shape_cast %swap3A_1522 : vector<16xf32> to vector<16xf32>
    %swap3A_1524 = vector.shape_cast %add3A_1497 : vector<16xf32> to vector<16xf32>
    tpu.vector_store %arg9[%swap3A_1521], %swap3A_1524 {strides = array<i32>} : memref<128xf32, #tpu.memory_space<vmem>>, vector<16xf32>,
    %swap3A_1525 = arith.constant 112 : index
    %swap3A_1526 = tpu.vector_load %arg9[%swap3A_1525] {strides = array<i32>} : memref<128xf32, #tpu.memory_space<vmem>>, vector<16xf32>,
    %swap3A_1527 = vector.shape_cast %swap3A_1526 : vector<16xf32> to vector<16xf32>
    %swap3A_1528 = vector.shape_cast %add3A_1497 : vector<16xf32> to vector<16xf32>
    tpu.vector_store %arg9[%swap3A_1525], %swap3A_1528 {strides = array<i32>} : memref<128xf32, #tpu.memory_space<vmem>>, vector<16xf32>,
    "tpu.region"() ({
      %run_scoped3A = tpu.sem_alloc : memref<!tpu.dma_semaphore, #tpu.memory_space<semaphore_mem>>
      %dma_start3A_1529 = arith.constant 0 : i32
      %dma_start3A_1530 = tpu.memref_slice %arg4[%add3A, %dma_start3A_1529] : memref<32x128xf32, #tpu.memory_space<hbm>> -> memref<1x128xf32, #tpu.memory_space<hbm>>
      %dma_start3A_1531 = tpu.memref_squeeze %dma_start3A_1530 : memref<1x128xf32, #tpu.memory_space<hbm>> -> memref<128xf32, #tpu.memory_space<hbm>>
      %dma_start3A_1532 = arith.constant 0 : i32
      %dma_start3A_1533 = tpu.memref_slice %arg4[%add3A, %dma_start3A_1532] : memref<32x128xf32, #tpu.memory_space<hbm>> -> memref<1x128xf32, #tpu.memory_space<hbm>>
      %dma_start3A_1534 = tpu.memref_squeeze %dma_start3A_1533 : memref<1x128xf32, #tpu.memory_space<hbm>> -> memref<128xf32, #tpu.memory_space<hbm>>
      tpu.enqueue_dma source(%arg9 : memref<128xf32, #tpu.memory_space<vmem>>) target(%dma_start3A_1534 : memref<128xf32, #tpu.memory_space<hbm>>) target_semaphore(%run_scoped3A : memref<!tpu.dma_semaphore, #tpu.memory_space<semaphore_mem>>)
      %dma_wait3A_1535 = arith.constant 0 : i32
      %dma_wait3A_1536 = tpu.memref_slice %arg4[%add3A, %dma_wait3A_1535] : memref<32x128xf32, #tpu.memory_space<hbm>> -> memref<1x128xf32, #tpu.memory_space<hbm>>
      %dma_wait3A_1537 = tpu.memref_squeeze %dma_wait3A_1536 : memref<1x128xf32, #tpu.memory_space<hbm>> -> memref<128xf32, #tpu.memory_space<hbm>>
      %dma_wait3A_1538 = arith.constant 0 : i32
      %dma_wait3A_1539 = tpu.memref_slice %arg4[%add3A, %dma_wait3A_1538] : memref<32x128xf32, #tpu.memory_space<hbm>> -> memref<1x128xf32, #tpu.memory_space<hbm>>
      %dma_wait3A_1540 = tpu.memref_squeeze %dma_wait3A_1539 : memref<1x128xf32, #tpu.memory_space<hbm>> -> memref<128xf32, #tpu.memory_space<hbm>>
      tpu.wait_dma2 semaphore(%run_scoped3A : memref<!tpu.dma_semaphore, #tpu.memory_space<semaphore_mem>>) src(%arg9 : memref<128xf32, #tpu.memory_space<vmem>>) dst(%dma_wait3A_1540 : memref<128xf32, #tpu.memory_space<hbm>>)
      tpu.yield
    }) : () -> ()
    return
  }
}

module attributes {stable_mosaic.version = 14 : i64} {
  func.func @_tc_reduce_body(%arg0: memref<32x128xf32, #tpu.memory_space<vmem>>, %arg1: memref<1x1xf32, #tpu.memory_space<smem>>) attributes {dimension_semantics = [], scalar_prefetch = 0 : i64, scratch_operands = 0 : i64, tpu.core_type = #tpu.core_type<tc>} {
    %get3A = arith.constant 0 : index
    %get3A_0 = arith.constant 0 : index
    %get3A_1 = vector.load %arg0[%get3A, %get3A_0] : memref<32x128xf32, #tpu.memory_space<vmem>>, vector<32x128xf32>
    %reduce_sum3A = vector.shape_cast %get3A_1 : vector<32x128xf32> to vector<1x32x128xf32>
    %reduce_sum3A_2 = arith.constant dense<0.000000e+00> : vector<1xf32>
    %reduce_sum3A_3 = vector.multi_reduction <add>, %reduce_sum3A, %reduce_sum3A_2 [1, 2] : vector<1x32x128xf32> to vector<1xf32>
    %reduce_sum3A_4 = vector.shape_cast %reduce_sum3A_3 : vector<1xf32> to vector<1x1x1xf32>
    %reduce_sum3A_5 = vector.extract %reduce_sum3A_4[0, 0, 0] : f32 from vector<1x1x1xf32>
    %mul3A = arith.constant 0.00610351563 : f32
    %mul3A_6 = arith.mulf %reduce_sum3A_5, %mul3A : f32
    %swap3A = arith.constant 0 : index
    %swap3A_7 = arith.constant 0 : index
    %swap3A_8 = memref.load %arg1[%swap3A, %swap3A_7] : memref<1x1xf32, #tpu.memory_space<smem>>
    memref.store %mul3A_6, %arg1[%swap3A, %swap3A_7] : memref<1x1xf32, #tpu.memory_space<smem>>
    return
  }
}

</mosaic_0001>

<sc_bundles>
// kernel: kernel.4.cloned.1.call-start
scs
__scs_entry_jumppad:
0x0: {  	(pc) =	sbr.rel $0x88, $3  }
0x1: {  	(tag) =	ssettag $0x0;
	lr =	simm.s32 $0x1  }
0x2: {  	[smem:$0x3F9F] =	sst lr;
	_ =	strace $0xD0000000  }
0x3: {  	_ = 	snop  }
0x4: {  	_ = 	snop  }
0x5: {  	_ = 	snop  }
0x6: {  	_ = 	snop  }
0x7: {  	_ = 	snop  }
__scs_overlays_trampoline_lowered:
0x8: {  	[smem:$0x3FAE] =	sst s0  }
0x9: {  	[smem:$0x3FAF] =	sst s1  }
0xa: {  	[smem:$0x3FB0] =	sst s2  }
0xb: {  	[smem:$0x3FB1] =	sst s3  }
0xc: {  	[smem:$0x3FB2] =	sst s4  }
0xd: {  	[smem:$0x3FB3] =	sst s5  }
0xe: {  	[smem:$0x3FB4] =	sst s6  }
0xf: {  	[smem:$0x3FB5] =	sst s7  }
0x10: {  	[smem:$0x3FB6] =	sst s8  }
0x11: {  	[smem:$0x3FB7] =	sst s9;
	s0 =	simm.s32 @!p0 $0x0  }
0x12: {  	s1 =	sld [smem:$0x3F9D];
	s0 =	simm.s32 @p0 $0x1  }
0x13: {  	[smem:$0x3FB8] =	sst s0;
	s0 =	simm.s32 @!p1 $0x0  }
0x14: {  	s2 =	sld [smem:$0x3F9C];
	s0 =	simm.s32 @p1 $0x1  }
0x15: {  	[smem:$0x3FB9] =	sst s0;
	s0 =	simm.s32 @!p2 $0x0  }
0x16: {  	s3 =	sld [smem:$0x3FDB];
	s0 =	simm.s32 @p2 $0x1  }
0x17: {  	s4 =	simm.s32 $0x1BF5;
	[smem:$0x3FBB] =	sst s0  }
0x18: {  	s0 =	sld [smem:$0x3F9E];
	_ =	swait.ge [sflag:s4], $0x0  }
0x19: {  	s7 =	sld [smem:$0x3F9F]  }
0x1a: {  	s8 =	sadd.s32 $0xFFFFE003, lr  }
0x1b: {  	s9 =	sadd.s32 $0xFFFFFEF7, lr;
	s5 =	simm.s32 $0xFFFFFFFF;
	p2 =	slt.u32 s8, $0xFFFFF086  }
0x1c: {  	p1 =	slt.u32 s9, $0xF7A;
	s5 =	simm.s32 @!p2 $0x0  }
0x1d: {  	s5 =	simm.s32 @p1 $0x1;
	p0 =	seq.s32 s7, s2  }
0x1e: {  	s7 =	smul.u32 @!p0 $0xF7A, s2;
	p2 =	seq.s32 @!p0 s5, $0x0  }
0x1f: {  	s9 =	smul.u32 $0xF7A, s1;
	s8 =	simm.s32 @!p0 $0x1BF5;
	p2 =	por !p2, p0  }
0x20: {  	[sflag:s8] =	ssyncset.s32 @!p0 $0xFFFFF086;
	s6 =	sadd.s32 @!p0 s3, s7;
	s7 =	simm.s32 @!p0 $0x108  }
0x21: {  	s3 =	sadd.s32 s3, s9;
	s6 =	sadd.s32 @!p0 $0x88, s6;
	s7 =	simm.s32 @p2 $0x1082  }
0x22: {  	[simem:s7], [sflag:s8] =	dma.local @!p0 [hbm:s6], $0xF7A  }
0x23: {  	s9 =	sor.u32 $0xD0000000, s2;
	s6 =	simm.s32 $0x108;
	_ =	swait.ge @!p0 [sflag:s8], $0x0  }
0x24: {  	s3 =	sadd.s32 $0x88, s3;
	s6 =	simm.s32 @!p1 $0x1082;
	[sflag:s4] =	ssyncset.s32 $0xFFFFF086  }
0x25: {  	[simem:s6], [sflag:s4] =	dma.local [hbm:s3], $0xF7A  }
0x26: {  	[smem:$0x3F9F] =	sst s1;
	(tag) =	ssettag s2;
	_ =	strace s9  }
0x27: {  	s1 =	sld [smem:$0x3FAF]  }
0x28: {  	s2 =	sld [smem:$0x3FB0]  }
0x29: {  	s4 =	sld [smem:$0x3FB2]  }
0x2a: {  	p0 =	seq.s32 s5, $0x0;
	s5 =	sld [smem:$0x3FB3]  }
0x2b: {  	s6 =	sld [smem:$0x3FB4]  }
0x2c: {  	s7 =	sld [smem:$0x3FB5]  }
0x2d: {  	s3 =	simm.s32 $0x108;
	s8 =	sld [smem:$0x3FB6]  }
0x2e: {  	s3 =	simm.s32 @!p0 $0x1082;
	s9 =	sld [smem:$0x3FB7]  }
0x2f: {  	lr =	sadd.s32 s0, s3;
	s0 =	sld [smem:$0x3FAE]  }
0x30: {  	s3 =	sld [smem:$0x3FB1]  }
0x31: {  	[smem:$0x3FBA] =	sst s10  }
0x32: {  	s10 =	sld [smem:$0x3FB8];
	_ =	sdelay $0x3  }
0x33: {  	p0 =	seq.s32 s10, $0x1;
	s10 =	sld [smem:$0x3FBA];
	_ =	sdelay $0x3  }
0x34: {  	[smem:$0x3FBA] =	sst s10  }
0x35: {  	s10 =	sld [smem:$0x3FB9];
	_ =	sdelay $0x3  }
0x36: {  	p1 =	seq.s32 s10, $0x1;
	s10 =	sld [smem:$0x3FBA];
	_ =	sdelay $0x3  }
0x37: {  	[smem:$0x3FBA] =	sst s10  }
0x38: {  	s10 =	sld [smem:$0x3FBB]  }
0x39: {  	_ = 	snop;
	(pc) =	sbr.ind lr, $3  }
0x3a: {  	_ = 	snop  }
0x3b: {  	_ = 	snop  }
0x3c: {  	p2 =	seq.s32 s10, $0x1;
	s10 =	sld [smem:$0x3FBA]  }
0x3d: {  	_ =	shalt  }
0x3e: {  	_ =	shalt  }
0x3f: {  	_ =	shalt  }
0x40: {  	_ =	shalt  }
0x41: {  	_ =	shalt  }
0x42: {  	_ =	shalt  }
0x43: {  	_ =	shalt  }
0x44: {  	_ =	shalt  }
0x45: {  	_ =	shalt  }
0x46: {  	_ =	shalt  }
0x47: {  	_ =	shalt  }
0x48: {  	_ =	shalt  }
0x49: {  	_ =	shalt  }
0x4a: {  	_ =	shalt  }
0x4b: {  	_ =	shalt  }
0x4c: {  	_ =	shalt  }
0x4d: {  	_ =	shalt  }
0x4e: {  	_ =	shalt  }
0x4f: {  	_ =	shalt  }
0x50: {  	_ =	shalt  }
0x51: {  	_ =	shalt  }
0x52: {  	_ =	shalt  }
0x53: {  	_ =	shalt  }
0x54: {  	_ =	shalt  }
0x55: {  	_ =	shalt  }
0x56: {  	_ =	shalt  }
0x57: {  	_ =	shalt  }
0x58: {  	_ =	shalt  }
0x59: {  	_ =	shalt  }
0x5a: {  	_ =	shalt  }
0x5b: {  	_ =	shalt  }
0x5c: {  	_ =	shalt  }
0x5d: {  	_ =	shalt  }
0x5e: {  	_ =	shalt  }
0x5f: {  	_ =	shalt  }
0x60: {  	_ =	shalt  }
0x61: {  	_ =	shalt  }
0x62: {  	_ =	shalt  }
0x63: {  	_ =	shalt  }
0x64: {  	_ =	shalt  }
0x65: {  	_ =	shalt  }
0x66: {  	_ =	shalt  }
0x67: {  	_ =	shalt  }
0x68: {  	_ =	shalt  }
0x69: {  	_ =	shalt  }
0x6a: {  	_ =	shalt  }
0x6b: {  	_ =	shalt  }
0x6c: {  	_ =	shalt  }
0x6d: {  	_ =	shalt  }
0x6e: {  	_ =	shalt  }
0x6f: {  	_ =	shalt  }
0x70: {  	_ =	shalt  }
0x71: {  	_ =	shalt  }
0x72: {  	_ =	shalt  }
0x73: {  	_ =	shalt  }
0x74: {  	_ =	shalt  }
0x75: {  	_ =	shalt  }
0x76: {  	_ =	shalt  }
0x77: {  	_ =	shalt  }
0x78: {  	_ =	shalt  }
0x79: {  	_ =	shalt  }
0x7a: {  	_ =	shalt  }
0x7b: {  	_ =	shalt  }
0x7c: {  	_ =	shalt  }
0x7d: {  	_ =	shalt  }
0x7e: {  	_ =	shalt  }
0x7f: {  	_ =	shalt  }
0x80: {  	_ =	shalt  }
0x81: {  	_ =	shalt  }
0x82: {  	_ =	shalt  }
0x83: {  	_ =	shalt  }
0x84: {  	_ =	shalt  }
0x85: {  	_ =	shalt  }
0x86: {  	_ =	shalt  }
0x87: {  	_ =	shalt  }
.Lfunc_end0:
.L_simem_size_0:
called_computation_lowered:
.L_overlay_start_0:
0x88: {  	s2 =	sld [smem:$0x3FD9]  }
0x89: {  	s3 =	sld [smem:$0x3FFE];
	_ =	sdelay $0x1  }
0x8a: {  	s1 =	srdreg.scid  }
0x8b: {  	s0 =	sand.u32 $0x1, s1  }
0x8c: {  	s17 =	sshll.u32 s0, $0xA;
	s2 =	sadd.s32 s3, s2  }
0x8d: {  	s2 =	sadd.s32 s2, s17  }
0x8e: {  	[smem:$0x3FC6] =	sst s2  }
0x8f: {  	_ = 	snop  }
0x90: {  	s2 =	sld [smem:$0x3FC9]  }
0x91: {  	s18 =	sld [smem:$0x3FC8];
	(tm) =	ssettm $0x1  }
0x92: {  	s4 =	sld [smem:$0x3FFB];
	_ =	sdelay $0x3  }
0x93: {  	_ =	strace s4  }
0x94: {  	s4 =	sld [smem:$0x3FFC];
	_ =	sdelay $0x3  }
0x95: {  	_ =	strace s4  }
0x96: {  	s4 =	sld [smem:$0x3FFD];
	_ =	sdelay $0x3  }
0x97: {  	_ =	strace s4  }
0x98: {  	_ =	strace $0x8FFFFFFF  }
0x99: {  	s19 =	sld [smem:$0x3FDB];
	_ =	sdelay $0x1  }
0x9a: {  	s5 =	simm.s32 $_scs_section_size  }
0x9b: {  	s6 =	simm.s32 $_size__tile_overlayer_lowered;
	s7 =	simm.s32 $_tile_overlayer_lowered  }
0x9c: {  	s22 =	simm.s32 $0x1BFF;
	s21 =	sshll.u32 s7, $0x1;
	s4 =	sadd.s32 s5, s19  }
0x9d: {  	s8 =	simm.s32 $0x0;
	s20 =	sshll.u32 s6, $0x1;
	s6 =	sadd.s32 s21, s4  }
0x9e: {  	[timem:s8], [sflag:s22] =	dma.local [hbm:s6], s20  }
0x9f: {  	_ =	swait.ge [sflag:s22], s20  }
0xa0: {  	s5 =	ssub.s32 $0x0, s20;
	[sflag:s22] =	ssyncset.done $0x0  }
0xa1: {  	[sflag:s22] =	ssyncadd.s32 s5;
	_ =	sdelay $0x1  }
0xa2: {  	s23 =	simm.s32 $0x1B8B  }
0xa3: {  	_ =	swait.ge [sflag:s23], $0x1  }
0xa4: {  	[sflag:s23] =	ssyncset.done $0x0  }
0xa5: {  	s25 =	simm.s32 $0x1B8E;
	s24 =	sld [smem:$0x3FFE];
	[sflag:s23] =	ssyncadd.s32 $0xFFFFFFFF  }
0xa6: {  	s26 =	simm.s32 $execute0_lowered;
	[smem:$0x3FD2] =	sst s25  }
0xa7: {  	s6 =	sshll.u32 s26, $0x1;
	_ =	strace $0x80000046;
	[dreg:$0x1] =	wrdreg $0xFFFFFFFF  }
0xa8: {  	s28 =	simm.s32 $_size_execute0_lowered;
	s4 =	sadd.s32 s4, s6;
	[dreg:$0x0] =	wrdreg $0x0  }
0xa9: {  	s6 =	sshll.u32 s28, $0x1;
	[dreg:$0x2] =	wrdreg s4  }
0xaa: {  	[dreg:$0x3] =	wrdreg s6  }
0xab: {  	[dreg:$0x4] =	wrdreg $0xC0  }
0xac: {  	_ =	task [dreg:s8], $0x5FFFF  }
0xad: {  	[dreg:$0x1] =	wrdreg $0xFFFFFFFF  }
0xae: {  	[dreg:$0x0] =	wrdreg $0x60  }
0xaf: {  	[dreg:$0x2] =	wrdreg s2  }
0xb0: {  	[dreg:$0x3] =	wrdreg s18  }
0xb1: {  	[dreg:$0x4] =	wrdreg s24  }
0xb2: {  	[dreg:$0x5] =	wrdreg $0x9  }
0xb3: {  	_ =	task.clear_ibuf [dreg:s8], $0x6FFFF;
	_ =	strace $0x90000046  }
0xb4: {  	s29 =	simm.s32 $0x9;
	_ =	strace $0x80000048  }
0xb5: {  	_ =	swait.ge [sflag:s29], $0x1  }
0xb6: {  	[sflag:s29] =	ssyncadd.s32 $0xFFFFFFFF  }
0xb7: {  	_ =	strace $0x90000048  }
0xb8: {  	_ =	sfence  }
0xb9: {  	s30 =	sld [smem:$0x0];
	_ =	sdelay $0x2  }
0xba: {  	s31 =	sshll.u32 s1, $0xD;
	s1 =	sshrl.u32 s1, $0x2  }
0xbb: {  	s3 =	sand.u32 $0x4000, s31;
	s1 =	sadd.s32 s1, s30  }
0xbc: {  	s0 =	sor.u32 s3, s0;
	s1 =	sshll.u32 s1, $0x11  }
0xbd: {  	s0 =	sor.u32 s1, s0  }
0xbe: {  	s0 =	sadd.s32 $0x8F2B, s0  }
0xbf: {  	[sflag:s0] =	ssyncadd.remote.s32 $0x1  }
0xc0: {  	_ =	sfence.sel $0xFFFF  }
0xc1: {  	[dreg:$0x0] =	wrdreg $0xFFFFFFFF;
	(pc) =	sbr.abs _section_cstart, $3  }
0xc2: {  	[dreg:$0x1] =	wrdreg $0xFFFFFFFF  }
0xc3: {  	_ =	task.clear_ibuf [dreg:s8], $0x2FFFF;
	_ =	strace $0x9FFFFFFF  }
0xc4: {  	(tm) =	ssettm $0x7FFFFFFF  }
0xc5: {  	_ =	shalt  }
tec
execute0_lowered:
.L_overlay_start_1:
0x0: {  	(tag) =	ssettag $0x1  }
0x1: {  	s11 =	rddreg [dreg:$0x0]  }
0x2: {  	s0 =	rddreg [dreg:$0x2];
	s7 =	simm.s32 $0x0;
	s1 =	srdreg.scid  }
0x3: {  	s5 =	stileid.u32;
	[smem:$0x7FF] =	sst s7;
	s1 =	sand.u32 $0x1, s1  }
0x4: {  	s2 =	sshll.u32 s5, $0x1;
	s12 =	sshll.u32 s5, $0x12;
	_ =	strace $0x80000047  }
0x5: {  	s2 =	sor.u32 s1, s2;
	s8 =	sshll.u32 s1, $0x9;
	[dreg:$0x6] =	wrdreg s12  }
0x6: {  	s14 =	sadd.s32 $0x400, s11;
	s6 =	sshll.u32 s2, $0x2;
	[dreg:$0x7] =	wrdreg s8  }
0x7: {  	s16 =	sadd.s32 $0x2400, s11;
	s18 =	sor.u32 $0x180, s8;
	[dreg:$0x4] =	wrdreg s6  }
0x8: {  	s22 =	sor.u32 s8, s12;
	s20 =	sor.u32 $0x1, s6;
	[dreg:$0xf] =	wrdreg s18  }
0x9: {  	s24 =	sshrl.u32 s22, $0x3;
	s25 =	sor.u32 $0x2, s6;
	[dreg:$0x5] =	wrdreg s20  }
0xa: {  	s4 =	ssub.s32 $0x2, s1;
	s6 =	sadd.s32 s11, s24;
	[dreg:$0x9] =	wrdreg s25  }
0xb: {  	s3 =	sshll.u32 s2, $0x4;
	s15 =	sadd.s32 s24, s14;
	[dreg:$0xa] =	wrdreg s6  }
0xc: {  	s0 =	sadd.s32 s3, s0;
	s1 =	sadd.s32 s24, s16;
	[dreg:$0xd] =	wrdreg s15  }
0xd: {  	s21 =	sshll.u32 s20, $0x7;
	s0 =	sadd.s32 $0x600, s0;
	[dreg:$0xe] =	wrdreg s1  }
0xe: {  	s9 =	sshll.u32 s25, $0x7;
	s23 =	sand.u32 $0x280, s21;
	[dreg:$0x18] =	wrdreg s0  }
0xf: {  	s19 =	sshrl.u32 s4, $0x1;
	s13 =	sand.u32 $0x300, s9;
	[dreg:$0x8] =	wrdreg s23  }
0x10: {  	s2 =	ssub.s32 s4, s19;
	s26 =	sor.u32 s12, s23;
	[dreg:$0xc] =	wrdreg s13  }
0x11: {  	s6 =	sor.u32 s12, s13;
	s3 =	sshrl.u32 s26, $0x3;
	s26 =	smax.u32 s2, $0x1  }
0x12: {  	s17 =	sshrl.u32 s6, $0x3;
	s10 =	sadd.s32 s11, s3;
	[dreg:$0x19] =	wrdreg s26  }
0x13: {  	s19 =	sadd.s32 s11, s17;
	[dreg:$0xb] =	wrdreg s10  }
0x14: {  	s20 =	sadd.s32 s3, s14;
	[dreg:$0x10] =	wrdreg s19  }
0x15: {  	s6 =	sor.u32 s12, s18;
	s3 =	sadd.s32 s3, s16;
	[dreg:$0x11] =	wrdreg s20  }
0x16: {  	s21 =	sshrl.u32 s6, $0x3;
	s22 =	sadd.s32 s17, s14;
	[dreg:$0x12] =	wrdreg s3  }
.Ltmp0:
0x17: {  	s1 =	sadd.s32 s17, s16;
	[dreg:$0x13] =	wrdreg s22;
	(pc) =	sbr.rel .LBB2_1-.Ltmp0, $4  }
0x18: {  	s29 =	simm.s32 $0x80;
	[dreg:$0x14] =	wrdreg s1;
	s23 =	sadd.s32 s21, s14  }
0x19: {  	s28 =	simm.s32 $0x400;
	s24 =	sadd.s32 s21, s16;
	[dreg:$0x15] =	wrdreg s23  }
0x1a: {  	s31 =	simm.s32 $0x5;
	s25 =	sadd.s32 s11, s21;
	[dreg:$0x16] =	wrdreg s24  }
0x1b: {  	s30 =	simm.s32 $0x3;
	v0 =	vimm.s32 $0x0;
	v1 =	vlaneseq.u32;
	s8 =	simm.s32 $0x0;
	[dreg:$0x17] =	wrdreg s25  }
.LBB2_62:
0x1c: {  	s11 =	rddreg [dreg:$0x0]  }
0x1d: {  	s12 =	rddreg [dreg:$0x6]  }
0x1e: {  	v2 =	vpsel p0, $0x0, v4;
	s8 =	rddreg [dreg:$0x1a]  }
.LBB2_57:
0x1f: {  	(v2sf) =	vpush v2, $0x0  }
0x20: {  	(v2sf) =	vpush v2, $0x1;
	_ =	sdelay $0x1  }
0x21: {  	(v2sf) =	vpush v2, $0x2  }
0x22: {  	(v2sf) =	vpush v2, $0x3  }
0x23: {  	(v2sf) =	vpush v2, $0x4  }
0x24: {  	(v2sf) =	vpush v2, $0x5  }
0x25: {  	(v2sf) =	vpush v2, $0x6  }
0x26: {  	(v2sf) =	vpush v2, $0x7  }
0x27: {  	(v2sf) =	vpush v2, $0x8  }
0x28: {  	(v2sf) =	vpush v2, $0x9  }
0x29: {  	(v2sf) =	vpush v2, $0xA  }
0x2a: {  	(v2sf) =	vpush v2, $0xB  }
0x2b: {  	(v2sf) =	vpush v2, $0xC  }
0x2c: {  	(v2sf) =	vpush v2, $0xD  }
0x2d: {  	s0 =	spop (v2sf);
	(v2sf) =	vpush v2, $0xE  }
0x2e: {  	s2 =	spop (v2sf);
	(v2sf) =	vpush v2, $0xF  }
0x2f: {  	s2 =	sadd.s32 s5, s2  }
0x30: {  	s3 =	spop (v2sf);
	s0 =	sadd.s32 s0, s2  }
0x31: {  	s9 =	spop (v2sf);
	s0 =	sadd.s32 s3, s0  }
0x32: {  	s10 =	spop (v2sf);
	s0 =	sadd.s32 s9, s0  }
0x33: {  	s13 =	spop (v2sf);
	s0 =	sadd.s32 s10, s0  }
0x34: {  	s14 =	spop (v2sf);
	s0 =	sadd.s32 s13, s0  }
0x35: {  	s15 =	spop (v2sf);
	s0 =	sadd.s32 s14, s0  }
0x36: {  	s16 =	spop (v2sf);
	s0 =	sadd.s32 s15, s0  }
0x37: {  	s17 =	spop (v2sf);
	s0 =	sadd.s32 s16, s0  }
0x38: {  	s18 =	spop (v2sf);
	s0 =	sadd.s32 s17, s0  }
0x39: {  	s19 =	spop (v2sf);
	s0 =	sadd.s32 s18, s0  }
0x3a: {  	s20 =	spop (v2sf);
	s0 =	sadd.s32 s19, s0  }
0x3b: {  	s21 =	spop (v2sf);
	s0 =	sadd.s32 s20, s0  }
0x3c: {  	s22 =	spop (v2sf);
	s0 =	sadd.s32 s21, s0  }
0x3d: {  	s23 =	spop (v2sf);
	s0 =	sadd.s32 s22, s0  }
0x3e: {  	s0 =	sadd.s32 s23, s0  }
0x3f: {  	p0 =	slt.s32 s0, $0x5;
	s0 =	simm.s32 $0x1  }
0x40: {  	s0 =	simm.s32 @!p0 $0x0  }
0x41: {  	s0 =	sadd.s32 s0, s1  }
0x42: {  	s0 =	scvt.s32.f32 s0;
	_ =	sdelay $0x1  }
0x43: {  	v2 =	vmov s0  }
0x44: {  	[tilespmem:$0x10280] =	vst v2  }
0x45: {  	[tilespmem:$0x10290] =	vst v2  }
0x46: {  	[tilespmem:$0x102A0] =	vst v2  }
0x47: {  	[tilespmem:$0x102B0] =	vst v2  }
0x48: {  	[tilespmem:$0x102C0] =	vst v2  }
0x49: {  	[tilespmem:$0x102D0] =	vst v2  }
0x4a: {  	[tilespmem:$0x102E0] =	vst v2  }
0x4b: {  	s7 =	simm.s32 $0x0;
	s24 =	rddreg [dreg:$0x18];
	s25 =	simm.s32 $0x10280;
	[tilespmem:$0x102F0] =	vst v2  }
0x4c: {  	[hbm4b:s24+s7] =	stream.linear.scatter [tilespmem:s25], [sflag:$0x5], $0x80, $0x38;
	[tilespmem:$0x10300] =	vst v63  }
0x4d: {  	_ =	swait.ge [sflag:s31], $0x80  }
0x4e: {  	s8 =	sadd.s32 $0x1, s8;
	s26 =	rddreg [dreg:$0x19]  }
0x4f: {  	p0 =	sne.s32 s8, s26  }
.Ltmp1:
0x50: {  	_ = 	snop;
	(pc) =	sbr.rel @!p0 .LBB2_58-.Ltmp1, $3  }
0x51: {  	_ =	sdelay $0x1  }
0x52: {  	[sflag:s31] =	ssyncset.done $0x0  }
0x53: {  	[sflag:s31] =	ssyncadd.s32 $0xFFFFFF80  }
.LBB2_1:
0x54: {  	s0 =	rddreg [dreg:$0xa]  }
0x55: {  	[tilespmem:s7], [sflag:$0x1] =	stream.strided.gather [hbm4b:s0+s29], $0x400, s28, s29, $0x38;
	[tilespmem:$0x10300] =	vst v63  }
0x56: {  	s17 =	rddreg [dreg:$0x1];
	s1 =	simm.s32 $0x10100  }
0x57: {  	[tilespmem:s1], [sflag:$0x5] =	stream.linear.gather [hbm4b:s17+s7], $0x80, $0x38;
	[tilespmem:$0x10300] =	vst v63  }
0x58: {  	_ =	swait.ge [sflag:s31], $0x80  }
0x59: {  	[sflag:s31] =	ssyncset.done $0x0  }
0x5a: {  	s5 =	rddreg [dreg:$0x4];
	[sflag:s31] =	ssyncadd.s32 $0xFFFFFF80  }
0x5b: {  	v6 =	vld [tilespmem:s5+$0x10100];
	_ =	sdelay $0x2  }
0x5c: {  	s18 =	rddreg [dreg:$0x5]  }
0x5d: {  	v4 =	vld [tilespmem:s18+$0x10100]  }
0x5e: {  	(v2sf) =	vpush v6, $0x0;
	_ =	sdelay $0x3  }
0x5f: {  	(v2sf) =	vpush v4, $0x0;
	_ =	sdelay $0x5  }
0x60: {  	s19 =	rddreg [dreg:$0x9]  }
0x61: {  	v3 =	vld [tilespmem:s19+$0x10100];
	_ =	sdelay $0x3  }
0x62: {  	s24 =	simm.s32 $0x10200;
	s10 =	simm.s32 $0x10220;
	s1 =	spop (v2sf)  }
0x63: {  	s15 =	simm.s32 $0x8080;
	s6 =	rddreg [dreg:$0x7];
	(v2sf) =	vpush v3, $0x0;
	s20 =	sand.u32 $0xF, s1  }
0x64: {  	s2 =	sshra.s32 s1, $0x1F;
	p0 =	slt.s32 s1, $0x1;
	p1 =	sne.s32 s20, $0x0  }
0x65: {  	s21 =	sshrl.u32 s2, $0x1C;
	s2 =	simm.s32 $0x1;
	p0 =	por !p0, !p1  }
0x66: {  	s0 =	sadd.s32 s21, s1;
	s21 =	spop (v2sf);
	p0 =	por !p0, !p0  }
0x67: {  	s0 =	sshra.s32 s0, $0x4;
	s22 =	sshra.s32 s21, $0x1F;
	s2 =	simm.s32 @!p0 $0x0  }
0x68: {  	p3 =	slt.s32 s21, $0x1;
	s4 =	sand.u32 $0xF, s21;
	s0 =	ssub.s32 s0, s2  }
0x69: {  	p4 =	sne.s32 s4, $0x0;
	s3 =	sshll.u32 s0, $0x4;
	s0 =	sshll.u32 s0, $0x7  }
0x6a: {  	s4 =	simm.s32 $0x1;
	s2 =	sshrl.u32 s22, $0x1C;
	s0 =	sand.u32 $0xFFFFFC00, s0  }
0x6b: {  	p0 =	por !p3, !p4;
	s23 =	sand.u32 $0x70, s3;
	s0 =	sadd.s32 s12, s0  }
0x6c: {  	s2 =	sadd.s32 s2, s21;
	p0 =	por !p0, !p0;
	s0 =	sor.u32 s23, s0  }
0x6d: {  	s2 =	sshra.s32 s2, $0x4;
	s4 =	simm.s32 @!p0 $0x0;
	s0 =	sor.u32 s6, s0  }
0x6e: {  	s17 =	simm.s32 $0x1;
	s2 =	ssub.s32 s2, s4;
	s0 =	sshrl.u32 s0, $0x3  }
0x6f: {  	s9 =	rddreg [dreg:$0x8];
	s25 =	sshll.u32 s2, $0x7;
	s0 =	sadd.s32 s11, s0  }
0x70: {  	v2 =	vld [tilespmem:s5+$0x10103];
	[tilespmem:s24], [sflag:$0x3] =	stream.linear.gather [hbm4b:s0+s7], $0x10, $0x38  }
0x71: {  	s4 =	simm.s32 $0x1;
	s20 =	sshll.u32 s2, $0x4;
	s0 =	sand.u32 $0xFFFFFC00, s25  }
0x72: {  	s6 =	sand.u32 $0x70, s20;
	s19 =	spop (v2sf);
	s0 =	sadd.s32 s12, s0  }
0x73: {  	s26 =	sshra.s32 s19, $0x1F;
	s5 =	sand.u32 $0xF, s19;
	s0 =	sor.u32 s6, s0  }
0x74: {  	p6 =	slt.s32 s19, $0x1;
	p5 =	sne.s32 s5, $0x0;
	s0 =	sor.u32 s9, s0  }
0x75: {  	s2 =	sshrl.u32 s26, $0x1C;
	p0 =	por !p6, !p5;
	s0 =	sshrl.u32 s0, $0x3  }
0x76: {  	s2 =	sadd.s32 s2, s19;
	p0 =	por !p0, !p0;
	s0 =	sadd.s32 s11, s0  }
0x77: {  	[tilespmem:s10], [sflag:$0x4] =	stream.linear.gather [hbm4b:s0+s7], $0x10, $0x38;
	[tilespmem:$0x10300] =	vst v63  }
0x78: {  	s14 =	rddreg [dreg:$0xb];
	s2 =	sshra.s32 s2, $0x4;
	s4 =	simm.s32 @!p0 $0x0  }
0x79: {  	[tilespmem:s15], [sflag:$0x2] =	stream.strided.gather [hbm4b:s14+s29], $0x400, s28, s29, $0x38;
	[tilespmem:$0x10300] =	vst v63  }
0x7a: {  	s13 =	ssub.s32 s2, s4;
	_ =	swait.ge [sflag:s17], $0x400  }
0x7b: {  	s16 =	sshll.u32 s13, $0x7;
	[sflag:s17] =	ssyncset.done $0x0  }
0x7c: {  	s23 =	sshll.u32 s13, $0x4;
	s18 =	sand.u32 $0xFFFFFC00, s16;
	[sflag:s17] =	ssyncadd.s32 $0xFFFFFC00  }
0x7d: {  	s22 =	sand.u32 $0x70, s23;
	s0 =	sadd.s32 s12, s18;
	_ =	swait.ge [sflag:s30], $0x10  }
0x7e: {  	s0 =	sor.u32 s22, s0;
	s24 =	rddreg [dreg:$0xc]  }
0x7f: {  	s0 =	sor.u32 s24, s0  }
0x80: {  	s25 =	ssub.s32 s1, s3;
	[sflag:s30] =	ssyncset.done $0x0;
	s0 =	sshrl.u32 s0, $0x3  }
0x81: {  	s26 =	simm.s32 $0x10240;
	[sflag:s30] =	ssyncadd.s32 $0xFFFFFFF0;
	s0 =	sadd.s32 s11, s0  }
0x82: {  	[tilespmem:s26], [sflag:$0x3] =	stream.linear.gather [hbm4b:s0+s7], $0x10, $0x38;
	[tilespmem:$0x10300] =	vst v63  }
0x83: {  	v5 =	vld [tilespmem:s25+$0x10200];
	_ =	sdelay $0x2  }
0x84: {  	s30 =	simm.s32 $0x0  }
0x85: {  	v7 =	vld [tilespmem:s30+$0x0]  }
0x86: {  	v8 =	vld [tilespmem:s30+$0x10];
	v5 =	vadd.f32 $0.0e+00, v5  }
0x87: {  	v10 =	vld [tilespmem:s30+$0x20]  }
0x88: {  	v11 =	vld [tilespmem:s30+$0x30];
	v5 =	vbroadcast v5, $0x0  }
0x89: {  	v9 =	vld [tilespmem:s30+$0x40]  }
0x8a: {  	vm0 =	vgt.f32 v7, v5;
	v7 =	vld [tilespmem:s30+$0x50]  }
0x8b: {  	v13 =	vsel vm0, $0x1, v0;
	vm0 =	vgt.f32 v8, v5;
	v8 =	vld [tilespmem:s30+$0x60]  }
0x8c: {  	s2 =	simm.s32 $0x400;
	s0 =	simm.s32 $0x80;
	v12 =	vsel vm0, $0x1, v0;
	vm0 =	vgt.f32 v10, v5;
	v10 =	vld [tilespmem:s30+$0x70];
	v13 =	vadd.s32 v13, v0  }
.LBB2_2:
0x8d: {  	p0 =	sne.s32 s2, $0xE00;
	v14 =	vld [tilespmem:s0+$0x0];
	v12 =	vadd.s32 v12, v13;
	v13 =	vsel vm0, $0x1, v0;
	vm0 =	vgt.f32 v11, v5  }
0x8e: {  	v15 =	vld [tilespmem:s0+$0x10];
	v11 =	vadd.s32 v13, v12;
	v12 =	vsel vm0, $0x1, v0;
	vm0 =	vgt.f32 v9, v5  }
0x8f: {  	v16 =	vld [tilespmem:s0+$0x20];
	v9 =	vadd.s32 v12, v11;
	v12 =	vsel vm0, $0x1, v0;
	vm0 =	vgt.f32 v7, v5  }
.Ltmp2:
0x90: {  	v11 =	vld [tilespmem:s0+$0x30];
	v7 =	vadd.s32 v12, v9;
	v12 =	vsel vm0, $0x1, v0;
	vm0 =	vgt.f32 v8, v5;
	(pc) =	sbr.rel @p0 .LBB2_2-.Ltmp2, $4  }
0x91: {  	v9 =	vld [tilespmem:s0+$0x40];
	v8 =	vadd.s32 v12, v7;
	v12 =	vsel vm0, $0x1, v0;
	vm0 =	vgt.f32 v10, v5  }
0x92: {  	vm1 =	vgt.f32 v14, v5;
	v7 =	vld [tilespmem:s0+$0x50];
	v10 =	vadd.s32 v12, v8;
	v12 =	vsel vm0, $0x1, v0  }
0x93: {  	v13 =	vsel vm1, $0x1, v0;
	vm0 =	vgt.f32 v15, v5;
	v8 =	vld [tilespmem:s0+$0x60];
	v10 =	vadd.s32 v12, v10  }
0x94: {  	v13 =	vadd.s32 v13, v10;
	v12 =	vsel vm0, $0x1, v0;
	vm0 =	vgt.f32 v16, v5;
	v10 =	vld [tilespmem:s0+$0x70];
	s0 =	sshra.s32 s2, $0x2;
	s2 =	sadd.s32 $0x200, s2  }
0x95: {  	v14 =	vld [tilespmem:s0+$0x0];
	v12 =	vadd.s32 v12, v13;
	v55 =	vsel vm0, $0x1, v0;
	vm4 =	vgt.f32 v11, v5  }
0x96: {  	v11 =	vld [tilespmem:s0+$0x10];
	v12 =	vadd.s32 v55, v12;
	v56 =	vsel vm4, $0x1, v0;
	vm5 =	vgt.f32 v9, v5  }
0x97: {  	v9 =	vld [tilespmem:s0+$0x20];
	v12 =	vadd.s32 v56, v12;
	v57 =	vsel vm5, $0x1, v0;
	vm6 =	vgt.f32 v7, v5  }
0x98: {  	v7 =	vld [tilespmem:s0+$0x30];
	v12 =	vadd.s32 v57, v12;
	v58 =	vsel vm6, $0x1, v0;
	vm7 =	vgt.f32 v8, v5  }
0x99: {  	v8 =	vld [tilespmem:s0+$0x40];
	v12 =	vadd.s32 v58, v12;
	v59 =	vsel vm7, $0x1, v0;
	vm8 =	vgt.f32 v10, v5  }
0x9a: {  	v10 =	vld [tilespmem:s0+$0x50];
	vm1 =	vgt.f32 v14, v5;
	v12 =	vadd.s32 v59, v12;
	v60 =	vsel vm8, $0x1, v0  }
0x9b: {  	vm9 =	vgt.f32 v11, v5;
	v11 =	vld [tilespmem:s0+$0x60];
	v14 =	vsel vm1, $0x1, v0;
	v12 =	vadd.s32 v60, v12  }
0x9c: {  	v61 =	vsel vm9, $0x1, v0;
	vm10 =	vgt.f32 v9, v5;
	v9 =	vld [tilespmem:s0+$0x70];
	v12 =	vadd.s32 v14, v12  }
0x9d: {  	v62 =	vsel vm10, $0x1, v0;
	vm11 =	vgt.f32 v7, v5;
	v12 =	vadd.s32 v61, v12  }
0x9e: {  	v63 =	vsel vm11, $0x1, v0;
	vm12 =	vgt.f32 v8, v5;
	v7 =	vadd.s32 v62, v12  }
0x9f: {  	v8 =	vsel vm12, $0x1, v0;
	vm13 =	vgt.f32 v10, v5;
	v7 =	vadd.s32 v63, v7  }
0xa0: {  	vm14 =	vgt.f32 v11, v5;
	v7 =	vadd.s32 v8, v7;
	v8 =	vsel vm13, $0x1, v0  }
0xa1: {  	vm15 =	vgt.f32 v9, v5;
	v7 =	vadd.s32 v8, v7;
	v8 =	vsel vm14, $0x1, v0  }
0xa2: {  	v7 =	vadd.s32 v8, v7;
	v8 =	vsel vm15, $0x1, v0  }
0xa3: {  	(v2sf) =	vpush v2, $0x0;
	v7 =	vadd.s32 v8, v7  }
0xa4: {  	(v2sf) =	vpush v7, $0x0  }
0xa5: {  	(v2sf) =	vpush v7, $0x1  }
0xa6: {  	(v2sf) =	vpush v7, $0x2  }
0xa7: {  	(v2sf) =	vpush v7, $0x3  }
0xa8: {  	(v2sf) =	vpush v7, $0x4  }
0xa9: {  	(v2sf) =	vpush v7, $0x5  }
0xaa: {  	(v2sf) =	vpush v7, $0x6  }
0xab: {  	(v2sf) =	vpush v7, $0x7  }
0xac: {  	(v2sf) =	vpush v7, $0x8  }
0xad: {  	(v2sf) =	vpush v7, $0x9  }
0xae: {  	(v2sf) =	vpush v7, $0xA  }
0xaf: {  	(v2sf) =	vpush v7, $0xB  }
0xb0: {  	(v2sf) =	vpush v7, $0xC  }
0xb1: {  	(v2sf) =	vpush v7, $0xD  }
0xb2: {  	s18 =	spop (v2sf);
	(v2sf) =	vpush v7, $0xE  }
0xb3: {  	s5 =	spop (v2sf);
	(v2sf) =	vpush v7, $0xF  }
0xb4: {  	s2 =	spop (v2sf)  }
0xb5: {  	s0 =	sadd.s32 s2, s5;
	s6 =	spop (v2sf)  }
0xb6: {  	s0 =	sadd.s32 s6, s0;
	s7 =	spop (v2sf)  }
0xb7: {  	s0 =	sadd.s32 s7, s0;
	s9 =	spop (v2sf)  }
0xb8: {  	s0 =	sadd.s32 s9, s0;
	s10 =	spop (v2sf)  }
0xb9: {  	s0 =	sadd.s32 s10, s0;
	s13 =	spop (v2sf)  }
0xba: {  	s0 =	sadd.s32 s13, s0;
	s14 =	spop (v2sf)  }
0xbb: {  	s0 =	sadd.s32 s14, s0;
	s15 =	spop (v2sf)  }
0xbc: {  	s0 =	sadd.s32 s15, s0;
	s16 =	spop (v2sf)  }
0xbd: {  	s0 =	sadd.s32 s16, s0;
	s17 =	spop (v2sf)  }
0xbe: {  	s0 =	sadd.s32 s17, s0;
	s22 =	spop (v2sf)  }
0xbf: {  	s0 =	sadd.s32 s22, s0;
	s24 =	spop (v2sf)  }
0xc0: {  	s0 =	sadd.s32 s24, s0;
	s25 =	spop (v2sf)  }
0xc1: {  	s0 =	sadd.s32 s25, s0;
	s26 =	spop (v2sf)  }
0xc2: {  	s0 =	sadd.s32 s26, s0;
	s30 =	spop (v2sf)  }
0xc3: {  	s0 =	sadd.s32 s30, s0  }
0xc4: {  	p0 =	sgt.s32 s0, $0x4  }
.Ltmp3:
0xc5: {  	_ = 	snop;
	(pc) =	sbr.rel @p0 .LBB2_7-.Ltmp3, $2  }
0xc6: {  	_ =	sdelay $0x2  }
0xc7: {  	v8 =	vimm.s32 $0x0;
	v7 =	vimm.s32 $0x0  }
0xc8: {  	s2 =	rddreg [dreg:$0xd]  }
0xc9: {  	[tilespmem:s28], [sflag:$0x5] =	stream.strided.gather [hbm4b:s2+s29], $0x2000, s28, s29, $0x38;
	[tilespmem:$0x10300] =	vst v63  }
0xca: {  	_ =	swait.ge [sflag:s31], $0x2000  }
0xcb: {  	[sflag:s31] =	ssyncset.done $0x0  }
0xcc: {  	s4 =	simm.s32 $0x0;
	[sflag:s31] =	ssyncadd.s32 $0xFFFFE000  }
0xcd: {  	v8 =	vld [tilespmem:s4+$0x400]  }
0xce: {  	v10 =	vld [tilespmem:s4+$0x410]  }
0xcf: {  	v12 =	vld [tilespmem:s4+$0x420]  }
0xd0: {  	v11 =	vld [tilespmem:s4+$0x430]  }
0xd1: {  	v9 =	vld [tilespmem:s4+$0x440]  }
0xd2: {  	vm0 =	vgt.f32 v8, v5;
	v8 =	vld [tilespmem:s4+$0x450]  }
0xd3: {  	v13 =	vimm.s32 $0x0;
	v14 =	vsel vm0, $0x1, v0;
	vm0 =	vgt.f32 v10, v5;
	v10 =	vld [tilespmem:s4+$0x460]  }
0xd4: {  	s3 =	simm.s32 $0x400;
	s2 =	simm.s32 $0x80;
	v13 =	vadd.s32 v14, v13;
	v14 =	vsel vm0, $0x1, v0;
	vm0 =	vgt.f32 v12, v5;
	v12 =	vld [tilespmem:s4+$0x470]  }
.LBB2_5:
0xd5: {  	p0 =	sne.s32 s3, $0x7E00;
	v15 =	vld [tilespmem:s2+$0x400];
	v13 =	vadd.s32 v14, v13;
	v14 =	vsel vm0, $0x1, v0;
	vm0 =	vgt.f32 v11, v5  }
0xd6: {  	v16 =	vld [tilespmem:s2+$0x410];
	v11 =	vadd.s32 v14, v13;
	v13 =	vsel vm0, $0x1, v0;
	vm0 =	vgt.f32 v9, v5  }
0xd7: {  	v17 =	vld [tilespmem:s2+$0x420];
	v9 =	vadd.s32 v13, v11;
	v13 =	vsel vm0, $0x1, v0;
	vm0 =	vgt.f32 v8, v5  }
.Ltmp4:
0xd8: {  	v11 =	vld [tilespmem:s2+$0x430];
	v8 =	vadd.s32 v13, v9;
	v13 =	vsel vm0, $0x1, v0;
	vm0 =	vgt.f32 v10, v5;
	(pc) =	sbr.rel @p0 .LBB2_5-.Ltmp4, $4  }
0xd9: {  	v9 =	vld [tilespmem:s2+$0x440];
	v10 =	vadd.s32 v13, v8;
	v13 =	vsel vm0, $0x1, v0;
	vm0 =	vgt.f32 v12, v5  }
0xda: {  	vm1 =	vgt.f32 v15, v5;
	v8 =	vld [tilespmem:s2+$0x450];
	v12 =	vadd.s32 v13, v10;
	v13 =	vsel vm0, $0x1, v0  }
0xdb: {  	v14 =	vsel vm1, $0x1, v0;
	vm0 =	vgt.f32 v16, v5;
	v10 =	vld [tilespmem:s2+$0x460];
	v12 =	vadd.s32 v13, v12  }
0xdc: {  	v13 =	vadd.s32 v14, v12;
	v14 =	vsel vm0, $0x1, v0;
	vm0 =	vgt.f32 v17, v5;
	v12 =	vld [tilespmem:s2+$0x470];
	s2 =	sshra.s32 s3, $0x2;
	s3 =	sadd.s32 $0x200, s3  }
0xdd: {  	v15 =	vld [tilespmem:s2+$0x400];
	v13 =	vadd.s32 v14, v13;
	v54 =	vsel vm0, $0x1, v0;
	vm4 =	vgt.f32 v11, v5  }
0xde: {  	v11 =	vld [tilespmem:s2+$0x410];
	v13 =	vadd.s32 v54, v13;
	v55 =	vsel vm4, $0x1, v0;
	vm5 =	vgt.f32 v9, v5  }
0xdf: {  	v9 =	vld [tilespmem:s2+$0x420];
	v13 =	vadd.s32 v55, v13;
	v56 =	vsel vm5, $0x1, v0;
	vm6 =	vgt.f32 v8, v5  }
0xe0: {  	v8 =	vld [tilespmem:s2+$0x430];
	v13 =	vadd.s32 v56, v13;
	v57 =	vsel vm6, $0x1, v0;
	vm7 =	vgt.f32 v10, v5  }
0xe1: {  	v10 =	vld [tilespmem:s2+$0x440];
	v13 =	vadd.s32 v57, v13;
	v58 =	vsel vm7, $0x1, v0;
	vm8 =	vgt.f32 v12, v5  }
0xe2: {  	v59 =	vld [tilespmem:s2+$0x450];
	vm1 =	vgt.f32 v15, v5;
	v13 =	vadd.s32 v58, v13;
	v60 =	vsel vm8, $0x1, v0  }
0xe3: {  	vm9 =	vgt.f32 v11, v5;
	v11 =	vld [tilespmem:s2+$0x460];
	v15 =	vsel vm1, $0x1, v0;
	v13 =	vadd.s32 v60, v13  }
0xe4: {  	v61 =	vsel vm9, $0x1, v0;
	vm10 =	vgt.f32 v9, v5;
	v9 =	vld [tilespmem:s2+$0x470];
	v13 =	vadd.s32 v15, v13  }
0xe5: {  	v62 =	vsel vm10, $0x1, v0;
	vm11 =	vgt.f32 v8, v5;
	v13 =	vadd.s32 v61, v13  }
0xe6: {  	v63 =	vsel vm11, $0x1, v0;
	vm12 =	vgt.f32 v10, v5;
	v8 =	vadd.s32 v62, v13  }
0xe7: {  	vm13 =	vgt.f32 v59, v5;
	v10 =	vsel vm12, $0x1, v0;
	v8 =	vadd.s32 v63, v8  }
0xe8: {  	vm14 =	vgt.f32 v11, v5;
	v8 =	vadd.s32 v10, v8;
	v10 =	vsel vm13, $0x1, v0  }
0xe9: {  	vm15 =	vgt.f32 v9, v5;
	v8 =	vadd.s32 v10, v8;
	v10 =	vsel vm14, $0x1, v0  }
0xea: {  	v9 =	vsel vm15, $0x1, v0;
	v8 =	vadd.s32 v10, v8  }
0xeb: {  	v8 =	vadd.s32 v9, v8  }
.LBB2_7:
0xec: {  	(v2sf) =	vpush v8, $0x0  }
0xed: {  	(v2sf) =	vpush v8, $0x1;
	_ =	sdelay $0x1  }
0xee: {  	(v2sf) =	vpush v8, $0x2  }
0xef: {  	(v2sf) =	vpush v8, $0x3  }
0xf0: {  	(v2sf) =	vpush v8, $0x4  }
0xf1: {  	(v2sf) =	vpush v8, $0x5  }
0xf2: {  	(v2sf) =	vpush v8, $0x6  }
0xf3: {  	(v2sf) =	vpush v8, $0x7  }
0xf4: {  	(v2sf) =	vpush v8, $0x8  }
0xf5: {  	(v2sf) =	vpush v8, $0x9  }
0xf6: {  	(v2sf) =	vpush v8, $0xA  }
0xf7: {  	(v2sf) =	vpush v8, $0xB  }
0xf8: {  	(v2sf) =	vpush v8, $0xC  }
0xf9: {  	(v2sf) =	vpush v8, $0xD  }
0xfa: {  	s2 =	spop (v2sf);
	(v2sf) =	vpush v8, $0xE  }
0xfb: {  	s3 =	spop (v2sf);
	(v2sf) =	vpush v8, $0xF  }
0xfc: {  	s0 =	sadd.s32 s0, s3  }
0xfd: {  	s6 =	spop (v2sf);
	s0 =	sadd.s32 s2, s0  }
0xfe: {  	s7 =	spop (v2sf);
	s0 =	sadd.s32 s6, s0  }
0xff: {  	s9 =	spop (v2sf);
	s0 =	sadd.s32 s7, s0  }
0x100: {  	s10 =	spop (v2sf);
	s0 =	sadd.s32 s9, s0  }
0x101: {  	s13 =	spop (v2sf);
	s0 =	sadd.s32 s10, s0  }
0x102: {  	s14 =	spop (v2sf);
	s0 =	sadd.s32 s13, s0  }
0x103: {  	s15 =	spop (v2sf);
	s0 =	sadd.s32 s14, s0  }
0x104: {  	s16 =	spop (v2sf);
	s0 =	sadd.s32 s15, s0  }
0x105: {  	s17 =	spop (v2sf);
	s0 =	sadd.s32 s16, s0  }
0x106: {  	s22 =	spop (v2sf);
	s0 =	sadd.s32 s17, s0  }
0x107: {  	s24 =	spop (v2sf);
	s0 =	sadd.s32 s22, s0  }
0x108: {  	s25 =	spop (v2sf);
	s0 =	sadd.s32 s24, s0  }
0x109: {  	s26 =	spop (v2sf);
	s0 =	sadd.s32 s25, s0  }
0x10a: {  	s30 =	spop (v2sf);
	s0 =	sadd.s32 s26, s0  }
0x10b: {  	s0 =	sadd.s32 s30, s0  }
0x10c: {  	p0 =	sgt.s32 s0, $0x4  }
.Ltmp5:
0x10d: {  	_ = 	snop;
	(pc) =	sbr.rel @p0 .LBB2_11-.Ltmp5, $1  }
0x10e: {  	_ =	sdelay $0x3  }
0x10f: {  	s2 =	rddreg [dreg:$0xe];
	s3 =	simm.s32 $0x2400  }
0x110: {  	[tilespmem:s3], [sflag:$0x5] =	stream.strided.gather [hbm4b:s2+s29], $0x5C00, s28, s29, $0x38;
	[tilespmem:$0x10300] =	vst v63  }
0x111: {  	_ =	swait.ge [sflag:s31], $0x5C00  }
0x112: {  	[sflag:s31] =	ssyncset.done $0x0  }
0x113: {  	s4 =	simm.s32 $0x0;
	[sflag:s31] =	ssyncadd.s32 $0xFFFFA400  }
0x114: {  	v7 =	vld [tilespmem:s4+$0x2400]  }
0x115: {  	v9 =	vld [tilespmem:s4+$0x2410]  }
0x116: {  	v11 =	vld [tilespmem:s4+$0x2420]  }
0x117: {  	v10 =	vld [tilespmem:s4+$0x2430]  }
0x118: {  	v8 =	vld [tilespmem:s4+$0x2440]  }
0x119: {  	vm0 =	vgt.f32 v7, v5;
	v7 =	vld [tilespmem:s4+$0x2450]  }
0x11a: {  	v12 =	vimm.s32 $0x0;
	v13 =	vsel vm0, $0x1, v0;
	vm0 =	vgt.f32 v9, v5;
	v9 =	vld [tilespmem:s4+$0x2460]  }
0x11b: {  	s2 =	simm.s32 $0x80;
	s3 =	simm.s32 $0x400;
	v12 =	vadd.s32 v13, v12;
	v13 =	vsel vm0, $0x1, v0;
	vm0 =	vgt.f32 v11, v5;
	v11 =	vld [tilespmem:s4+$0x2470]  }
.LBB2_9:
0x11c: {  	p0 =	sne.s32 s3, $0x16E00;
	v14 =	vld [tilespmem:s2+$0x2400];
	v12 =	vadd.s32 v13, v12;
	v13 =	vsel vm0, $0x1, v0;
	vm0 =	vgt.f32 v10, v5  }
0x11d: {  	v15 =	vld [tilespmem:s2+$0x2410];
	v10 =	vadd.s32 v13, v12;
	v12 =	vsel vm0, $0x1, v0;
	vm0 =	vgt.f32 v8, v5  }
0x11e: {  	v16 =	vld [tilespmem:s2+$0x2420];
	v8 =	vadd.s32 v12, v10;
	v12 =	vsel vm0, $0x1, v0;
	vm0 =	vgt.f32 v7, v5  }
.Ltmp6:
0x11f: {  	v10 =	vld [tilespmem:s2+$0x2430];
	v7 =	vadd.s32 v12, v8;
	v12 =	vsel vm0, $0x1, v0;
	vm0 =	vgt.f32 v9, v5;
	(pc) =	sbr.rel @p0 .LBB2_9-.Ltmp6, $4  }
0x120: {  	v8 =	vld [tilespmem:s2+$0x2440];
	v9 =	vadd.s32 v12, v7;
	v12 =	vsel vm0, $0x1, v0;
	vm0 =	vgt.f32 v11, v5  }
0x121: {  	vm1 =	vgt.f32 v14, v5;
	v7 =	vld [tilespmem:s2+$0x2450];
	v11 =	vadd.s32 v12, v9;
	v12 =	vsel vm0, $0x1, v0  }
0x122: {  	v13 =	vsel vm1, $0x1, v0;
	vm0 =	vgt.f32 v15, v5;
	v9 =	vld [tilespmem:s2+$0x2460];
	v11 =	vadd.s32 v12, v11  }
0x123: {  	v12 =	vadd.s32 v13, v11;
	v13 =	vsel vm0, $0x1, v0;
	vm0 =	vgt.f32 v16, v5;
	v11 =	vld [tilespmem:s2+$0x2470];
	s2 =	sshra.s32 s3, $0x2;
	s3 =	sadd.s32 $0x200, s3  }
0x124: {  	v14 =	vld [tilespmem:s2+$0x2400];
	v12 =	vadd.s32 v13, v12;
	v49 =	vsel vm0, $0x1, v0;
	vm4 =	vgt.f32 v10, v5  }
0x125: {  	v50 =	vld [tilespmem:s2+$0x2410];
	v12 =	vadd.s32 v49, v12;
	v51 =	vsel vm4, $0x1, v0;
	vm5 =	vgt.f32 v8, v5  }
0x126: {  	v8 =	vld [tilespmem:s2+$0x2420];
	v12 =	vadd.s32 v51, v12;
	v52 =	vsel vm5, $0x1, v0;
	vm6 =	vgt.f32 v7, v5  }
0x127: {  	v7 =	vld [tilespmem:s2+$0x2430];
	v12 =	vadd.s32 v52, v12;
	v53 =	vsel vm6, $0x1, v0;
	vm7 =	vgt.f32 v9, v5  }
0x128: {  	v54 =	vld [tilespmem:s2+$0x2440];
	v12 =	vadd.s32 v53, v12;
	v55 =	vsel vm7, $0x1, v0;
	vm8 =	vgt.f32 v11, v5  }
0x129: {  	v56 =	vld [tilespmem:s2+$0x2450];
	vm1 =	vgt.f32 v14, v5;
	v12 =	vadd.s32 v55, v12;
	v57 =	vsel vm8, $0x1, v0  }
0x12a: {  	v58 =	vld [tilespmem:s2+$0x2460];
	vm9 =	vgt.f32 v50, v5;
	v14 =	vsel vm1, $0x1, v0;
	v12 =	vadd.s32 v57, v12  }
0x12b: {  	v59 =	vsel vm9, $0x1, v0;
	vm10 =	vgt.f32 v8, v5;
	v8 =	vld [tilespmem:s2+$0x2470];
	v12 =	vadd.s32 v14, v12  }
0x12c: {  	v60 =	vsel vm10, $0x1, v0;
	vm11 =	vgt.f32 v7, v5;
	v12 =	vadd.s32 v59, v12  }
0x12d: {  	vm12 =	vgt.f32 v54, v5;
	v61 =	vsel vm11, $0x1, v0;
	v7 =	vadd.s32 v60, v12  }
0x12e: {  	vm13 =	vgt.f32 v56, v5;
	v9 =	vsel vm12, $0x1, v0;
	v7 =	vadd.s32 v61, v7  }
0x12f: {  	vm14 =	vgt.f32 v58, v5;
	v62 =	vsel vm13, $0x1, v0;
	v7 =	vadd.s32 v9, v7  }
0x130: {  	v63 =	vsel vm14, $0x1, v0;
	vm15 =	vgt.f32 v8, v5;
	v7 =	vadd.s32 v62, v7  }
0x131: {  	v8 =	vsel vm15, $0x1, v0;
	v7 =	vadd.s32 v63, v7  }
0x132: {  	v7 =	vadd.s32 v8, v7  }
.LBB2_11:
0x133: {  	(v2sf) =	vpush v7, $0x0  }
0x134: {  	(v2sf) =	vpush v7, $0x1;
	_ =	sdelay $0x1  }
0x135: {  	(v2sf) =	vpush v7, $0x2  }
0x136: {  	(v2sf) =	vpush v7, $0x3  }
0x137: {  	(v2sf) =	vpush v7, $0x4  }
0x138: {  	(v2sf) =	vpush v7, $0x5  }
0x139: {  	(v2sf) =	vpush v7, $0x6  }
0x13a: {  	(v2sf) =	vpush v7, $0x7  }
0x13b: {  	(v2sf) =	vpush v7, $0x8  }
0x13c: {  	(v2sf) =	vpush v7, $0x9  }
0x13d: {  	(v2sf) =	vpush v7, $0xA  }
0x13e: {  	(v2sf) =	vpush v7, $0xB  }
0x13f: {  	(v2sf) =	vpush v7, $0xC  }
0x140: {  	(v2sf) =	vpush v7, $0xD  }
0x141: {  	(v2sf) =	vpush v7, $0xE;
	s2 =	spop (v2sf)  }
0x142: {  	(v2sf) =	vpush v7, $0xF;
	s3 =	spop (v2sf)  }
0x143: {  	s0 =	sadd.s32 s0, s3  }
0x144: {  	s4 =	spop (v2sf);
	s0 =	sadd.s32 s2, s0  }
0x145: {  	s30 =	spop (v2sf);
	s0 =	sadd.s32 s4, s0  }
0x146: {  	s5 =	spop (v2sf);
	s0 =	sadd.s32 s30, s0  }
0x147: {  	s6 =	spop (v2sf);
	s0 =	sadd.s32 s5, s0  }
0x148: {  	s1 =	sadd.s32 $0x7F, s1;
	s7 =	spop (v2sf);
	s0 =	sadd.s32 s6, s0  }
0x149: {  	s25 =	sand.u32 $0x7F, s1;
	s9 =	spop (v2sf);
	s0 =	sadd.s32 s7, s0  }
0x14a: {  	p0 =	slt.s32 s1, $0x1;
	s10 =	spop (v2sf);
	s0 =	sadd.s32 s9, s0  }
0x14b: {  	p1 =	sne.s32 s25, $0x0;
	s13 =	spop (v2sf);
	s0 =	sadd.s32 s10, s0  }
0x14c: {  	p0 =	por !p0, !p1;
	s14 =	spop (v2sf);
	s0 =	sadd.s32 s13, s0  }
0x14d: {  	p0 =	por !p0, !p0;
	s15 =	spop (v2sf);
	s0 =	sadd.s32 s14, s0  }
0x14e: {  	s2 =	simm.s32 $0x1;
	s16 =	spop (v2sf);
	s0 =	sadd.s32 s15, s0  }
0x14f: {  	s5 =	sshra.s32 s1, $0x1F;
	s17 =	spop (v2sf);
	s0 =	sadd.s32 s16, s0  }
0x150: {  	s26 =	sshrl.u32 s5, $0x19;
	s22 =	spop (v2sf);
	s0 =	sadd.s32 s17, s0  }
0x151: {  	s1 =	sadd.s32 s26, s1;
	s24 =	spop (v2sf);
	s0 =	sadd.s32 s22, s0  }
0x152: {  	s2 =	simm.s32 @!p0 $0x0;
	s30 =	sshra.s32 s1, $0x7;
	s22 =	sadd.s32 s24, s0  }
0x153: {  	s1 =	ssub.s32 s30, s2;
	p0 =	sgt.s32 s22, $0x4  }
0x154: {  	p1 =	slt.s32 @!p0 s1, $0x1  }
0x155: {  	p1 =	por p0, p1  }
.Ltmp7:
0x156: {  	_ = 	snop;
	(pc) =	sbr.rel @p1 .LBB2_59-.Ltmp7, $2  }
0x157: {  	_ =	sdelay $0x2  }
0x158: {  	[dreg:$0x1a] =	wrdreg s8;
	v7 =	vimm.s32 $0x0  }
0x159: {  	s2 =	simm.s32 $0x40  }
0x15a: {  	v8 =	vld [tilespmem:s2+$0x30]  }
0x15b: {  	v9 =	vld [tilespmem:s2+$0x20]  }
0x15c: {  	v10 =	vld [tilespmem:s2+$0x10]  }
0x15d: {  	v6 =	vbroadcast v6, $0x0;
	s0 =	simm.s32 $0x0;
	s3 =	simm.s32 $0x60;
	s4 =	simm.s32 $0x70;
	v11 =	vld [tilespmem:s2+$0x0]  }
0x15e: {  	s5 =	simm.s32 $0x30;
	s6 =	simm.s32 $0x40;
	s8 =	simm.s32 $0x50;
	v12 =	vor.u32 s0, v1;
	v13 =	vld [tilespmem:s2+$0xFFFFFFF0];
	v14 =	vor.u32 s3, v1;
	v15 =	vor.u32 s4, v1  }
0x15f: {  	s26 =	simm.s32 $0x10;
	s30 =	simm.s32 $0x20;
	v16 =	vld [tilespmem:s2+$0xFFFFFFC0];
	v17 =	vor.u32 s5, v1;
	v18 =	vor.u32 s6, v1;
	v19 =	vor.u32 s8, v1  }
0x160: {  	v63 =	vld [tilespmem:s2+$0xFFFFFFD0];
	v20 =	vor.u32 s26, v1;
	v21 =	vor.u32 s30, v1;
	vm6 =	vlt.s32 v12, v6  }
0x161: {  	v22 =	vld [tilespmem:s2+$0xFFFFFFE0];
	vm2 =	vlt.s32 v19, v6;
	vm1 =	vlt.s32 v14, v6;
	vm0 =	vlt.s32 v15, v6  }
0x162: {  	vm7 =	vlt.s32 v21, v6;
	vm8 =	vlt.s32 v17, v6;
	vm9 =	vlt.s32 v18, v6  }
0x163: {  	vm10 =	vlt.s32 v20, v6;
	vm4 =	veq.f32 v9, v5;
	vm3 =	veq.f32 v8, v5  }
0x164: {  	p0 =	sgt.s32 s1, $0x1;
	vm11 =	veq.f32 v16, v5;
	vm12 =	veq.f32 v11, v5;
	vm5 =	veq.f32 v10, v5  }
.Ltmp8:
0x165: {  	vm13 =	veq.f32 v13, v5;
	vm6 =	vmand vm6, vm11;
	vm11 =	veq.f32 v63, v5;
	(pc) =	sbr.rel @!p0 .LBB2_14-.Ltmp8, $4  }
0x166: {  	vm15 =	veq.f32 v22, v5;
	v8 =	vsel vm6, $0x1, v0;
	vm6 =	vmand vm10, vm11  }
0x167: {  	v7 =	vadd.s32 v8, v7;
	v8 =	vsel vm6, $0x1, v0;
	vm6 =	vmand vm7, vm15  }
0x168: {  	v7 =	vadd.s32 v8, v7;
	v8 =	vsel vm6, $0x1, v0;
	vm6 =	vmand vm8, vm13  }
0x169: {  	s3 =	simm.s32 $0x1;
	s2 =	simm.s32 $0xC0;
	v7 =	vadd.s32 v8, v7;
	v8 =	vsel vm6, $0x1, v0;
	vm6 =	vmand vm9, vm12  }
.LBB2_13:
0x16a: {  	v9 =	vld [tilespmem:s2+$0x30];
	v7 =	vadd.s32 v8, v7;
	v8 =	vsel vm6, $0x1, v0;
	vm2 =	vmand vm2, vm5  }
0x16b: {  	vm1 =	vmand vm1, vm4;
	v10 =	vld [tilespmem:s2+$0x20];
	v7 =	vadd.s32 v8, v7;
	v8 =	vsel vm2, $0x1, v0  }
0x16c: {  	vm0 =	vmand vm0, vm3;
	s0 =	sadd.s32 $0x80, s0;
	v11 =	vld [tilespmem:s2+$0x10];
	v7 =	vadd.s32 v8, v7;
	v8 =	vsel vm1, $0x1, v0  }
0x16d: {  	v12 =	vor.u32 s0, v1;
	s4 =	sadd.s32 $0x60, s0;
	s5 =	sadd.s32 $0x70, s0;
	v13 =	vld [tilespmem:s2+$0x0];
	v7 =	vadd.s32 v8, v7;
	v8 =	vsel vm0, $0x1, v0  }
0x16e: {  	s6 =	sadd.s32 $0x30, s0;
	s8 =	sadd.s32 $0x40, s0;
	s9 =	sadd.s32 $0x50, s0;
	v15 =	vor.u32 s4, v1;
	v16 =	vor.u32 s5, v1;
	v14 =	vld [tilespmem:s2+$0xFFFFFFF0];
	v7 =	vadd.s32 v8, v7  }
0x16f: {  	s3 =	sadd.s32 $0x1, s3;
	s4 =	sadd.s32 $0x10, s0;
	s5 =	sadd.s32 $0x20, s0;
	v17 =	vor.u32 s6, v1;
	v18 =	vor.u32 s8, v1;
	v19 =	vor.u32 s9, v1;
	v8 =	vld [tilespmem:s2+$0xFFFFFFC0]  }
0x170: {  	p0 =	sgt.s32 s1, s3;
	vm6 =	vlt.s32 v12, v6;
	v20 =	vor.u32 s4, v1;
	v21 =	vor.u32 s5, v1;
	v12 =	vld [tilespmem:s2+$0xFFFFFFD0]  }
0x171: {  	vm2 =	vlt.s32 v19, v6;
	vm1 =	vlt.s32 v15, v6;
	vm0 =	vlt.s32 v16, v6;
	v22 =	vld [tilespmem:s2+$0xFFFFFFE0]  }
0x172: {  	vm8 =	vlt.s32 v17, v6;
	vm9 =	vlt.s32 v18, v6;
	vm7 =	vlt.s32 v21, v6  }
0x173: {  	vm10 =	vlt.s32 v20, v6;
	vm3 =	veq.f32 v9, v5;
	vm4 =	veq.f32 v10, v5  }
0x174: {  	vm5 =	veq.f32 v11, v5;
	vm12 =	veq.f32 v13, v5;
	vm11 =	veq.f32 v8, v5  }
.Ltmp9:
0x175: {  	vm13 =	veq.f32 v14, v5;
	vm6 =	vmand vm6, vm11;
	vm11 =	veq.f32 v12, v5;
	(pc) =	sbr.rel @p0 .LBB2_13-.Ltmp9, $4  }
0x176: {  	v8 =	vsel vm6, $0x1, v0;
	vm6 =	vmand vm10, vm11;
	vm10 =	veq.f32 v22, v5  }
0x177: {  	v7 =	vadd.s32 v8, v7;
	v8 =	vsel vm6, $0x1, v0;
	vm6 =	vmand vm7, vm10  }
0x178: {  	v7 =	vadd.s32 v8, v7;
	v8 =	vsel vm6, $0x1, v0;
	vm6 =	vmand vm8, vm13  }
0x179: {  	s2 =	sadd.s32 $0x80, s2;
	v7 =	vadd.s32 v8, v7;
	v8 =	vsel vm6, $0x1, v0;
	vm6 =	vmand vm9, vm12  }
.LBB2_14:
.Ltmp10:
0x17a: {  	v5 =	vadd.s32 v8, v7;
	v6 =	vsel vm6, $0x1, v0;
	vm2 =	vmand vm2, vm5;
	(pc) =	sbr.rel .LBB2_15-.Ltmp10, $4  }
0x17b: {  	vm1 =	vmand vm1, vm4;
	v5 =	vadd.s32 v6, v5;
	v6 =	vsel vm2, $0x1, v0  }
0x17c: {  	vm0 =	vmand vm0, vm3;
	v5 =	vadd.s32 v6, v5;
	v6 =	vsel vm1, $0x1, v0  }
0x17d: {  	v5 =	vadd.s32 v6, v5;
	v6 =	vsel vm0, $0x1, v0  }
0x17e: {  	v6 =	vadd.s32 v6, v5  }
.LBB2_59:
0x17f: {  	v6 =	vpsel p0, $0x0, v7  }
.LBB2_15:
0x180: {  	s0 =	sand.u32 $0xF, s18;
	s1 =	sshra.s32 s18, $0x1F;
	p0 =	slt.s32 s18, $0x1  }
0x181: {  	s15 =	simm.s32 $0x0;
	s2 =	rddreg [dreg:$0x10];
	p1 =	sne.s32 s0, $0x0  }
0x182: {  	[tilespmem:s15], [sflag:$0x1] =	stream.strided.gather [hbm4b:s2+s29], $0x400, s28, s29, $0x38;
	[tilespmem:$0x10300] =	vst v63  }
0x183: {  	s14 =	sshrl.u32 s1, $0x1C;
	p0 =	por !p0, !p1  }
0x184: {  	s1 =	simm.s32 $0x1;
	s0 =	sadd.s32 s14, s18;
	p0 =	por !p0, !p0  }
0x185: {  	s4 =	simm.s32 $0x2;
	s0 =	sshra.s32 s0, $0x4;
	s1 =	simm.s32 @!p0 $0x0  }
0x186: {  	_ =	swait.ge [sflag:s4], $0x400;
	s0 =	ssub.s32 s0, s1  }
0x187: {  	s17 =	simm.s32 $0x4;
	[sflag:s4] =	ssyncset.done $0x0;
	s16 =	sshll.u32 s0, $0x7  }
0x188: {  	[sflag:s4] =	ssyncadd.s32 $0xFFFFFC00;
	s0 =	sshll.u32 s0, $0x4;
	s2 =	sand.u32 $0xFFFFFC00, s16  }
0x189: {  	_ =	swait.ge [sflag:s17], $0x10;
	s3 =	sand.u32 $0x70, s0;
	s2 =	sadd.s32 s12, s2  }
0x18a: {  	s24 =	rddreg [dreg:$0xf];
	s2 =	sor.u32 s3, s2  }
0x18b: {  	s2 =	sor.u32 s24, s2  }
0x18c: {  	s25 =	ssub.s32 s21, s20;
	[sflag:s17] =	ssyncset.done $0x0;
	s2 =	sshrl.u32 s2, $0x3  }
0x18d: {  	s26 =	simm.s32 $0x10260;
	[sflag:s17] =	ssyncadd.s32 $0xFFFFFFF0;
	s2 =	sadd.s32 s11, s2  }
0x18e: {  	[tilespmem:s26], [sflag:$0x4] =	stream.linear.gather [hbm4b:s2+s15], $0x10, $0x38;
	[tilespmem:$0x10300] =	vst v63  }
0x18f: {  	v5 =	vld [tilespmem:s25+$0x10220];
	_ =	sdelay $0x2  }
0x190: {  	s30 =	simm.s32 $0x0  }
0x191: {  	v8 =	vld [tilespmem:s30+$0x8080]  }
0x192: {  	v9 =	vld [tilespmem:s30+$0x8090];
	v5 =	vadd.f32 $0.0e+00, v5  }
0x193: {  	v11 =	vld [tilespmem:s30+$0x80A0]  }
0x194: {  	v10 =	vld [tilespmem:s30+$0x80B0];
	v5 =	vbroadcast v5, $0x0  }
0x195: {  	v7 =	vld [tilespmem:s30+$0x80C0]  }
0x196: {  	vm0 =	vgt.f32 v8, v5;
	v8 =	vld [tilespmem:s30+$0x80D0]  }
0x197: {  	s23 =	ssub.s32 s19, s23;
	v12 =	vimm.s32 $0x0;
	s0 =	ssub.s32 s18, s0;
	v13 =	vsel vm0, $0x1, v0;
	vm0 =	vgt.f32 v9, v5;
	v9 =	vld [tilespmem:s30+$0x80E0]  }
0x198: {  	s1 =	simm.s32 $0x400;
	[dreg:$0x1b] =	wrdreg s0;
	s0 =	simm.s32 $0x80;
	v12 =	vadd.s32 v13, v12;
	v13 =	vsel vm0, $0x1, v0;
	vm0 =	vgt.f32 v11, v5;
	v11 =	vld [tilespmem:s30+$0x80F0]  }
.LBB2_16:
0x199: {  	p0 =	sne.s32 s1, $0xE00;
	v14 =	vld [tilespmem:s0+$0x8080];
	v12 =	vadd.s32 v13, v12;
	v13 =	vsel vm0, $0x1, v0;
	vm0 =	vgt.f32 v10, v5  }
0x19a: {  	v15 =	vld [tilespmem:s0+$0x8090];
	v10 =	vadd.s32 v13, v12;
	v12 =	vsel vm0, $0x1, v0;
	vm0 =	vgt.f32 v7, v5  }
0x19b: {  	v16 =	vld [tilespmem:s0+$0x80A0];
	v7 =	vadd.s32 v12, v10;
	v12 =	vsel vm0, $0x1, v0;
	vm0 =	vgt.f32 v8, v5  }
.Ltmp11:
0x19c: {  	v10 =	vld [tilespmem:s0+$0x80B0];
	v8 =	vadd.s32 v12, v7;
	v12 =	vsel vm0, $0x1, v0;
	vm0 =	vgt.f32 v9, v5;
	(pc) =	sbr.rel @p0 .LBB2_16-.Ltmp11, $4  }
0x19d: {  	v7 =	vld [tilespmem:s0+$0x80C0];
	v9 =	vadd.s32 v12, v8;
	v12 =	vsel vm0, $0x1, v0;
	vm0 =	vgt.f32 v11, v5  }
0x19e: {  	vm1 =	vgt.f32 v14, v5;
	v8 =	vld [tilespmem:s0+$0x80D0];
	v11 =	vadd.s32 v12, v9;
	v12 =	vsel vm0, $0x1, v0  }
0x19f: {  	v13 =	vsel vm1, $0x1, v0;
	vm0 =	vgt.f32 v15, v5;
	v9 =	vld [tilespmem:s0+$0x80E0];
	v11 =	vadd.s32 v12, v11  }
0x1a0: {  	v12 =	vadd.s32 v13, v11;
	v13 =	vsel vm0, $0x1, v0;
	vm0 =	vgt.f32 v16, v5;
	v11 =	vld [tilespmem:s0+$0x80F0];
	s0 =	sshra.s32 s1, $0x2;
	s1 =	sadd.s32 $0x200, s1  }
0x1a1: {  	v48 =	vld [tilespmem:s0+$0x8080]  }
0x1a2: {  	v12 =	vadd.s32 v13, v12;
	v47 =	vsel vm0, $0x1, v0;
	v52 =	vld [tilespmem:s0+$0x80A0]  }
0x1a3: {  	vm4 =	vgt.f32 v10, v5;
	(v2sf) =	vpush v6, $0x0;
	v54 =	vld [tilespmem:s0+$0x80B0];
	v12 =	vadd.s32 v47, v12  }
0x1a4: {  	v57 =	vld [tilespmem:s0+$0x80C0];
	v49 =	vsel vm4, $0x1, v0;
	vm5 =	vgt.f32 v7, v5;
	(v2sf) =	vpush v6, $0x1  }
0x1a5: {  	v59 =	vld [tilespmem:s0+$0x80E0];
	v7 =	vadd.s32 v49, v12;
	v50 =	vsel vm5, $0x1, v0;
	vm6 =	vgt.f32 v8, v5  }
0x1a6: {  	v61 =	vld [tilespmem:s0+$0x80F0];
	(v2sf) =	vpush v6, $0x2;
	v7 =	vadd.s32 v50, v7;
	v51 =	vsel vm6, $0x1, v0  }
0x1a7: {  	v8 =	vld [tilespmem:s0+$0x8090];
	vm7 =	vgt.f32 v9, v5;
	(v2sf) =	vpush v6, $0x3;
	v7 =	vadd.s32 v51, v7  }
0x1a8: {  	v53 =	vsel vm7, $0x1, v0;
	vm8 =	vgt.f32 v11, v5;
	(v2sf) =	vpush v6, $0x4  }
0x1a9: {  	vm1 =	vgt.f32 v48, v5;
	v7 =	vadd.s32 v53, v7;
	v55 =	vsel vm8, $0x1, v0  }
0x1aa: {  	(v2sf) =	vpush v6, $0x5;
	vm10 =	vgt.f32 v52, v5;
	vm11 =	vgt.f32 v54, v5  }
0x1ab: {  	vm12 =	vgt.f32 v57, v5;
	vm14 =	vgt.f32 v59, v5;
	vm15 =	vgt.f32 v61, v5  }
0x1ac: {  	v56 =	vsel vm1, $0x1, v0;
	(v2sf) =	vpush v6, $0x6;
	vm9 =	vgt.f32 v8, v5;
	v8 =	vld [tilespmem:s0+$0x80D0]  }
0x1ad: {  	v7 =	vadd.s32 v55, v7;
	v60 =	vsel vm10, $0x1, v0;
	(v2sf) =	vpush v6, $0x7  }
0x1ae: {  	v7 =	vadd.s32 v56, v7;
	v58 =	vsel vm9, $0x1, v0;
	(v2sf) =	vpush v6, $0x8  }
0x1af: {  	v62 =	vsel vm11, $0x1, v0;
	v7 =	vadd.s32 v58, v7;
	(v2sf) =	vpush v6, $0x9  }
0x1b0: {  	v63 =	vsel vm12, $0x1, v0;
	v7 =	vadd.s32 v60, v7;
	(v2sf) =	vpush v6, $0xA  }
0x1b1: {  	v7 =	vadd.s32 v62, v7;
	(v2sf) =	vpush v6, $0xB;
	vm13 =	vgt.f32 v8, v5  }
0x1b2: {  	v7 =	vadd.s32 v63, v7;
	(v2sf) =	vpush v6, $0xC;
	v8 =	vsel vm13, $0x1, v0  }
0x1b3: {  	(v2sf) =	vpush v6, $0xD;
	v7 =	vadd.s32 v8, v7;
	v8 =	vsel vm14, $0x1, v0  }
0x1b4: {  	(v2sf) =	vpush v6, $0xE;
	v7 =	vadd.s32 v8, v7;
	v8 =	vsel vm15, $0x1, v0  }
0x1b5: {  	s30 =	spop (v2sf);
	(v2sf) =	vpush v6, $0xF;
	v7 =	vadd.s32 v8, v7  }
0x1b6: {  	s8 =	spop (v2sf);
	(v2sf) =	vpush v7, $0x0  }
0x1b7: {  	s11 =	spop (v2sf);
	(v2sf) =	vpush v7, $0x1  }
0x1b8: {  	s12 =	spop (v2sf);
	(v2sf) =	vpush v7, $0x2  }
0x1b9: {  	s17 =	spop (v2sf);
	(v2sf) =	vpush v7, $0x3  }
0x1ba: {  	s24 =	spop (v2sf);
	(v2sf) =	vpush v7, $0x4  }
0x1bb: {  	s25 =	spop (v2sf);
	(v2sf) =	vpush v7, $0x5  }
0x1bc: {  	s26 =	spop (v2sf);
	(v2sf) =	vpush v7, $0x6  }
0x1bd: {  	s10 =	spop (v2sf);
	(v2sf) =	vpush v7, $0x7  }
0x1be: {  	s5 =	spop (v2sf);
	(v2sf) =	vpush v7, $0x8  }
0x1bf: {  	s1 =	spop (v2sf);
	(v2sf) =	vpush v7, $0x9  }
0x1c0: {  	s4 =	spop (v2sf);
	(v2sf) =	vpush v7, $0xA  }
0x1c1: {  	s13 =	spop (v2sf);
	(v2sf) =	vpush v7, $0xB  }
0x1c2: {  	s16 =	spop (v2sf);
	(v2sf) =	vpush v7, $0xC  }
0x1c3: {  	s6 =	spop (v2sf);
	(v2sf) =	vpush v7, $0xD  }
0x1c4: {  	s9 =	spop (v2sf);
	(v2sf) =	vpush v7, $0xE  }
0x1c5: {  	s3 =	spop (v2sf);
	(v2sf) =	vpush v7, $0xF  }
0x1c6: {  	s2 =	spop (v2sf)  }
0x1c7: {  	s0 =	sadd.s32 s2, s3;
	s7 =	spop (v2sf)  }
0x1c8: {  	s0 =	sadd.s32 s7, s0;
	s14 =	spop (v2sf)  }
0x1c9: {  	s0 =	sadd.s32 s14, s0;
	s15 =	spop (v2sf)  }
0x1ca: {  	s0 =	sadd.s32 s15, s0;
	s20 =	spop (v2sf)  }
0x1cb: {  	s0 =	sadd.s32 s20, s0;
	s3 =	spop (v2sf)  }
0x1cc: {  	s0 =	sadd.s32 s3, s0;
	s7 =	spop (v2sf)  }
0x1cd: {  	s0 =	sadd.s32 s7, s0;
	s14 =	spop (v2sf)  }
0x1ce: {  	s0 =	sadd.s32 s14, s0;
	s15 =	spop (v2sf)  }
0x1cf: {  	s0 =	sadd.s32 s15, s0;
	s20 =	spop (v2sf)  }
0x1d0: {  	s0 =	sadd.s32 s20, s0;
	s3 =	spop (v2sf)  }
0x1d1: {  	s0 =	sadd.s32 s3, s0;
	s7 =	spop (v2sf)  }
0x1d2: {  	s0 =	sadd.s32 s7, s0;
	s14 =	spop (v2sf)  }
0x1d3: {  	s0 =	sadd.s32 s14, s0;
	s15 =	spop (v2sf)  }
0x1d4: {  	s0 =	sadd.s32 s15, s0;
	s20 =	spop (v2sf)  }
0x1d5: {  	s0 =	sadd.s32 s20, s0  }
0x1d6: {  	p0 =	sgt.s32 s0, $0x4  }
.Ltmp12:
0x1d7: {  	_ = 	snop;
	(pc) =	sbr.rel @p0 .LBB2_21-.Ltmp12, $2  }
0x1d8: {  	_ =	sdelay $0x2  }
0x1d9: {  	v6 =	vimm.s32 $0x0;
	v7 =	vimm.s32 $0x0  }
0x1da: {  	s2 =	rddreg [dreg:$0x11];
	s3 =	simm.s32 $0x8480  }
0x1db: {  	[tilespmem:s3], [sflag:$0x5] =	stream.strided.gather [hbm4b:s2+s29], $0x2000, s28, s29, $0x38;
	[tilespmem:$0x10300] =	vst v63  }
0x1dc: {  	_ =	swait.ge [sflag:s31], $0x2000  }
0x1dd: {  	[sflag:s31] =	ssyncset.done $0x0  }
0x1de: {  	s14 =	simm.s32 $0x0;
	[sflag:s31] =	ssyncadd.s32 $0xFFFFE000  }
0x1df: {  	v7 =	vld [tilespmem:s14+$0x8480]  }
0x1e0: {  	v9 =	vld [tilespmem:s14+$0x8490]  }
0x1e1: {  	v11 =	vld [tilespmem:s14+$0x84A0]  }
0x1e2: {  	v10 =	vld [tilespmem:s14+$0x84B0]  }
0x1e3: {  	v8 =	vld [tilespmem:s14+$0x84C0]  }
0x1e4: {  	vm0 =	vgt.f32 v7, v5;
	v7 =	vld [tilespmem:s14+$0x84D0]  }
0x1e5: {  	v12 =	vimm.s32 $0x0;
	v13 =	vsel vm0, $0x1, v0;
	vm0 =	vgt.f32 v9, v5;
	v9 =	vld [tilespmem:s14+$0x84E0]  }
0x1e6: {  	s2 =	simm.s32 $0x80;
	s3 =	simm.s32 $0x400;
	v12 =	vadd.s32 v13, v12;
	v13 =	vsel vm0, $0x1, v0;
	vm0 =	vgt.f32 v11, v5;
	v11 =	vld [tilespmem:s14+$0x84F0]  }
.LBB2_19:
0x1e7: {  	p0 =	sne.s32 s3, $0x7E00;
	v14 =	vld [tilespmem:s2+$0x8480];
	v12 =	vadd.s32 v13, v12;
	v13 =	vsel vm0, $0x1, v0;
	vm0 =	vgt.f32 v10, v5  }
0x1e8: {  	v15 =	vld [tilespmem:s2+$0x8490];
	v10 =	vadd.s32 v13, v12;
	v12 =	vsel vm0, $0x1, v0;
	vm0 =	vgt.f32 v8, v5  }
0x1e9: {  	v16 =	vld [tilespmem:s2+$0x84A0];
	v8 =	vadd.s32 v12, v10;
	v12 =	vsel vm0, $0x1, v0;
	vm0 =	vgt.f32 v7, v5  }
.Ltmp13:
0x1ea: {  	v10 =	vld [tilespmem:s2+$0x84B0];
	v7 =	vadd.s32 v12, v8;
	v12 =	vsel vm0, $0x1, v0;
	vm0 =	vgt.f32 v9, v5;
	(pc) =	sbr.rel @p0 .LBB2_19-.Ltmp13, $4  }
0x1eb: {  	v8 =	vld [tilespmem:s2+$0x84C0];
	v9 =	vadd.s32 v12, v7;
	v12 =	vsel vm0, $0x1, v0;
	vm0 =	vgt.f32 v11, v5  }
0x1ec: {  	vm1 =	vgt.f32 v14, v5;
	v7 =	vld [tilespmem:s2+$0x84D0];
	v11 =	vadd.s32 v12, v9;
	v12 =	vsel vm0, $0x1, v0  }
0x1ed: {  	v13 =	vsel vm1, $0x1, v0;
	vm0 =	vgt.f32 v15, v5;
	v9 =	vld [tilespmem:s2+$0x84E0];
	v11 =	vadd.s32 v12, v11  }
0x1ee: {  	v12 =	vadd.s32 v13, v11;
	v13 =	vsel vm0, $0x1, v0;
	vm0 =	vgt.f32 v16, v5;
	v11 =	vld [tilespmem:s2+$0x84F0];
	s2 =	sshra.s32 s3, $0x2;
	s3 =	sadd.s32 $0x200, s3  }
0x1ef: {  	v14 =	vld [tilespmem:s2+$0x8480];
	v12 =	vadd.s32 v13, v12;
	v49 =	vsel vm0, $0x1, v0;
	vm4 =	vgt.f32 v10, v5  }
0x1f0: {  	v50 =	vld [tilespmem:s2+$0x8490];
	v12 =	vadd.s32 v49, v12;
	v51 =	vsel vm4, $0x1, v0;
	vm5 =	vgt.f32 v8, v5  }
0x1f1: {  	v8 =	vld [tilespmem:s2+$0x84A0];
	v12 =	vadd.s32 v51, v12;
	v52 =	vsel vm5, $0x1, v0;
	vm6 =	vgt.f32 v7, v5  }
0x1f2: {  	v7 =	vld [tilespmem:s2+$0x84B0];
	v12 =	vadd.s32 v52, v12;
	v53 =	vsel vm6, $0x1, v0;
	vm7 =	vgt.f32 v9, v5  }
0x1f3: {  	v54 =	vld [tilespmem:s2+$0x84C0];
	v12 =	vadd.s32 v53, v12;
	v55 =	vsel vm7, $0x1, v0;
	vm8 =	vgt.f32 v11, v5  }
0x1f4: {  	v56 =	vld [tilespmem:s2+$0x84D0];
	vm1 =	vgt.f32 v14, v5;
	v12 =	vadd.s32 v55, v12;
	v57 =	vsel vm8, $0x1, v0  }
0x1f5: {  	v58 =	vld [tilespmem:s2+$0x84E0];
	vm9 =	vgt.f32 v50, v5;
	v14 =	vsel vm1, $0x1, v0;
	v12 =	vadd.s32 v57, v12  }
0x1f6: {  	v59 =	vsel vm9, $0x1, v0;
	vm10 =	vgt.f32 v8, v5;
	v8 =	vld [tilespmem:s2+$0x84F0];
	v12 =	vadd.s32 v14, v12  }
0x1f7: {  	v60 =	vsel vm10, $0x1, v0;
	vm11 =	vgt.f32 v7, v5;
	v12 =	vadd.s32 v59, v12  }
0x1f8: {  	vm12 =	vgt.f32 v54, v5;
	v61 =	vsel vm11, $0x1, v0;
	v7 =	vadd.s32 v60, v12  }
0x1f9: {  	vm13 =	vgt.f32 v56, v5;
	v9 =	vsel vm12, $0x1, v0;
	v7 =	vadd.s32 v61, v7  }
0x1fa: {  	vm14 =	vgt.f32 v58, v5;
	v62 =	vsel vm13, $0x1, v0;
	v7 =	vadd.s32 v9, v7  }
0x1fb: {  	v63 =	vsel vm14, $0x1, v0;
	vm15 =	vgt.f32 v8, v5;
	v7 =	vadd.s32 v62, v7  }
0x1fc: {  	v8 =	vsel vm15, $0x1, v0;
	v7 =	vadd.s32 v63, v7  }
0x1fd: {  	v7 =	vadd.s32 v8, v7  }
.LBB2_21:
0x1fe: {  	(v2sf) =	vpush v7, $0x0  }
0x1ff: {  	(v2sf) =	vpush v7, $0x1;
	_ =	sdelay $0x1  }
0x200: {  	(v2sf) =	vpush v7, $0x2  }
0x201: {  	(v2sf) =	vpush v7, $0x3  }
0x202: {  	(v2sf) =	vpush v7, $0x4  }
0x203: {  	(v2sf) =	vpush v7, $0x5  }
0x204: {  	(v2sf) =	vpush v7, $0x6  }
0x205: {  	(v2sf) =	vpush v7, $0x7  }
0x206: {  	(v2sf) =	vpush v7, $0x8  }
0x207: {  	(v2sf) =	vpush v7, $0x9  }
0x208: {  	(v2sf) =	vpush v7, $0xA  }
0x209: {  	(v2sf) =	vpush v7, $0xB  }
0x20a: {  	(v2sf) =	vpush v7, $0xC  }
0x20b: {  	(v2sf) =	vpush v7, $0xD  }
0x20c: {  	s2 =	spop (v2sf);
	(v2sf) =	vpush v7, $0xE  }
0x20d: {  	s3 =	spop (v2sf);
	(v2sf) =	vpush v7, $0xF  }
0x20e: {  	s0 =	sadd.s32 s0, s3  }
0x20f: {  	s15 =	spop (v2sf);
	s0 =	sadd.s32 s2, s0  }
0x210: {  	s20 =	spop (v2sf);
	s0 =	sadd.s32 s15, s0  }
0x211: {  	s7 =	spop (v2sf);
	s0 =	sadd.s32 s20, s0  }
0x212: {  	s14 =	spop (v2sf);
	s0 =	sadd.s32 s7, s0  }
0x213: {  	s15 =	spop (v2sf);
	s0 =	sadd.s32 s14, s0  }
0x214: {  	s20 =	spop (v2sf);
	s0 =	sadd.s32 s15, s0  }
0x215: {  	s7 =	spop (v2sf);
	s0 =	sadd.s32 s20, s0  }
0x216: {  	s14 =	spop (v2sf);
	s0 =	sadd.s32 s7, s0  }
0x217: {  	s15 =	spop (v2sf);
	s0 =	sadd.s32 s14, s0  }
0x218: {  	s20 =	spop (v2sf);
	s0 =	sadd.s32 s15, s0  }
0x219: {  	s7 =	spop (v2sf);
	s0 =	sadd.s32 s20, s0  }
0x21a: {  	s14 =	spop (v2sf);
	s0 =	sadd.s32 s7, s0  }
0x21b: {  	s15 =	spop (v2sf);
	s0 =	sadd.s32 s14, s0  }
0x21c: {  	s20 =	spop (v2sf);
	s0 =	sadd.s32 s15, s0  }
0x21d: {  	s0 =	sadd.s32 s20, s0  }
0x21e: {  	p0 =	sgt.s32 s0, $0x4  }
.Ltmp14:
0x21f: {  	_ = 	snop;
	(pc) =	sbr.rel @p0 .LBB2_25-.Ltmp14, $1  }
0x220: {  	_ =	sdelay $0x3  }
0x221: {  	s2 =	rddreg [dreg:$0x12];
	s3 =	simm.s32 $0xA480  }
0x222: {  	[tilespmem:s3], [sflag:$0x5] =	stream.strided.gather [hbm4b:s2+s29], $0x5C00, s28, s29, $0x38;
	[tilespmem:$0x10300] =	vst v63  }
0x223: {  	_ =	swait.ge [sflag:s31], $0x5C00  }
0x224: {  	[sflag:s31] =	ssyncset.done $0x0  }
0x225: {  	s14 =	simm.s32 $0x0;
	[sflag:s31] =	ssyncadd.s32 $0xFFFFA400  }
0x226: {  	v6 =	vld [tilespmem:s14+$0xA480]  }
0x227: {  	v8 =	vld [tilespmem:s14+$0xA490]  }
0x228: {  	v10 =	vld [tilespmem:s14+$0xA4A0]  }
0x229: {  	v9 =	vld [tilespmem:s14+$0xA4B0]  }
0x22a: {  	v7 =	vld [tilespmem:s14+$0xA4C0]  }
0x22b: {  	vm0 =	vgt.f32 v6, v5;
	v6 =	vld [tilespmem:s14+$0xA4D0]  }
0x22c: {  	v11 =	vimm.s32 $0x0;
	v12 =	vsel vm0, $0x1, v0;
	vm0 =	vgt.f32 v8, v5;
	v8 =	vld [tilespmem:s14+$0xA4E0]  }
0x22d: {  	s2 =	simm.s32 $0x80;
	s3 =	simm.s32 $0x400;
	v11 =	vadd.s32 v12, v11;
	v12 =	vsel vm0, $0x1, v0;
	vm0 =	vgt.f32 v10, v5;
	v10 =	vld [tilespmem:s14+$0xA4F0]  }
.LBB2_23:
0x22e: {  	p0 =	sne.s32 s3, $0x16E00;
	v13 =	vld [tilespmem:s2+$0xA480];
	v11 =	vadd.s32 v12, v11;
	v12 =	vsel vm0, $0x1, v0;
	vm0 =	vgt.f32 v9, v5  }
0x22f: {  	v14 =	vld [tilespmem:s2+$0xA490];
	v9 =	vadd.s32 v12, v11;
	v11 =	vsel vm0, $0x1, v0;
	vm0 =	vgt.f32 v7, v5  }
0x230: {  	v15 =	vld [tilespmem:s2+$0xA4A0];
	v7 =	vadd.s32 v11, v9;
	v11 =	vsel vm0, $0x1, v0;
	vm0 =	vgt.f32 v6, v5  }
.Ltmp15:
0x231: {  	v9 =	vld [tilespmem:s2+$0xA4B0];
	v6 =	vadd.s32 v11, v7;
	v11 =	vsel vm0, $0x1, v0;
	vm0 =	vgt.f32 v8, v5;
	(pc) =	sbr.rel @p0 .LBB2_23-.Ltmp15, $4  }
0x232: {  	v7 =	vld [tilespmem:s2+$0xA4C0];
	v8 =	vadd.s32 v11, v6;
	v11 =	vsel vm0, $0x1, v0;
	vm0 =	vgt.f32 v10, v5  }
0x233: {  	vm1 =	vgt.f32 v13, v5;
	v6 =	vld [tilespmem:s2+$0xA4D0];
	v10 =	vadd.s32 v11, v8;
	v11 =	vsel vm0, $0x1, v0  }
0x234: {  	v12 =	vsel vm1, $0x1, v0;
	vm0 =	vgt.f32 v14, v5;
	v8 =	vld [tilespmem:s2+$0xA4E0];
	v10 =	vadd.s32 v11, v10  }
0x235: {  	v11 =	vadd.s32 v12, v10;
	v12 =	vsel vm0, $0x1, v0;
	vm0 =	vgt.f32 v15, v5;
	v10 =	vld [tilespmem:s2+$0xA4F0];
	s2 =	sshra.s32 s3, $0x2;
	s3 =	sadd.s32 $0x200, s3  }
0x236: {  	v13 =	vld [tilespmem:s2+$0xA480];
	v11 =	vadd.s32 v12, v11;
	v52 =	vsel vm0, $0x1, v0;
	vm4 =	vgt.f32 v9, v5  }
0x237: {  	v53 =	vld [tilespmem:s2+$0xA490];
	v11 =	vadd.s32 v52, v11;
	v54 =	vsel vm4, $0x1, v0;
	vm5 =	vgt.f32 v7, v5  }
0x238: {  	v7 =	vld [tilespmem:s2+$0xA4A0];
	v11 =	vadd.s32 v54, v11;
	v55 =	vsel vm5, $0x1, v0;
	vm6 =	vgt.f32 v6, v5  }
0x239: {  	v6 =	vld [tilespmem:s2+$0xA4B0];
	v11 =	vadd.s32 v55, v11;
	v56 =	vsel vm6, $0x1, v0;
	vm7 =	vgt.f32 v8, v5  }
0x23a: {  	v8 =	vld [tilespmem:s2+$0xA4C0];
	v11 =	vadd.s32 v56, v11;
	v57 =	vsel vm7, $0x1, v0;
	vm8 =	vgt.f32 v10, v5  }
0x23b: {  	v58 =	vld [tilespmem:s2+$0xA4D0];
	vm1 =	vgt.f32 v13, v5;
	v11 =	vadd.s32 v57, v11;
	v59 =	vsel vm8, $0x1, v0  }
0x23c: {  	v60 =	vld [tilespmem:s2+$0xA4E0];
	vm9 =	vgt.f32 v53, v5;
	v13 =	vsel vm1, $0x1, v0;
	v11 =	vadd.s32 v59, v11  }
0x23d: {  	v61 =	vsel vm9, $0x1, v0;
	vm10 =	vgt.f32 v7, v5;
	v7 =	vld [tilespmem:s2+$0xA4F0];
	v11 =	vadd.s32 v13, v11  }
0x23e: {  	v62 =	vsel vm10, $0x1, v0;
	vm11 =	vgt.f32 v6, v5;
	v11 =	vadd.s32 v61, v11  }
0x23f: {  	v63 =	vsel vm11, $0x1, v0;
	vm12 =	vgt.f32 v8, v5;
	v6 =	vadd.s32 v62, v11  }
0x240: {  	vm13 =	vgt.f32 v58, v5;
	v8 =	vsel vm12, $0x1, v0;
	v6 =	vadd.s32 v63, v6  }
0x241: {  	vm14 =	vgt.f32 v60, v5;
	v6 =	vadd.s32 v8, v6;
	v8 =	vsel vm13, $0x1, v0  }
0x242: {  	vm15 =	vgt.f32 v7, v5;
	v6 =	vadd.s32 v8, v6;
	v8 =	vsel vm14, $0x1, v0  }
0x243: {  	v7 =	vsel vm15, $0x1, v0;
	v6 =	vadd.s32 v8, v6  }
0x244: {  	v6 =	vadd.s32 v7, v6  }
.LBB2_25:
0x245: {  	(v2sf) =	vpush v6, $0x0  }
0x246: {  	(v2sf) =	vpush v6, $0x1;
	_ =	sdelay $0x1  }
0x247: {  	(v2sf) =	vpush v6, $0x2  }
0x248: {  	(v2sf) =	vpush v6, $0x3  }
0x249: {  	(v2sf) =	vpush v6, $0x4  }
0x24a: {  	(v2sf) =	vpush v6, $0x5  }
0x24b: {  	(v2sf) =	vpush v6, $0x6  }
0x24c: {  	(v2sf) =	vpush v6, $0x7  }
0x24d: {  	(v2sf) =	vpush v6, $0x8  }
0x24e: {  	(v2sf) =	vpush v6, $0x9  }
0x24f: {  	(v2sf) =	vpush v6, $0xA  }
0x250: {  	(v2sf) =	vpush v6, $0xB  }
0x251: {  	(v2sf) =	vpush v6, $0xC  }
0x252: {  	(v2sf) =	vpush v6, $0xD  }
0x253: {  	s2 =	spop (v2sf)  }
0x254: {  	(v2sf) =	vpush v6, $0xE;
	s3 =	spop (v2sf)  }
0x255: {  	s0 =	sadd.s32 s0, s3  }
0x256: {  	(v2sf) =	vpush v6, $0xF;
	s14 =	spop (v2sf);
	s0 =	sadd.s32 s2, s0  }
0x257: {  	s28 =	spop (v2sf);
	s0 =	sadd.s32 s14, s0  }
0x258: {  	s7 =	spop (v2sf);
	s0 =	sadd.s32 s28, s0  }
0x259: {  	s15 =	spop (v2sf);
	s0 =	sadd.s32 s7, s0  }
0x25a: {  	s20 =	spop (v2sf);
	s0 =	sadd.s32 s15, s0  }
0x25b: {  	s28 =	spop (v2sf);
	s0 =	sadd.s32 s20, s0  }
0x25c: {  	s7 =	spop (v2sf);
	s0 =	sadd.s32 s28, s0  }
0x25d: {  	s15 =	spop (v2sf);
	s0 =	sadd.s32 s7, s0  }
0x25e: {  	s20 =	spop (v2sf);
	s0 =	sadd.s32 s15, s0  }
0x25f: {  	s28 =	spop (v2sf);
	s0 =	sadd.s32 s20, s0  }
0x260: {  	s21 =	sadd.s32 $0x7F, s21;
	s7 =	spop (v2sf);
	s0 =	sadd.s32 s28, s0  }
0x261: {  	p0 =	slt.s32 s21, $0x1;
	s15 =	spop (v2sf);
	s0 =	sadd.s32 s7, s0  }
0x262: {  	s3 =	simm.s32 $0x1;
	s0 =	sadd.s32 s15, s0;
	s15 =	sand.u32 $0x7F, s21  }
0x263: {  	s28 =	sshra.s32 s21, $0x1F;
	s20 =	spop (v2sf);
	p1 =	sne.s32 s15, $0x0  }
0x264: {  	s0 =	sadd.s32 s20, s0;
	s20 =	sshrl.u32 s28, $0x19;
	p0 =	por !p0, !p1  }
0x265: {  	s7 =	spop (v2sf);
	s2 =	sadd.s32 s20, s21;
	p0 =	por !p0, !p0  }
0x266: {  	s21 =	sadd.s32 s7, s0;
	s28 =	sshra.s32 s2, $0x7;
	s3 =	simm.s32 @!p0 $0x0  }
0x267: {  	p0 =	sgt.s32 s21, $0x4;
	s0 =	ssub.s32 s28, s3  }
0x268: {  	p1 =	slt.s32 @!p0 s0, $0x1  }
0x269: {  	p1 =	por p0, p1  }
.Ltmp16:
0x26a: {  	_ = 	snop;
	(pc) =	sbr.rel @p1 .LBB2_60-.Ltmp16, $2  }
0x26b: {  	_ =	sdelay $0x2  }
0x26c: {  	v6 =	vimm.s32 $0x0  }
0x26d: {  	s2 =	simm.s32 $0x80C0  }
0x26e: {  	v7 =	vld [tilespmem:s2+$0x30]  }
0x26f: {  	v8 =	vld [tilespmem:s2+$0x20]  }
0x270: {  	v9 =	vld [tilespmem:s2+$0x10]  }
0x271: {  	v4 =	vbroadcast v4, $0x0;
	s3 =	simm.s32 $0x0;
	s14 =	simm.s32 $0x60;
	s28 =	simm.s32 $0x70;
	v10 =	vld [tilespmem:s2+$0x0]  }
0x272: {  	s29 =	simm.s32 $0x30;
	s7 =	simm.s32 $0x40;
	s20 =	simm.s32 $0x50;
	v11 =	vor.u32 s3, v1;
	v12 =	vld [tilespmem:s2+$0xFFFFFFF0];
	v13 =	vor.u32 s14, v1;
	v14 =	vor.u32 s28, v1  }
0x273: {  	s15 =	simm.s32 $0x20;
	v15 =	vld [tilespmem:s2+$0xFFFFFFC0];
	s14 =	simm.s32 $0x10;
	v16 =	vor.u32 s29, v1;
	v17 =	vor.u32 s7, v1;
	v18 =	vor.u32 s20, v1  }
0x274: {  	v63 =	vld [tilespmem:s2+$0xFFFFFFD0];
	v20 =	vor.u32 s15, v1;
	vm6 =	vlt.s32 v11, v4;
	v19 =	vor.u32 s14, v1  }
0x275: {  	v21 =	vld [tilespmem:s2+$0xFFFFFFE0];
	vm2 =	vlt.s32 v18, v4;
	vm1 =	vlt.s32 v13, v4;
	vm0 =	vlt.s32 v14, v4  }
0x276: {  	vm7 =	vlt.s32 v20, v4;
	vm8 =	vlt.s32 v16, v4;
	vm9 =	vlt.s32 v17, v4  }
0x277: {  	vm10 =	vlt.s32 v19, v4;
	vm4 =	veq.f32 v8, v5;
	vm3 =	veq.f32 v7, v5  }
0x278: {  	p0 =	sgt.s32 s0, $0x1;
	vm11 =	veq.f32 v15, v5;
	vm12 =	veq.f32 v10, v5;
	vm5 =	veq.f32 v9, v5  }
.Ltmp17:
0x279: {  	vm13 =	veq.f32 v12, v5;
	vm6 =	vmand vm6, vm11;
	vm11 =	veq.f32 v63, v5;
	(pc) =	sbr.rel @!p0 .LBB2_28-.Ltmp17, $4  }
0x27a: {  	vm15 =	veq.f32 v21, v5;
	v7 =	vsel vm6, $0x1, v0;
	vm6 =	vmand vm10, vm11  }
0x27b: {  	v6 =	vadd.s32 v7, v6;
	v7 =	vsel vm6, $0x1, v0;
	vm6 =	vmand vm7, vm15  }
0x27c: {  	v6 =	vadd.s32 v7, v6;
	v7 =	vsel vm6, $0x1, v0;
	vm6 =	vmand vm8, vm13  }
0x27d: {  	s2 =	simm.s32 $0x1;
	s14 =	simm.s32 $0x8140;
	v6 =	vadd.s32 v7, v6;
	v7 =	vsel vm6, $0x1, v0;
	vm6 =	vmand vm9, vm12  }
.LBB2_27:
0x27e: {  	v8 =	vld [tilespmem:s14+$0x30];
	v6 =	vadd.s32 v7, v6;
	v7 =	vsel vm6, $0x1, v0;
	vm2 =	vmand vm2, vm5  }
0x27f: {  	vm1 =	vmand vm1, vm4;
	v9 =	vld [tilespmem:s14+$0x20];
	v6 =	vadd.s32 v7, v6;
	v7 =	vsel vm2, $0x1, v0  }
0x280: {  	vm0 =	vmand vm0, vm3;
	s3 =	sadd.s32 $0x80, s3;
	v10 =	vld [tilespmem:s14+$0x10];
	v6 =	vadd.s32 v7, v6;
	v7 =	vsel vm1, $0x1, v0  }
0x281: {  	v11 =	vor.u32 s3, v1;
	s7 =	sadd.s32 $0x60, s3;
	s20 =	sadd.s32 $0x70, s3;
	v12 =	vld [tilespmem:s14+$0x0];
	v6 =	vadd.s32 v7, v6;
	v7 =	vsel vm0, $0x1, v0  }
0x282: {  	s28 =	sadd.s32 $0x30, s3;
	s29 =	sadd.s32 $0x40, s3;
	s15 =	sadd.s32 $0x50, s3;
	v14 =	vor.u32 s7, v1;
	v15 =	vor.u32 s20, v1;
	v13 =	vld [tilespmem:s14+$0xFFFFFFF0];
	v6 =	vadd.s32 v7, v6  }
0x283: {  	s2 =	sadd.s32 $0x1, s2;
	s7 =	sadd.s32 $0x10, s3;
	s20 =	sadd.s32 $0x20, s3;
	v16 =	vor.u32 s28, v1;
	v17 =	vor.u32 s29, v1;
	v18 =	vor.u32 s15, v1;
	v7 =	vld [tilespmem:s14+$0xFFFFFFC0]  }
0x284: {  	p0 =	sgt.s32 s0, s2;
	vm6 =	vlt.s32 v11, v4;
	v19 =	vor.u32 s7, v1;
	v20 =	vor.u32 s20, v1;
	v11 =	vld [tilespmem:s14+$0xFFFFFFD0]  }
0x285: {  	vm2 =	vlt.s32 v18, v4;
	vm1 =	vlt.s32 v14, v4;
	vm0 =	vlt.s32 v15, v4;
	v21 =	vld [tilespmem:s14+$0xFFFFFFE0]  }
0x286: {  	vm8 =	vlt.s32 v16, v4;
	vm9 =	vlt.s32 v17, v4;
	vm7 =	vlt.s32 v20, v4  }
0x287: {  	vm10 =	vlt.s32 v19, v4;
	vm3 =	veq.f32 v8, v5;
	vm4 =	veq.f32 v9, v5  }
0x288: {  	vm5 =	veq.f32 v10, v5;
	vm12 =	veq.f32 v12, v5;
	vm11 =	veq.f32 v7, v5  }
.Ltmp18:
0x289: {  	vm13 =	veq.f32 v13, v5;
	vm6 =	vmand vm6, vm11;
	vm11 =	veq.f32 v11, v5;
	(pc) =	sbr.rel @p0 .LBB2_27-.Ltmp18, $4  }
0x28a: {  	v7 =	vsel vm6, $0x1, v0;
	vm6 =	vmand vm10, vm11;
	vm10 =	veq.f32 v21, v5  }
0x28b: {  	v6 =	vadd.s32 v7, v6;
	v7 =	vsel vm6, $0x1, v0;
	vm6 =	vmand vm7, vm10  }
0x28c: {  	v6 =	vadd.s32 v7, v6;
	v7 =	vsel vm6, $0x1, v0;
	vm6 =	vmand vm8, vm13  }
0x28d: {  	s14 =	sadd.s32 $0x80, s14;
	v6 =	vadd.s32 v7, v6;
	v7 =	vsel vm6, $0x1, v0;
	vm6 =	vmand vm9, vm12  }
.LBB2_28:
.Ltmp19:
0x28e: {  	v4 =	vadd.s32 v7, v6;
	v5 =	vsel vm6, $0x1, v0;
	vm2 =	vmand vm2, vm5;
	(pc) =	sbr.rel .LBB2_29-.Ltmp19, $4  }
0x28f: {  	vm1 =	vmand vm1, vm4;
	v4 =	vadd.s32 v5, v4;
	v5 =	vsel vm2, $0x1, v0  }
0x290: {  	vm0 =	vmand vm0, vm3;
	v4 =	vadd.s32 v5, v4;
	v5 =	vsel vm1, $0x1, v0  }
0x291: {  	v4 =	vadd.s32 v5, v4;
	v5 =	vsel vm0, $0x1, v0  }
0x292: {  	s29 =	simm.s32 $0x80;
	v5 =	vadd.s32 v5, v4  }
.LBB2_60:
0x293: {  	v5 =	vpsel p0, $0x0, v6  }
.LBB2_29:
0x294: {  	s0 =	rddreg [dreg:$0x17];
	s28 =	simm.s32 $0x400  }
0x295: {  	s2 =	simm.s32 $0x8080;
	s20 =	sadd.s32 s22, s8;
	s22 =	simm.s32 $0x1  }
0x296: {  	[tilespmem:s2], [sflag:$0x2] =	stream.strided.gather [hbm4b:s0+s29], $0x400, s28, s29, $0x38;
	[tilespmem:$0x10300] =	vst v63  }
0x297: {  	_ =	swait.ge [sflag:s22], $0x400  }
0x298: {  	s0 =	sadd.s32 s30, s20;
	[sflag:s22] =	ssyncset.done $0x0  }
0x299: {  	s30 =	simm.s32 $0x3;
	s0 =	sadd.s32 s11, s0;
	[sflag:s22] =	ssyncadd.s32 $0xFFFFFC00  }
0x29a: {  	s0 =	sadd.s32 s12, s0;
	_ =	swait.ge [sflag:s30], $0x10  }
0x29b: {  	s0 =	sadd.s32 s17, s0;
	[sflag:s30] =	ssyncset.done $0x0  }
0x29c: {  	s0 =	sadd.s32 s24, s0;
	[sflag:s30] =	ssyncadd.s32 $0xFFFFFFF0  }
0x29d: {  	s0 =	sadd.s32 s25, s0;
	v4 =	vld [tilespmem:s23+$0x10240]  }
0x29e: {  	s0 =	sadd.s32 s26, s0  }
0x29f: {  	s0 =	sadd.s32 s10, s0  }
0x2a0: {  	s26 =	simm.s32 $0x0;
	s0 =	sadd.s32 s5, s0  }
0x2a1: {  	v7 =	vld [tilespmem:s26+$0x0];
	s0 =	sadd.s32 s1, s0  }
0x2a2: {  	v9 =	vld [tilespmem:s26+$0x10];
	s0 =	sadd.s32 s4, s0;
	v4 =	vadd.f32 $0.0e+00, v4  }
0x2a3: {  	v10 =	vld [tilespmem:s26+$0x20];
	s0 =	sadd.s32 s13, s0  }
0x2a4: {  	v8 =	vld [tilespmem:s26+$0x30];
	s0 =	sadd.s32 s16, s0;
	v4 =	vbroadcast v4, $0x0  }
0x2a5: {  	v6 =	vld [tilespmem:s26+$0x40];
	s0 =	sadd.s32 s6, s0  }
0x2a6: {  	s0 =	sadd.s32 s9, s0;
	vm0 =	vgt.f32 v7, v4;
	v7 =	vld [tilespmem:s26+$0x50]  }
0x2a7: {  	v11 =	vimm.s32 $0x0;
	s22 =	simm.s32 $0x1;
	p0 =	slt.s32 s0, $0x5;
	v12 =	vsel vm0, $0x1, v0;
	vm0 =	vgt.f32 v9, v4;
	v9 =	vld [tilespmem:s26+$0x60]  }
0x2a8: {  	s1 =	simm.s32 $0x400;
	s0 =	simm.s32 $0x80;
	s22 =	simm.s32 @!p0 $0x0;
	v11 =	vadd.s32 v12, v11;
	v12 =	vsel vm0, $0x1, v0;
	vm0 =	vgt.f32 v10, v4;
	v10 =	vld [tilespmem:s26+$0x70]  }
.LBB2_30:
0x2a9: {  	p0 =	sne.s32 s1, $0xE00;
	v13 =	vld [tilespmem:s0+$0x0];
	v11 =	vadd.s32 v12, v11;
	v12 =	vsel vm0, $0x1, v0;
	vm0 =	vgt.f32 v8, v4  }
0x2aa: {  	v14 =	vld [tilespmem:s0+$0x10];
	v8 =	vadd.s32 v12, v11;
	v11 =	vsel vm0, $0x1, v0;
	vm0 =	vgt.f32 v6, v4  }
0x2ab: {  	v15 =	vld [tilespmem:s0+$0x20];
	v6 =	vadd.s32 v11, v8;
	v11 =	vsel vm0, $0x1, v0;
	vm0 =	vgt.f32 v7, v4  }
.Ltmp20:
0x2ac: {  	v8 =	vld [tilespmem:s0+$0x30];
	v7 =	vadd.s32 v11, v6;
	v11 =	vsel vm0, $0x1, v0;
	vm0 =	vgt.f32 v9, v4;
	(pc) =	sbr.rel @p0 .LBB2_30-.Ltmp20, $4  }
0x2ad: {  	v6 =	vld [tilespmem:s0+$0x40];
	v9 =	vadd.s32 v11, v7;
	v11 =	vsel vm0, $0x1, v0;
	vm0 =	vgt.f32 v10, v4  }
0x2ae: {  	vm1 =	vgt.f32 v13, v4;
	v7 =	vld [tilespmem:s0+$0x50];
	v10 =	vadd.s32 v11, v9;
	v11 =	vsel vm0, $0x1, v0  }
0x2af: {  	v12 =	vsel vm1, $0x1, v0;
	vm0 =	vgt.f32 v14, v4;
	v9 =	vld [tilespmem:s0+$0x60];
	v10 =	vadd.s32 v11, v10  }
0x2b0: {  	v11 =	vadd.s32 v12, v10;
	v12 =	vsel vm0, $0x1, v0;
	vm0 =	vgt.f32 v15, v4;
	v10 =	vld [tilespmem:s0+$0x70];
	s0 =	sshra.s32 s1, $0x2;
	s1 =	sadd.s32 $0x200, s1  }
0x2b1: {  	v11 =	vadd.s32 v12, v11;
	v52 =	vsel vm0, $0x1, v0  }
0x2b2: {  	vm4 =	vgt.f32 v8, v4;
	v8 =	vld [tilespmem:s0+$0x0];
	(v2sf) =	vpush v5, $0x0;
	v11 =	vadd.s32 v52, v11  }
0x2b3: {  	v56 =	vld [tilespmem:s0+$0x20];
	v53 =	vsel vm4, $0x1, v0;
	vm5 =	vgt.f32 v6, v4;
	(v2sf) =	vpush v5, $0x1  }
0x2b4: {  	v58 =	vld [tilespmem:s0+$0x30];
	v6 =	vadd.s32 v53, v11;
	v54 =	vsel vm5, $0x1, v0;
	vm6 =	vgt.f32 v7, v4  }
0x2b5: {  	v7 =	vld [tilespmem:s0+$0x10];
	(v2sf) =	vpush v5, $0x2;
	v6 =	vadd.s32 v54, v6;
	v55 =	vsel vm6, $0x1, v0  }
0x2b6: {  	vm7 =	vgt.f32 v9, v4;
	(v2sf) =	vpush v5, $0x3;
	v6 =	vadd.s32 v55, v6  }
0x2b7: {  	v60 =	vld [tilespmem:s0+$0x40];
	v57 =	vsel vm7, $0x1, v0;
	vm8 =	vgt.f32 v10, v4;
	(v2sf) =	vpush v5, $0x4  }
0x2b8: {  	v61 =	vld [tilespmem:s0+$0x70];
	vm1 =	vgt.f32 v8, v4;
	v6 =	vadd.s32 v57, v6;
	v8 =	vsel vm8, $0x1, v0  }
0x2b9: {  	(v2sf) =	vpush v5, $0x5;
	vm10 =	vgt.f32 v56, v4;
	vm11 =	vgt.f32 v58, v4  }
0x2ba: {  	v59 =	vsel vm1, $0x1, v0;
	v6 =	vadd.s32 v8, v6;
	vm9 =	vgt.f32 v7, v4  }
0x2bb: {  	(v2sf) =	vpush v5, $0x6;
	v7 =	vld [tilespmem:s0+$0x50];
	v6 =	vadd.s32 v59, v6;
	v8 =	vsel vm9, $0x1, v0  }
0x2bc: {  	vm12 =	vgt.f32 v60, v4;
	(v2sf) =	vpush v5, $0x7;
	v6 =	vadd.s32 v8, v6;
	v8 =	vld [tilespmem:s0+$0x60]  }
0x2bd: {  	vm15 =	vgt.f32 v61, v4;
	v9 =	vsel vm10, $0x1, v0;
	(v2sf) =	vpush v5, $0x8  }
0x2be: {  	v62 =	vsel vm11, $0x1, v0;
	(v2sf) =	vpush v5, $0x9;
	v6 =	vadd.s32 v9, v6  }
0x2bf: {  	v63 =	vsel vm12, $0x1, v0;
	(v2sf) =	vpush v5, $0xA;
	v6 =	vadd.s32 v62, v6  }
0x2c0: {  	(v2sf) =	vpush v5, $0xB;
	vm13 =	vgt.f32 v7, v4;
	v6 =	vadd.s32 v63, v6  }
0x2c1: {  	(v2sf) =	vpush v5, $0xC;
	v7 =	vsel vm13, $0x1, v0;
	vm14 =	vgt.f32 v8, v4  }
0x2c2: {  	(v2sf) =	vpush v5, $0xD;
	v6 =	vadd.s32 v7, v6;
	v7 =	vsel vm14, $0x1, v0  }
0x2c3: {  	(v2sf) =	vpush v5, $0xE;
	v6 =	vadd.s32 v7, v6;
	v7 =	vsel vm15, $0x1, v0  }
0x2c4: {  	s6 =	spop (v2sf);
	(v2sf) =	vpush v5, $0xF;
	v6 =	vadd.s32 v7, v6  }
0x2c5: {  	s13 =	spop (v2sf);
	(v2sf) =	vpush v6, $0x0  }
0x2c6: {  	s1 =	spop (v2sf);
	(v2sf) =	vpush v6, $0x1  }
0x2c7: {  	s4 =	spop (v2sf);
	(v2sf) =	vpush v6, $0x2  }
0x2c8: {  	s5 =	spop (v2sf);
	(v2sf) =	vpush v6, $0x3  }
0x2c9: {  	s8 =	spop (v2sf);
	(v2sf) =	vpush v6, $0x4  }
0x2ca: {  	s9 =	spop (v2sf);
	(v2sf) =	vpush v6, $0x5  }
0x2cb: {  	s10 =	spop (v2sf);
	(v2sf) =	vpush v6, $0x6  }
0x2cc: {  	s11 =	spop (v2sf);
	(v2sf) =	vpush v6, $0x7  }
0x2cd: {  	s16 =	spop (v2sf);
	(v2sf) =	vpush v6, $0x8  }
0x2ce: {  	s24 =	spop (v2sf);
	(v2sf) =	vpush v6, $0x9  }
0x2cf: {  	s25 =	spop (v2sf);
	(v2sf) =	vpush v6, $0xA  }
0x2d0: {  	s26 =	spop (v2sf);
	(v2sf) =	vpush v6, $0xB  }
0x2d1: {  	s17 =	spop (v2sf);
	(v2sf) =	vpush v6, $0xC  }
0x2d2: {  	s23 =	spop (v2sf);
	(v2sf) =	vpush v6, $0xD  }
0x2d3: {  	s12 =	spop (v2sf);
	(v2sf) =	vpush v6, $0xE  }
0x2d4: {  	s3 =	spop (v2sf);
	(v2sf) =	vpush v6, $0xF  }
0x2d5: {  	s2 =	spop (v2sf)  }
0x2d6: {  	s0 =	sadd.s32 s2, s3;
	s7 =	spop (v2sf)  }
0x2d7: {  	s0 =	sadd.s32 s7, s0;
	s14 =	spop (v2sf)  }
0x2d8: {  	s0 =	sadd.s32 s14, s0;
	s15 =	spop (v2sf)  }
0x2d9: {  	s0 =	sadd.s32 s15, s0;
	s20 =	spop (v2sf)  }
0x2da: {  	s0 =	sadd.s32 s20, s0;
	s3 =	spop (v2sf)  }
0x2db: {  	s0 =	sadd.s32 s3, s0;
	s7 =	spop (v2sf)  }
0x2dc: {  	s0 =	sadd.s32 s7, s0;
	s14 =	spop (v2sf)  }
0x2dd: {  	s0 =	sadd.s32 s14, s0;
	s15 =	spop (v2sf)  }
0x2de: {  	s0 =	sadd.s32 s15, s0;
	s20 =	spop (v2sf)  }
0x2df: {  	s0 =	sadd.s32 s20, s0;
	s3 =	spop (v2sf)  }
0x2e0: {  	s0 =	sadd.s32 s3, s0;
	s7 =	spop (v2sf)  }
0x2e1: {  	s0 =	sadd.s32 s7, s0;
	s14 =	spop (v2sf)  }
0x2e2: {  	s0 =	sadd.s32 s14, s0;
	s15 =	spop (v2sf)  }
0x2e3: {  	s0 =	sadd.s32 s15, s0;
	s20 =	spop (v2sf)  }
0x2e4: {  	s0 =	sadd.s32 s20, s0  }
0x2e5: {  	p0 =	sgt.s32 s0, $0x4  }
.Ltmp21:
0x2e6: {  	_ = 	snop;
	(pc) =	sbr.rel @p0 .LBB2_35-.Ltmp21, $2  }
0x2e7: {  	_ =	sdelay $0x2  }
0x2e8: {  	v5 =	vimm.s32 $0x0;
	v6 =	vimm.s32 $0x0  }
0x2e9: {  	s2 =	rddreg [dreg:$0x13]  }
0x2ea: {  	[tilespmem:s28], [sflag:$0x5] =	stream.strided.gather [hbm4b:s2+s29], $0x2000, s28, s29, $0x38;
	[tilespmem:$0x10300] =	vst v63  }
0x2eb: {  	_ =	swait.ge [sflag:s31], $0x2000  }
0x2ec: {  	[sflag:s31] =	ssyncset.done $0x0  }
0x2ed: {  	s7 =	simm.s32 $0x0;
	[sflag:s31] =	ssyncadd.s32 $0xFFFFE000  }
0x2ee: {  	v6 =	vld [tilespmem:s7+$0x400]  }
0x2ef: {  	v8 =	vld [tilespmem:s7+$0x410]  }
0x2f0: {  	v10 =	vld [tilespmem:s7+$0x420]  }
0x2f1: {  	v9 =	vld [tilespmem:s7+$0x430]  }
0x2f2: {  	v7 =	vld [tilespmem:s7+$0x440]  }
0x2f3: {  	vm0 =	vgt.f32 v6, v4;
	v6 =	vld [tilespmem:s7+$0x450]  }
0x2f4: {  	v11 =	vimm.s32 $0x0;
	v12 =	vsel vm0, $0x1, v0;
	vm0 =	vgt.f32 v8, v4;
	v8 =	vld [tilespmem:s7+$0x460]  }
0x2f5: {  	s3 =	simm.s32 $0x400;
	s2 =	simm.s32 $0x80;
	v11 =	vadd.s32 v12, v11;
	v12 =	vsel vm0, $0x1, v0;
	vm0 =	vgt.f32 v10, v4;
	v10 =	vld [tilespmem:s7+$0x470]  }
.LBB2_33:
0x2f6: {  	p0 =	sne.s32 s3, $0x7E00;
	v13 =	vld [tilespmem:s2+$0x400];
	v11 =	vadd.s32 v12, v11;
	v12 =	vsel vm0, $0x1, v0;
	vm0 =	vgt.f32 v9, v4  }
0x2f7: {  	v14 =	vld [tilespmem:s2+$0x410];
	v9 =	vadd.s32 v12, v11;
	v11 =	vsel vm0, $0x1, v0;
	vm0 =	vgt.f32 v7, v4  }
0x2f8: {  	v15 =	vld [tilespmem:s2+$0x420];
	v7 =	vadd.s32 v11, v9;
	v11 =	vsel vm0, $0x1, v0;
	vm0 =	vgt.f32 v6, v4  }
.Ltmp22:
0x2f9: {  	v9 =	vld [tilespmem:s2+$0x430];
	v6 =	vadd.s32 v11, v7;
	v11 =	vsel vm0, $0x1, v0;
	vm0 =	vgt.f32 v8, v4;
	(pc) =	sbr.rel @p0 .LBB2_33-.Ltmp22, $4  }
0x2fa: {  	v7 =	vld [tilespmem:s2+$0x440];
	v8 =	vadd.s32 v11, v6;
	v11 =	vsel vm0, $0x1, v0;
	vm0 =	vgt.f32 v10, v4  }
0x2fb: {  	vm1 =	vgt.f32 v13, v4;
	v6 =	vld [tilespmem:s2+$0x450];
	v10 =	vadd.s32 v11, v8;
	v11 =	vsel vm0, $0x1, v0  }
0x2fc: {  	v12 =	vsel vm1, $0x1, v0;
	vm0 =	vgt.f32 v14, v4;
	v8 =	vld [tilespmem:s2+$0x460];
	v10 =	vadd.s32 v11, v10  }
0x2fd: {  	v11 =	vadd.s32 v12, v10;
	v12 =	vsel vm0, $0x1, v0;
	vm0 =	vgt.f32 v15, v4;
	v10 =	vld [tilespmem:s2+$0x470];
	s2 =	sshra.s32 s3, $0x2;
	s3 =	sadd.s32 $0x200, s3  }
0x2fe: {  	v13 =	vld [tilespmem:s2+$0x400];
	v11 =	vadd.s32 v12, v11;
	v52 =	vsel vm0, $0x1, v0;
	vm4 =	vgt.f32 v9, v4  }
0x2ff: {  	v53 =	vld [tilespmem:s2+$0x410];
	v11 =	vadd.s32 v52, v11;
	v54 =	vsel vm4, $0x1, v0;
	vm5 =	vgt.f32 v7, v4  }
0x300: {  	v7 =	vld [tilespmem:s2+$0x420];
	v11 =	vadd.s32 v54, v11;
	v55 =	vsel vm5, $0x1, v0;
	vm6 =	vgt.f32 v6, v4  }
0x301: {  	v6 =	vld [tilespmem:s2+$0x430];
	v11 =	vadd.s32 v55, v11;
	v56 =	vsel vm6, $0x1, v0;
	vm7 =	vgt.f32 v8, v4  }
0x302: {  	v8 =	vld [tilespmem:s2+$0x440];
	v11 =	vadd.s32 v56, v11;
	v57 =	vsel vm7, $0x1, v0;
	vm8 =	vgt.f32 v10, v4  }
0x303: {  	v58 =	vld [tilespmem:s2+$0x450];
	vm1 =	vgt.f32 v13, v4;
	v11 =	vadd.s32 v57, v11;
	v59 =	vsel vm8, $0x1, v0  }
0x304: {  	v60 =	vld [tilespmem:s2+$0x460];
	vm9 =	vgt.f32 v53, v4;
	v13 =	vsel vm1, $0x1, v0;
	v11 =	vadd.s32 v59, v11  }
0x305: {  	v61 =	vsel vm9, $0x1, v0;
	vm10 =	vgt.f32 v7, v4;
	v7 =	vld [tilespmem:s2+$0x470];
	v11 =	vadd.s32 v13, v11  }
0x306: {  	v62 =	vsel vm10, $0x1, v0;
	vm11 =	vgt.f32 v6, v4;
	v11 =	vadd.s32 v61, v11  }
0x307: {  	v63 =	vsel vm11, $0x1, v0;
	vm12 =	vgt.f32 v8, v4;
	v6 =	vadd.s32 v62, v11  }
0x308: {  	vm13 =	vgt.f32 v58, v4;
	v8 =	vsel vm12, $0x1, v0;
	v6 =	vadd.s32 v63, v6  }
0x309: {  	vm14 =	vgt.f32 v60, v4;
	v6 =	vadd.s32 v8, v6;
	v8 =	vsel vm13, $0x1, v0  }
0x30a: {  	vm15 =	vgt.f32 v7, v4;
	v6 =	vadd.s32 v8, v6;
	v8 =	vsel vm14, $0x1, v0  }
0x30b: {  	v7 =	vsel vm15, $0x1, v0;
	v6 =	vadd.s32 v8, v6  }
0x30c: {  	v6 =	vadd.s32 v7, v6  }
.LBB2_35:
0x30d: {  	(v2sf) =	vpush v6, $0x0  }
0x30e: {  	(v2sf) =	vpush v6, $0x1;
	_ =	sdelay $0x1  }
0x30f: {  	(v2sf) =	vpush v6, $0x2  }
0x310: {  	(v2sf) =	vpush v6, $0x3  }
0x311: {  	(v2sf) =	vpush v6, $0x4  }
0x312: {  	(v2sf) =	vpush v6, $0x5  }
0x313: {  	(v2sf) =	vpush v6, $0x6  }
0x314: {  	(v2sf) =	vpush v6, $0x7  }
0x315: {  	(v2sf) =	vpush v6, $0x8  }
0x316: {  	(v2sf) =	vpush v6, $0x9  }
0x317: {  	(v2sf) =	vpush v6, $0xA  }
0x318: {  	(v2sf) =	vpush v6, $0xB  }
0x319: {  	(v2sf) =	vpush v6, $0xC  }
0x31a: {  	(v2sf) =	vpush v6, $0xD  }
0x31b: {  	s2 =	spop (v2sf);
	(v2sf) =	vpush v6, $0xE  }
0x31c: {  	s3 =	spop (v2sf);
	(v2sf) =	vpush v6, $0xF  }
0x31d: {  	s0 =	sadd.s32 s0, s3  }
0x31e: {  	s15 =	spop (v2sf);
	s0 =	sadd.s32 s2, s0  }
0x31f: {  	s20 =	spop (v2sf);
	s0 =	sadd.s32 s15, s0  }
0x320: {  	s7 =	spop (v2sf);
	s0 =	sadd.s32 s20, s0  }
0x321: {  	s14 =	spop (v2sf);
	s0 =	sadd.s32 s7, s0  }
0x322: {  	s15 =	spop (v2sf);
	s0 =	sadd.s32 s14, s0  }
0x323: {  	s20 =	spop (v2sf);
	s0 =	sadd.s32 s15, s0  }
0x324: {  	s7 =	spop (v2sf);
	s0 =	sadd.s32 s20, s0  }
0x325: {  	s14 =	spop (v2sf);
	s0 =	sadd.s32 s7, s0  }
0x326: {  	s15 =	spop (v2sf);
	s0 =	sadd.s32 s14, s0  }
0x327: {  	s20 =	spop (v2sf);
	s0 =	sadd.s32 s15, s0  }
0x328: {  	s7 =	spop (v2sf);
	s0 =	sadd.s32 s20, s0  }
0x329: {  	s14 =	spop (v2sf);
	s0 =	sadd.s32 s7, s0  }
0x32a: {  	s15 =	spop (v2sf);
	s0 =	sadd.s32 s14, s0  }
0x32b: {  	s20 =	spop (v2sf);
	s0 =	sadd.s32 s15, s0  }
0x32c: {  	s0 =	sadd.s32 s20, s0  }
0x32d: {  	p0 =	sgt.s32 s0, $0x4  }
.Ltmp23:
0x32e: {  	_ = 	snop;
	(pc) =	sbr.rel @p0 .LBB2_39-.Ltmp23, $1  }
0x32f: {  	_ =	sdelay $0x3  }
0x330: {  	s2 =	rddreg [dreg:$0x14];
	s3 =	simm.s32 $0x2400  }
0x331: {  	[tilespmem:s3], [sflag:$0x5] =	stream.strided.gather [hbm4b:s2+s29], $0x5C00, s28, s29, $0x38;
	[tilespmem:$0x10300] =	vst v63  }
0x332: {  	_ =	swait.ge [sflag:s31], $0x5C00  }
0x333: {  	[sflag:s31] =	ssyncset.done $0x0  }
0x334: {  	s7 =	simm.s32 $0x0;
	[sflag:s31] =	ssyncadd.s32 $0xFFFFA400  }
0x335: {  	v5 =	vld [tilespmem:s7+$0x2400]  }
0x336: {  	v7 =	vld [tilespmem:s7+$0x2410]  }
0x337: {  	v9 =	vld [tilespmem:s7+$0x2420]  }
0x338: {  	v8 =	vld [tilespmem:s7+$0x2430]  }
0x339: {  	v6 =	vld [tilespmem:s7+$0x2440]  }
0x33a: {  	vm0 =	vgt.f32 v5, v4;
	v5 =	vld [tilespmem:s7+$0x2450]  }
0x33b: {  	v10 =	vimm.s32 $0x0;
	v11 =	vsel vm0, $0x1, v0;
	vm0 =	vgt.f32 v7, v4;
	v7 =	vld [tilespmem:s7+$0x2460]  }
0x33c: {  	s2 =	simm.s32 $0x80;
	s3 =	simm.s32 $0x400;
	v10 =	vadd.s32 v11, v10;
	v11 =	vsel vm0, $0x1, v0;
	vm0 =	vgt.f32 v9, v4;
	v9 =	vld [tilespmem:s7+$0x2470]  }
.LBB2_37:
0x33d: {  	p0 =	sne.s32 s3, $0x16E00;
	v12 =	vld [tilespmem:s2+$0x2400];
	v10 =	vadd.s32 v11, v10;
	v11 =	vsel vm0, $0x1, v0;
	vm0 =	vgt.f32 v8, v4  }
0x33e: {  	v13 =	vld [tilespmem:s2+$0x2410];
	v8 =	vadd.s32 v11, v10;
	v10 =	vsel vm0, $0x1, v0;
	vm0 =	vgt.f32 v6, v4  }
0x33f: {  	v14 =	vld [tilespmem:s2+$0x2420];
	v6 =	vadd.s32 v10, v8;
	v10 =	vsel vm0, $0x1, v0;
	vm0 =	vgt.f32 v5, v4  }
.Ltmp24:
0x340: {  	v8 =	vld [tilespmem:s2+$0x2430];
	v5 =	vadd.s32 v10, v6;
	v10 =	vsel vm0, $0x1, v0;
	vm0 =	vgt.f32 v7, v4;
	(pc) =	sbr.rel @p0 .LBB2_37-.Ltmp24, $4  }
0x341: {  	v6 =	vld [tilespmem:s2+$0x2440];
	v7 =	vadd.s32 v10, v5;
	v10 =	vsel vm0, $0x1, v0;
	vm0 =	vgt.f32 v9, v4  }
0x342: {  	vm1 =	vgt.f32 v12, v4;
	v5 =	vld [tilespmem:s2+$0x2450];
	v9 =	vadd.s32 v10, v7;
	v10 =	vsel vm0, $0x1, v0  }
0x343: {  	v11 =	vsel vm1, $0x1, v0;
	vm0 =	vgt.f32 v13, v4;
	v7 =	vld [tilespmem:s2+$0x2460];
	v9 =	vadd.s32 v10, v9  }
0x344: {  	v10 =	vadd.s32 v11, v9;
	v11 =	vsel vm0, $0x1, v0;
	vm0 =	vgt.f32 v14, v4;
	v9 =	vld [tilespmem:s2+$0x2470];
	s2 =	sshra.s32 s3, $0x2;
	s3 =	sadd.s32 $0x200, s3  }
0x345: {  	v12 =	vld [tilespmem:s2+$0x2400];
	v10 =	vadd.s32 v11, v10;
	v52 =	vsel vm0, $0x1, v0;
	vm4 =	vgt.f32 v8, v4  }
0x346: {  	v53 =	vld [tilespmem:s2+$0x2410];
	v10 =	vadd.s32 v52, v10;
	v54 =	vsel vm4, $0x1, v0;
	vm5 =	vgt.f32 v6, v4  }
0x347: {  	v6 =	vld [tilespmem:s2+$0x2420];
	v10 =	vadd.s32 v54, v10;
	v55 =	vsel vm5, $0x1, v0;
	vm6 =	vgt.f32 v5, v4  }
0x348: {  	v5 =	vld [tilespmem:s2+$0x2430];
	v10 =	vadd.s32 v55, v10;
	v56 =	vsel vm6, $0x1, v0;
	vm7 =	vgt.f32 v7, v4  }
0x349: {  	v7 =	vld [tilespmem:s2+$0x2440];
	v10 =	vadd.s32 v56, v10;
	v57 =	vsel vm7, $0x1, v0;
	vm8 =	vgt.f32 v9, v4  }
0x34a: {  	v58 =	vld [tilespmem:s2+$0x2450];
	vm1 =	vgt.f32 v12, v4;
	v10 =	vadd.s32 v57, v10;
	v59 =	vsel vm8, $0x1, v0  }
0x34b: {  	v60 =	vld [tilespmem:s2+$0x2460];
	vm9 =	vgt.f32 v53, v4;
	v12 =	vsel vm1, $0x1, v0;
	v10 =	vadd.s32 v59, v10  }
0x34c: {  	v61 =	vsel vm9, $0x1, v0;
	vm10 =	vgt.f32 v6, v4;
	v6 =	vld [tilespmem:s2+$0x2470];
	v10 =	vadd.s32 v12, v10  }
0x34d: {  	v62 =	vsel vm10, $0x1, v0;
	vm11 =	vgt.f32 v5, v4;
	v10 =	vadd.s32 v61, v10  }
0x34e: {  	v63 =	vsel vm11, $0x1, v0;
	vm12 =	vgt.f32 v7, v4;
	v5 =	vadd.s32 v62, v10  }
0x34f: {  	vm13 =	vgt.f32 v58, v4;
	v7 =	vsel vm12, $0x1, v0;
	v5 =	vadd.s32 v63, v5  }
0x350: {  	vm14 =	vgt.f32 v60, v4;
	v5 =	vadd.s32 v7, v5;
	v7 =	vsel vm13, $0x1, v0  }
0x351: {  	vm15 =	vgt.f32 v6, v4;
	v5 =	vadd.s32 v7, v5;
	v7 =	vsel vm14, $0x1, v0  }
0x352: {  	v6 =	vsel vm15, $0x1, v0;
	v5 =	vadd.s32 v7, v5  }
0x353: {  	v5 =	vadd.s32 v6, v5  }
.LBB2_39:
0x354: {  	(v2sf) =	vpush v5, $0x0  }
0x355: {  	(v2sf) =	vpush v5, $0x1  }
0x356: {  	(v2sf) =	vpush v5, $0x2  }
0x357: {  	(v2sf) =	vpush v5, $0x3  }
0x358: {  	(v2sf) =	vpush v5, $0x4  }
0x359: {  	(v2sf) =	vpush v5, $0x5  }
0x35a: {  	(v2sf) =	vpush v5, $0x6  }
0x35b: {  	(v2sf) =	vpush v5, $0x7  }
0x35c: {  	(v2sf) =	vpush v5, $0x8  }
0x35d: {  	(v2sf) =	vpush v5, $0x9  }
0x35e: {  	(v2sf) =	vpush v5, $0xA  }
0x35f: {  	(v2sf) =	vpush v5, $0xB  }
0x360: {  	(v2sf) =	vpush v5, $0xC  }
0x361: {  	(v2sf) =	vpush v5, $0xD  }
0x362: {  	(v2sf) =	vpush v5, $0xE  }
0x363: {  	s2 =	spop (v2sf);
	(v2sf) =	vpush v5, $0xF  }
0x364: {  	s3 =	spop (v2sf)  }
0x365: {  	s7 =	spop (v2sf);
	s0 =	sadd.s32 s0, s3  }
0x366: {  	s14 =	spop (v2sf);
	s0 =	sadd.s32 s2, s0  }
0x367: {  	s15 =	spop (v2sf);
	s0 =	sadd.s32 s7, s0  }
0x368: {  	s20 =	spop (v2sf);
	s0 =	sadd.s32 s14, s0  }
0x369: {  	s14 =	spop (v2sf);
	s0 =	sadd.s32 s15, s0  }
0x36a: {  	s15 =	spop (v2sf);
	s0 =	sadd.s32 s20, s0  }
0x36b: {  	s20 =	spop (v2sf);
	s0 =	sadd.s32 s14, s0  }
0x36c: {  	s14 =	spop (v2sf);
	s0 =	sadd.s32 s15, s0  }
0x36d: {  	s15 =	spop (v2sf);
	s0 =	sadd.s32 s20, s0  }
0x36e: {  	s3 =	sadd.s32 $0x7F, s19;
	s20 =	spop (v2sf);
	s0 =	sadd.s32 s14, s0  }
0x36f: {  	p0 =	slt.s32 s3, $0x1;
	s14 =	spop (v2sf);
	s0 =	sadd.s32 s15, s0  }
0x370: {  	s15 =	spop (v2sf);
	s0 =	sadd.s32 s20, s0;
	s20 =	sand.u32 $0x7F, s3  }
0x371: {  	s7 =	spop (v2sf);
	s0 =	sadd.s32 s14, s0;
	p1 =	sne.s32 s20, $0x0  }
0x372: {  	s14 =	spop (v2sf);
	s0 =	sadd.s32 s15, s0;
	s15 =	sshra.s32 s3, $0x1F  }
0x373: {  	p0 =	por !p0, !p1;
	s0 =	sadd.s32 s7, s0;
	s19 =	sshrl.u32 s15, $0x19  }
0x374: {  	p0 =	por !p0, !p0;
	s2 =	sadd.s32 s19, s3;
	s3 =	simm.s32 $0x1  }
0x375: {  	s19 =	sadd.s32 s14, s0;
	s20 =	sshra.s32 s2, $0x7;
	s3 =	simm.s32 @!p0 $0x0  }
0x376: {  	p0 =	sgt.s32 s19, $0x4;
	s0 =	ssub.s32 s20, s3  }
0x377: {  	p1 =	slt.s32 @!p0 s0, $0x1  }
0x378: {  	p1 =	por p0, p1  }
.Ltmp25:
0x379: {  	_ = 	snop;
	(pc) =	sbr.rel @p1 .LBB2_61-.Ltmp25, $2  }
0x37a: {  	_ =	sdelay $0x2  }
0x37b: {  	v5 =	vimm.s32 $0x0  }
0x37c: {  	s2 =	simm.s32 $0x40  }
0x37d: {  	v6 =	vld [tilespmem:s2+$0x30]  }
0x37e: {  	v7 =	vld [tilespmem:s2+$0x20]  }
0x37f: {  	v8 =	vld [tilespmem:s2+$0x10]  }
0x380: {  	v3 =	vbroadcast v3, $0x0;
	s3 =	simm.s32 $0x0;
	s7 =	simm.s32 $0x60;
	s14 =	simm.s32 $0x70;
	v9 =	vld [tilespmem:s2+$0x0]  }
0x381: {  	s15 =	simm.s32 $0x30;
	s20 =	simm.s32 $0x40;
	s28 =	simm.s32 $0x50;
	v10 =	vor.u32 s3, v1;
	v11 =	vld [tilespmem:s2+$0xFFFFFFF0];
	v12 =	vor.u32 s7, v1;
	v13 =	vor.u32 s14, v1  }
0x382: {  	s29 =	simm.s32 $0x20;
	v14 =	vld [tilespmem:s2+$0xFFFFFFC0];
	s14 =	simm.s32 $0x10;
	v15 =	vor.u32 s15, v1;
	v16 =	vor.u32 s20, v1;
	v17 =	vor.u32 s28, v1  }
0x383: {  	v63 =	vld [tilespmem:s2+$0xFFFFFFD0];
	v19 =	vor.u32 s29, v1;
	vm6 =	vlt.s32 v10, v3;
	v18 =	vor.u32 s14, v1  }
0x384: {  	v20 =	vld [tilespmem:s2+$0xFFFFFFE0];
	vm2 =	vlt.s32 v17, v3;
	vm1 =	vlt.s32 v12, v3;
	vm0 =	vlt.s32 v13, v3  }
0x385: {  	vm7 =	vlt.s32 v19, v3;
	vm8 =	vlt.s32 v15, v3;
	vm9 =	vlt.s32 v16, v3  }
0x386: {  	vm10 =	vlt.s32 v18, v3;
	vm4 =	veq.f32 v7, v4;
	vm3 =	veq.f32 v6, v4  }
0x387: {  	p0 =	sgt.s32 s0, $0x1;
	vm11 =	veq.f32 v14, v4;
	vm12 =	veq.f32 v9, v4;
	vm5 =	veq.f32 v8, v4  }
.Ltmp26:
0x388: {  	vm13 =	veq.f32 v11, v4;
	vm6 =	vmand vm6, vm11;
	vm11 =	veq.f32 v63, v4;
	(pc) =	sbr.rel @!p0 .LBB2_42-.Ltmp26, $4  }
0x389: {  	vm15 =	veq.f32 v20, v4;
	v6 =	vsel vm6, $0x1, v0;
	vm6 =	vmand vm10, vm11  }
0x38a: {  	v5 =	vadd.s32 v6, v5;
	v6 =	vsel vm6, $0x1, v0;
	vm6 =	vmand vm7, vm15  }
0x38b: {  	v5 =	vadd.s32 v6, v5;
	v6 =	vsel vm6, $0x1, v0;
	vm6 =	vmand vm8, vm13  }
0x38c: {  	s2 =	simm.s32 $0x1;
	s14 =	simm.s32 $0xC0;
	v5 =	vadd.s32 v6, v5;
	v6 =	vsel vm6, $0x1, v0;
	vm6 =	vmand vm9, vm12  }
.LBB2_41:
0x38d: {  	v7 =	vld [tilespmem:s14+$0x30];
	v5 =	vadd.s32 v6, v5;
	v6 =	vsel vm6, $0x1, v0;
	vm2 =	vmand vm2, vm5  }
0x38e: {  	vm1 =	vmand vm1, vm4;
	v8 =	vld [tilespmem:s14+$0x20];
	v5 =	vadd.s32 v6, v5;
	v6 =	vsel vm2, $0x1, v0  }
0x38f: {  	vm0 =	vmand vm0, vm3;
	s3 =	sadd.s32 $0x80, s3;
	v9 =	vld [tilespmem:s14+$0x10];
	v5 =	vadd.s32 v6, v5;
	v6 =	vsel vm1, $0x1, v0  }
0x390: {  	v10 =	vor.u32 s3, v1;
	s7 =	sadd.s32 $0x60, s3;
	s15 =	sadd.s32 $0x70, s3;
	v11 =	vld [tilespmem:s14+$0x0];
	v5 =	vadd.s32 v6, v5;
	v6 =	vsel vm0, $0x1, v0  }
0x391: {  	s20 =	sadd.s32 $0x30, s3;
	s28 =	sadd.s32 $0x40, s3;
	s29 =	sadd.s32 $0x50, s3;
	v13 =	vor.u32 s7, v1;
	v14 =	vor.u32 s15, v1;
	v12 =	vld [tilespmem:s14+$0xFFFFFFF0];
	v5 =	vadd.s32 v6, v5  }
0x392: {  	s2 =	sadd.s32 $0x1, s2;
	s7 =	sadd.s32 $0x10, s3;
	s15 =	sadd.s32 $0x20, s3;
	v15 =	vor.u32 s20, v1;
	v16 =	vor.u32 s28, v1;
	v17 =	vor.u32 s29, v1;
	v6 =	vld [tilespmem:s14+$0xFFFFFFC0]  }
0x393: {  	p0 =	sgt.s32 s0, s2;
	vm6 =	vlt.s32 v10, v3;
	v18 =	vor.u32 s7, v1;
	v19 =	vor.u32 s15, v1;
	v10 =	vld [tilespmem:s14+$0xFFFFFFD0]  }
0x394: {  	vm2 =	vlt.s32 v17, v3;
	vm1 =	vlt.s32 v13, v3;
	vm0 =	vlt.s32 v14, v3;
	v20 =	vld [tilespmem:s14+$0xFFFFFFE0]  }
0x395: {  	vm8 =	vlt.s32 v15, v3;
	vm9 =	vlt.s32 v16, v3;
	vm7 =	vlt.s32 v19, v3  }
0x396: {  	vm10 =	vlt.s32 v18, v3;
	vm3 =	veq.f32 v7, v4;
	vm4 =	veq.f32 v8, v4  }
0x397: {  	vm5 =	veq.f32 v9, v4;
	vm12 =	veq.f32 v11, v4;
	vm11 =	veq.f32 v6, v4  }
.Ltmp27:
0x398: {  	vm13 =	veq.f32 v12, v4;
	vm6 =	vmand vm6, vm11;
	vm11 =	veq.f32 v10, v4;
	(pc) =	sbr.rel @p0 .LBB2_41-.Ltmp27, $4  }
0x399: {  	v6 =	vsel vm6, $0x1, v0;
	vm6 =	vmand vm10, vm11;
	vm10 =	veq.f32 v20, v4  }
0x39a: {  	v5 =	vadd.s32 v6, v5;
	v6 =	vsel vm6, $0x1, v0;
	vm6 =	vmand vm7, vm10  }
0x39b: {  	v5 =	vadd.s32 v6, v5;
	v6 =	vsel vm6, $0x1, v0;
	vm6 =	vmand vm8, vm13  }
0x39c: {  	s14 =	sadd.s32 $0x80, s14;
	v5 =	vadd.s32 v6, v5;
	v6 =	vsel vm6, $0x1, v0;
	vm6 =	vmand vm9, vm12  }
.LBB2_42:
.Ltmp28:
0x39d: {  	v3 =	vadd.s32 v6, v5;
	v4 =	vsel vm6, $0x1, v0;
	vm2 =	vmand vm2, vm5;
	(pc) =	sbr.rel .LBB2_43-.Ltmp28, $4  }
0x39e: {  	vm1 =	vmand vm1, vm4;
	v3 =	vadd.s32 v4, v3;
	v4 =	vsel vm2, $0x1, v0  }
0x39f: {  	vm0 =	vmand vm0, vm3;
	v3 =	vadd.s32 v4, v3;
	v4 =	vsel vm1, $0x1, v0  }
0x3a0: {  	v3 =	vadd.s32 v4, v3;
	v4 =	vsel vm0, $0x1, v0  }
0x3a1: {  	s29 =	simm.s32 $0x80;
	s28 =	simm.s32 $0x400;
	v4 =	vadd.s32 v4, v3  }
.LBB2_61:
0x3a2: {  	v4 =	vpsel p0, $0x0, v5  }
.LBB2_43:
0x3a3: {  	s0 =	sadd.s32 s21, s13;
	s2 =	simm.s32 $0x2  }
0x3a4: {  	s0 =	sadd.s32 s6, s0;
	_ =	swait.ge [sflag:s2], $0x400  }
0x3a5: {  	s0 =	sadd.s32 s1, s0;
	[sflag:s2] =	ssyncset.done $0x0  }
0x3a6: {  	s20 =	simm.s32 $0x4;
	s0 =	sadd.s32 s4, s0;
	[sflag:s2] =	ssyncadd.s32 $0xFFFFFC00  }
0x3a7: {  	s0 =	sadd.s32 s5, s0;
	_ =	swait.ge [sflag:s20], $0x10  }
0x3a8: {  	s0 =	sadd.s32 s8, s0;
	[sflag:s20] =	ssyncset.done $0x0  }
0x3a9: {  	s21 =	rddreg [dreg:$0x1b];
	s0 =	sadd.s32 s9, s0;
	[sflag:s20] =	ssyncadd.s32 $0xFFFFFFF0  }
0x3aa: {  	s0 =	sadd.s32 s10, s0;
	v3 =	vld [tilespmem:s21+$0x10260]  }
0x3ab: {  	s0 =	sadd.s32 s11, s0  }
0x3ac: {  	s0 =	sadd.s32 s16, s0  }
0x3ad: {  	s3 =	simm.s32 $0x0;
	s0 =	sadd.s32 s24, s0  }
0x3ae: {  	v7 =	vld [tilespmem:s3+$0x8080];
	s0 =	sadd.s32 s25, s0  }
0x3af: {  	v8 =	vld [tilespmem:s3+$0x8090];
	s0 =	sadd.s32 s26, s0;
	v3 =	vadd.f32 $0.0e+00, v3  }
0x3b0: {  	v9 =	vld [tilespmem:s3+$0x80A0];
	s0 =	sadd.s32 s17, s0  }
0x3b1: {  	v6 =	vld [tilespmem:s3+$0x80B0];
	s0 =	sadd.s32 s23, s0;
	v3 =	vbroadcast v3, $0x0  }
0x3b2: {  	v5 =	vld [tilespmem:s3+$0x80C0];
	s0 =	sadd.s32 s12, s0  }
0x3b3: {  	p0 =	slt.s32 s0, $0x5;
	s0 =	simm.s32 $0x1;
	vm0 =	vgt.f32 v7, v3;
	v7 =	vld [tilespmem:s3+$0x80D0]  }
0x3b4: {  	v10 =	vimm.s32 $0x0;
	s0 =	simm.s32 @!p0 $0x0;
	v11 =	vsel vm0, $0x1, v0;
	vm0 =	vgt.f32 v8, v3;
	v8 =	vld [tilespmem:s3+$0x80E0]  }
0x3b5: {  	s2 =	simm.s32 $0x400;
	s1 =	sadd.s32 s22, s0;
	s0 =	simm.s32 $0x80;
	v10 =	vadd.s32 v11, v10;
	v11 =	vsel vm0, $0x1, v0;
	vm0 =	vgt.f32 v9, v3;
	v9 =	vld [tilespmem:s3+$0x80F0]  }
.LBB2_44:
0x3b6: {  	p0 =	sne.s32 s2, $0xE00;
	v12 =	vld [tilespmem:s0+$0x8080];
	v10 =	vadd.s32 v11, v10;
	v11 =	vsel vm0, $0x1, v0;
	vm0 =	vgt.f32 v6, v3  }
0x3b7: {  	v13 =	vld [tilespmem:s0+$0x8090];
	v6 =	vadd.s32 v11, v10;
	v10 =	vsel vm0, $0x1, v0;
	vm0 =	vgt.f32 v5, v3  }
0x3b8: {  	v14 =	vld [tilespmem:s0+$0x80A0];
	v5 =	vadd.s32 v10, v6;
	v10 =	vsel vm0, $0x1, v0;
	vm0 =	vgt.f32 v7, v3  }
.Ltmp29:
0x3b9: {  	v6 =	vld [tilespmem:s0+$0x80B0];
	v7 =	vadd.s32 v10, v5;
	v10 =	vsel vm0, $0x1, v0;
	vm0 =	vgt.f32 v8, v3;
	(pc) =	sbr.rel @p0 .LBB2_44-.Ltmp29, $4  }
0x3ba: {  	v5 =	vld [tilespmem:s0+$0x80C0];
	v8 =	vadd.s32 v10, v7;
	v10 =	vsel vm0, $0x1, v0;
	vm0 =	vgt.f32 v9, v3  }
0x3bb: {  	vm1 =	vgt.f32 v12, v3;
	v7 =	vld [tilespmem:s0+$0x80D0];
	v9 =	vadd.s32 v10, v8;
	v10 =	vsel vm0, $0x1, v0  }
0x3bc: {  	v11 =	vsel vm1, $0x1, v0;
	vm0 =	vgt.f32 v13, v3;
	v8 =	vld [tilespmem:s0+$0x80E0];
	v9 =	vadd.s32 v10, v9  }
0x3bd: {  	v10 =	vadd.s32 v11, v9;
	v11 =	vsel vm0, $0x1, v0;
	vm0 =	vgt.f32 v14, v3;
	v9 =	vld [tilespmem:s0+$0x80F0];
	s0 =	sshra.s32 s2, $0x2;
	s2 =	sadd.s32 $0x200, s2  }
0x3be: {  	v10 =	vadd.s32 v11, v10;
	v52 =	vsel vm0, $0x1, v0  }
0x3bf: {  	vm4 =	vgt.f32 v6, v3;
	v6 =	vld [tilespmem:s0+$0x8080];
	(v2sf) =	vpush v4, $0x0;
	v10 =	vadd.s32 v52, v10  }
0x3c0: {  	v56 =	vld [tilespmem:s0+$0x80A0];
	v53 =	vsel vm4, $0x1, v0;
	vm5 =	vgt.f32 v5, v3;
	(v2sf) =	vpush v4, $0x1  }
0x3c1: {  	v58 =	vld [tilespmem:s0+$0x80B0];
	v5 =	vadd.s32 v53, v10;
	v54 =	vsel vm5, $0x1, v0;
	vm6 =	vgt.f32 v7, v3  }
0x3c2: {  	v7 =	vld [tilespmem:s0+$0x8090];
	(v2sf) =	vpush v4, $0x2;
	v5 =	vadd.s32 v54, v5;
	v55 =	vsel vm6, $0x1, v0  }
0x3c3: {  	vm7 =	vgt.f32 v8, v3;
	(v2sf) =	vpush v4, $0x3;
	v5 =	vadd.s32 v55, v5  }
0x3c4: {  	v60 =	vld [tilespmem:s0+$0x80C0];
	v57 =	vsel vm7, $0x1, v0;
	vm8 =	vgt.f32 v9, v3;
	(v2sf) =	vpush v4, $0x4  }
0x3c5: {  	v61 =	vld [tilespmem:s0+$0x80F0];
	vm1 =	vgt.f32 v6, v3;
	v5 =	vadd.s32 v57, v5;
	v6 =	vsel vm8, $0x1, v0  }
0x3c6: {  	(v2sf) =	vpush v4, $0x5;
	vm10 =	vgt.f32 v56, v3;
	vm11 =	vgt.f32 v58, v3  }
0x3c7: {  	v59 =	vsel vm1, $0x1, v0;
	v5 =	vadd.s32 v6, v5;
	vm9 =	vgt.f32 v7, v3  }
0x3c8: {  	v6 =	vld [tilespmem:s0+$0x80D0];
	(v2sf) =	vpush v4, $0x6;
	v5 =	vadd.s32 v59, v5;
	v7 =	vsel vm9, $0x1, v0  }
0x3c9: {  	vm12 =	vgt.f32 v60, v3;
	(v2sf) =	vpush v4, $0x7;
	v5 =	vadd.s32 v7, v5;
	v7 =	vld [tilespmem:s0+$0x80E0]  }
0x3ca: {  	vm15 =	vgt.f32 v61, v3;
	v8 =	vsel vm10, $0x1, v0;
	(v2sf) =	vpush v4, $0x8  }
0x3cb: {  	v62 =	vsel vm11, $0x1, v0;
	(v2sf) =	vpush v4, $0x9;
	v5 =	vadd.s32 v8, v5  }
0x3cc: {  	v63 =	vsel vm12, $0x1, v0;
	(v2sf) =	vpush v4, $0xA;
	v5 =	vadd.s32 v62, v5  }
0x3cd: {  	vm13 =	vgt.f32 v6, v3;
	(v2sf) =	vpush v4, $0xB;
	v5 =	vadd.s32 v63, v5  }
0x3ce: {  	v6 =	vsel vm13, $0x1, v0;
	(v2sf) =	vpush v4, $0xC;
	vm14 =	vgt.f32 v7, v3  }
0x3cf: {  	v5 =	vadd.s32 v6, v5;
	(v2sf) =	vpush v4, $0xD;
	v6 =	vsel vm14, $0x1, v0  }
0x3d0: {  	(v2sf) =	vpush v4, $0xE;
	v5 =	vadd.s32 v6, v5;
	v6 =	vsel vm15, $0x1, v0  }
0x3d1: {  	s21 =	spop (v2sf);
	(v2sf) =	vpush v4, $0xF;
	v5 =	vadd.s32 v6, v5  }
0x3d2: {  	s24 =	spop (v2sf);
	(v2sf) =	vpush v5, $0x0  }
0x3d3: {  	s23 =	spop (v2sf);
	(v2sf) =	vpush v5, $0x1  }
0x3d4: {  	s22 =	spop (v2sf);
	(v2sf) =	vpush v5, $0x2  }
0x3d5: {  	s20 =	spop (v2sf);
	(v2sf) =	vpush v5, $0x3  }
0x3d6: {  	s17 =	spop (v2sf);
	(v2sf) =	vpush v5, $0x4  }
0x3d7: {  	s16 =	spop (v2sf);
	(v2sf) =	vpush v5, $0x5  }
0x3d8: {  	s13 =	spop (v2sf);
	(v2sf) =	vpush v5, $0x6  }
0x3d9: {  	s12 =	spop (v2sf);
	(v2sf) =	vpush v5, $0x7  }
0x3da: {  	s11 =	spop (v2sf);
	(v2sf) =	vpush v5, $0x8  }
0x3db: {  	s10 =	spop (v2sf);
	(v2sf) =	vpush v5, $0x9  }
0x3dc: {  	s9 =	spop (v2sf);
	(v2sf) =	vpush v5, $0xA  }
0x3dd: {  	s8 =	spop (v2sf);
	(v2sf) =	vpush v5, $0xB  }
0x3de: {  	s5 =	spop (v2sf);
	(v2sf) =	vpush v5, $0xC  }
0x3df: {  	s6 =	spop (v2sf);
	(v2sf) =	vpush v5, $0xD  }
0x3e0: {  	s4 =	spop (v2sf);
	(v2sf) =	vpush v5, $0xE  }
0x3e1: {  	s15 =	spop (v2sf);
	(v2sf) =	vpush v5, $0xF  }
0x3e2: {  	s2 =	spop (v2sf)  }
0x3e3: {  	s0 =	sadd.s32 s2, s15;
	s25 =	spop (v2sf)  }
0x3e4: {  	s0 =	sadd.s32 s25, s0;
	s26 =	spop (v2sf)  }
0x3e5: {  	s0 =	sadd.s32 s26, s0;
	s3 =	spop (v2sf)  }
0x3e6: {  	s0 =	sadd.s32 s3, s0;
	s7 =	spop (v2sf)  }
0x3e7: {  	s0 =	sadd.s32 s7, s0;
	s14 =	spop (v2sf)  }
0x3e8: {  	s0 =	sadd.s32 s14, s0;
	s15 =	spop (v2sf)  }
0x3e9: {  	s0 =	sadd.s32 s15, s0;
	s25 =	spop (v2sf)  }
0x3ea: {  	s0 =	sadd.s32 s25, s0;
	s26 =	spop (v2sf)  }
0x3eb: {  	s0 =	sadd.s32 s26, s0;
	s3 =	spop (v2sf)  }
0x3ec: {  	s0 =	sadd.s32 s3, s0;
	s7 =	spop (v2sf)  }
0x3ed: {  	s0 =	sadd.s32 s7, s0;
	s14 =	spop (v2sf)  }
0x3ee: {  	s0 =	sadd.s32 s14, s0;
	s15 =	spop (v2sf)  }
0x3ef: {  	s0 =	sadd.s32 s15, s0;
	s25 =	spop (v2sf)  }
0x3f0: {  	s0 =	sadd.s32 s25, s0;
	s26 =	spop (v2sf)  }
0x3f1: {  	s0 =	sadd.s32 s26, s0  }
0x3f2: {  	p0 =	sgt.s32 s0, $0x4  }
.Ltmp30:
0x3f3: {  	_ = 	snop;
	(pc) =	sbr.rel @p0 .LBB2_49-.Ltmp30, $2  }
0x3f4: {  	_ =	sdelay $0x2  }
0x3f5: {  	v4 =	vimm.s32 $0x0;
	v5 =	vimm.s32 $0x0  }
0x3f6: {  	s2 =	rddreg [dreg:$0x15];
	s3 =	simm.s32 $0x8480  }
0x3f7: {  	[tilespmem:s3], [sflag:$0x5] =	stream.strided.gather [hbm4b:s2+s29], $0x2000, s28, s29, $0x38;
	[tilespmem:$0x10300] =	vst v63  }
0x3f8: {  	_ =	swait.ge [sflag:s31], $0x2000  }
0x3f9: {  	[sflag:s31] =	ssyncset.done $0x0  }
0x3fa: {  	s7 =	simm.s32 $0x0;
	[sflag:s31] =	ssyncadd.s32 $0xFFFFE000  }
0x3fb: {  	v5 =	vld [tilespmem:s7+$0x8480]  }
0x3fc: {  	v7 =	vld [tilespmem:s7+$0x8490]  }
0x3fd: {  	v9 =	vld [tilespmem:s7+$0x84A0]  }
0x3fe: {  	v8 =	vld [tilespmem:s7+$0x84B0]  }
0x3ff: {  	v6 =	vld [tilespmem:s7+$0x84C0]  }
0x400: {  	vm0 =	vgt.f32 v5, v3;
	v5 =	vld [tilespmem:s7+$0x84D0]  }
0x401: {  	v10 =	vimm.s32 $0x0;
	v11 =	vsel vm0, $0x1, v0;
	vm0 =	vgt.f32 v7, v3;
	v7 =	vld [tilespmem:s7+$0x84E0]  }
0x402: {  	s2 =	simm.s32 $0x80;
	s3 =	simm.s32 $0x400;
	v10 =	vadd.s32 v11, v10;
	v11 =	vsel vm0, $0x1, v0;
	vm0 =	vgt.f32 v9, v3;
	v9 =	vld [tilespmem:s7+$0x84F0]  }
.LBB2_47:
0x403: {  	p0 =	sne.s32 s3, $0x7E00;
	v12 =	vld [tilespmem:s2+$0x8480];
	v10 =	vadd.s32 v11, v10;
	v11 =	vsel vm0, $0x1, v0;
	vm0 =	vgt.f32 v8, v3  }
0x404: {  	v13 =	vld [tilespmem:s2+$0x8490];
	v8 =	vadd.s32 v11, v10;
	v10 =	vsel vm0, $0x1, v0;
	vm0 =	vgt.f32 v6, v3  }
0x405: {  	v14 =	vld [tilespmem:s2+$0x84A0];
	v6 =	vadd.s32 v10, v8;
	v10 =	vsel vm0, $0x1, v0;
	vm0 =	vgt.f32 v5, v3  }
.Ltmp31:
0x406: {  	v8 =	vld [tilespmem:s2+$0x84B0];
	v5 =	vadd.s32 v10, v6;
	v10 =	vsel vm0, $0x1, v0;
	vm0 =	vgt.f32 v7, v3;
	(pc) =	sbr.rel @p0 .LBB2_47-.Ltmp31, $4  }
0x407: {  	v6 =	vld [tilespmem:s2+$0x84C0];
	v7 =	vadd.s32 v10, v5;
	v10 =	vsel vm0, $0x1, v0;
	vm0 =	vgt.f32 v9, v3  }
0x408: {  	vm1 =	vgt.f32 v12, v3;
	v5 =	vld [tilespmem:s2+$0x84D0];
	v9 =	vadd.s32 v10, v7;
	v10 =	vsel vm0, $0x1, v0  }
0x409: {  	v11 =	vsel vm1, $0x1, v0;
	vm0 =	vgt.f32 v13, v3;
	v7 =	vld [tilespmem:s2+$0x84E0];
	v9 =	vadd.s32 v10, v9  }
0x40a: {  	v10 =	vadd.s32 v11, v9;
	v11 =	vsel vm0, $0x1, v0;
	vm0 =	vgt.f32 v14, v3;
	v9 =	vld [tilespmem:s2+$0x84F0];
	s2 =	sshra.s32 s3, $0x2;
	s3 =	sadd.s32 $0x200, s3  }
0x40b: {  	v12 =	vld [tilespmem:s2+$0x8480];
	v10 =	vadd.s32 v11, v10;
	v52 =	vsel vm0, $0x1, v0;
	vm4 =	vgt.f32 v8, v3  }
0x40c: {  	v53 =	vld [tilespmem:s2+$0x8490];
	v10 =	vadd.s32 v52, v10;
	v54 =	vsel vm4, $0x1, v0;
	vm5 =	vgt.f32 v6, v3  }
0x40d: {  	v6 =	vld [tilespmem:s2+$0x84A0];
	v10 =	vadd.s32 v54, v10;
	v55 =	vsel vm5, $0x1, v0;
	vm6 =	vgt.f32 v5, v3  }
0x40e: {  	v5 =	vld [tilespmem:s2+$0x84B0];
	v10 =	vadd.s32 v55, v10;
	v56 =	vsel vm6, $0x1, v0;
	vm7 =	vgt.f32 v7, v3  }
0x40f: {  	v7 =	vld [tilespmem:s2+$0x84C0];
	v10 =	vadd.s32 v56, v10;
	v57 =	vsel vm7, $0x1, v0;
	vm8 =	vgt.f32 v9, v3  }
0x410: {  	v58 =	vld [tilespmem:s2+$0x84D0];
	vm1 =	vgt.f32 v12, v3;
	v10 =	vadd.s32 v57, v10;
	v59 =	vsel vm8, $0x1, v0  }
0x411: {  	v60 =	vld [tilespmem:s2+$0x84E0];
	vm9 =	vgt.f32 v53, v3;
	v12 =	vsel vm1, $0x1, v0;
	v10 =	vadd.s32 v59, v10  }
0x412: {  	v61 =	vsel vm9, $0x1, v0;
	vm10 =	vgt.f32 v6, v3;
	v6 =	vld [tilespmem:s2+$0x84F0];
	v10 =	vadd.s32 v12, v10  }
0x413: {  	v62 =	vsel vm10, $0x1, v0;
	vm11 =	vgt.f32 v5, v3;
	v10 =	vadd.s32 v61, v10  }
0x414: {  	v63 =	vsel vm11, $0x1, v0;
	vm12 =	vgt.f32 v7, v3;
	v5 =	vadd.s32 v62, v10  }
0x415: {  	vm13 =	vgt.f32 v58, v3;
	v7 =	vsel vm12, $0x1, v0;
	v5 =	vadd.s32 v63, v5  }
0x416: {  	vm14 =	vgt.f32 v60, v3;
	v5 =	vadd.s32 v7, v5;
	v7 =	vsel vm13, $0x1, v0  }
0x417: {  	vm15 =	vgt.f32 v6, v3;
	v5 =	vadd.s32 v7, v5;
	v7 =	vsel vm14, $0x1, v0  }
0x418: {  	v6 =	vsel vm15, $0x1, v0;
	v5 =	vadd.s32 v7, v5  }
0x419: {  	v5 =	vadd.s32 v6, v5  }
.LBB2_49:
0x41a: {  	(v2sf) =	vpush v5, $0x0  }
0x41b: {  	(v2sf) =	vpush v5, $0x1;
	_ =	sdelay $0x1  }
0x41c: {  	(v2sf) =	vpush v5, $0x2  }
0x41d: {  	(v2sf) =	vpush v5, $0x3  }
0x41e: {  	(v2sf) =	vpush v5, $0x4  }
0x41f: {  	(v2sf) =	vpush v5, $0x5  }
0x420: {  	(v2sf) =	vpush v5, $0x6  }
0x421: {  	(v2sf) =	vpush v5, $0x7  }
0x422: {  	(v2sf) =	vpush v5, $0x8  }
0x423: {  	(v2sf) =	vpush v5, $0x9  }
0x424: {  	(v2sf) =	vpush v5, $0xA  }
0x425: {  	(v2sf) =	vpush v5, $0xB  }
0x426: {  	(v2sf) =	vpush v5, $0xC  }
0x427: {  	(v2sf) =	vpush v5, $0xD  }
0x428: {  	s2 =	spop (v2sf);
	(v2sf) =	vpush v5, $0xE  }
0x429: {  	s3 =	spop (v2sf);
	(v2sf) =	vpush v5, $0xF  }
0x42a: {  	s0 =	sadd.s32 s0, s3  }
0x42b: {  	s14 =	spop (v2sf);
	s0 =	sadd.s32 s2, s0  }
0x42c: {  	s15 =	spop (v2sf);
	s0 =	sadd.s32 s14, s0  }
0x42d: {  	s25 =	spop (v2sf);
	s0 =	sadd.s32 s15, s0  }
0x42e: {  	s26 =	spop (v2sf);
	s0 =	sadd.s32 s25, s0  }
0x42f: {  	s7 =	spop (v2sf);
	s0 =	sadd.s32 s26, s0  }
0x430: {  	s14 =	spop (v2sf);
	s0 =	sadd.s32 s7, s0  }
0x431: {  	s15 =	spop (v2sf);
	s0 =	sadd.s32 s14, s0  }
0x432: {  	s25 =	spop (v2sf);
	s0 =	sadd.s32 s15, s0  }
0x433: {  	s26 =	spop (v2sf);
	s0 =	sadd.s32 s25, s0  }
0x434: {  	s7 =	spop (v2sf);
	s0 =	sadd.s32 s26, s0  }
0x435: {  	s14 =	spop (v2sf);
	s0 =	sadd.s32 s7, s0  }
0x436: {  	s15 =	spop (v2sf);
	s0 =	sadd.s32 s14, s0  }
0x437: {  	s25 =	spop (v2sf);
	s0 =	sadd.s32 s15, s0  }
0x438: {  	s26 =	spop (v2sf);
	s0 =	sadd.s32 s25, s0  }
0x439: {  	s0 =	sadd.s32 s26, s0  }
0x43a: {  	p0 =	sgt.s32 s0, $0x4  }
.Ltmp32:
0x43b: {  	_ = 	snop;
	(pc) =	sbr.rel @p0 .LBB2_53-.Ltmp32, $1  }
0x43c: {  	_ =	sdelay $0x3  }
0x43d: {  	s2 =	rddreg [dreg:$0x16];
	s3 =	simm.s32 $0xA480  }
0x43e: {  	[tilespmem:s3], [sflag:$0x5] =	stream.strided.gather [hbm4b:s2+s29], $0x5C00, s28, s29, $0x38;
	[tilespmem:$0x10300] =	vst v63  }
0x43f: {  	_ =	swait.ge [sflag:s31], $0x5C00  }
0x440: {  	[sflag:s31] =	ssyncset.done $0x0  }
0x441: {  	s7 =	simm.s32 $0x0;
	[sflag:s31] =	ssyncadd.s32 $0xFFFFA400  }
0x442: {  	v4 =	vld [tilespmem:s7+$0xA480]  }
0x443: {  	v6 =	vld [tilespmem:s7+$0xA490]  }
0x444: {  	v8 =	vld [tilespmem:s7+$0xA4A0]  }
0x445: {  	v7 =	vld [tilespmem:s7+$0xA4B0]  }
0x446: {  	v5 =	vld [tilespmem:s7+$0xA4C0]  }
0x447: {  	vm0 =	vgt.f32 v4, v3;
	v4 =	vld [tilespmem:s7+$0xA4D0]  }
0x448: {  	v9 =	vimm.s32 $0x0;
	v10 =	vsel vm0, $0x1, v0;
	vm0 =	vgt.f32 v6, v3;
	v6 =	vld [tilespmem:s7+$0xA4E0]  }
0x449: {  	s2 =	simm.s32 $0x80;
	s3 =	simm.s32 $0x400;
	v9 =	vadd.s32 v10, v9;
	v10 =	vsel vm0, $0x1, v0;
	vm0 =	vgt.f32 v8, v3;
	v8 =	vld [tilespmem:s7+$0xA4F0]  }
.LBB2_51:
0x44a: {  	p0 =	sne.s32 s3, $0x16E00;
	v11 =	vld [tilespmem:s2+$0xA480];
	v9 =	vadd.s32 v10, v9;
	v10 =	vsel vm0, $0x1, v0;
	vm0 =	vgt.f32 v7, v3  }
0x44b: {  	v12 =	vld [tilespmem:s2+$0xA490];
	v7 =	vadd.s32 v10, v9;
	v9 =	vsel vm0, $0x1, v0;
	vm0 =	vgt.f32 v5, v3  }
0x44c: {  	v13 =	vld [tilespmem:s2+$0xA4A0];
	v5 =	vadd.s32 v9, v7;
	v9 =	vsel vm0, $0x1, v0;
	vm0 =	vgt.f32 v4, v3  }
.Ltmp33:
0x44d: {  	v7 =	vld [tilespmem:s2+$0xA4B0];
	v4 =	vadd.s32 v9, v5;
	v9 =	vsel vm0, $0x1, v0;
	vm0 =	vgt.f32 v6, v3;
	(pc) =	sbr.rel @p0 .LBB2_51-.Ltmp33, $4  }
0x44e: {  	v5 =	vld [tilespmem:s2+$0xA4C0];
	v6 =	vadd.s32 v9, v4;
	v9 =	vsel vm0, $0x1, v0;
	vm0 =	vgt.f32 v8, v3  }
0x44f: {  	vm1 =	vgt.f32 v11, v3;
	v4 =	vld [tilespmem:s2+$0xA4D0];
	v8 =	vadd.s32 v9, v6;
	v9 =	vsel vm0, $0x1, v0  }
0x450: {  	v10 =	vsel vm1, $0x1, v0;
	vm0 =	vgt.f32 v12, v3;
	v6 =	vld [tilespmem:s2+$0xA4E0];
	v8 =	vadd.s32 v9, v8  }
0x451: {  	v9 =	vadd.s32 v10, v8;
	v10 =	vsel vm0, $0x1, v0;
	vm0 =	vgt.f32 v13, v3;
	v8 =	vld [tilespmem:s2+$0xA4F0];
	s2 =	sshra.s32 s3, $0x2;
	s3 =	sadd.s32 $0x200, s3  }
0x452: {  	v11 =	vld [tilespmem:s2+$0xA480];
	v9 =	vadd.s32 v10, v9;
	v54 =	vsel vm0, $0x1, v0;
	vm4 =	vgt.f32 v7, v3  }
0x453: {  	v7 =	vld [tilespmem:s2+$0xA490];
	v9 =	vadd.s32 v54, v9;
	v55 =	vsel vm4, $0x1, v0;
	vm5 =	vgt.f32 v5, v3  }
0x454: {  	v5 =	vld [tilespmem:s2+$0xA4A0];
	v9 =	vadd.s32 v55, v9;
	v56 =	vsel vm5, $0x1, v0;
	vm6 =	vgt.f32 v4, v3  }
0x455: {  	v4 =	vld [tilespmem:s2+$0xA4B0];
	v9 =	vadd.s32 v56, v9;
	v57 =	vsel vm6, $0x1, v0;
	vm7 =	vgt.f32 v6, v3  }
0x456: {  	v6 =	vld [tilespmem:s2+$0xA4C0];
	v9 =	vadd.s32 v57, v9;
	v58 =	vsel vm7, $0x1, v0;
	vm8 =	vgt.f32 v8, v3  }
0x457: {  	v59 =	vld [tilespmem:s2+$0xA4D0];
	vm1 =	vgt.f32 v11, v3;
	v9 =	vadd.s32 v58, v9;
	v60 =	vsel vm8, $0x1, v0  }
0x458: {  	vm9 =	vgt.f32 v7, v3;
	v7 =	vld [tilespmem:s2+$0xA4E0];
	v11 =	vsel vm1, $0x1, v0;
	v9 =	vadd.s32 v60, v9  }
0x459: {  	v61 =	vsel vm9, $0x1, v0;
	vm10 =	vgt.f32 v5, v3;
	v5 =	vld [tilespmem:s2+$0xA4F0];
	v9 =	vadd.s32 v11, v9  }
0x45a: {  	v62 =	vsel vm10, $0x1, v0;
	vm11 =	vgt.f32 v4, v3;
	v9 =	vadd.s32 v61, v9  }
0x45b: {  	v63 =	vsel vm11, $0x1, v0;
	vm12 =	vgt.f32 v6, v3;
	v4 =	vadd.s32 v62, v9  }
0x45c: {  	vm13 =	vgt.f32 v59, v3;
	v6 =	vsel vm12, $0x1, v0;
	v4 =	vadd.s32 v63, v4  }
0x45d: {  	vm14 =	vgt.f32 v7, v3;
	v4 =	vadd.s32 v6, v4;
	v6 =	vsel vm13, $0x1, v0  }
0x45e: {  	vm15 =	vgt.f32 v5, v3;
	v4 =	vadd.s32 v6, v4;
	v6 =	vsel vm14, $0x1, v0  }
0x45f: {  	v5 =	vsel vm15, $0x1, v0;
	v4 =	vadd.s32 v6, v4  }
0x460: {  	v4 =	vadd.s32 v5, v4  }
.LBB2_53:
0x461: {  	(v2sf) =	vpush v4, $0x0  }
0x462: {  	(v2sf) =	vpush v4, $0x1;
	_ =	sdelay $0x1  }
0x463: {  	(v2sf) =	vpush v4, $0x2  }
0x464: {  	(v2sf) =	vpush v4, $0x3  }
0x465: {  	(v2sf) =	vpush v4, $0x4  }
0x466: {  	(v2sf) =	vpush v4, $0x5  }
0x467: {  	(v2sf) =	vpush v4, $0x6  }
0x468: {  	(v2sf) =	vpush v4, $0x7  }
0x469: {  	s3 =	sadd.s32 s19, s24;
	(v2sf) =	vpush v4, $0x8  }
0x46a: {  	s3 =	sadd.s32 s21, s3;
	(v2sf) =	vpush v4, $0x9  }
0x46b: {  	s3 =	sadd.s32 s23, s3;
	(v2sf) =	vpush v4, $0xA  }
0x46c: {  	s3 =	sadd.s32 s22, s3;
	(v2sf) =	vpush v4, $0xB  }
0x46d: {  	s3 =	sadd.s32 s20, s3;
	(v2sf) =	vpush v4, $0xC  }
0x46e: {  	s3 =	sadd.s32 s17, s3;
	(v2sf) =	vpush v4, $0xD  }
0x46f: {  	s3 =	sadd.s32 s16, s3;
	(v2sf) =	vpush v4, $0xE;
	s2 =	spop (v2sf)  }
0x470: {  	s20 =	sadd.s32 $0x7F, s18;
	s3 =	sadd.s32 s13, s3;
	(v2sf) =	vpush v4, $0xF;
	s7 =	spop (v2sf)  }
0x471: {  	p0 =	slt.s32 s20, $0x1;
	s3 =	sadd.s32 s12, s3;
	s0 =	sadd.s32 s0, s7  }
0x472: {  	s3 =	sadd.s32 s11, s3;
	s14 =	spop (v2sf);
	s0 =	sadd.s32 s2, s0  }
0x473: {  	s3 =	sadd.s32 s10, s3;
	s21 =	spop (v2sf);
	s0 =	sadd.s32 s14, s0  }
0x474: {  	s3 =	sadd.s32 s9, s3;
	s15 =	spop (v2sf);
	s0 =	sadd.s32 s21, s0  }
0x475: {  	s3 =	sadd.s32 s8, s3;
	s22 =	spop (v2sf);
	s0 =	sadd.s32 s15, s0  }
0x476: {  	s3 =	sadd.s32 s5, s3;
	s23 =	spop (v2sf);
	s0 =	sadd.s32 s22, s0  }
0x477: {  	s3 =	sadd.s32 s6, s3;
	s24 =	spop (v2sf);
	s0 =	sadd.s32 s23, s0  }
0x478: {  	s7 =	simm.s32 $0x1;
	s25 =	spop (v2sf);
	s0 =	sadd.s32 s24, s0  }
0x479: {  	s22 =	sand.u32 $0x7F, s20;
	s26 =	spop (v2sf);
	s0 =	sadd.s32 s25, s0  }
0x47a: {  	s23 =	sshra.s32 s20, $0x1F;
	s13 =	spop (v2sf);
	s0 =	sadd.s32 s26, s0  }
0x47b: {  	p1 =	sne.s32 s22, $0x0;
	s14 =	spop (v2sf);
	s0 =	sadd.s32 s13, s0  }
0x47c: {  	s24 =	sshrl.u32 s23, $0x19;
	s16 =	spop (v2sf);
	s0 =	sadd.s32 s14, s0  }
0x47d: {  	p0 =	por !p0, !p1;
	s17 =	spop (v2sf);
	s0 =	sadd.s32 s16, s0  }
0x47e: {  	s2 =	sadd.s32 s24, s20;
	s19 =	spop (v2sf);
	s0 =	sadd.s32 s17, s0  }
0x47f: {  	p0 =	por !p0, !p0;
	s21 =	spop (v2sf);
	s0 =	sadd.s32 s19, s0  }
0x480: {  	s25 =	sshra.s32 s2, $0x7;
	s7 =	simm.s32 @!p0 $0x0;
	s5 =	sadd.s32 s21, s0  }
0x481: {  	s26 =	sadd.s32 s4, s3;
	s4 =	ssub.s32 s25, s7;
	p0 =	sgt.s32 s5, $0x4  }
0x482: {  	p1 =	slt.s32 s26, $0x5;
	s0 =	simm.s32 $0x1;
	p2 =	slt.s32 @!p0 s4, $0x1  }
0x483: {  	s0 =	simm.s32 @!p1 $0x0;
	p1 =	por p0, p2  }
.Ltmp34:
0x484: {  	_ = 	snop;
	(pc) =	sbr.rel @p1 .LBB2_62-.Ltmp34, $2  }
0x485: {  	_ =	sdelay $0x2  }
0x486: {  	v4 =	vimm.s32 $0x0;
	s1 =	sadd.s32 s0, s1  }
0x487: {  	s2 =	simm.s32 $0x80C0  }
0x488: {  	v5 =	vld [tilespmem:s2+$0x30]  }
0x489: {  	v6 =	vld [tilespmem:s2+$0x20]  }
0x48a: {  	v7 =	vld [tilespmem:s2+$0x10]  }
0x48b: {  	v2 =	vbroadcast v2, $0x0;
	s0 =	simm.s32 $0x0;
	s3 =	simm.s32 $0x60;
	s6 =	simm.s32 $0x70;
	v8 =	vld [tilespmem:s2+$0x0]  }
0x48c: {  	s7 =	simm.s32 $0x30;
	s8 =	simm.s32 $0x40;
	s9 =	simm.s32 $0x50;
	v9 =	vor.u32 s0, v1;
	v10 =	vld [tilespmem:s2+$0xFFFFFFF0];
	v11 =	vor.u32 s3, v1;
	v12 =	vor.u32 s6, v1  }
0x48d: {  	s25 =	simm.s32 $0x10;
	s26 =	simm.s32 $0x20;
	v13 =	vld [tilespmem:s2+$0xFFFFFFC0];
	v14 =	vor.u32 s7, v1;
	v15 =	vor.u32 s8, v1;
	v16 =	vor.u32 s9, v1  }
0x48e: {  	v63 =	vld [tilespmem:s2+$0xFFFFFFD0];
	v17 =	vor.u32 s25, v1;
	v18 =	vor.u32 s26, v1;
	vm6 =	vlt.s32 v9, v2  }
0x48f: {  	v19 =	vld [tilespmem:s2+$0xFFFFFFE0];
	vm2 =	vlt.s32 v16, v2;
	vm1 =	vlt.s32 v11, v2;
	vm0 =	vlt.s32 v12, v2  }
0x490: {  	vm7 =	vlt.s32 v18, v2;
	vm8 =	vlt.s32 v14, v2;
	vm9 =	vlt.s32 v15, v2  }
0x491: {  	vm10 =	vlt.s32 v17, v2;
	vm4 =	veq.f32 v6, v3;
	vm3 =	veq.f32 v5, v3  }
0x492: {  	p0 =	sgt.s32 s4, $0x1;
	vm11 =	veq.f32 v13, v3;
	vm12 =	veq.f32 v8, v3;
	vm5 =	veq.f32 v7, v3  }
.Ltmp35:
0x493: {  	vm13 =	veq.f32 v10, v3;
	vm6 =	vmand vm6, vm11;
	vm11 =	veq.f32 v63, v3;
	(pc) =	sbr.rel @!p0 .LBB2_56-.Ltmp35, $4  }
0x494: {  	vm15 =	veq.f32 v19, v3;
	v5 =	vsel vm6, $0x1, v0;
	vm6 =	vmand vm10, vm11  }
0x495: {  	v4 =	vadd.s32 v5, v4;
	v5 =	vsel vm6, $0x1, v0;
	vm6 =	vmand vm7, vm15  }
0x496: {  	s11 =	rddreg [dreg:$0x0];
	v4 =	vadd.s32 v5, v4;
	v5 =	vsel vm6, $0x1, v0;
	vm6 =	vmand vm8, vm13  }
0x497: {  	s12 =	rddreg [dreg:$0x6];
	s2 =	simm.s32 $0x1;
	s3 =	simm.s32 $0x8140;
	v4 =	vadd.s32 v5, v4;
	v5 =	vsel vm6, $0x1, v0;
	vm6 =	vmand vm9, vm12  }
.LBB2_55:
0x498: {  	v6 =	vld [tilespmem:s3+$0x30];
	v4 =	vadd.s32 v5, v4;
	v5 =	vsel vm6, $0x1, v0;
	vm2 =	vmand vm2, vm5  }
0x499: {  	vm1 =	vmand vm1, vm4;
	v7 =	vld [tilespmem:s3+$0x20];
	v4 =	vadd.s32 v5, v4;
	v5 =	vsel vm2, $0x1, v0  }
0x49a: {  	vm0 =	vmand vm0, vm3;
	s0 =	sadd.s32 $0x80, s0;
	v8 =	vld [tilespmem:s3+$0x10];
	v4 =	vadd.s32 v5, v4;
	v5 =	vsel vm1, $0x1, v0  }
0x49b: {  	v9 =	vor.u32 s0, v1;
	s6 =	sadd.s32 $0x60, s0;
	s7 =	sadd.s32 $0x70, s0;
	v10 =	vld [tilespmem:s3+$0x0];
	v4 =	vadd.s32 v5, v4;
	v5 =	vsel vm0, $0x1, v0  }
0x49c: {  	s8 =	sadd.s32 $0x30, s0;
	s9 =	sadd.s32 $0x40, s0;
	s10 =	sadd.s32 $0x50, s0;
	v12 =	vor.u32 s6, v1;
	v13 =	vor.u32 s7, v1;
	v11 =	vld [tilespmem:s3+$0xFFFFFFF0];
	v4 =	vadd.s32 v5, v4  }
0x49d: {  	s2 =	sadd.s32 $0x1, s2;
	s6 =	sadd.s32 $0x10, s0;
	s7 =	sadd.s32 $0x20, s0;
	v14 =	vor.u32 s8, v1;
	v15 =	vor.u32 s9, v1;
	v16 =	vor.u32 s10, v1;
	v5 =	vld [tilespmem:s3+$0xFFFFFFC0]  }
0x49e: {  	p0 =	sgt.s32 s4, s2;
	vm6 =	vlt.s32 v9, v2;
	v17 =	vor.u32 s6, v1;
	v18 =	vor.u32 s7, v1;
	v9 =	vld [tilespmem:s3+$0xFFFFFFD0]  }
0x49f: {  	vm2 =	vlt.s32 v16, v2;
	vm1 =	vlt.s32 v12, v2;
	vm0 =	vlt.s32 v13, v2;
	v19 =	vld [tilespmem:s3+$0xFFFFFFE0]  }
0x4a0: {  	vm8 =	vlt.s32 v14, v2;
	vm9 =	vlt.s32 v15, v2;
	vm7 =	vlt.s32 v18, v2  }
0x4a1: {  	vm10 =	vlt.s32 v17, v2;
	vm3 =	veq.f32 v6, v3;
	vm4 =	veq.f32 v7, v3  }
0x4a2: {  	vm5 =	veq.f32 v8, v3;
	vm12 =	veq.f32 v10, v3;
	vm11 =	veq.f32 v5, v3  }
.Ltmp36:
0x4a3: {  	vm13 =	veq.f32 v11, v3;
	vm6 =	vmand vm6, vm11;
	vm11 =	veq.f32 v9, v3;
	(pc) =	sbr.rel @p0 .LBB2_55-.Ltmp36, $4  }
0x4a4: {  	v5 =	vsel vm6, $0x1, v0;
	vm6 =	vmand vm10, vm11;
	vm10 =	veq.f32 v19, v3  }
0x4a5: {  	v4 =	vadd.s32 v5, v4;
	v5 =	vsel vm6, $0x1, v0;
	vm6 =	vmand vm7, vm10  }
0x4a6: {  	v4 =	vadd.s32 v5, v4;
	v5 =	vsel vm6, $0x1, v0;
	vm6 =	vmand vm8, vm13  }
0x4a7: {  	s3 =	sadd.s32 $0x80, s3;
	v4 =	vadd.s32 v5, v4;
	v5 =	vsel vm6, $0x1, v0;
	vm6 =	vmand vm9, vm12  }
.LBB2_56:
.Ltmp37:
0x4a8: {  	v2 =	vadd.s32 v5, v4;
	v3 =	vsel vm6, $0x1, v0;
	vm2 =	vmand vm2, vm5;
	(pc) =	sbr.rel .LBB2_57-.Ltmp37, $4  }
0x4a9: {  	vm1 =	vmand vm1, vm4;
	v2 =	vadd.s32 v3, v2;
	v3 =	vsel vm2, $0x1, v0  }
0x4aa: {  	vm0 =	vmand vm0, vm3;
	v2 =	vadd.s32 v3, v2;
	v3 =	vsel vm1, $0x1, v0  }
0x4ab: {  	v2 =	vadd.s32 v3, v2;
	v3 =	vsel vm0, $0x1, v0  }
0x4ac: {  	s8 =	rddreg [dreg:$0x1a];
	v2 =	vadd.s32 v3, v2  }
.LBB2_58:
0x4ad: {  	_ =	sfence.sel $0x180000  }
0x4ae: {  	[bflag:$0x0] =	sbarrier.arrive $0xFFFF  }
0x4af: {  	_ =	strace $0x90000047  }
0x4b0: {  	s0 =	stileid.u32;
	[bflag:$0x2] =	sbarrier.arrive $0xFFFF  }
0x4b1: {  	p0 =	sne.s32 s0, $0x0;
	s0 =	rddreg [dreg:$0x3]  }
0x4b2: {  	s0 =	sadd.s32 @!p0 $0x100000, s0  }
0x4b3: {  	[sflag:s0] =	ssyncadd.tile.s32 @!p0 $0x1;
	_ =	shalt  }
.Lfunc_end2:
_tile_overlayer_lowered:
.L_overlay_start_2:
0x4b4: {  	(tag) =	ssettag $0x2  }
0x4b5: {  	s0 =	rddreg [dreg:$0x0];
	s2 =	stileid.u32  }
0x4b6: {  	s1 =	rddreg [dreg:$0x1];
	p0 =	sne.s32 s2, $0x0  }
0x4b7: {  	s3 =	rddreg [dreg:$0x2];
	[bflag:$0x3] =	sbarrier.arrive $0xFFFF;
	s2 =	simm.s32 @!p0 $0x1C05  }
0x4b8: {  	[timem:s3], [sflag:s2] =	dma.local @!p0 [hbm:s0], s1  }
0x4b9: {  	s0 =	simm.s32 @!p0 $0x5  }
0x4ba: {  	_ =	swait.ge @!p0 [sflag:s0], s1  }
0x4bb: {  	s1 =	ssub.s32 @!p0 $0x0, s1;
	[sflag:s0] =	ssyncset.done @!p0 $0x0  }
0x4bc: {  	[sflag:s0] =	ssyncadd.s32 @!p0 s1  }
0x4bd: {  	[bflag:$0x3] =	sbarrier.arrive $0xFFFF  }
0x4be: {  	_ =	shalt  }

</sc_bundles>
